<compile_context>
chip_gen: v7x
topology: tpu7x:2x2x1
jax: 0.10.2.dev20260603
libtpu: 0.0.44.dev20260713+nightly
codegen_flags: <defaults>
</compile_context>

<pallas_src>
import functools

import jax
import jax.numpy as jnp
from jax import lax
from jax.experimental import pallas as pl
from jax.experimental.pallas import tpu as pltpu
from jax.experimental.pallas import tpu_sc as plsc

N_NODES = 10000
N_EDGES = 320000
D_IN = 128
HID = 128
D_OUT = 64
N_GROUPS = 16

NC = 2
NS = 16
NW = NC * NS
LANES = 16

N_PAD = 10240
ROWS_PER_TILE = N_PAD // NS
E_PAD = 327680
EPW = E_PAD // NW
KW = 64
NWIN = EPW // KW
CH = 40
NCH = NWIN // CH
SLOTS = 5
IW = 128
NROW = EPW // IW
N_DUMP = N_PAD - N_NODES

ROW_BLK = 5000
N_BLKS = N_NODES // ROW_BLK

_f32 = jnp.float32
_i32 = jnp.int32



def _sc_mesh():
    return plsc.VectorSubcoreMesh(
        core_axis_name="c", subcore_axis_name="s", num_cores=NC, num_subcores=NS
    )


def _zero_vec_ref(ref, nvecs):
    zeros16 = jnp.zeros((LANES,), _f32)

    def body(i, _):
        ref[pl.ds(i * LANES, LANES)] = zeros16
        return 0

    lax.fori_loop(0, nvecs, body, 0)


def _deg_body(eidx_hbm, out_hbm, didx_v, dsm_v, ones_v, zbuf_v, accd_sh, sem):
    del sem
    c = lax.axis_index("c")
    s = lax.axis_index("s")
    wid = c * NS + s

    pltpu.sync_copy(eidx_hbm.at[1].at[pl.ds(wid * EPW, EPW)], didx_v)

    ones16 = jnp.ones((LANES,), _f32)

    def fill_ones(i, _):
        ones_v[pl.ds(i * LANES, LANES)] = ones16
        return 0

    lax.fori_loop(0, IW // LANES, fill_ones, 0)
    _zero_vec_ref(zbuf_v, ROWS_PER_TILE // LANES)
    pltpu.sync_copy(zbuf_v, accd_sh.at[pl.ds(s * ROWS_PER_TILE, ROWS_PER_TILE)])
    plsc.subcore_barrier()

    def win(j, _):
        for k in range(IW // LANES):
            dsm_v[0, pl.ds(k * LANES, LANES)] = (
                didx_v[pl.ds(j * IW + k * LANES, LANES)])
        pltpu.sync_copy(ones_v, accd_sh.at[dsm_v.at[0]], add=True)
        return 0

    lax.fori_loop(0, NROW, win, 0)
    plsc.subcore_barrier()

    pltpu.sync_copy(
        accd_sh.at[pl.ds(s * ROWS_PER_TILE, ROWS_PER_TILE)],
        out_hbm.at[c].at[pl.ds(s * ROWS_PER_TILE, ROWS_PER_TILE)],
    )


def _sc_degree(eidx):
    k = pl.kernel(
        _deg_body,
        out_type=jax.ShapeDtypeStruct((NC, N_PAD), _f32),
        mesh=_sc_mesh(),
        scratch_types=[
            pltpu.VMEM((EPW,), _i32),
            pltpu.VMEM((1, IW), _i32),
            pltpu.VMEM((IW,), _f32),
            pltpu.VMEM((ROWS_PER_TILE,), _f32),
            pltpu.VMEM_SHARED((N_PAD,), _f32),
            pltpu.SemaphoreType.DMA,
        ],
        name="gcn_degree_sc",
    )
    return k(eidx)


def _scat_body(hws_hbm, eidx_hbm, out_hbm, sidx_v, didx_v, dsm_v, rows_v,
               acc_sh, sem0, sem1, sem2, sem3, sem4):
    c = lax.axis_index("c")
    s = lax.axis_index("s")
    wid = c * NS + s

    zrow = rows_v.at[0]

    def zrow_fill(i, _):
        zrow[i // (HID // LANES),
             pl.ds((i % (HID // LANES)) * LANES, LANES)] = jnp.zeros((LANES,), _f32)
        return 0

    lax.fori_loop(0, KW * HID // LANES, zrow_fill, 0)

    def zcopy(i, _):
        pltpu.sync_copy(zrow, acc_sh.at[pl.ds(s * ROWS_PER_TILE + i * KW, KW)])
        return 0

    lax.fori_loop(0, ROWS_PER_TILE // KW, zcopy, 0)
    plsc.subcore_barrier()

    sems = (sem0, sem1, sem2, sem3, sem4)
    cw = CH * KW

    def _sidx_win(j):
        return sidx_v.at[pl.ds(j * KW, KW)]

    def chunk(ch, _):
        base = wid * EPW + ch * cw
        pltpu.sync_copy(eidx_hbm.at[0].at[pl.ds(base, cw)], sidx_v)
        pltpu.sync_copy(eidx_hbm.at[1].at[pl.ds(base, cw)], didx_v)

        for b in range(SLOTS):
            pltpu.async_copy(hws_hbm.at[_sidx_win(b)], rows_v.at[b], sems[b])

        def win(w, _):
            for b in range(SLOTS):
                j = w * SLOTS + b
                buf = rows_v.at[b]
                pltpu.make_async_copy(hws_hbm.at[_sidx_win(j)], buf, sems[b]).wait()
                for k in range(KW // LANES):
                    dsm_v[b, pl.ds(k * LANES, LANES)] = (
                        didx_v[pl.ds(j * KW + k * LANES, LANES)])
                pltpu.sync_copy(buf, acc_sh.at[dsm_v.at[b]], add=True)

                @pl.when(j + SLOTS < CH)
                def _():
                    pltpu.async_copy(hws_hbm.at[_sidx_win(j + SLOTS)],
                                     buf, sems[b])
            return 0

        lax.fori_loop(0, CH // SLOTS, win, 0)
        return 0

    lax.fori_loop(0, NCH, chunk, 0)
    plsc.subcore_barrier()

    pltpu.sync_copy(
        acc_sh.at[pl.ds(s * ROWS_PER_TILE, ROWS_PER_TILE)],
        out_hbm.at[c].at[pl.ds(s * ROWS_PER_TILE, ROWS_PER_TILE)],
    )


def _sc_gather_scatter(hws, eidx):
    k = pl.kernel(
        _scat_body,
        out_type=jax.ShapeDtypeStruct((NC, N_PAD, HID), _f32),
        mesh=_sc_mesh(),
        scratch_types=[
            pltpu.VMEM((CH * KW,), _i32),
            pltpu.VMEM((CH * KW,), _i32),
            pltpu.VMEM((SLOTS, KW), _i32),
            pltpu.VMEM((SLOTS, KW, HID), _f32),
            pltpu.VMEM_SHARED((N_PAD, HID), _f32),
            pltpu.SemaphoreType.DMA,
            pltpu.SemaphoreType.DMA,
            pltpu.SemaphoreType.DMA,
            pltpu.SemaphoreType.DMA,
            pltpu.SemaphoreType.DMA,
        ],
        name="gcn_gather_scatter_sc",
    )
    return k(hws, eidx)



def _dinv_from_pdeg(pdeg_ref):
    deg = pdeg_ref[:, 0:1] + pdeg_ref[:, 1:2] + 1.0
    return 1.0 / jnp.sqrt(deg)


def _encode_kernel(x_ref, win_ref, bin_ref, w0_ref, out_ref):
    h0 = jnp.dot(x_ref[...], win_ref[...], preferred_element_type=_f32) + bin_ref[...]
    out_ref[...] = jnp.dot(h0, w0_ref[...], preferred_element_type=_f32)


def _tc_encode(x, w_in, b_in, w0):
    return pl.pallas_call(
        _encode_kernel,
        grid=(N_BLKS,),
        out_shape=jax.ShapeDtypeStruct((N_NODES, HID), _f32),
        in_specs=[
            pl.BlockSpec((ROW_BLK, D_IN), lambda i: (i, 0)),
            pl.BlockSpec((D_IN, HID), lambda i: (0, 0)),
            pl.BlockSpec((HID,), lambda i: (0,)),
            pl.BlockSpec((HID, HID), lambda i: (0, 0)),
        ],
        out_specs=pl.BlockSpec((ROW_BLK, HID), lambda i: (i, 0)),
    )(x, w_in, b_in, w0)


def _scale_kernel(hw_ref, pdeg_ref, out_ref):
    out_ref[...] = _dinv_from_pdeg(pdeg_ref) * hw_ref[...]


def _tc_scale(hw, pdeg_t):
    return pl.pallas_call(
        _scale_kernel,
        grid=(N_BLKS,),
        out_shape=jax.ShapeDtypeStruct((N_NODES, HID), _f32),
        in_specs=[
            pl.BlockSpec((ROW_BLK, HID), lambda i: (i, 0)),
            pl.BlockSpec((ROW_BLK, NC), lambda i: (i, 0)),
        ],
        out_specs=pl.BlockSpec((ROW_BLK, HID), lambda i: (i, 0)),
    )(hw, pdeg_t)


def _mid_kernel(acc_ref, hws_ref, pdeg_ref, b_ref, w_ref, out_ref):
    dinv = _dinv_from_pdeg(pdeg_ref)
    t = acc_ref[0] + acc_ref[1] + hws_ref[...]
    h = jnp.maximum(dinv * t + b_ref[...], 0.0)
    out_ref[...] = dinv * jnp.dot(h, w_ref[...], preferred_element_type=_f32)


def _tc_mid(acc, hws, pdeg_t, b, w):
    return pl.pallas_call(
        _mid_kernel,
        grid=(N_BLKS,),
        out_shape=jax.ShapeDtypeStruct((N_NODES, HID), _f32),
        in_specs=[
            pl.BlockSpec((NC, ROW_BLK, HID), lambda i: (0, i, 0)),
            pl.BlockSpec((ROW_BLK, HID), lambda i: (i, 0)),
            pl.BlockSpec((ROW_BLK, NC), lambda i: (i, 0)),
            pl.BlockSpec((HID,), lambda i: (0,)),
            pl.BlockSpec((HID, HID), lambda i: (0, 0)),
        ],
        out_specs=pl.BlockSpec((ROW_BLK, HID), lambda i: (i, 0)),
    )(acc, hws, pdeg_t, b, w)


def _final_kernel(acc_ref, hws_ref, pdeg_ref, b_ref, wcls_ref, bcls_ref, bid_ref,
                  out_ref, sums_acc, cnts_acc):
    i = pl.program_id(0)

    @pl.when(i == 0)
    def _():
        sums_acc[...] = jnp.zeros_like(sums_acc)
        cnts_acc[...] = jnp.zeros_like(cnts_acc)

    t = acc_ref[0] + acc_ref[1] + hws_ref[...]
    h = _dinv_from_pdeg(pdeg_ref) * t + b_ref[...]
    y = jnp.dot(h, wcls_ref[...], preferred_element_type=_f32) + bcls_ref[...]

    bid = bid_ref[0]
    iota = lax.broadcasted_iota(_i32, (N_GROUPS, ROW_BLK), 0)
    mask = (bid == iota).astype(_f32)
    sums_acc[...] += jnp.dot(mask, y, preferred_element_type=_f32)
    cnts_acc[...] += jnp.broadcast_to(
        jnp.sum(mask, axis=1, keepdims=True), (N_GROUPS, D_OUT)
    )

    @pl.when(i == N_BLKS - 1)
    def _():
        out_ref[...] = sums_acc[...] / jnp.maximum(cnts_acc[...], 1.0)


def _tc_final(acc, hws, pdeg_t, b2, w_cls, b_cls, bid3):
    return pl.pallas_call(
        _final_kernel,
        grid=(N_BLKS,),
        out_shape=jax.ShapeDtypeStruct((N_GROUPS, D_OUT), _f32),
        in_specs=[
            pl.BlockSpec((NC, ROW_BLK, HID), lambda i: (0, i, 0)),
            pl.BlockSpec((ROW_BLK, HID), lambda i: (i, 0)),
            pl.BlockSpec((ROW_BLK, NC), lambda i: (i, 0)),
            pl.BlockSpec((HID,), lambda i: (0,)),
            pl.BlockSpec((HID, D_OUT), lambda i: (0, 0)),
            pl.BlockSpec((D_OUT,), lambda i: (0,)),
            pl.BlockSpec((1, 1, ROW_BLK), lambda i: (i, 0, 0)),
        ],
        out_specs=pl.BlockSpec((N_GROUPS, D_OUT), lambda i: (0, 0)),
        scratch_shapes=[
            pltpu.VMEM((N_GROUPS, D_OUT), _f32),
            pltpu.VMEM((N_GROUPS, D_OUT), _f32),
        ],
    )(acc, hws, pdeg_t, b2, w_cls, b_cls, bid3)



def kernel(x, edge_index, batch_ids, W_in, b_in, W0, b0, W1, b1, W2, b2,
           W_cls, b_cls):
    n_extra = E_PAD - N_EDGES
    pad_edges = jnp.stack([
        jnp.arange(n_extra, dtype=_i32) % N_NODES,
        N_NODES + (jnp.arange(n_extra, dtype=_i32) % N_DUMP),
    ])
    eidx = jnp.concatenate([edge_index, pad_edges], axis=1)

    bid3 = batch_ids.reshape(N_BLKS, 1, ROW_BLK)

    pdeg = _sc_degree(eidx)
    hw0 = _tc_encode(x, W_in, b_in, W0)
    pdeg_t = pdeg.T

    hws0 = _tc_scale(hw0, pdeg_t)
    acc0 = _sc_gather_scatter(hws0, eidx)
    hws1 = _tc_mid(acc0, hws0, pdeg_t, b0, W1)
    acc1 = _sc_gather_scatter(hws1, eidx)
    hws2 = _tc_mid(acc1, hws1, pdeg_t, b1, W2)
    acc2 = _sc_gather_scatter(hws2, eidx)
    return _tc_final(acc2, hws2, pdeg_t, b2, W_cls, b_cls, bid3)

# --- scband reference (transcript-rebuilt; emitter-appended) ---
"""Pipeline reference for scband-vanilla-68350109548796 (READ-ONLY COPY).

The authoritative reference and input builder live on the scoring server;
editing this copy changes nothing except your own understanding.
"""

import jax, jax.numpy as jnp
import numpy as np

N = 10000
E = 320000
D_IN = 128
H = 128
OUT = 64
G = 16


def setup_inputs(seed: int = 0) -> dict:
    key = jax.random.key(seed)
    ks = jax.random.split(key, 12)
    x = jax.random.normal(ks[0], (N, D_IN), dtype=jnp.float32)
    edge_index = jax.random.randint(ks[1], (2, E), 0, N, dtype=jnp.int32)
    batch_ids = jnp.sort(jax.random.randint(ks[2], (N,), 0, G, dtype=jnp.int32))
    s = 0.05
    W_in = jax.random.normal(ks[3], (D_IN, H), dtype=jnp.float32) * s
    b_in = jnp.zeros((H,), dtype=jnp.float32)
    W0 = jax.random.normal(ks[4], (H, H), dtype=jnp.float32) * s
    b0 = jnp.zeros((H,), dtype=jnp.float32)
    W1 = jax.random.normal(ks[5], (H, H), dtype=jnp.float32) * s
    b1 = jnp.zeros((H,), dtype=jnp.float32)
    W2 = jax.random.normal(ks[6], (H, H), dtype=jnp.float32) * s
    b2 = jnp.zeros((H,), dtype=jnp.float32)
    W_cls = jax.random.normal(ks[7], (H, OUT), dtype=jnp.float32) * s
    b_cls = jnp.zeros((OUT,), dtype=jnp.float32)
    return {"x": x, "edge_index": edge_index, "batch_ids": batch_ids,
            "W_in": W_in, "b_in": b_in, "W0": W0, "b0": b0, "W1": W1,
            "b1": b1, "W2": W2, "b2": b2, "W_cls": W_cls, "b_cls": b_cls}


def reference(x, edge_index, batch_ids, W_in, b_in, W0, b0, W1, b1, W2, b2, W_cls, b_cls):
    # LinearEncoder
    h = x @ W_in + b_in
    # GCN normalization with self-loops (PyG GCNConv semantics)
    loop = jnp.arange(N, dtype=edge_index.dtype)
    s_idx = jnp.concatenate([edge_index[0], loop])
    d_idx = jnp.concatenate([edge_index[1], loop])
    deg = jnp.zeros((N,), dtype=jnp.float32).at[d_idx].add(1.0)
    dinv = jnp.where(deg > 0, 1.0 / jnp.sqrt(deg), 0.0)
    norm = dinv[s_idx] * dinv[d_idx]
    layers = [(W0, b0), (W1, b1), (W2, b2)]
    for i, (W, b) in enumerate(layers):
        hw = h @ W
        msg = hw[s_idx] * norm[:, None]
        h = jnp.zeros((N, H), dtype=jnp.float32).at[d_idx].add(msg) + b
        if i != len(layers) - 1:
            h = jax.nn.relu(h)
    # classification head + global mean pool
    y = h @ W_cls + b_cls
    sums = jax.ops.segment_sum(y, batch_ids, num_segments=G)
    counts = jax.ops.segment_sum(jnp.ones((N, 1), dtype=jnp.float32), batch_ids, num_segments=G)
    return sums / jnp.maximum(counts, 1.0)

if __name__ == "__main__":
    import jax
    _d = setup_inputs()
    print(jax.jit(kernel)(*tuple(_d.values())))

</pallas_src>

<mosaic_0001>
#map = affine_map<(d0, d1) -> (0, 0)>
#map1 = affine_map<(d0, d1) -> (0, 0, 0)>
module attributes {stable_mosaic.version = 14 : i64} {
  func.func @gcn_gather_scatter_sc(%arg0: i32, %arg1: i32, %arg2: memref<10000x128xf32, #tpu.memory_space<hbm>>, %arg3: memref<2x327680xi32, #tpu.memory_space<hbm>>, %arg4: memref<2x10240x128xf32, #tpu.memory_space<hbm>>, %arg5: memref<2560xi32, #tpu.memory_space<vmem>>, %arg6: memref<2560xi32, #tpu.memory_space<vmem>>, %arg7: memref<5x64xi32, #tpu.memory_space<vmem>>, %arg8: memref<5x64x128xf32, #tpu.memory_space<vmem>>, %arg9: memref<10240x128xf32, #tpu.memory_space<vmem_shared>>, %arg10: memref<!tpu.dma_semaphore, #tpu.memory_space<semaphore_mem>>, %arg11: memref<!tpu.dma_semaphore, #tpu.memory_space<semaphore_mem>>, %arg12: memref<!tpu.dma_semaphore, #tpu.memory_space<semaphore_mem>>, %arg13: memref<!tpu.dma_semaphore, #tpu.memory_space<semaphore_mem>>, %arg14: memref<!tpu.dma_semaphore, #tpu.memory_space<semaphore_mem>>) attributes {dimension_semantics = [#tpu.dimension_semantics<core_parallel>, #tpu.dimension_semantics<subcore_parallel>], iteration_bounds = array<i64: 2, 16>, scalar_prefetch = 0 : i64, scratch_operands = 10 : i64, tpu.core_type = #tpu.core_type<sc_vector_subcore>, window_params = [{transform_indices = #map}, {transform_indices = #map}, {transform_indices = #map1}]} {
    %mul3A = arith.constant 16 : i32
    %mul3A_0 = arith.muli %arg0, %mul3A : i32
    %add3A = arith.addi %mul3A_0, %arg1 : i32
    %scan3A = arith.constant 0 : i32
    %scan3A_1 = arith.constant 0 : i32
    %scan3A_2 = arith.constant 0 : i32
    %scan3A_3 = arith.constant 512 : i32
    %scan3A_4 = arith.addi %scan3A_2, %scan3A_3 : i32
    %scan3A_5 = arith.constant 1 : i32
    %scan3A_6 = scf.for %scan3A_28 = %scan3A_2 to %scan3A_4 step %scan3A_5 iter_args(%scan3A_29 = %scan3A_1) -> (i32)  : i32 {
      %broadcast_in_dim3A = arith.constant 0.000000e+00 : f32
      %broadcast_in_dim3A_30 = vector.broadcast %broadcast_in_dim3A : f32 to vector<16xf32>
      %jit3A = arith.constant 8 : i32
      %div3A = arith.divsi %scan3A_28, %jit3A : i32
      %sign3A = arith.constant 0 : i32
      %sign3A_31 = arith.cmpi sgt, %scan3A_28, %sign3A : i32
      %sign3A_32 = arith.extui %sign3A_31 : i1 to i32
      %sign3A_33 = arith.constant 0 : i32
      %sign3A_34 = arith.cmpi slt, %scan3A_28, %sign3A_33 : i32
      %sign3A_35 = arith.extui %sign3A_34 : i1 to i32
      %sign3A_36 = arith.subi %sign3A_32, %sign3A_35 : i32
      %sign3A_37 = arith.constant 0 : i32
      %sign3A_38 = arith.cmpi sgt, %jit3A, %sign3A_37 : i32
      %sign3A_39 = arith.extui %sign3A_38 : i1 to i32
      %sign3A_40 = arith.constant 0 : i32
      %sign3A_41 = arith.cmpi slt, %jit3A, %sign3A_40 : i32
      %sign3A_42 = arith.extui %sign3A_41 : i1 to i32
      %sign3A_43 = arith.subi %sign3A_39, %sign3A_42 : i32
      %ne3A = arith.cmpi ne, %sign3A_36, %sign3A_43 : i32
      %rem3A = arith.remsi %scan3A_28, %jit3A : i32
      %ne3A_44 = arith.constant 0 : i32
      %ne3A_45 = arith.cmpi ne, %rem3A, %ne3A_44 : i32
      %and3A = arith.andi %ne3A, %ne3A_45 : i1
      %sub3A = arith.constant 1 : i32
      %sub3A_46 = arith.subi %div3A, %sub3A : i32
      %select_n3A = arith.select %and3A, %sub3A_46, %div3A : i32
      %jit3A_47 = arith.constant 8 : i32
      %eq3A = arith.constant 0 : i32
      %eq3A_48 = arith.cmpi eq, %jit3A_47, %eq3A : i32
      %jit3A_49 = arith.constant 1 : i32
      %select_n3A_50 = arith.select %eq3A_48, %jit3A_49, %jit3A_47 : i32
      %rem3A_51 = arith.remsi %scan3A_28, %select_n3A_50 : i32
      %ne3A_52 = arith.constant 0 : i32
      %ne3A_53 = arith.cmpi ne, %rem3A_51, %ne3A_52 : i32
      %lt3A = arith.constant 0 : i32
      %lt3A_54 = arith.cmpi slt, %rem3A_51, %lt3A : i32
      %lt3A_55 = arith.constant 0 : i32
      %lt3A_56 = arith.cmpi slt, %select_n3A_50, %lt3A_55 : i32
      %ne3A_57 = arith.xori %lt3A_54, %lt3A_56 : i1
      %and3A_58 = arith.andi %ne3A_57, %ne3A_53 : i1
      %add3A_59 = arith.addi %rem3A_51, %select_n3A_50 : i32
      %select_n3A_60 = arith.select %and3A_58, %add3A_59, %rem3A_51 : i32
      %mul3A_61 = arith.constant 16 : i32
      %mul3A_62 = arith.muli %select_n3A_60, %mul3A_61 : i32
      %swap3A = arith.constant 0 : i32
      %swap3A_63 = arith.constant 0 : i32
      %swap3A_64 = tpu.memref_slice %arg8[%scan3A, %swap3A, %swap3A_63] : memref<5x64x128xf32, #tpu.memory_space<vmem>> -> memref<1x64x128xf32, #tpu.memory_space<vmem>>
      %swap3A_65 = tpu.memref_squeeze %swap3A_64 : memref<1x64x128xf32, #tpu.memory_space<vmem>> -> memref<64x128xf32, #tpu.memory_space<vmem>>
      %swap3A_66 = arith.index_cast %select_n3A : i32 to index
      %swap3A_67 = arith.index_cast %mul3A_62 : i32 to index
      %swap3A_68 = tpu.vector_load %swap3A_65[%swap3A_66, %swap3A_67] {strides = array<i32>} : memref<64x128xf32, #tpu.memory_space<vmem>>, vector<1x16xf32>,
      %swap3A_69 = vector.shape_cast %swap3A_68 : vector<1x16xf32> to vector<16xf32>
      %swap3A_70 = vector.shape_cast %broadcast_in_dim3A_30 : vector<16xf32> to vector<1x16xf32>
      tpu.vector_store %swap3A_65[%swap3A_66, %swap3A_67], %swap3A_70 {strides = array<i32>} : memref<64x128xf32, #tpu.memory_space<vmem>>, vector<1x16xf32>,
      %scan3A_71 = arith.constant 0 : i32
      scf.yield %scan3A_71 : i32
    }
    %scan3A_7 = arith.constant 512 : i32
    %scan3A_8 = arith.constant 0 : i32
    %scan3A_9 = arith.constant 0 : i32
    %scan3A_10 = arith.constant 0 : i32
    %scan3A_11 = arith.constant 10 : i32
    %scan3A_12 = arith.addi %scan3A_10, %scan3A_11 : i32
    %scan3A_13 = arith.constant 1 : i32
    %scan3A_14 = scf.for %scan3A_28 = %scan3A_10 to %scan3A_12 step %scan3A_13 iter_args(%scan3A_29 = %scan3A_9) -> (i32)  : i32 {
      %mul3A_30 = arith.constant 640 : i32
      %mul3A_31 = arith.muli %arg1, %mul3A_30 : i32
      %mul3A_32 = arith.constant 64 : i32
      %mul3A_33 = arith.muli %scan3A_28, %mul3A_32 : i32
      %add3A_34 = arith.addi %mul3A_31, %mul3A_33 : i32
      "tpu.region"() ({
        %run_scoped3A = tpu.sem_alloc : memref<!tpu.dma_semaphore, #tpu.memory_space<semaphore_mem>>
        %dma_start3A = arith.constant 0 : i32
        %dma_start3A_36 = arith.constant 0 : i32
        %dma_start3A_37 = tpu.memref_slice %arg8[%scan3A_8, %dma_start3A, %dma_start3A_36] : memref<5x64x128xf32, #tpu.memory_space<vmem>> -> memref<1x64x128xf32, #tpu.memory_space<vmem>>
        %dma_start3A_38 = tpu.memref_squeeze %dma_start3A_37 : memref<1x64x128xf32, #tpu.memory_space<vmem>> -> memref<64x128xf32, #tpu.memory_space<vmem>>
        %dma_start3A_39 = arith.constant 0 : i32
        %dma_start3A_40 = tpu.memref_slice %arg9[%add3A_34, %dma_start3A_39] : memref<10240x128xf32, #tpu.memory_space<vmem_shared>> -> memref<64x128xf32, #tpu.memory_space<vmem_shared>>
        %dma_start3A_41 = arith.constant 0 : i32
        %dma_start3A_42 = tpu.memref_slice %arg9[%add3A_34, %dma_start3A_41] : memref<10240x128xf32, #tpu.memory_space<vmem_shared>> -> memref<64x128xf32, #tpu.memory_space<vmem_shared>>
        %dma_start3A_43 = arith.constant 0 : i32
        %dma_start3A_44 = arith.constant 0 : i32
        %dma_start3A_45 = tpu.memref_slice %arg8[%scan3A_8, %dma_start3A_43, %dma_start3A_44] : memref<5x64x128xf32, #tpu.memory_space<vmem>> -> memref<1x64x128xf32, #tpu.memory_space<vmem>>
        %dma_start3A_46 = tpu.memref_squeeze %dma_start3A_45 : memref<1x64x128xf32, #tpu.memory_space<vmem>> -> memref<64x128xf32, #tpu.memory_space<vmem>>
        tpu.enqueue_dma source(%dma_start3A_46 : memref<64x128xf32, #tpu.memory_space<vmem>>) target(%dma_start3A_42 : memref<64x128xf32, #tpu.memory_space<vmem_shared>>) target_semaphore(%run_scoped3A : memref<!tpu.dma_semaphore, #tpu.memory_space<semaphore_mem>>)
        %dma_wait3A = arith.constant 0 : i32
        %dma_wait3A_47 = arith.constant 0 : i32
        %dma_wait3A_48 = tpu.memref_slice %arg8[%scan3A_8, %dma_wait3A, %dma_wait3A_47] : memref<5x64x128xf32, #tpu.memory_space<vmem>> -> memref<1x64x128xf32, #tpu.memory_space<vmem>>
        %dma_wait3A_49 = tpu.memref_squeeze %dma_wait3A_48 : memref<1x64x128xf32, #tpu.memory_space<vmem>> -> memref<64x128xf32, #tpu.memory_space<vmem>>
        %dma_wait3A_50 = arith.constant 0 : i32
        %dma_wait3A_51 = tpu.memref_slice %arg9[%add3A_34, %dma_wait3A_50] : memref<10240x128xf32, #tpu.memory_space<vmem_shared>> -> memref<64x128xf32, #tpu.memory_space<vmem_shared>>
        %dma_wait3A_52 = arith.constant 0 : i32
        %dma_wait3A_53 = tpu.memref_slice %arg9[%add3A_34, %dma_wait3A_52] : memref<10240x128xf32, #tpu.memory_space<vmem_shared>> -> memref<64x128xf32, #tpu.memory_space<vmem_shared>>
        %dma_wait3A_54 = arith.constant 0 : i32
        %dma_wait3A_55 = arith.constant 0 : i32
        %dma_wait3A_56 = tpu.memref_slice %arg8[%scan3A_8, %dma_wait3A_54, %dma_wait3A_55] : memref<5x64x128xf32, #tpu.memory_space<vmem>> -> memref<1x64x128xf32, #tpu.memory_space<vmem>>
        %dma_wait3A_57 = tpu.memref_squeeze %dma_wait3A_56 : memref<1x64x128xf32, #tpu.memory_space<vmem>> -> memref<64x128xf32, #tpu.memory_space<vmem>>
        tpu.wait_dma2 semaphore(%run_scoped3A : memref<!tpu.dma_semaphore, #tpu.memory_space<semaphore_mem>>) src(%dma_wait3A_57 : memref<64x128xf32, #tpu.memory_space<vmem>>) dst(%dma_wait3A_53 : memref<64x128xf32, #tpu.memory_space<vmem_shared>>)
        tpu.yield
      }) : () -> ()
      %scan3A_35 = arith.constant 0 : i32
      scf.yield %scan3A_35 : i32
    }
    %scan3A_15 = arith.constant 10 : i32
    %barrier3A = arith.constant 0 : index
    tpu.barrier barrier_id(%barrier3A)
    %scan3A_16 = arith.constant 0 : i32
    %scan3A_17 = arith.constant 0 : i32
    %scan3A_18 = arith.constant 4 : i32
    %scan3A_19 = arith.addi %scan3A_17, %scan3A_18 : i32
    %scan3A_20 = arith.constant 1 : i32
    %scan3A_21 = scf.for %scan3A_28 = %scan3A_17 to %scan3A_19 step %scan3A_20 iter_args(%scan3A_29 = %scan3A_16) -> (i32)  : i32 {
      %mul3A_30 = arith.constant 10240 : i32
      %mul3A_31 = arith.muli %add3A, %mul3A_30 : i32
      %mul3A_32 = arith.constant 2560 : i32
      %mul3A_33 = arith.muli %scan3A_28, %mul3A_32 : i32
      %add3A_34 = arith.addi %mul3A_31, %mul3A_33 : i32
      %run_scoped3A = arith.constant 0 : i32
      "tpu.region"() ({
        %run_scoped3A_93 = tpu.sem_alloc : memref<!tpu.dma_semaphore, #tpu.memory_space<semaphore_mem>>
        %dma_start3A_94 = arith.constant 0 : i32
        %dma_start3A_95 = tpu.memref_slice %arg3[%run_scoped3A, %dma_start3A_94] : memref<2x327680xi32, #tpu.memory_space<hbm>> -> memref<1x327680xi32, #tpu.memory_space<hbm>>
        %dma_start3A_96 = tpu.memref_squeeze %dma_start3A_95 : memref<1x327680xi32, #tpu.memory_space<hbm>> -> memref<327680xi32, #tpu.memory_space<hbm>>
        %dma_start3A_97 = tpu.memref_slice %dma_start3A_96[%add3A_34] : memref<327680xi32, #tpu.memory_space<hbm>> -> memref<2560xi32, #tpu.memory_space<hbm>>
        %dma_start3A_98 = arith.constant 0 : i32
        %dma_start3A_99 = tpu.memref_slice %arg3[%run_scoped3A, %dma_start3A_98] : memref<2x327680xi32, #tpu.memory_space<hbm>> -> memref<1x327680xi32, #tpu.memory_space<hbm>>
        %dma_start3A_100 = tpu.memref_squeeze %dma_start3A_99 : memref<1x327680xi32, #tpu.memory_space<hbm>> -> memref<327680xi32, #tpu.memory_space<hbm>>
        %dma_start3A_101 = tpu.memref_slice %dma_start3A_100[%add3A_34] : memref<327680xi32, #tpu.memory_space<hbm>> -> memref<2560xi32, #tpu.memory_space<hbm>>
        tpu.enqueue_dma source(%dma_start3A_101 : memref<2560xi32, #tpu.memory_space<hbm>>) target(%arg5 : memref<2560xi32, #tpu.memory_space<vmem>>) target_semaphore(%run_scoped3A_93 : memref<!tpu.dma_semaphore, #tpu.memory_space<semaphore_mem>>)
        %dma_wait3A = arith.constant 0 : i32
        %dma_wait3A_102 = tpu.memref_slice %arg3[%run_scoped3A, %dma_wait3A] : memref<2x327680xi32, #tpu.memory_space<hbm>> -> memref<1x327680xi32, #tpu.memory_space<hbm>>
        %dma_wait3A_103 = tpu.memref_squeeze %dma_wait3A_102 : memref<1x327680xi32, #tpu.memory_space<hbm>> -> memref<327680xi32, #tpu.memory_space<hbm>>
        %dma_wait3A_104 = tpu.memref_slice %dma_wait3A_103[%add3A_34] : memref<327680xi32, #tpu.memory_space<hbm>> -> memref<2560xi32, #tpu.memory_space<hbm>>
        %dma_wait3A_105 = arith.constant 0 : i32
        %dma_wait3A_106 = tpu.memref_slice %arg3[%run_scoped3A, %dma_wait3A_105] : memref<2x327680xi32, #tpu.memory_space<hbm>> -> memref<1x327680xi32, #tpu.memory_space<hbm>>
        %dma_wait3A_107 = tpu.memref_squeeze %dma_wait3A_106 : memref<1x327680xi32, #tpu.memory_space<hbm>> -> memref<327680xi32, #tpu.memory_space<hbm>>
        %dma_wait3A_108 = tpu.memref_slice %dma_wait3A_107[%add3A_34] : memref<327680xi32, #tpu.memory_space<hbm>> -> memref<2560xi32, #tpu.memory_space<hbm>>
        tpu.wait_dma2 semaphore(%run_scoped3A_93 : memref<!tpu.dma_semaphore, #tpu.memory_space<semaphore_mem>>) src(%dma_wait3A_108 : memref<2560xi32, #tpu.memory_space<hbm>>) dst(%arg5 : memref<2560xi32, #tpu.memory_space<vmem>>)
        tpu.yield
      }) : () -> ()
      %run_scoped3A_35 = arith.constant 1 : i32
      "tpu.region"() ({
        %run_scoped3A_93 = tpu.sem_alloc : memref<!tpu.dma_semaphore, #tpu.memory_space<semaphore_mem>>
        %dma_start3A_94 = arith.constant 0 : i32
        %dma_start3A_95 = tpu.memref_slice %arg3[%run_scoped3A_35, %dma_start3A_94] : memref<2x327680xi32, #tpu.memory_space<hbm>> -> memref<1x327680xi32, #tpu.memory_space<hbm>>
        %dma_start3A_96 = tpu.memref_squeeze %dma_start3A_95 : memref<1x327680xi32, #tpu.memory_space<hbm>> -> memref<327680xi32, #tpu.memory_space<hbm>>
        %dma_start3A_97 = tpu.memref_slice %dma_start3A_96[%add3A_34] : memref<327680xi32, #tpu.memory_space<hbm>> -> memref<2560xi32, #tpu.memory_space<hbm>>
        %dma_start3A_98 = arith.constant 0 : i32
        %dma_start3A_99 = tpu.memref_slice %arg3[%run_scoped3A_35, %dma_start3A_98] : memref<2x327680xi32, #tpu.memory_space<hbm>> -> memref<1x327680xi32, #tpu.memory_space<hbm>>
        %dma_start3A_100 = tpu.memref_squeeze %dma_start3A_99 : memref<1x327680xi32, #tpu.memory_space<hbm>> -> memref<327680xi32, #tpu.memory_space<hbm>>
        %dma_start3A_101 = tpu.memref_slice %dma_start3A_100[%add3A_34] : memref<327680xi32, #tpu.memory_space<hbm>> -> memref<2560xi32, #tpu.memory_space<hbm>>
        tpu.enqueue_dma source(%dma_start3A_101 : memref<2560xi32, #tpu.memory_space<hbm>>) target(%arg6 : memref<2560xi32, #tpu.memory_space<vmem>>) target_semaphore(%run_scoped3A_93 : memref<!tpu.dma_semaphore, #tpu.memory_space<semaphore_mem>>)
        %dma_wait3A = arith.constant 0 : i32
        %dma_wait3A_102 = tpu.memref_slice %arg3[%run_scoped3A_35, %dma_wait3A] : memref<2x327680xi32, #tpu.memory_space<hbm>> -> memref<1x327680xi32, #tpu.memory_space<hbm>>
        %dma_wait3A_103 = tpu.memref_squeeze %dma_wait3A_102 : memref<1x327680xi32, #tpu.memory_space<hbm>> -> memref<327680xi32, #tpu.memory_space<hbm>>
        %dma_wait3A_104 = tpu.memref_slice %dma_wait3A_103[%add3A_34] : memref<327680xi32, #tpu.memory_space<hbm>> -> memref<2560xi32, #tpu.memory_space<hbm>>
        %dma_wait3A_105 = arith.constant 0 : i32
        %dma_wait3A_106 = tpu.memref_slice %arg3[%run_scoped3A_35, %dma_wait3A_105] : memref<2x327680xi32, #tpu.memory_space<hbm>> -> memref<1x327680xi32, #tpu.memory_space<hbm>>
        %dma_wait3A_107 = tpu.memref_squeeze %dma_wait3A_106 : memref<1x327680xi32, #tpu.memory_space<hbm>> -> memref<327680xi32, #tpu.memory_space<hbm>>
        %dma_wait3A_108 = tpu.memref_slice %dma_wait3A_107[%add3A_34] : memref<327680xi32, #tpu.memory_space<hbm>> -> memref<2560xi32, #tpu.memory_space<hbm>>
        tpu.wait_dma2 semaphore(%run_scoped3A_93 : memref<!tpu.dma_semaphore, #tpu.memory_space<semaphore_mem>>) src(%dma_wait3A_108 : memref<2560xi32, #tpu.memory_space<hbm>>) dst(%arg6 : memref<2560xi32, #tpu.memory_space<vmem>>)
        tpu.yield
      }) : () -> ()
      %dma_start3A = arith.constant 0 : i32
      %dma_start3A_36 = arith.constant 0 : i32
      %dma_start3A_37 = arith.constant 0 : i32
      %dma_start3A_38 = tpu.memref_slice %arg8[%dma_start3A, %dma_start3A_36, %dma_start3A_37] : memref<5x64x128xf32, #tpu.memory_space<vmem>> -> memref<1x64x128xf32, #tpu.memory_space<vmem>>
      %dma_start3A_39 = tpu.memref_squeeze %dma_start3A_38 : memref<1x64x128xf32, #tpu.memory_space<vmem>> -> memref<64x128xf32, #tpu.memory_space<vmem>>
      %dma_start3A_40 = arith.constant 0 : i32
      %dma_start3A_41 = tpu.memref_slice %arg5[%dma_start3A_40] : memref<2560xi32, #tpu.memory_space<vmem>> -> memref<64xi32, #tpu.memory_space<vmem>>
      %dma_start3A_42 = arith.constant 0 : i32
      %dma_start3A_43 = arith.constant 0 : i32
      %dma_start3A_44 = tpu.memref_slice %arg2[%dma_start3A_42, %dma_start3A_43] : memref<10000x128xf32, #tpu.memory_space<hbm>> -> memref<10000x128xf32, #tpu.memory_space<hbm>>
      tpu.enqueue_indirect_dma source(%dma_start3A_44 : memref<10000x128xf32, #tpu.memory_space<hbm>>) target(%dma_start3A_39 : memref<64x128xf32, #tpu.memory_space<vmem>>) offsets(%dma_start3A_41 : memref<64xi32, #tpu.memory_space<vmem>>) semaphore(%arg10 : memref<!tpu.dma_semaphore, #tpu.memory_space<semaphore_mem>>)
      %dma_start3A_45 = arith.constant 1 : i32
      %dma_start3A_46 = arith.constant 0 : i32
      %dma_start3A_47 = arith.constant 0 : i32
      %dma_start3A_48 = tpu.memref_slice %arg8[%dma_start3A_45, %dma_start3A_46, %dma_start3A_47] : memref<5x64x128xf32, #tpu.memory_space<vmem>> -> memref<1x64x128xf32, #tpu.memory_space<vmem>>
      %dma_start3A_49 = tpu.memref_squeeze %dma_start3A_48 : memref<1x64x128xf32, #tpu.memory_space<vmem>> -> memref<64x128xf32, #tpu.memory_space<vmem>>
      %dma_start3A_50 = arith.constant 64 : i32
      %dma_start3A_51 = tpu.memref_slice %arg5[%dma_start3A_50] : memref<2560xi32, #tpu.memory_space<vmem>> -> memref<64xi32, #tpu.memory_space<vmem>>
      %dma_start3A_52 = arith.constant 0 : i32
      %dma_start3A_53 = arith.constant 0 : i32
      %dma_start3A_54 = tpu.memref_slice %arg2[%dma_start3A_52, %dma_start3A_53] : memref<10000x128xf32, #tpu.memory_space<hbm>> -> memref<10000x128xf32, #tpu.memory_space<hbm>>
      tpu.enqueue_indirect_dma source(%dma_start3A_54 : memref<10000x128xf32, #tpu.memory_space<hbm>>) target(%dma_start3A_49 : memref<64x128xf32, #tpu.memory_space<vmem>>) offsets(%dma_start3A_51 : memref<64xi32, #tpu.memory_space<vmem>>) semaphore(%arg11 : memref<!tpu.dma_semaphore, #tpu.memory_space<semaphore_mem>>)
      %dma_start3A_55 = arith.constant 2 : i32
      %dma_start3A_56 = arith.constant 0 : i32
      %dma_start3A_57 = arith.constant 0 : i32
      %dma_start3A_58 = tpu.memref_slice %arg8[%dma_start3A_55, %dma_start3A_56, %dma_start3A_57] : memref<5x64x128xf32, #tpu.memory_space<vmem>> -> memref<1x64x128xf32, #tpu.memory_space<vmem>>
      %dma_start3A_59 = tpu.memref_squeeze %dma_start3A_58 : memref<1x64x128xf32, #tpu.memory_space<vmem>> -> memref<64x128xf32, #tpu.memory_space<vmem>>
      %dma_start3A_60 = arith.constant 128 : i32
      %dma_start3A_61 = tpu.memref_slice %arg5[%dma_start3A_60] : memref<2560xi32, #tpu.memory_space<vmem>> -> memref<64xi32, #tpu.memory_space<vmem>>
      %dma_start3A_62 = arith.constant 0 : i32
      %dma_start3A_63 = arith.constant 0 : i32
      %dma_start3A_64 = tpu.memref_slice %arg2[%dma_start3A_62, %dma_start3A_63] : memref<10000x128xf32, #tpu.memory_space<hbm>> -> memref<10000x128xf32, #tpu.memory_space<hbm>>
      tpu.enqueue_indirect_dma source(%dma_start3A_64 : memref<10000x128xf32, #tpu.memory_space<hbm>>) target(%dma_start3A_59 : memref<64x128xf32, #tpu.memory_space<vmem>>) offsets(%dma_start3A_61 : memref<64xi32, #tpu.memory_space<vmem>>) semaphore(%arg12 : memref<!tpu.dma_semaphore, #tpu.memory_space<semaphore_mem>>)
      %dma_start3A_65 = arith.constant 3 : i32
      %dma_start3A_66 = arith.constant 0 : i32
      %dma_start3A_67 = arith.constant 0 : i32
      %dma_start3A_68 = tpu.memref_slice %arg8[%dma_start3A_65, %dma_start3A_66, %dma_start3A_67] : memref<5x64x128xf32, #tpu.memory_space<vmem>> -> memref<1x64x128xf32, #tpu.memory_space<vmem>>
      %dma_start3A_69 = tpu.memref_squeeze %dma_start3A_68 : memref<1x64x128xf32, #tpu.memory_space<vmem>> -> memref<64x128xf32, #tpu.memory_space<vmem>>
      %dma_start3A_70 = arith.constant 192 : i32
      %dma_start3A_71 = tpu.memref_slice %arg5[%dma_start3A_70] : memref<2560xi32, #tpu.memory_space<vmem>> -> memref<64xi32, #tpu.memory_space<vmem>>
      %dma_start3A_72 = arith.constant 0 : i32
      %dma_start3A_73 = arith.constant 0 : i32
      %dma_start3A_74 = tpu.memref_slice %arg2[%dma_start3A_72, %dma_start3A_73] : memref<10000x128xf32, #tpu.memory_space<hbm>> -> memref<10000x128xf32, #tpu.memory_space<hbm>>
      tpu.enqueue_indirect_dma source(%dma_start3A_74 : memref<10000x128xf32, #tpu.memory_space<hbm>>) target(%dma_start3A_69 : memref<64x128xf32, #tpu.memory_space<vmem>>) offsets(%dma_start3A_71 : memref<64xi32, #tpu.memory_space<vmem>>) semaphore(%arg13 : memref<!tpu.dma_semaphore, #tpu.memory_space<semaphore_mem>>)
      %dma_start3A_75 = arith.constant 4 : i32
      %dma_start3A_76 = arith.constant 0 : i32
      %dma_start3A_77 = arith.constant 0 : i32
      %dma_start3A_78 = tpu.memref_slice %arg8[%dma_start3A_75, %dma_start3A_76, %dma_start3A_77] : memref<5x64x128xf32, #tpu.memory_space<vmem>> -> memref<1x64x128xf32, #tpu.memory_space<vmem>>
      %dma_start3A_79 = tpu.memref_squeeze %dma_start3A_78 : memref<1x64x128xf32, #tpu.memory_space<vmem>> -> memref<64x128xf32, #tpu.memory_space<vmem>>
      %dma_start3A_80 = arith.constant 256 : i32
      %dma_start3A_81 = tpu.memref_slice %arg5[%dma_start3A_80] : memref<2560xi32, #tpu.memory_space<vmem>> -> memref<64xi32, #tpu.memory_space<vmem>>
      %dma_start3A_82 = arith.constant 0 : i32
      %dma_start3A_83 = arith.constant 0 : i32
      %dma_start3A_84 = tpu.memref_slice %arg2[%dma_start3A_82, %dma_start3A_83] : memref<10000x128xf32, #tpu.memory_space<hbm>> -> memref<10000x128xf32, #tpu.memory_space<hbm>>
      tpu.enqueue_indirect_dma source(%dma_start3A_84 : memref<10000x128xf32, #tpu.memory_space<hbm>>) target(%dma_start3A_79 : memref<64x128xf32, #tpu.memory_space<vmem>>) offsets(%dma_start3A_81 : memref<64xi32, #tpu.memory_space<vmem>>) semaphore(%arg14 : memref<!tpu.dma_semaphore, #tpu.memory_space<semaphore_mem>>)
      %scan3A_85 = arith.constant 0 : i32
      %scan3A_86 = arith.constant 0 : i32
      %scan3A_87 = arith.constant 8 : i32
      %scan3A_88 = arith.addi %scan3A_86, %scan3A_87 : i32
      %scan3A_89 = arith.constant 1 : i32
      %scan3A_90 = scf.for %scan3A_93 = %scan3A_86 to %scan3A_88 step %scan3A_89 iter_args(%scan3A_94 = %scan3A_85) -> (i32)  : i32 {
        %mul3A_95 = arith.constant 5 : i32
        %mul3A_96 = arith.muli %scan3A_93, %mul3A_95 : i32
        %add3A_97 = arith.constant 0 : i32
        %add3A_98 = arith.addi %mul3A_96, %add3A_97 : i32
        %mul3A_99 = arith.constant 64 : i32
        %mul3A_100 = arith.muli %add3A_98, %mul3A_99 : i32
        %dma_wait3A = arith.constant 0 : i32
        %dma_wait3A_101 = arith.constant 0 : i32
        %dma_wait3A_102 = arith.constant 0 : i32
        %dma_wait3A_103 = tpu.memref_slice %arg8[%dma_wait3A, %dma_wait3A_101, %dma_wait3A_102] : memref<5x64x128xf32, #tpu.memory_space<vmem>> -> memref<1x64x128xf32, #tpu.memory_space<vmem>>
        %dma_wait3A_104 = tpu.memref_squeeze %dma_wait3A_103 : memref<1x64x128xf32, #tpu.memory_space<vmem>> -> memref<64x128xf32, #tpu.memory_space<vmem>>
        %dma_wait3A_105 = tpu.memref_slice %arg5[%mul3A_100] : memref<2560xi32, #tpu.memory_space<vmem>> -> memref<64xi32, #tpu.memory_space<vmem>>
        %dma_wait3A_106 = arith.constant 0 : i32
        %dma_wait3A_107 = arith.constant 0 : i32
        %dma_wait3A_108 = tpu.memref_slice %arg2[%dma_wait3A_106, %dma_wait3A_107] : memref<10000x128xf32, #tpu.memory_space<hbm>> -> memref<10000x128xf32, #tpu.memory_space<hbm>>
        tpu.wait_indirect_dma semaphore(%arg10 : memref<!tpu.dma_semaphore, #tpu.memory_space<semaphore_mem>>) src(%dma_wait3A_108 : memref<10000x128xf32, #tpu.memory_space<hbm>>) dst(%dma_wait3A_104 : memref<64x128xf32, #tpu.memory_space<vmem>>)
        %mul3A_109 = arith.constant 64 : i32
        %mul3A_110 = arith.muli %add3A_98, %mul3A_109 : i32
        %add3A_111 = arith.constant 0 : i32
        %add3A_112 = arith.addi %mul3A_110, %add3A_111 : i32
        %get3A = arith.index_cast %add3A_112 : i32 to index
        %get3A_113 = tpu.vector_load %arg6[%get3A] {strides = array<i32>} : memref<2560xi32, #tpu.memory_space<vmem>>, vector<16xi32>,
        %get3A_114 = vector.shape_cast %get3A_113 : vector<16xi32> to vector<16xi32>
        %swap3A = arith.constant 0 : i32
        %swap3A_115 = arith.index_cast %swap3A : i32 to index
        %swap3A_116 = arith.constant 0 : index
        %swap3A_117 = tpu.vector_load %arg7[%swap3A_115, %swap3A_116] {strides = array<i32>} : memref<5x64xi32, #tpu.memory_space<vmem>>, vector<1x16xi32>,
        %swap3A_118 = vector.shape_cast %swap3A_117 : vector<1x16xi32> to vector<16xi32>
        %swap3A_119 = vector.shape_cast %get3A_114 : vector<16xi32> to vector<1x16xi32>
        tpu.vector_store %arg7[%swap3A_115, %swap3A_116], %swap3A_119 {strides = array<i32>} : memref<5x64xi32, #tpu.memory_space<vmem>>, vector<1x16xi32>,
        %mul3A_120 = arith.constant 64 : i32
        %mul3A_121 = arith.muli %add3A_98, %mul3A_120 : i32
        %add3A_122 = arith.constant 16 : i32
        %add3A_123 = arith.addi %mul3A_121, %add3A_122 : i32
        %get3A_124 = arith.index_cast %add3A_123 : i32 to index
        %get3A_125 = tpu.vector_load %arg6[%get3A_124] {strides = array<i32>} : memref<2560xi32, #tpu.memory_space<vmem>>, vector<16xi32>,
        %get3A_126 = vector.shape_cast %get3A_125 : vector<16xi32> to vector<16xi32>
        %swap3A_127 = arith.constant 0 : i32
        %swap3A_128 = arith.index_cast %swap3A_127 : i32 to index
        %swap3A_129 = arith.constant 16 : index
        %swap3A_130 = tpu.vector_load %arg7[%swap3A_128, %swap3A_129] {strides = array<i32>} : memref<5x64xi32, #tpu.memory_space<vmem>>, vector<1x16xi32>,
        %swap3A_131 = vector.shape_cast %swap3A_130 : vector<1x16xi32> to vector<16xi32>
        %swap3A_132 = vector.shape_cast %get3A_126 : vector<16xi32> to vector<1x16xi32>
        tpu.vector_store %arg7[%swap3A_128, %swap3A_129], %swap3A_132 {strides = array<i32>} : memref<5x64xi32, #tpu.memory_space<vmem>>, vector<1x16xi32>,
        %mul3A_133 = arith.constant 64 : i32
        %mul3A_134 = arith.muli %add3A_98, %mul3A_133 : i32
        %add3A_135 = arith.constant 32 : i32
        %add3A_136 = arith.addi %mul3A_134, %add3A_135 : i32
        %get3A_137 = arith.index_cast %add3A_136 : i32 to index
        %get3A_138 = tpu.vector_load %arg6[%get3A_137] {strides = array<i32>} : memref<2560xi32, #tpu.memory_space<vmem>>, vector<16xi32>,
        %get3A_139 = vector.shape_cast %get3A_138 : vector<16xi32> to vector<16xi32>
        %swap3A_140 = arith.constant 0 : i32
        %swap3A_141 = arith.index_cast %swap3A_140 : i32 to index
        %swap3A_142 = arith.constant 32 : index
        %swap3A_143 = tpu.vector_load %arg7[%swap3A_141, %swap3A_142] {strides = array<i32>} : memref<5x64xi32, #tpu.memory_space<vmem>>, vector<1x16xi32>,
        %swap3A_144 = vector.shape_cast %swap3A_143 : vector<1x16xi32> to vector<16xi32>
        %swap3A_145 = vector.shape_cast %get3A_139 : vector<16xi32> to vector<1x16xi32>
        tpu.vector_store %arg7[%swap3A_141, %swap3A_142], %swap3A_145 {strides = array<i32>} : memref<5x64xi32, #tpu.memory_space<vmem>>, vector<1x16xi32>,
        %mul3A_146 = arith.constant 64 : i32
        %mul3A_147 = arith.muli %add3A_98, %mul3A_146 : i32
        %add3A_148 = arith.constant 48 : i32
        %add3A_149 = arith.addi %mul3A_147, %add3A_148 : i32
        %get3A_150 = arith.index_cast %add3A_149 : i32 to index
        %get3A_151 = tpu.vector_load %arg6[%get3A_150] {strides = array<i32>} : memref<2560xi32, #tpu.memory_space<vmem>>, vector<16xi32>,
        %get3A_152 = vector.shape_cast %get3A_151 : vector<16xi32> to vector<16xi32>
        %swap3A_153 = arith.constant 0 : i32
        %swap3A_154 = arith.index_cast %swap3A_153 : i32 to index
        %swap3A_155 = arith.constant 48 : index
        %swap3A_156 = tpu.vector_load %arg7[%swap3A_154, %swap3A_155] {strides = array<i32>} : memref<5x64xi32, #tpu.memory_space<vmem>>, vector<1x16xi32>,
        %swap3A_157 = vector.shape_cast %swap3A_156 : vector<1x16xi32> to vector<16xi32>
        %swap3A_158 = vector.shape_cast %get3A_152 : vector<16xi32> to vector<1x16xi32>
        tpu.vector_store %arg7[%swap3A_154, %swap3A_155], %swap3A_158 {strides = array<i32>} : memref<5x64xi32, #tpu.memory_space<vmem>>, vector<1x16xi32>,
        %run_scoped3A_159 = arith.constant 0 : i32
        %run_scoped3A_160 = arith.constant 0 : i32
        "tpu.region"() ({
          %run_scoped3A_475 = tpu.sem_alloc : memref<!tpu.dma_semaphore, #tpu.memory_space<semaphore_mem>>
          %dma_start3A_476 = arith.constant 0 : i32
          %dma_start3A_477 = arith.constant 0 : i32
          %dma_start3A_478 = tpu.memref_slice %arg8[%run_scoped3A_159, %dma_start3A_476, %dma_start3A_477] : memref<5x64x128xf32, #tpu.memory_space<vmem>> -> memref<1x64x128xf32, #tpu.memory_space<vmem>>
          %dma_start3A_479 = tpu.memref_squeeze %dma_start3A_478 : memref<1x64x128xf32, #tpu.memory_space<vmem>> -> memref<64x128xf32, #tpu.memory_space<vmem>>
          %dma_start3A_480 = arith.constant 0 : i32
          %dma_start3A_481 = tpu.memref_slice %arg7[%run_scoped3A_160, %dma_start3A_480] : memref<5x64xi32, #tpu.memory_space<vmem>> -> memref<1x64xi32, #tpu.memory_space<vmem>>
          %dma_start3A_482 = tpu.memref_squeeze %dma_start3A_481 : memref<1x64xi32, #tpu.memory_space<vmem>> -> memref<64xi32, #tpu.memory_space<vmem>>
          %dma_start3A_483 = arith.constant 0 : i32
          %dma_start3A_484 = arith.constant 0 : i32
          %dma_start3A_485 = tpu.memref_slice %arg9[%dma_start3A_483, %dma_start3A_484] : memref<10240x128xf32, #tpu.memory_space<vmem_shared>> -> memref<10240x128xf32, #tpu.memory_space<vmem_shared>>
          tpu.enqueue_indirect_dma source(%dma_start3A_479 : memref<64x128xf32, #tpu.memory_space<vmem>>) target(%dma_start3A_485 : memref<10240x128xf32, #tpu.memory_space<vmem_shared>>) offsets(%dma_start3A_482 : memref<64xi32, #tpu.memory_space<vmem>>) semaphore(%run_scoped3A_475 : memref<!tpu.dma_semaphore, #tpu.memory_space<semaphore_mem>>) {add = true}
          %dma_wait3A_486 = arith.constant 0 : i32
          %dma_wait3A_487 = arith.constant 0 : i32
          %dma_wait3A_488 = tpu.memref_slice %arg8[%run_scoped3A_159, %dma_wait3A_486, %dma_wait3A_487] : memref<5x64x128xf32, #tpu.memory_space<vmem>> -> memref<1x64x128xf32, #tpu.memory_space<vmem>>
          %dma_wait3A_489 = tpu.memref_squeeze %dma_wait3A_488 : memref<1x64x128xf32, #tpu.memory_space<vmem>> -> memref<64x128xf32, #tpu.memory_space<vmem>>
          %dma_wait3A_490 = arith.constant 0 : i32
          %dma_wait3A_491 = tpu.memref_slice %arg7[%run_scoped3A_160, %dma_wait3A_490] : memref<5x64xi32, #tpu.memory_space<vmem>> -> memref<1x64xi32, #tpu.memory_space<vmem>>
          %dma_wait3A_492 = tpu.memref_squeeze %dma_wait3A_491 : memref<1x64xi32, #tpu.memory_space<vmem>> -> memref<64xi32, #tpu.memory_space<vmem>>
          %dma_wait3A_493 = arith.constant 0 : i32
          %dma_wait3A_494 = arith.constant 0 : i32
          %dma_wait3A_495 = tpu.memref_slice %arg9[%dma_wait3A_493, %dma_wait3A_494] : memref<10240x128xf32, #tpu.memory_space<vmem_shared>> -> memref<10240x128xf32, #tpu.memory_space<vmem_shared>>
          tpu.wait_indirect_dma semaphore(%run_scoped3A_475 : memref<!tpu.dma_semaphore, #tpu.memory_space<semaphore_mem>>) src(%dma_wait3A_489 : memref<64x128xf32, #tpu.memory_space<vmem>>) dst(%dma_wait3A_495 : memref<10240x128xf32, #tpu.memory_space<vmem_shared>>)
          tpu.yield
        }) : () -> ()
        %add3A_161 = arith.constant 5 : i32
        %add3A_162 = arith.addi %add3A_98, %add3A_161 : i32
        %lt3A = arith.constant 40 : i32
        %lt3A_163 = arith.cmpi slt, %add3A_162, %lt3A : i32
        %convert_element_type3A = arith.extui %lt3A_163 : i1 to i32
        %cond3A = arith.constant 0 : i32
        %cond3A_164 = arith.constant 0 : i32
        %cond3A_165 = arith.cmpi ne, %convert_element_type3A, %cond3A_164 : i32
        scf.if %cond3A_165 {
          %add3A_475 = arith.constant 5 : i32
          %add3A_476 = arith.addi %add3A_98, %add3A_475 : i32
          %mul3A_477 = arith.constant 64 : i32
          %mul3A_478 = arith.muli %add3A_476, %mul3A_477 : i32
          %dma_start3A_479 = arith.constant 0 : i32
          %dma_start3A_480 = arith.constant 0 : i32
          %dma_start3A_481 = tpu.memref_slice %arg8[%cond3A, %dma_start3A_479, %dma_start3A_480] : memref<5x64x128xf32, #tpu.memory_space<vmem>> -> memref<1x64x128xf32, #tpu.memory_space<vmem>>
          %dma_start3A_482 = tpu.memref_squeeze %dma_start3A_481 : memref<1x64x128xf32, #tpu.memory_space<vmem>> -> memref<64x128xf32, #tpu.memory_space<vmem>>
          %dma_start3A_483 = tpu.memref_slice %arg5[%mul3A_478] : memref<2560xi32, #tpu.memory_space<vmem>> -> memref<64xi32, #tpu.memory_space<vmem>>
          %dma_start3A_484 = arith.constant 0 : i32
          %dma_start3A_485 = arith.constant 0 : i32
          %dma_start3A_486 = tpu.memref_slice %arg2[%dma_start3A_484, %dma_start3A_485] : memref<10000x128xf32, #tpu.memory_space<hbm>> -> memref<10000x128xf32, #tpu.memory_space<hbm>>
          tpu.enqueue_indirect_dma source(%dma_start3A_486 : memref<10000x128xf32, #tpu.memory_space<hbm>>) target(%dma_start3A_482 : memref<64x128xf32, #tpu.memory_space<vmem>>) offsets(%dma_start3A_483 : memref<64xi32, #tpu.memory_space<vmem>>) semaphore(%arg10 : memref<!tpu.dma_semaphore, #tpu.memory_space<semaphore_mem>>)
        } else {
        }
        %mul3A_166 = arith.constant 5 : i32
        %mul3A_167 = arith.muli %scan3A_93, %mul3A_166 : i32
        %add3A_168 = arith.constant 1 : i32
        %add3A_169 = arith.addi %mul3A_167, %add3A_168 : i32
        %mul3A_170 = arith.constant 64 : i32
        %mul3A_171 = arith.muli %add3A_169, %mul3A_170 : i32
        %dma_wait3A_172 = arith.constant 1 : i32
        %dma_wait3A_173 = arith.constant 0 : i32
        %dma_wait3A_174 = arith.constant 0 : i32
        %dma_wait3A_175 = tpu.memref_slice %arg8[%dma_wait3A_172, %dma_wait3A_173, %dma_wait3A_174] : memref<5x64x128xf32, #tpu.memory_space<vmem>> -> memref<1x64x128xf32, #tpu.memory_space<vmem>>
        %dma_wait3A_176 = tpu.memref_squeeze %dma_wait3A_175 : memref<1x64x128xf32, #tpu.memory_space<vmem>> -> memref<64x128xf32, #tpu.memory_space<vmem>>
        %dma_wait3A_177 = tpu.memref_slice %arg5[%mul3A_171] : memref<2560xi32, #tpu.memory_space<vmem>> -> memref<64xi32, #tpu.memory_space<vmem>>
        %dma_wait3A_178 = arith.constant 0 : i32
        %dma_wait3A_179 = arith.constant 0 : i32
        %dma_wait3A_180 = tpu.memref_slice %arg2[%dma_wait3A_178, %dma_wait3A_179] : memref<10000x128xf32, #tpu.memory_space<hbm>> -> memref<10000x128xf32, #tpu.memory_space<hbm>>
        tpu.wait_indirect_dma semaphore(%arg11 : memref<!tpu.dma_semaphore, #tpu.memory_space<semaphore_mem>>) src(%dma_wait3A_180 : memref<10000x128xf32, #tpu.memory_space<hbm>>) dst(%dma_wait3A_176 : memref<64x128xf32, #tpu.memory_space<vmem>>)
        %mul3A_181 = arith.constant 64 : i32
        %mul3A_182 = arith.muli %add3A_169, %mul3A_181 : i32
        %add3A_183 = arith.constant 0 : i32
        %add3A_184 = arith.addi %mul3A_182, %add3A_183 : i32
        %get3A_185 = arith.index_cast %add3A_184 : i32 to index
        %get3A_186 = tpu.vector_load %arg6[%get3A_185] {strides = array<i32>} : memref<2560xi32, #tpu.memory_space<vmem>>, vector<16xi32>,
        %get3A_187 = vector.shape_cast %get3A_186 : vector<16xi32> to vector<16xi32>
        %swap3A_188 = arith.constant 1 : i32
        %swap3A_189 = arith.index_cast %swap3A_188 : i32 to index
        %swap3A_190 = arith.constant 0 : index
        %swap3A_191 = tpu.vector_load %arg7[%swap3A_189, %swap3A_190] {strides = array<i32>} : memref<5x64xi32, #tpu.memory_space<vmem>>, vector<1x16xi32>,
        %swap3A_192 = vector.shape_cast %swap3A_191 : vector<1x16xi32> to vector<16xi32>
        %swap3A_193 = vector.shape_cast %get3A_187 : vector<16xi32> to vector<1x16xi32>
        tpu.vector_store %arg7[%swap3A_189, %swap3A_190], %swap3A_193 {strides = array<i32>} : memref<5x64xi32, #tpu.memory_space<vmem>>, vector<1x16xi32>,
        %mul3A_194 = arith.constant 64 : i32
        %mul3A_195 = arith.muli %add3A_169, %mul3A_194 : i32
        %add3A_196 = arith.constant 16 : i32
        %add3A_197 = arith.addi %mul3A_195, %add3A_196 : i32
        %get3A_198 = arith.index_cast %add3A_197 : i32 to index
        %get3A_199 = tpu.vector_load %arg6[%get3A_198] {strides = array<i32>} : memref<2560xi32, #tpu.memory_space<vmem>>, vector<16xi32>,
        %get3A_200 = vector.shape_cast %get3A_199 : vector<16xi32> to vector<16xi32>
        %swap3A_201 = arith.constant 1 : i32
        %swap3A_202 = arith.index_cast %swap3A_201 : i32 to index
        %swap3A_203 = arith.constant 16 : index
        %swap3A_204 = tpu.vector_load %arg7[%swap3A_202, %swap3A_203] {strides = array<i32>} : memref<5x64xi32, #tpu.memory_space<vmem>>, vector<1x16xi32>,
        %swap3A_205 = vector.shape_cast %swap3A_204 : vector<1x16xi32> to vector<16xi32>
        %swap3A_206 = vector.shape_cast %get3A_200 : vector<16xi32> to vector<1x16xi32>
        tpu.vector_store %arg7[%swap3A_202, %swap3A_203], %swap3A_206 {strides = array<i32>} : memref<5x64xi32, #tpu.memory_space<vmem>>, vector<1x16xi32>,
        %mul3A_207 = arith.constant 64 : i32
        %mul3A_208 = arith.muli %add3A_169, %mul3A_207 : i32
        %add3A_209 = arith.constant 32 : i32
        %add3A_210 = arith.addi %mul3A_208, %add3A_209 : i32
        %get3A_211 = arith.index_cast %add3A_210 : i32 to index
        %get3A_212 = tpu.vector_load %arg6[%get3A_211] {strides = array<i32>} : memref<2560xi32, #tpu.memory_space<vmem>>, vector<16xi32>,
        %get3A_213 = vector.shape_cast %get3A_212 : vector<16xi32> to vector<16xi32>
        %swap3A_214 = arith.constant 1 : i32
        %swap3A_215 = arith.index_cast %swap3A_214 : i32 to index
        %swap3A_216 = arith.constant 32 : index
        %swap3A_217 = tpu.vector_load %arg7[%swap3A_215, %swap3A_216] {strides = array<i32>} : memref<5x64xi32, #tpu.memory_space<vmem>>, vector<1x16xi32>,
        %swap3A_218 = vector.shape_cast %swap3A_217 : vector<1x16xi32> to vector<16xi32>
        %swap3A_219 = vector.shape_cast %get3A_213 : vector<16xi32> to vector<1x16xi32>
        tpu.vector_store %arg7[%swap3A_215, %swap3A_216], %swap3A_219 {strides = array<i32>} : memref<5x64xi32, #tpu.memory_space<vmem>>, vector<1x16xi32>,
        %mul3A_220 = arith.constant 64 : i32
        %mul3A_221 = arith.muli %add3A_169, %mul3A_220 : i32
        %add3A_222 = arith.constant 48 : i32
        %add3A_223 = arith.addi %mul3A_221, %add3A_222 : i32
        %get3A_224 = arith.index_cast %add3A_223 : i32 to index
        %get3A_225 = tpu.vector_load %arg6[%get3A_224] {strides = array<i32>} : memref<2560xi32, #tpu.memory_space<vmem>>, vector<16xi32>,
        %get3A_226 = vector.shape_cast %get3A_225 : vector<16xi32> to vector<16xi32>
        %swap3A_227 = arith.constant 1 : i32
        %swap3A_228 = arith.index_cast %swap3A_227 : i32 to index
        %swap3A_229 = arith.constant 48 : index
        %swap3A_230 = tpu.vector_load %arg7[%swap3A_228, %swap3A_229] {strides = array<i32>} : memref<5x64xi32, #tpu.memory_space<vmem>>, vector<1x16xi32>,
        %swap3A_231 = vector.shape_cast %swap3A_230 : vector<1x16xi32> to vector<16xi32>
        %swap3A_232 = vector.shape_cast %get3A_226 : vector<16xi32> to vector<1x16xi32>
        tpu.vector_store %arg7[%swap3A_228, %swap3A_229], %swap3A_232 {strides = array<i32>} : memref<5x64xi32, #tpu.memory_space<vmem>>, vector<1x16xi32>,
        %run_scoped3A_233 = arith.constant 1 : i32
        %run_scoped3A_234 = arith.constant 1 : i32
        "tpu.region"() ({
          %run_scoped3A_475 = tpu.sem_alloc : memref<!tpu.dma_semaphore, #tpu.memory_space<semaphore_mem>>
          %dma_start3A_476 = arith.constant 0 : i32
          %dma_start3A_477 = arith.constant 0 : i32
          %dma_start3A_478 = tpu.memref_slice %arg8[%run_scoped3A_233, %dma_start3A_476, %dma_start3A_477] : memref<5x64x128xf32, #tpu.memory_space<vmem>> -> memref<1x64x128xf32, #tpu.memory_space<vmem>>
          %dma_start3A_479 = tpu.memref_squeeze %dma_start3A_478 : memref<1x64x128xf32, #tpu.memory_space<vmem>> -> memref<64x128xf32, #tpu.memory_space<vmem>>
          %dma_start3A_480 = arith.constant 0 : i32
          %dma_start3A_481 = tpu.memref_slice %arg7[%run_scoped3A_234, %dma_start3A_480] : memref<5x64xi32, #tpu.memory_space<vmem>> -> memref<1x64xi32, #tpu.memory_space<vmem>>
          %dma_start3A_482 = tpu.memref_squeeze %dma_start3A_481 : memref<1x64xi32, #tpu.memory_space<vmem>> -> memref<64xi32, #tpu.memory_space<vmem>>
          %dma_start3A_483 = arith.constant 0 : i32
          %dma_start3A_484 = arith.constant 0 : i32
          %dma_start3A_485 = tpu.memref_slice %arg9[%dma_start3A_483, %dma_start3A_484] : memref<10240x128xf32, #tpu.memory_space<vmem_shared>> -> memref<10240x128xf32, #tpu.memory_space<vmem_shared>>
          tpu.enqueue_indirect_dma source(%dma_start3A_479 : memref<64x128xf32, #tpu.memory_space<vmem>>) target(%dma_start3A_485 : memref<10240x128xf32, #tpu.memory_space<vmem_shared>>) offsets(%dma_start3A_482 : memref<64xi32, #tpu.memory_space<vmem>>) semaphore(%run_scoped3A_475 : memref<!tpu.dma_semaphore, #tpu.memory_space<semaphore_mem>>) {add = true}
          %dma_wait3A_486 = arith.constant 0 : i32
          %dma_wait3A_487 = arith.constant 0 : i32
          %dma_wait3A_488 = tpu.memref_slice %arg8[%run_scoped3A_233, %dma_wait3A_486, %dma_wait3A_487] : memref<5x64x128xf32, #tpu.memory_space<vmem>> -> memref<1x64x128xf32, #tpu.memory_space<vmem>>
          %dma_wait3A_489 = tpu.memref_squeeze %dma_wait3A_488 : memref<1x64x128xf32, #tpu.memory_space<vmem>> -> memref<64x128xf32, #tpu.memory_space<vmem>>
          %dma_wait3A_490 = arith.constant 0 : i32
          %dma_wait3A_491 = tpu.memref_slice %arg7[%run_scoped3A_234, %dma_wait3A_490] : memref<5x64xi32, #tpu.memory_space<vmem>> -> memref<1x64xi32, #tpu.memory_space<vmem>>
          %dma_wait3A_492 = tpu.memref_squeeze %dma_wait3A_491 : memref<1x64xi32, #tpu.memory_space<vmem>> -> memref<64xi32, #tpu.memory_space<vmem>>
          %dma_wait3A_493 = arith.constant 0 : i32
          %dma_wait3A_494 = arith.constant 0 : i32
          %dma_wait3A_495 = tpu.memref_slice %arg9[%dma_wait3A_493, %dma_wait3A_494] : memref<10240x128xf32, #tpu.memory_space<vmem_shared>> -> memref<10240x128xf32, #tpu.memory_space<vmem_shared>>
          tpu.wait_indirect_dma semaphore(%run_scoped3A_475 : memref<!tpu.dma_semaphore, #tpu.memory_space<semaphore_mem>>) src(%dma_wait3A_489 : memref<64x128xf32, #tpu.memory_space<vmem>>) dst(%dma_wait3A_495 : memref<10240x128xf32, #tpu.memory_space<vmem_shared>>)
          tpu.yield
        }) : () -> ()
        %add3A_235 = arith.constant 5 : i32
        %add3A_236 = arith.addi %add3A_169, %add3A_235 : i32
        %lt3A_237 = arith.constant 40 : i32
        %lt3A_238 = arith.cmpi slt, %add3A_236, %lt3A_237 : i32
        %convert_element_type3A_239 = arith.extui %lt3A_238 : i1 to i32
        %cond3A_240 = arith.constant 1 : i32
        %cond3A_241 = arith.constant 0 : i32
        %cond3A_242 = arith.cmpi ne, %convert_element_type3A_239, %cond3A_241 : i32
        scf.if %cond3A_242 {
          %add3A_475 = arith.constant 5 : i32
          %add3A_476 = arith.addi %add3A_169, %add3A_475 : i32
          %mul3A_477 = arith.constant 64 : i32
          %mul3A_478 = arith.muli %add3A_476, %mul3A_477 : i32
          %dma_start3A_479 = arith.constant 0 : i32
          %dma_start3A_480 = arith.constant 0 : i32
          %dma_start3A_481 = tpu.memref_slice %arg8[%cond3A_240, %dma_start3A_479, %dma_start3A_480] : memref<5x64x128xf32, #tpu.memory_space<vmem>> -> memref<1x64x128xf32, #tpu.memory_space<vmem>>
          %dma_start3A_482 = tpu.memref_squeeze %dma_start3A_481 : memref<1x64x128xf32, #tpu.memory_space<vmem>> -> memref<64x128xf32, #tpu.memory_space<vmem>>
          %dma_start3A_483 = tpu.memref_slice %arg5[%mul3A_478] : memref<2560xi32, #tpu.memory_space<vmem>> -> memref<64xi32, #tpu.memory_space<vmem>>
          %dma_start3A_484 = arith.constant 0 : i32
          %dma_start3A_485 = arith.constant 0 : i32
          %dma_start3A_486 = tpu.memref_slice %arg2[%dma_start3A_484, %dma_start3A_485] : memref<10000x128xf32, #tpu.memory_space<hbm>> -> memref<10000x128xf32, #tpu.memory_space<hbm>>
          tpu.enqueue_indirect_dma source(%dma_start3A_486 : memref<10000x128xf32, #tpu.memory_space<hbm>>) target(%dma_start3A_482 : memref<64x128xf32, #tpu.memory_space<vmem>>) offsets(%dma_start3A_483 : memref<64xi32, #tpu.memory_space<vmem>>) semaphore(%arg11 : memref<!tpu.dma_semaphore, #tpu.memory_space<semaphore_mem>>)
        } else {
        }
        %mul3A_243 = arith.constant 5 : i32
        %mul3A_244 = arith.muli %scan3A_93, %mul3A_243 : i32
        %add3A_245 = arith.constant 2 : i32
        %add3A_246 = arith.addi %mul3A_244, %add3A_245 : i32
        %mul3A_247 = arith.constant 64 : i32
        %mul3A_248 = arith.muli %add3A_246, %mul3A_247 : i32
        %dma_wait3A_249 = arith.constant 2 : i32
        %dma_wait3A_250 = arith.constant 0 : i32
        %dma_wait3A_251 = arith.constant 0 : i32
        %dma_wait3A_252 = tpu.memref_slice %arg8[%dma_wait3A_249, %dma_wait3A_250, %dma_wait3A_251] : memref<5x64x128xf32, #tpu.memory_space<vmem>> -> memref<1x64x128xf32, #tpu.memory_space<vmem>>
        %dma_wait3A_253 = tpu.memref_squeeze %dma_wait3A_252 : memref<1x64x128xf32, #tpu.memory_space<vmem>> -> memref<64x128xf32, #tpu.memory_space<vmem>>
        %dma_wait3A_254 = tpu.memref_slice %arg5[%mul3A_248] : memref<2560xi32, #tpu.memory_space<vmem>> -> memref<64xi32, #tpu.memory_space<vmem>>
        %dma_wait3A_255 = arith.constant 0 : i32
        %dma_wait3A_256 = arith.constant 0 : i32
        %dma_wait3A_257 = tpu.memref_slice %arg2[%dma_wait3A_255, %dma_wait3A_256] : memref<10000x128xf32, #tpu.memory_space<hbm>> -> memref<10000x128xf32, #tpu.memory_space<hbm>>
        tpu.wait_indirect_dma semaphore(%arg12 : memref<!tpu.dma_semaphore, #tpu.memory_space<semaphore_mem>>) src(%dma_wait3A_257 : memref<10000x128xf32, #tpu.memory_space<hbm>>) dst(%dma_wait3A_253 : memref<64x128xf32, #tpu.memory_space<vmem>>)
        %mul3A_258 = arith.constant 64 : i32
        %mul3A_259 = arith.muli %add3A_246, %mul3A_258 : i32
        %add3A_260 = arith.constant 0 : i32
        %add3A_261 = arith.addi %mul3A_259, %add3A_260 : i32
        %get3A_262 = arith.index_cast %add3A_261 : i32 to index
        %get3A_263 = tpu.vector_load %arg6[%get3A_262] {strides = array<i32>} : memref<2560xi32, #tpu.memory_space<vmem>>, vector<16xi32>,
        %get3A_264 = vector.shape_cast %get3A_263 : vector<16xi32> to vector<16xi32>
        %swap3A_265 = arith.constant 2 : i32
        %swap3A_266 = arith.index_cast %swap3A_265 : i32 to index
        %swap3A_267 = arith.constant 0 : index
        %swap3A_268 = tpu.vector_load %arg7[%swap3A_266, %swap3A_267] {strides = array<i32>} : memref<5x64xi32, #tpu.memory_space<vmem>>, vector<1x16xi32>,
        %swap3A_269 = vector.shape_cast %swap3A_268 : vector<1x16xi32> to vector<16xi32>
        %swap3A_270 = vector.shape_cast %get3A_264 : vector<16xi32> to vector<1x16xi32>
        tpu.vector_store %arg7[%swap3A_266, %swap3A_267], %swap3A_270 {strides = array<i32>} : memref<5x64xi32, #tpu.memory_space<vmem>>, vector<1x16xi32>,
        %mul3A_271 = arith.constant 64 : i32
        %mul3A_272 = arith.muli %add3A_246, %mul3A_271 : i32
        %add3A_273 = arith.constant 16 : i32
        %add3A_274 = arith.addi %mul3A_272, %add3A_273 : i32
        %get3A_275 = arith.index_cast %add3A_274 : i32 to index
        %get3A_276 = tpu.vector_load %arg6[%get3A_275] {strides = array<i32>} : memref<2560xi32, #tpu.memory_space<vmem>>, vector<16xi32>,
        %get3A_277 = vector.shape_cast %get3A_276 : vector<16xi32> to vector<16xi32>
        %swap3A_278 = arith.constant 2 : i32
        %swap3A_279 = arith.index_cast %swap3A_278 : i32 to index
        %swap3A_280 = arith.constant 16 : index
        %swap3A_281 = tpu.vector_load %arg7[%swap3A_279, %swap3A_280] {strides = array<i32>} : memref<5x64xi32, #tpu.memory_space<vmem>>, vector<1x16xi32>,
        %swap3A_282 = vector.shape_cast %swap3A_281 : vector<1x16xi32> to vector<16xi32>
        %swap3A_283 = vector.shape_cast %get3A_277 : vector<16xi32> to vector<1x16xi32>
        tpu.vector_store %arg7[%swap3A_279, %swap3A_280], %swap3A_283 {strides = array<i32>} : memref<5x64xi32, #tpu.memory_space<vmem>>, vector<1x16xi32>,
        %mul3A_284 = arith.constant 64 : i32
        %mul3A_285 = arith.muli %add3A_246, %mul3A_284 : i32
        %add3A_286 = arith.constant 32 : i32
        %add3A_287 = arith.addi %mul3A_285, %add3A_286 : i32
        %get3A_288 = arith.index_cast %add3A_287 : i32 to index
        %get3A_289 = tpu.vector_load %arg6[%get3A_288] {strides = array<i32>} : memref<2560xi32, #tpu.memory_space<vmem>>, vector<16xi32>,
        %get3A_290 = vector.shape_cast %get3A_289 : vector<16xi32> to vector<16xi32>
        %swap3A_291 = arith.constant 2 : i32
        %swap3A_292 = arith.index_cast %swap3A_291 : i32 to index
        %swap3A_293 = arith.constant 32 : index
        %swap3A_294 = tpu.vector_load %arg7[%swap3A_292, %swap3A_293] {strides = array<i32>} : memref<5x64xi32, #tpu.memory_space<vmem>>, vector<1x16xi32>,
        %swap3A_295 = vector.shape_cast %swap3A_294 : vector<1x16xi32> to vector<16xi32>
        %swap3A_296 = vector.shape_cast %get3A_290 : vector<16xi32> to vector<1x16xi32>
        tpu.vector_store %arg7[%swap3A_292, %swap3A_293], %swap3A_296 {strides = array<i32>} : memref<5x64xi32, #tpu.memory_space<vmem>>, vector<1x16xi32>,
        %mul3A_297 = arith.constant 64 : i32
        %mul3A_298 = arith.muli %add3A_246, %mul3A_297 : i32
        %add3A_299 = arith.constant 48 : i32
        %add3A_300 = arith.addi %mul3A_298, %add3A_299 : i32
        %get3A_301 = arith.index_cast %add3A_300 : i32 to index
        %get3A_302 = tpu.vector_load %arg6[%get3A_301] {strides = array<i32>} : memref<2560xi32, #tpu.memory_space<vmem>>, vector<16xi32>,
        %get3A_303 = vector.shape_cast %get3A_302 : vector<16xi32> to vector<16xi32>
        %swap3A_304 = arith.constant 2 : i32
        %swap3A_305 = arith.index_cast %swap3A_304 : i32 to index
        %swap3A_306 = arith.constant 48 : index
        %swap3A_307 = tpu.vector_load %arg7[%swap3A_305, %swap3A_306] {strides = array<i32>} : memref<5x64xi32, #tpu.memory_space<vmem>>, vector<1x16xi32>,
        %swap3A_308 = vector.shape_cast %swap3A_307 : vector<1x16xi32> to vector<16xi32>
        %swap3A_309 = vector.shape_cast %get3A_303 : vector<16xi32> to vector<1x16xi32>
        tpu.vector_store %arg7[%swap3A_305, %swap3A_306], %swap3A_309 {strides = array<i32>} : memref<5x64xi32, #tpu.memory_space<vmem>>, vector<1x16xi32>,
        %run_scoped3A_310 = arith.constant 2 : i32
        %run_scoped3A_311 = arith.constant 2 : i32
        "tpu.region"() ({
          %run_scoped3A_475 = tpu.sem_alloc : memref<!tpu.dma_semaphore, #tpu.memory_space<semaphore_mem>>
          %dma_start3A_476 = arith.constant 0 : i32
          %dma_start3A_477 = arith.constant 0 : i32
          %dma_start3A_478 = tpu.memref_slice %arg8[%run_scoped3A_310, %dma_start3A_476, %dma_start3A_477] : memref<5x64x128xf32, #tpu.memory_space<vmem>> -> memref<1x64x128xf32, #tpu.memory_space<vmem>>
          %dma_start3A_479 = tpu.memref_squeeze %dma_start3A_478 : memref<1x64x128xf32, #tpu.memory_space<vmem>> -> memref<64x128xf32, #tpu.memory_space<vmem>>
          %dma_start3A_480 = arith.constant 0 : i32
          %dma_start3A_481 = tpu.memref_slice %arg7[%run_scoped3A_311, %dma_start3A_480] : memref<5x64xi32, #tpu.memory_space<vmem>> -> memref<1x64xi32, #tpu.memory_space<vmem>>
          %dma_start3A_482 = tpu.memref_squeeze %dma_start3A_481 : memref<1x64xi32, #tpu.memory_space<vmem>> -> memref<64xi32, #tpu.memory_space<vmem>>
          %dma_start3A_483 = arith.constant 0 : i32
          %dma_start3A_484 = arith.constant 0 : i32
          %dma_start3A_485 = tpu.memref_slice %arg9[%dma_start3A_483, %dma_start3A_484] : memref<10240x128xf32, #tpu.memory_space<vmem_shared>> -> memref<10240x128xf32, #tpu.memory_space<vmem_shared>>
          tpu.enqueue_indirect_dma source(%dma_start3A_479 : memref<64x128xf32, #tpu.memory_space<vmem>>) target(%dma_start3A_485 : memref<10240x128xf32, #tpu.memory_space<vmem_shared>>) offsets(%dma_start3A_482 : memref<64xi32, #tpu.memory_space<vmem>>) semaphore(%run_scoped3A_475 : memref<!tpu.dma_semaphore, #tpu.memory_space<semaphore_mem>>) {add = true}
          %dma_wait3A_486 = arith.constant 0 : i32
          %dma_wait3A_487 = arith.constant 0 : i32
          %dma_wait3A_488 = tpu.memref_slice %arg8[%run_scoped3A_310, %dma_wait3A_486, %dma_wait3A_487] : memref<5x64x128xf32, #tpu.memory_space<vmem>> -> memref<1x64x128xf32, #tpu.memory_space<vmem>>
          %dma_wait3A_489 = tpu.memref_squeeze %dma_wait3A_488 : memref<1x64x128xf32, #tpu.memory_space<vmem>> -> memref<64x128xf32, #tpu.memory_space<vmem>>
          %dma_wait3A_490 = arith.constant 0 : i32
          %dma_wait3A_491 = tpu.memref_slice %arg7[%run_scoped3A_311, %dma_wait3A_490] : memref<5x64xi32, #tpu.memory_space<vmem>> -> memref<1x64xi32, #tpu.memory_space<vmem>>
          %dma_wait3A_492 = tpu.memref_squeeze %dma_wait3A_491 : memref<1x64xi32, #tpu.memory_space<vmem>> -> memref<64xi32, #tpu.memory_space<vmem>>
          %dma_wait3A_493 = arith.constant 0 : i32
          %dma_wait3A_494 = arith.constant 0 : i32
          %dma_wait3A_495 = tpu.memref_slice %arg9[%dma_wait3A_493, %dma_wait3A_494] : memref<10240x128xf32, #tpu.memory_space<vmem_shared>> -> memref<10240x128xf32, #tpu.memory_space<vmem_shared>>
          tpu.wait_indirect_dma semaphore(%run_scoped3A_475 : memref<!tpu.dma_semaphore, #tpu.memory_space<semaphore_mem>>) src(%dma_wait3A_489 : memref<64x128xf32, #tpu.memory_space<vmem>>) dst(%dma_wait3A_495 : memref<10240x128xf32, #tpu.memory_space<vmem_shared>>)
          tpu.yield
        }) : () -> ()
        %add3A_312 = arith.constant 5 : i32
        %add3A_313 = arith.addi %add3A_246, %add3A_312 : i32
        %lt3A_314 = arith.constant 40 : i32
        %lt3A_315 = arith.cmpi slt, %add3A_313, %lt3A_314 : i32
        %convert_element_type3A_316 = arith.extui %lt3A_315 : i1 to i32
        %cond3A_317 = arith.constant 2 : i32
        %cond3A_318 = arith.constant 0 : i32
        %cond3A_319 = arith.cmpi ne, %convert_element_type3A_316, %cond3A_318 : i32
        scf.if %cond3A_319 {
          %add3A_475 = arith.constant 5 : i32
          %add3A_476 = arith.addi %add3A_246, %add3A_475 : i32
          %mul3A_477 = arith.constant 64 : i32
          %mul3A_478 = arith.muli %add3A_476, %mul3A_477 : i32
          %dma_start3A_479 = arith.constant 0 : i32
          %dma_start3A_480 = arith.constant 0 : i32
          %dma_start3A_481 = tpu.memref_slice %arg8[%cond3A_317, %dma_start3A_479, %dma_start3A_480] : memref<5x64x128xf32, #tpu.memory_space<vmem>> -> memref<1x64x128xf32, #tpu.memory_space<vmem>>
          %dma_start3A_482 = tpu.memref_squeeze %dma_start3A_481 : memref<1x64x128xf32, #tpu.memory_space<vmem>> -> memref<64x128xf32, #tpu.memory_space<vmem>>
          %dma_start3A_483 = tpu.memref_slice %arg5[%mul3A_478] : memref<2560xi32, #tpu.memory_space<vmem>> -> memref<64xi32, #tpu.memory_space<vmem>>
          %dma_start3A_484 = arith.constant 0 : i32
          %dma_start3A_485 = arith.constant 0 : i32
          %dma_start3A_486 = tpu.memref_slice %arg2[%dma_start3A_484, %dma_start3A_485] : memref<10000x128xf32, #tpu.memory_space<hbm>> -> memref<10000x128xf32, #tpu.memory_space<hbm>>
          tpu.enqueue_indirect_dma source(%dma_start3A_486 : memref<10000x128xf32, #tpu.memory_space<hbm>>) target(%dma_start3A_482 : memref<64x128xf32, #tpu.memory_space<vmem>>) offsets(%dma_start3A_483 : memref<64xi32, #tpu.memory_space<vmem>>) semaphore(%arg12 : memref<!tpu.dma_semaphore, #tpu.memory_space<semaphore_mem>>)
        } else {
        }
        %mul3A_320 = arith.constant 5 : i32
        %mul3A_321 = arith.muli %scan3A_93, %mul3A_320 : i32
        %add3A_322 = arith.constant 3 : i32
        %add3A_323 = arith.addi %mul3A_321, %add3A_322 : i32
        %mul3A_324 = arith.constant 64 : i32
        %mul3A_325 = arith.muli %add3A_323, %mul3A_324 : i32
        %dma_wait3A_326 = arith.constant 3 : i32
        %dma_wait3A_327 = arith.constant 0 : i32
        %dma_wait3A_328 = arith.constant 0 : i32
        %dma_wait3A_329 = tpu.memref_slice %arg8[%dma_wait3A_326, %dma_wait3A_327, %dma_wait3A_328] : memref<5x64x128xf32, #tpu.memory_space<vmem>> -> memref<1x64x128xf32, #tpu.memory_space<vmem>>
        %dma_wait3A_330 = tpu.memref_squeeze %dma_wait3A_329 : memref<1x64x128xf32, #tpu.memory_space<vmem>> -> memref<64x128xf32, #tpu.memory_space<vmem>>
        %dma_wait3A_331 = tpu.memref_slice %arg5[%mul3A_325] : memref<2560xi32, #tpu.memory_space<vmem>> -> memref<64xi32, #tpu.memory_space<vmem>>
        %dma_wait3A_332 = arith.constant 0 : i32
        %dma_wait3A_333 = arith.constant 0 : i32
        %dma_wait3A_334 = tpu.memref_slice %arg2[%dma_wait3A_332, %dma_wait3A_333] : memref<10000x128xf32, #tpu.memory_space<hbm>> -> memref<10000x128xf32, #tpu.memory_space<hbm>>
        tpu.wait_indirect_dma semaphore(%arg13 : memref<!tpu.dma_semaphore, #tpu.memory_space<semaphore_mem>>) src(%dma_wait3A_334 : memref<10000x128xf32, #tpu.memory_space<hbm>>) dst(%dma_wait3A_330 : memref<64x128xf32, #tpu.memory_space<vmem>>)
        %mul3A_335 = arith.constant 64 : i32
        %mul3A_336 = arith.muli %add3A_323, %mul3A_335 : i32
        %add3A_337 = arith.constant 0 : i32
        %add3A_338 = arith.addi %mul3A_336, %add3A_337 : i32
        %get3A_339 = arith.index_cast %add3A_338 : i32 to index
        %get3A_340 = tpu.vector_load %arg6[%get3A_339] {strides = array<i32>} : memref<2560xi32, #tpu.memory_space<vmem>>, vector<16xi32>,
        %get3A_341 = vector.shape_cast %get3A_340 : vector<16xi32> to vector<16xi32>
        %swap3A_342 = arith.constant 3 : i32
        %swap3A_343 = arith.index_cast %swap3A_342 : i32 to index
        %swap3A_344 = arith.constant 0 : index
        %swap3A_345 = tpu.vector_load %arg7[%swap3A_343, %swap3A_344] {strides = array<i32>} : memref<5x64xi32, #tpu.memory_space<vmem>>, vector<1x16xi32>,
        %swap3A_346 = vector.shape_cast %swap3A_345 : vector<1x16xi32> to vector<16xi32>
        %swap3A_347 = vector.shape_cast %get3A_341 : vector<16xi32> to vector<1x16xi32>
        tpu.vector_store %arg7[%swap3A_343, %swap3A_344], %swap3A_347 {strides = array<i32>} : memref<5x64xi32, #tpu.memory_space<vmem>>, vector<1x16xi32>,
        %mul3A_348 = arith.constant 64 : i32
        %mul3A_349 = arith.muli %add3A_323, %mul3A_348 : i32
        %add3A_350 = arith.constant 16 : i32
        %add3A_351 = arith.addi %mul3A_349, %add3A_350 : i32
        %get3A_352 = arith.index_cast %add3A_351 : i32 to index
        %get3A_353 = tpu.vector_load %arg6[%get3A_352] {strides = array<i32>} : memref<2560xi32, #tpu.memory_space<vmem>>, vector<16xi32>,
        %get3A_354 = vector.shape_cast %get3A_353 : vector<16xi32> to vector<16xi32>
        %swap3A_355 = arith.constant 3 : i32
        %swap3A_356 = arith.index_cast %swap3A_355 : i32 to index
        %swap3A_357 = arith.constant 16 : index
        %swap3A_358 = tpu.vector_load %arg7[%swap3A_356, %swap3A_357] {strides = array<i32>} : memref<5x64xi32, #tpu.memory_space<vmem>>, vector<1x16xi32>,
        %swap3A_359 = vector.shape_cast %swap3A_358 : vector<1x16xi32> to vector<16xi32>
        %swap3A_360 = vector.shape_cast %get3A_354 : vector<16xi32> to vector<1x16xi32>
        tpu.vector_store %arg7[%swap3A_356, %swap3A_357], %swap3A_360 {strides = array<i32>} : memref<5x64xi32, #tpu.memory_space<vmem>>, vector<1x16xi32>,
        %mul3A_361 = arith.constant 64 : i32
        %mul3A_362 = arith.muli %add3A_323, %mul3A_361 : i32
        %add3A_363 = arith.constant 32 : i32
        %add3A_364 = arith.addi %mul3A_362, %add3A_363 : i32
        %get3A_365 = arith.index_cast %add3A_364 : i32 to index
        %get3A_366 = tpu.vector_load %arg6[%get3A_365] {strides = array<i32>} : memref<2560xi32, #tpu.memory_space<vmem>>, vector<16xi32>,
        %get3A_367 = vector.shape_cast %get3A_366 : vector<16xi32> to vector<16xi32>
        %swap3A_368 = arith.constant 3 : i32
        %swap3A_369 = arith.index_cast %swap3A_368 : i32 to index
        %swap3A_370 = arith.constant 32 : index
        %swap3A_371 = tpu.vector_load %arg7[%swap3A_369, %swap3A_370] {strides = array<i32>} : memref<5x64xi32, #tpu.memory_space<vmem>>, vector<1x16xi32>,
        %swap3A_372 = vector.shape_cast %swap3A_371 : vector<1x16xi32> to vector<16xi32>
        %swap3A_373 = vector.shape_cast %get3A_367 : vector<16xi32> to vector<1x16xi32>
        tpu.vector_store %arg7[%swap3A_369, %swap3A_370], %swap3A_373 {strides = array<i32>} : memref<5x64xi32, #tpu.memory_space<vmem>>, vector<1x16xi32>,
        %mul3A_374 = arith.constant 64 : i32
        %mul3A_375 = arith.muli %add3A_323, %mul3A_374 : i32
        %add3A_376 = arith.constant 48 : i32
        %add3A_377 = arith.addi %mul3A_375, %add3A_376 : i32
        %get3A_378 = arith.index_cast %add3A_377 : i32 to index
        %get3A_379 = tpu.vector_load %arg6[%get3A_378] {strides = array<i32>} : memref<2560xi32, #tpu.memory_space<vmem>>, vector<16xi32>,
        %get3A_380 = vector.shape_cast %get3A_379 : vector<16xi32> to vector<16xi32>
        %swap3A_381 = arith.constant 3 : i32
        %swap3A_382 = arith.index_cast %swap3A_381 : i32 to index
        %swap3A_383 = arith.constant 48 : index
        %swap3A_384 = tpu.vector_load %arg7[%swap3A_382, %swap3A_383] {strides = array<i32>} : memref<5x64xi32, #tpu.memory_space<vmem>>, vector<1x16xi32>,
        %swap3A_385 = vector.shape_cast %swap3A_384 : vector<1x16xi32> to vector<16xi32>
        %swap3A_386 = vector.shape_cast %get3A_380 : vector<16xi32> to vector<1x16xi32>
        tpu.vector_store %arg7[%swap3A_382, %swap3A_383], %swap3A_386 {strides = array<i32>} : memref<5x64xi32, #tpu.memory_space<vmem>>, vector<1x16xi32>,
        %run_scoped3A_387 = arith.constant 3 : i32
        %run_scoped3A_388 = arith.constant 3 : i32
        "tpu.region"() ({
          %run_scoped3A_475 = tpu.sem_alloc : memref<!tpu.dma_semaphore, #tpu.memory_space<semaphore_mem>>
          %dma_start3A_476 = arith.constant 0 : i32
          %dma_start3A_477 = arith.constant 0 : i32
          %dma_start3A_478 = tpu.memref_slice %arg8[%run_scoped3A_387, %dma_start3A_476, %dma_start3A_477] : memref<5x64x128xf32, #tpu.memory_space<vmem>> -> memref<1x64x128xf32, #tpu.memory_space<vmem>>
          %dma_start3A_479 = tpu.memref_squeeze %dma_start3A_478 : memref<1x64x128xf32, #tpu.memory_space<vmem>> -> memref<64x128xf32, #tpu.memory_space<vmem>>
          %dma_start3A_480 = arith.constant 0 : i32
          %dma_start3A_481 = tpu.memref_slice %arg7[%run_scoped3A_388, %dma_start3A_480] : memref<5x64xi32, #tpu.memory_space<vmem>> -> memref<1x64xi32, #tpu.memory_space<vmem>>
          %dma_start3A_482 = tpu.memref_squeeze %dma_start3A_481 : memref<1x64xi32, #tpu.memory_space<vmem>> -> memref<64xi32, #tpu.memory_space<vmem>>
          %dma_start3A_483 = arith.constant 0 : i32
          %dma_start3A_484 = arith.constant 0 : i32
          %dma_start3A_485 = tpu.memref_slice %arg9[%dma_start3A_483, %dma_start3A_484] : memref<10240x128xf32, #tpu.memory_space<vmem_shared>> -> memref<10240x128xf32, #tpu.memory_space<vmem_shared>>
          tpu.enqueue_indirect_dma source(%dma_start3A_479 : memref<64x128xf32, #tpu.memory_space<vmem>>) target(%dma_start3A_485 : memref<10240x128xf32, #tpu.memory_space<vmem_shared>>) offsets(%dma_start3A_482 : memref<64xi32, #tpu.memory_space<vmem>>) semaphore(%run_scoped3A_475 : memref<!tpu.dma_semaphore, #tpu.memory_space<semaphore_mem>>) {add = true}
          %dma_wait3A_486 = arith.constant 0 : i32
          %dma_wait3A_487 = arith.constant 0 : i32
          %dma_wait3A_488 = tpu.memref_slice %arg8[%run_scoped3A_387, %dma_wait3A_486, %dma_wait3A_487] : memref<5x64x128xf32, #tpu.memory_space<vmem>> -> memref<1x64x128xf32, #tpu.memory_space<vmem>>
          %dma_wait3A_489 = tpu.memref_squeeze %dma_wait3A_488 : memref<1x64x128xf32, #tpu.memory_space<vmem>> -> memref<64x128xf32, #tpu.memory_space<vmem>>
          %dma_wait3A_490 = arith.constant 0 : i32
          %dma_wait3A_491 = tpu.memref_slice %arg7[%run_scoped3A_388, %dma_wait3A_490] : memref<5x64xi32, #tpu.memory_space<vmem>> -> memref<1x64xi32, #tpu.memory_space<vmem>>
          %dma_wait3A_492 = tpu.memref_squeeze %dma_wait3A_491 : memref<1x64xi32, #tpu.memory_space<vmem>> -> memref<64xi32, #tpu.memory_space<vmem>>
          %dma_wait3A_493 = arith.constant 0 : i32
          %dma_wait3A_494 = arith.constant 0 : i32
          %dma_wait3A_495 = tpu.memref_slice %arg9[%dma_wait3A_493, %dma_wait3A_494] : memref<10240x128xf32, #tpu.memory_space<vmem_shared>> -> memref<10240x128xf32, #tpu.memory_space<vmem_shared>>
          tpu.wait_indirect_dma semaphore(%run_scoped3A_475 : memref<!tpu.dma_semaphore, #tpu.memory_space<semaphore_mem>>) src(%dma_wait3A_489 : memref<64x128xf32, #tpu.memory_space<vmem>>) dst(%dma_wait3A_495 : memref<10240x128xf32, #tpu.memory_space<vmem_shared>>)
          tpu.yield
        }) : () -> ()
        %add3A_389 = arith.constant 5 : i32
        %add3A_390 = arith.addi %add3A_323, %add3A_389 : i32
        %lt3A_391 = arith.constant 40 : i32
        %lt3A_392 = arith.cmpi slt, %add3A_390, %lt3A_391 : i32
        %convert_element_type3A_393 = arith.extui %lt3A_392 : i1 to i32
        %cond3A_394 = arith.constant 3 : i32
        %cond3A_395 = arith.constant 0 : i32
        %cond3A_396 = arith.cmpi ne, %convert_element_type3A_393, %cond3A_395 : i32
        scf.if %cond3A_396 {
          %add3A_475 = arith.constant 5 : i32
          %add3A_476 = arith.addi %add3A_323, %add3A_475 : i32
          %mul3A_477 = arith.constant 64 : i32
          %mul3A_478 = arith.muli %add3A_476, %mul3A_477 : i32
          %dma_start3A_479 = arith.constant 0 : i32
          %dma_start3A_480 = arith.constant 0 : i32
          %dma_start3A_481 = tpu.memref_slice %arg8[%cond3A_394, %dma_start3A_479, %dma_start3A_480] : memref<5x64x128xf32, #tpu.memory_space<vmem>> -> memref<1x64x128xf32, #tpu.memory_space<vmem>>
          %dma_start3A_482 = tpu.memref_squeeze %dma_start3A_481 : memref<1x64x128xf32, #tpu.memory_space<vmem>> -> memref<64x128xf32, #tpu.memory_space<vmem>>
          %dma_start3A_483 = tpu.memref_slice %arg5[%mul3A_478] : memref<2560xi32, #tpu.memory_space<vmem>> -> memref<64xi32, #tpu.memory_space<vmem>>
          %dma_start3A_484 = arith.constant 0 : i32
          %dma_start3A_485 = arith.constant 0 : i32
          %dma_start3A_486 = tpu.memref_slice %arg2[%dma_start3A_484, %dma_start3A_485] : memref<10000x128xf32, #tpu.memory_space<hbm>> -> memref<10000x128xf32, #tpu.memory_space<hbm>>
          tpu.enqueue_indirect_dma source(%dma_start3A_486 : memref<10000x128xf32, #tpu.memory_space<hbm>>) target(%dma_start3A_482 : memref<64x128xf32, #tpu.memory_space<vmem>>) offsets(%dma_start3A_483 : memref<64xi32, #tpu.memory_space<vmem>>) semaphore(%arg13 : memref<!tpu.dma_semaphore, #tpu.memory_space<semaphore_mem>>)
        } else {
        }
        %mul3A_397 = arith.constant 5 : i32
        %mul3A_398 = arith.muli %scan3A_93, %mul3A_397 : i32
        %add3A_399 = arith.constant 4 : i32
        %add3A_400 = arith.addi %mul3A_398, %add3A_399 : i32
        %mul3A_401 = arith.constant 64 : i32
        %mul3A_402 = arith.muli %add3A_400, %mul3A_401 : i32
        %dma_wait3A_403 = arith.constant 4 : i32
        %dma_wait3A_404 = arith.constant 0 : i32
        %dma_wait3A_405 = arith.constant 0 : i32
        %dma_wait3A_406 = tpu.memref_slice %arg8[%dma_wait3A_403, %dma_wait3A_404, %dma_wait3A_405] : memref<5x64x128xf32, #tpu.memory_space<vmem>> -> memref<1x64x128xf32, #tpu.memory_space<vmem>>
        %dma_wait3A_407 = tpu.memref_squeeze %dma_wait3A_406 : memref<1x64x128xf32, #tpu.memory_space<vmem>> -> memref<64x128xf32, #tpu.memory_space<vmem>>
        %dma_wait3A_408 = tpu.memref_slice %arg5[%mul3A_402] : memref<2560xi32, #tpu.memory_space<vmem>> -> memref<64xi32, #tpu.memory_space<vmem>>
        %dma_wait3A_409 = arith.constant 0 : i32
        %dma_wait3A_410 = arith.constant 0 : i32
        %dma_wait3A_411 = tpu.memref_slice %arg2[%dma_wait3A_409, %dma_wait3A_410] : memref<10000x128xf32, #tpu.memory_space<hbm>> -> memref<10000x128xf32, #tpu.memory_space<hbm>>
        tpu.wait_indirect_dma semaphore(%arg14 : memref<!tpu.dma_semaphore, #tpu.memory_space<semaphore_mem>>) src(%dma_wait3A_411 : memref<10000x128xf32, #tpu.memory_space<hbm>>) dst(%dma_wait3A_407 : memref<64x128xf32, #tpu.memory_space<vmem>>)
        %mul3A_412 = arith.constant 64 : i32
        %mul3A_413 = arith.muli %add3A_400, %mul3A_412 : i32
        %add3A_414 = arith.constant 0 : i32
        %add3A_415 = arith.addi %mul3A_413, %add3A_414 : i32
        %get3A_416 = arith.index_cast %add3A_415 : i32 to index
        %get3A_417 = tpu.vector_load %arg6[%get3A_416] {strides = array<i32>} : memref<2560xi32, #tpu.memory_space<vmem>>, vector<16xi32>,
        %get3A_418 = vector.shape_cast %get3A_417 : vector<16xi32> to vector<16xi32>
        %swap3A_419 = arith.constant 4 : i32
        %swap3A_420 = arith.index_cast %swap3A_419 : i32 to index
        %swap3A_421 = arith.constant 0 : index
        %swap3A_422 = tpu.vector_load %arg7[%swap3A_420, %swap3A_421] {strides = array<i32>} : memref<5x64xi32, #tpu.memory_space<vmem>>, vector<1x16xi32>,
        %swap3A_423 = vector.shape_cast %swap3A_422 : vector<1x16xi32> to vector<16xi32>
        %swap3A_424 = vector.shape_cast %get3A_418 : vector<16xi32> to vector<1x16xi32>
        tpu.vector_store %arg7[%swap3A_420, %swap3A_421], %swap3A_424 {strides = array<i32>} : memref<5x64xi32, #tpu.memory_space<vmem>>, vector<1x16xi32>,
        %mul3A_425 = arith.constant 64 : i32
        %mul3A_426 = arith.muli %add3A_400, %mul3A_425 : i32
        %add3A_427 = arith.constant 16 : i32
        %add3A_428 = arith.addi %mul3A_426, %add3A_427 : i32
        %get3A_429 = arith.index_cast %add3A_428 : i32 to index
        %get3A_430 = tpu.vector_load %arg6[%get3A_429] {strides = array<i32>} : memref<2560xi32, #tpu.memory_space<vmem>>, vector<16xi32>,
        %get3A_431 = vector.shape_cast %get3A_430 : vector<16xi32> to vector<16xi32>
        %swap3A_432 = arith.constant 4 : i32
        %swap3A_433 = arith.index_cast %swap3A_432 : i32 to index
        %swap3A_434 = arith.constant 16 : index
        %swap3A_435 = tpu.vector_load %arg7[%swap3A_433, %swap3A_434] {strides = array<i32>} : memref<5x64xi32, #tpu.memory_space<vmem>>, vector<1x16xi32>,
        %swap3A_436 = vector.shape_cast %swap3A_435 : vector<1x16xi32> to vector<16xi32>
        %swap3A_437 = vector.shape_cast %get3A_431 : vector<16xi32> to vector<1x16xi32>
        tpu.vector_store %arg7[%swap3A_433, %swap3A_434], %swap3A_437 {strides = array<i32>} : memref<5x64xi32, #tpu.memory_space<vmem>>, vector<1x16xi32>,
        %mul3A_438 = arith.constant 64 : i32
        %mul3A_439 = arith.muli %add3A_400, %mul3A_438 : i32
        %add3A_440 = arith.constant 32 : i32
        %add3A_441 = arith.addi %mul3A_439, %add3A_440 : i32
        %get3A_442 = arith.index_cast %add3A_441 : i32 to index
        %get3A_443 = tpu.vector_load %arg6[%get3A_442] {strides = array<i32>} : memref<2560xi32, #tpu.memory_space<vmem>>, vector<16xi32>,
        %get3A_444 = vector.shape_cast %get3A_443 : vector<16xi32> to vector<16xi32>
        %swap3A_445 = arith.constant 4 : i32
        %swap3A_446 = arith.index_cast %swap3A_445 : i32 to index
        %swap3A_447 = arith.constant 32 : index
        %swap3A_448 = tpu.vector_load %arg7[%swap3A_446, %swap3A_447] {strides = array<i32>} : memref<5x64xi32, #tpu.memory_space<vmem>>, vector<1x16xi32>,
        %swap3A_449 = vector.shape_cast %swap3A_448 : vector<1x16xi32> to vector<16xi32>
        %swap3A_450 = vector.shape_cast %get3A_444 : vector<16xi32> to vector<1x16xi32>
        tpu.vector_store %arg7[%swap3A_446, %swap3A_447], %swap3A_450 {strides = array<i32>} : memref<5x64xi32, #tpu.memory_space<vmem>>, vector<1x16xi32>,
        %mul3A_451 = arith.constant 64 : i32
        %mul3A_452 = arith.muli %add3A_400, %mul3A_451 : i32
        %add3A_453 = arith.constant 48 : i32
        %add3A_454 = arith.addi %mul3A_452, %add3A_453 : i32
        %get3A_455 = arith.index_cast %add3A_454 : i32 to index
        %get3A_456 = tpu.vector_load %arg6[%get3A_455] {strides = array<i32>} : memref<2560xi32, #tpu.memory_space<vmem>>, vector<16xi32>,
        %get3A_457 = vector.shape_cast %get3A_456 : vector<16xi32> to vector<16xi32>
        %swap3A_458 = arith.constant 4 : i32
        %swap3A_459 = arith.index_cast %swap3A_458 : i32 to index
        %swap3A_460 = arith.constant 48 : index
        %swap3A_461 = tpu.vector_load %arg7[%swap3A_459, %swap3A_460] {strides = array<i32>} : memref<5x64xi32, #tpu.memory_space<vmem>>, vector<1x16xi32>,
        %swap3A_462 = vector.shape_cast %swap3A_461 : vector<1x16xi32> to vector<16xi32>
        %swap3A_463 = vector.shape_cast %get3A_457 : vector<16xi32> to vector<1x16xi32>
        tpu.vector_store %arg7[%swap3A_459, %swap3A_460], %swap3A_463 {strides = array<i32>} : memref<5x64xi32, #tpu.memory_space<vmem>>, vector<1x16xi32>,
        %run_scoped3A_464 = arith.constant 4 : i32
        %run_scoped3A_465 = arith.constant 4 : i32
        "tpu.region"() ({
          %run_scoped3A_475 = tpu.sem_alloc : memref<!tpu.dma_semaphore, #tpu.memory_space<semaphore_mem>>
          %dma_start3A_476 = arith.constant 0 : i32
          %dma_start3A_477 = arith.constant 0 : i32
          %dma_start3A_478 = tpu.memref_slice %arg8[%run_scoped3A_464, %dma_start3A_476, %dma_start3A_477] : memref<5x64x128xf32, #tpu.memory_space<vmem>> -> memref<1x64x128xf32, #tpu.memory_space<vmem>>
          %dma_start3A_479 = tpu.memref_squeeze %dma_start3A_478 : memref<1x64x128xf32, #tpu.memory_space<vmem>> -> memref<64x128xf32, #tpu.memory_space<vmem>>
          %dma_start3A_480 = arith.constant 0 : i32
          %dma_start3A_481 = tpu.memref_slice %arg7[%run_scoped3A_465, %dma_start3A_480] : memref<5x64xi32, #tpu.memory_space<vmem>> -> memref<1x64xi32, #tpu.memory_space<vmem>>
          %dma_start3A_482 = tpu.memref_squeeze %dma_start3A_481 : memref<1x64xi32, #tpu.memory_space<vmem>> -> memref<64xi32, #tpu.memory_space<vmem>>
          %dma_start3A_483 = arith.constant 0 : i32
          %dma_start3A_484 = arith.constant 0 : i32
          %dma_start3A_485 = tpu.memref_slice %arg9[%dma_start3A_483, %dma_start3A_484] : memref<10240x128xf32, #tpu.memory_space<vmem_shared>> -> memref<10240x128xf32, #tpu.memory_space<vmem_shared>>
          tpu.enqueue_indirect_dma source(%dma_start3A_479 : memref<64x128xf32, #tpu.memory_space<vmem>>) target(%dma_start3A_485 : memref<10240x128xf32, #tpu.memory_space<vmem_shared>>) offsets(%dma_start3A_482 : memref<64xi32, #tpu.memory_space<vmem>>) semaphore(%run_scoped3A_475 : memref<!tpu.dma_semaphore, #tpu.memory_space<semaphore_mem>>) {add = true}
          %dma_wait3A_486 = arith.constant 0 : i32
          %dma_wait3A_487 = arith.constant 0 : i32
          %dma_wait3A_488 = tpu.memref_slice %arg8[%run_scoped3A_464, %dma_wait3A_486, %dma_wait3A_487] : memref<5x64x128xf32, #tpu.memory_space<vmem>> -> memref<1x64x128xf32, #tpu.memory_space<vmem>>
          %dma_wait3A_489 = tpu.memref_squeeze %dma_wait3A_488 : memref<1x64x128xf32, #tpu.memory_space<vmem>> -> memref<64x128xf32, #tpu.memory_space<vmem>>
          %dma_wait3A_490 = arith.constant 0 : i32
          %dma_wait3A_491 = tpu.memref_slice %arg7[%run_scoped3A_465, %dma_wait3A_490] : memref<5x64xi32, #tpu.memory_space<vmem>> -> memref<1x64xi32, #tpu.memory_space<vmem>>
          %dma_wait3A_492 = tpu.memref_squeeze %dma_wait3A_491 : memref<1x64xi32, #tpu.memory_space<vmem>> -> memref<64xi32, #tpu.memory_space<vmem>>
          %dma_wait3A_493 = arith.constant 0 : i32
          %dma_wait3A_494 = arith.constant 0 : i32
          %dma_wait3A_495 = tpu.memref_slice %arg9[%dma_wait3A_493, %dma_wait3A_494] : memref<10240x128xf32, #tpu.memory_space<vmem_shared>> -> memref<10240x128xf32, #tpu.memory_space<vmem_shared>>
          tpu.wait_indirect_dma semaphore(%run_scoped3A_475 : memref<!tpu.dma_semaphore, #tpu.memory_space<semaphore_mem>>) src(%dma_wait3A_489 : memref<64x128xf32, #tpu.memory_space<vmem>>) dst(%dma_wait3A_495 : memref<10240x128xf32, #tpu.memory_space<vmem_shared>>)
          tpu.yield
        }) : () -> ()
        %add3A_466 = arith.constant 5 : i32
        %add3A_467 = arith.addi %add3A_400, %add3A_466 : i32
        %lt3A_468 = arith.constant 40 : i32
        %lt3A_469 = arith.cmpi slt, %add3A_467, %lt3A_468 : i32
        %convert_element_type3A_470 = arith.extui %lt3A_469 : i1 to i32
        %cond3A_471 = arith.constant 4 : i32
        %cond3A_472 = arith.constant 0 : i32
        %cond3A_473 = arith.cmpi ne, %convert_element_type3A_470, %cond3A_472 : i32
        scf.if %cond3A_473 {
          %add3A_475 = arith.constant 5 : i32
          %add3A_476 = arith.addi %add3A_400, %add3A_475 : i32
          %mul3A_477 = arith.constant 64 : i32
          %mul3A_478 = arith.muli %add3A_476, %mul3A_477 : i32
          %dma_start3A_479 = arith.constant 0 : i32
          %dma_start3A_480 = arith.constant 0 : i32
          %dma_start3A_481 = tpu.memref_slice %arg8[%cond3A_471, %dma_start3A_479, %dma_start3A_480] : memref<5x64x128xf32, #tpu.memory_space<vmem>> -> memref<1x64x128xf32, #tpu.memory_space<vmem>>
          %dma_start3A_482 = tpu.memref_squeeze %dma_start3A_481 : memref<1x64x128xf32, #tpu.memory_space<vmem>> -> memref<64x128xf32, #tpu.memory_space<vmem>>
          %dma_start3A_483 = tpu.memref_slice %arg5[%mul3A_478] : memref<2560xi32, #tpu.memory_space<vmem>> -> memref<64xi32, #tpu.memory_space<vmem>>
          %dma_start3A_484 = arith.constant 0 : i32
          %dma_start3A_485 = arith.constant 0 : i32
          %dma_start3A_486 = tpu.memref_slice %arg2[%dma_start3A_484, %dma_start3A_485] : memref<10000x128xf32, #tpu.memory_space<hbm>> -> memref<10000x128xf32, #tpu.memory_space<hbm>>
          tpu.enqueue_indirect_dma source(%dma_start3A_486 : memref<10000x128xf32, #tpu.memory_space<hbm>>) target(%dma_start3A_482 : memref<64x128xf32, #tpu.memory_space<vmem>>) offsets(%dma_start3A_483 : memref<64xi32, #tpu.memory_space<vmem>>) semaphore(%arg14 : memref<!tpu.dma_semaphore, #tpu.memory_space<semaphore_mem>>)
        } else {
        }
        %scan3A_474 = arith.constant 0 : i32
        scf.yield %scan3A_474 : i32
      }
      %scan3A_91 = arith.constant 8 : i32
      %scan3A_92 = arith.constant 0 : i32
      scf.yield %scan3A_92 : i32
    }
    %scan3A_22 = arith.constant 4 : i32
    %barrier3A_23 = arith.constant 0 : index
    tpu.barrier barrier_id(%barrier3A_23)
    %mul3A_24 = arith.constant 640 : i32
    %mul3A_25 = arith.muli %arg1, %mul3A_24 : i32
    %mul3A_26 = arith.constant 640 : i32
    %mul3A_27 = arith.muli %arg1, %mul3A_26 : i32
    "tpu.region"() ({
      %run_scoped3A = tpu.sem_alloc : memref<!tpu.dma_semaphore, #tpu.memory_space<semaphore_mem>>
      %dma_start3A = arith.constant 0 : i32
      %dma_start3A_28 = arith.constant 0 : i32
      %dma_start3A_29 = tpu.memref_slice %arg4[%arg0, %dma_start3A, %dma_start3A_28] : memref<2x10240x128xf32, #tpu.memory_space<hbm>> -> memref<1x10240x128xf32, #tpu.memory_space<hbm>>
      %dma_start3A_30 = tpu.memref_squeeze %dma_start3A_29 : memref<1x10240x128xf32, #tpu.memory_space<hbm>> -> memref<10240x128xf32, #tpu.memory_space<hbm>>
      %dma_start3A_31 = arith.constant 0 : i32
      %dma_start3A_32 = tpu.memref_slice %dma_start3A_30[%mul3A_27, %dma_start3A_31] : memref<10240x128xf32, #tpu.memory_space<hbm>> -> memref<640x128xf32, #tpu.memory_space<hbm>>
      %dma_start3A_33 = arith.constant 0 : i32
      %dma_start3A_34 = tpu.memref_slice %arg9[%mul3A_25, %dma_start3A_33] : memref<10240x128xf32, #tpu.memory_space<vmem_shared>> -> memref<640x128xf32, #tpu.memory_space<vmem_shared>>
      tpu.enqueue_dma source(%dma_start3A_34 : memref<640x128xf32, #tpu.memory_space<vmem_shared>>) target(%dma_start3A_32 : memref<640x128xf32, #tpu.memory_space<hbm>>) target_semaphore(%run_scoped3A : memref<!tpu.dma_semaphore, #tpu.memory_space<semaphore_mem>>)
      %dma_wait3A = arith.constant 0 : i32
      %dma_wait3A_35 = arith.constant 0 : i32
      %dma_wait3A_36 = tpu.memref_slice %arg4[%arg0, %dma_wait3A, %dma_wait3A_35] : memref<2x10240x128xf32, #tpu.memory_space<hbm>> -> memref<1x10240x128xf32, #tpu.memory_space<hbm>>
      %dma_wait3A_37 = tpu.memref_squeeze %dma_wait3A_36 : memref<1x10240x128xf32, #tpu.memory_space<hbm>> -> memref<10240x128xf32, #tpu.memory_space<hbm>>
      %dma_wait3A_38 = arith.constant 0 : i32
      %dma_wait3A_39 = tpu.memref_slice %dma_wait3A_37[%mul3A_27, %dma_wait3A_38] : memref<10240x128xf32, #tpu.memory_space<hbm>> -> memref<640x128xf32, #tpu.memory_space<hbm>>
      %dma_wait3A_40 = arith.constant 0 : i32
      %dma_wait3A_41 = tpu.memref_slice %arg9[%mul3A_25, %dma_wait3A_40] : memref<10240x128xf32, #tpu.memory_space<vmem_shared>> -> memref<640x128xf32, #tpu.memory_space<vmem_shared>>
      tpu.wait_dma2 semaphore(%run_scoped3A : memref<!tpu.dma_semaphore, #tpu.memory_space<semaphore_mem>>) src(%dma_wait3A_41 : memref<640x128xf32, #tpu.memory_space<vmem_shared>>) dst(%dma_wait3A_39 : memref<640x128xf32, #tpu.memory_space<hbm>>)
      tpu.yield
    }) : () -> ()
    return
  }
}

#map = affine_map<(d0, d1) -> (0, 0)>
#map1 = affine_map<(d0, d1) -> (0, 0, 0)>
module attributes {stable_mosaic.version = 14 : i64} {
  func.func @gcn_gather_scatter_sc(%arg0: i32, %arg1: i32, %arg2: memref<10000x128xf32, #tpu.memory_space<hbm>>, %arg3: memref<2x327680xi32, #tpu.memory_space<hbm>>, %arg4: memref<2x10240x128xf32, #tpu.memory_space<hbm>>, %arg5: memref<2560xi32, #tpu.memory_space<vmem>>, %arg6: memref<2560xi32, #tpu.memory_space<vmem>>, %arg7: memref<5x64xi32, #tpu.memory_space<vmem>>, %arg8: memref<5x64x128xf32, #tpu.memory_space<vmem>>, %arg9: memref<10240x128xf32, #tpu.memory_space<vmem_shared>>, %arg10: memref<!tpu.dma_semaphore, #tpu.memory_space<semaphore_mem>>, %arg11: memref<!tpu.dma_semaphore, #tpu.memory_space<semaphore_mem>>, %arg12: memref<!tpu.dma_semaphore, #tpu.memory_space<semaphore_mem>>, %arg13: memref<!tpu.dma_semaphore, #tpu.memory_space<semaphore_mem>>, %arg14: memref<!tpu.dma_semaphore, #tpu.memory_space<semaphore_mem>>) attributes {dimension_semantics = [#tpu.dimension_semantics<core_parallel>, #tpu.dimension_semantics<subcore_parallel>], iteration_bounds = array<i64: 2, 16>, scalar_prefetch = 0 : i64, scratch_operands = 10 : i64, tpu.core_type = #tpu.core_type<sc_vector_subcore>, window_params = [{transform_indices = #map}, {transform_indices = #map}, {transform_indices = #map1}]} {
    %mul3A = arith.constant 16 : i32
    %mul3A_0 = arith.muli %arg0, %mul3A : i32
    %add3A = arith.addi %mul3A_0, %arg1 : i32
    %scan3A = arith.constant 0 : i32
    %scan3A_1 = arith.constant 0 : i32
    %scan3A_2 = arith.constant 0 : i32
    %scan3A_3 = arith.constant 512 : i32
    %scan3A_4 = arith.addi %scan3A_2, %scan3A_3 : i32
    %scan3A_5 = arith.constant 1 : i32
    %scan3A_6 = scf.for %scan3A_28 = %scan3A_2 to %scan3A_4 step %scan3A_5 iter_args(%scan3A_29 = %scan3A_1) -> (i32)  : i32 {
      %broadcast_in_dim3A = arith.constant 0.000000e+00 : f32
      %broadcast_in_dim3A_30 = vector.broadcast %broadcast_in_dim3A : f32 to vector<16xf32>
      %jit3A = arith.constant 8 : i32
      %div3A = arith.divsi %scan3A_28, %jit3A : i32
      %sign3A = arith.constant 0 : i32
      %sign3A_31 = arith.cmpi sgt, %scan3A_28, %sign3A : i32
      %sign3A_32 = arith.extui %sign3A_31 : i1 to i32
      %sign3A_33 = arith.constant 0 : i32
      %sign3A_34 = arith.cmpi slt, %scan3A_28, %sign3A_33 : i32
      %sign3A_35 = arith.extui %sign3A_34 : i1 to i32
      %sign3A_36 = arith.subi %sign3A_32, %sign3A_35 : i32
      %sign3A_37 = arith.constant 0 : i32
      %sign3A_38 = arith.cmpi sgt, %jit3A, %sign3A_37 : i32
      %sign3A_39 = arith.extui %sign3A_38 : i1 to i32
      %sign3A_40 = arith.constant 0 : i32
      %sign3A_41 = arith.cmpi slt, %jit3A, %sign3A_40 : i32
      %sign3A_42 = arith.extui %sign3A_41 : i1 to i32
      %sign3A_43 = arith.subi %sign3A_39, %sign3A_42 : i32
      %ne3A = arith.cmpi ne, %sign3A_36, %sign3A_43 : i32
      %rem3A = arith.remsi %scan3A_28, %jit3A : i32
      %ne3A_44 = arith.constant 0 : i32
      %ne3A_45 = arith.cmpi ne, %rem3A, %ne3A_44 : i32
      %and3A = arith.andi %ne3A, %ne3A_45 : i1
      %sub3A = arith.constant 1 : i32
      %sub3A_46 = arith.subi %div3A, %sub3A : i32
      %select_n3A = arith.select %and3A, %sub3A_46, %div3A : i32
      %jit3A_47 = arith.constant 8 : i32
      %eq3A = arith.constant 0 : i32
      %eq3A_48 = arith.cmpi eq, %jit3A_47, %eq3A : i32
      %jit3A_49 = arith.constant 1 : i32
      %select_n3A_50 = arith.select %eq3A_48, %jit3A_49, %jit3A_47 : i32
      %rem3A_51 = arith.remsi %scan3A_28, %select_n3A_50 : i32
      %ne3A_52 = arith.constant 0 : i32
      %ne3A_53 = arith.cmpi ne, %rem3A_51, %ne3A_52 : i32
      %lt3A = arith.constant 0 : i32
      %lt3A_54 = arith.cmpi slt, %rem3A_51, %lt3A : i32
      %lt3A_55 = arith.constant 0 : i32
      %lt3A_56 = arith.cmpi slt, %select_n3A_50, %lt3A_55 : i32
      %ne3A_57 = arith.xori %lt3A_54, %lt3A_56 : i1
      %and3A_58 = arith.andi %ne3A_57, %ne3A_53 : i1
      %add3A_59 = arith.addi %rem3A_51, %select_n3A_50 : i32
      %select_n3A_60 = arith.select %and3A_58, %add3A_59, %rem3A_51 : i32
      %mul3A_61 = arith.constant 16 : i32
      %mul3A_62 = arith.muli %select_n3A_60, %mul3A_61 : i32
      %swap3A = arith.constant 0 : i32
      %swap3A_63 = arith.constant 0 : i32
      %swap3A_64 = tpu.memref_slice %arg8[%scan3A, %swap3A, %swap3A_63] : memref<5x64x128xf32, #tpu.memory_space<vmem>> -> memref<1x64x128xf32, #tpu.memory_space<vmem>>
      %swap3A_65 = tpu.memref_squeeze %swap3A_64 : memref<1x64x128xf32, #tpu.memory_space<vmem>> -> memref<64x128xf32, #tpu.memory_space<vmem>>
      %swap3A_66 = arith.index_cast %select_n3A : i32 to index
      %swap3A_67 = arith.index_cast %mul3A_62 : i32 to index
      %swap3A_68 = tpu.vector_load %swap3A_65[%swap3A_66, %swap3A_67] {strides = array<i32>} : memref<64x128xf32, #tpu.memory_space<vmem>>, vector<1x16xf32>,
      %swap3A_69 = vector.shape_cast %swap3A_68 : vector<1x16xf32> to vector<16xf32>
      %swap3A_70 = vector.shape_cast %broadcast_in_dim3A_30 : vector<16xf32> to vector<1x16xf32>
      tpu.vector_store %swap3A_65[%swap3A_66, %swap3A_67], %swap3A_70 {strides = array<i32>} : memref<64x128xf32, #tpu.memory_space<vmem>>, vector<1x16xf32>,
      %scan3A_71 = arith.constant 0 : i32
      scf.yield %scan3A_71 : i32
    }
    %scan3A_7 = arith.constant 512 : i32
    %scan3A_8 = arith.constant 0 : i32
    %scan3A_9 = arith.constant 0 : i32
    %scan3A_10 = arith.constant 0 : i32
    %scan3A_11 = arith.constant 10 : i32
    %scan3A_12 = arith.addi %scan3A_10, %scan3A_11 : i32
    %scan3A_13 = arith.constant 1 : i32
    %scan3A_14 = scf.for %scan3A_28 = %scan3A_10 to %scan3A_12 step %scan3A_13 iter_args(%scan3A_29 = %scan3A_9) -> (i32)  : i32 {
      %mul3A_30 = arith.constant 640 : i32
      %mul3A_31 = arith.muli %arg1, %mul3A_30 : i32
      %mul3A_32 = arith.constant 64 : i32
      %mul3A_33 = arith.muli %scan3A_28, %mul3A_32 : i32
      %add3A_34 = arith.addi %mul3A_31, %mul3A_33 : i32
      "tpu.region"() ({
        %run_scoped3A = tpu.sem_alloc : memref<!tpu.dma_semaphore, #tpu.memory_space<semaphore_mem>>
        %dma_start3A = arith.constant 0 : i32
        %dma_start3A_36 = arith.constant 0 : i32
        %dma_start3A_37 = tpu.memref_slice %arg8[%scan3A_8, %dma_start3A, %dma_start3A_36] : memref<5x64x128xf32, #tpu.memory_space<vmem>> -> memref<1x64x128xf32, #tpu.memory_space<vmem>>
        %dma_start3A_38 = tpu.memref_squeeze %dma_start3A_37 : memref<1x64x128xf32, #tpu.memory_space<vmem>> -> memref<64x128xf32, #tpu.memory_space<vmem>>
        %dma_start3A_39 = arith.constant 0 : i32
        %dma_start3A_40 = tpu.memref_slice %arg9[%add3A_34, %dma_start3A_39] : memref<10240x128xf32, #tpu.memory_space<vmem_shared>> -> memref<64x128xf32, #tpu.memory_space<vmem_shared>>
        %dma_start3A_41 = arith.constant 0 : i32
        %dma_start3A_42 = tpu.memref_slice %arg9[%add3A_34, %dma_start3A_41] : memref<10240x128xf32, #tpu.memory_space<vmem_shared>> -> memref<64x128xf32, #tpu.memory_space<vmem_shared>>
        %dma_start3A_43 = arith.constant 0 : i32
        %dma_start3A_44 = arith.constant 0 : i32
        %dma_start3A_45 = tpu.memref_slice %arg8[%scan3A_8, %dma_start3A_43, %dma_start3A_44] : memref<5x64x128xf32, #tpu.memory_space<vmem>> -> memref<1x64x128xf32, #tpu.memory_space<vmem>>
        %dma_start3A_46 = tpu.memref_squeeze %dma_start3A_45 : memref<1x64x128xf32, #tpu.memory_space<vmem>> -> memref<64x128xf32, #tpu.memory_space<vmem>>
        tpu.enqueue_dma source(%dma_start3A_46 : memref<64x128xf32, #tpu.memory_space<vmem>>) target(%dma_start3A_42 : memref<64x128xf32, #tpu.memory_space<vmem_shared>>) target_semaphore(%run_scoped3A : memref<!tpu.dma_semaphore, #tpu.memory_space<semaphore_mem>>)
        %dma_wait3A = arith.constant 0 : i32
        %dma_wait3A_47 = arith.constant 0 : i32
        %dma_wait3A_48 = tpu.memref_slice %arg8[%scan3A_8, %dma_wait3A, %dma_wait3A_47] : memref<5x64x128xf32, #tpu.memory_space<vmem>> -> memref<1x64x128xf32, #tpu.memory_space<vmem>>
        %dma_wait3A_49 = tpu.memref_squeeze %dma_wait3A_48 : memref<1x64x128xf32, #tpu.memory_space<vmem>> -> memref<64x128xf32, #tpu.memory_space<vmem>>
        %dma_wait3A_50 = arith.constant 0 : i32
        %dma_wait3A_51 = tpu.memref_slice %arg9[%add3A_34, %dma_wait3A_50] : memref<10240x128xf32, #tpu.memory_space<vmem_shared>> -> memref<64x128xf32, #tpu.memory_space<vmem_shared>>
        %dma_wait3A_52 = arith.constant 0 : i32
        %dma_wait3A_53 = tpu.memref_slice %arg9[%add3A_34, %dma_wait3A_52] : memref<10240x128xf32, #tpu.memory_space<vmem_shared>> -> memref<64x128xf32, #tpu.memory_space<vmem_shared>>
        %dma_wait3A_54 = arith.constant 0 : i32
        %dma_wait3A_55 = arith.constant 0 : i32
        %dma_wait3A_56 = tpu.memref_slice %arg8[%scan3A_8, %dma_wait3A_54, %dma_wait3A_55] : memref<5x64x128xf32, #tpu.memory_space<vmem>> -> memref<1x64x128xf32, #tpu.memory_space<vmem>>
        %dma_wait3A_57 = tpu.memref_squeeze %dma_wait3A_56 : memref<1x64x128xf32, #tpu.memory_space<vmem>> -> memref<64x128xf32, #tpu.memory_space<vmem>>
        tpu.wait_dma2 semaphore(%run_scoped3A : memref<!tpu.dma_semaphore, #tpu.memory_space<semaphore_mem>>) src(%dma_wait3A_57 : memref<64x128xf32, #tpu.memory_space<vmem>>) dst(%dma_wait3A_53 : memref<64x128xf32, #tpu.memory_space<vmem_shared>>)
        tpu.yield
      }) : () -> ()
      %scan3A_35 = arith.constant 0 : i32
      scf.yield %scan3A_35 : i32
    }
    %scan3A_15 = arith.constant 10 : i32
    %barrier3A = arith.constant 0 : index
    tpu.barrier barrier_id(%barrier3A)
    %scan3A_16 = arith.constant 0 : i32
    %scan3A_17 = arith.constant 0 : i32
    %scan3A_18 = arith.constant 4 : i32
    %scan3A_19 = arith.addi %scan3A_17, %scan3A_18 : i32
    %scan3A_20 = arith.constant 1 : i32
    %scan3A_21 = scf.for %scan3A_28 = %scan3A_17 to %scan3A_19 step %scan3A_20 iter_args(%scan3A_29 = %scan3A_16) -> (i32)  : i32 {
      %mul3A_30 = arith.constant 10240 : i32
      %mul3A_31 = arith.muli %add3A, %mul3A_30 : i32
      %mul3A_32 = arith.constant 2560 : i32
      %mul3A_33 = arith.muli %scan3A_28, %mul3A_32 : i32
      %add3A_34 = arith.addi %mul3A_31, %mul3A_33 : i32
      %run_scoped3A = arith.constant 0 : i32
      "tpu.region"() ({
        %run_scoped3A_93 = tpu.sem_alloc : memref<!tpu.dma_semaphore, #tpu.memory_space<semaphore_mem>>
        %dma_start3A_94 = arith.constant 0 : i32
        %dma_start3A_95 = tpu.memref_slice %arg3[%run_scoped3A, %dma_start3A_94] : memref<2x327680xi32, #tpu.memory_space<hbm>> -> memref<1x327680xi32, #tpu.memory_space<hbm>>
        %dma_start3A_96 = tpu.memref_squeeze %dma_start3A_95 : memref<1x327680xi32, #tpu.memory_space<hbm>> -> memref<327680xi32, #tpu.memory_space<hbm>>
        %dma_start3A_97 = tpu.memref_slice %dma_start3A_96[%add3A_34] : memref<327680xi32, #tpu.memory_space<hbm>> -> memref<2560xi32, #tpu.memory_space<hbm>>
        %dma_start3A_98 = arith.constant 0 : i32
        %dma_start3A_99 = tpu.memref_slice %arg3[%run_scoped3A, %dma_start3A_98] : memref<2x327680xi32, #tpu.memory_space<hbm>> -> memref<1x327680xi32, #tpu.memory_space<hbm>>
        %dma_start3A_100 = tpu.memref_squeeze %dma_start3A_99 : memref<1x327680xi32, #tpu.memory_space<hbm>> -> memref<327680xi32, #tpu.memory_space<hbm>>
        %dma_start3A_101 = tpu.memref_slice %dma_start3A_100[%add3A_34] : memref<327680xi32, #tpu.memory_space<hbm>> -> memref<2560xi32, #tpu.memory_space<hbm>>
        tpu.enqueue_dma source(%dma_start3A_101 : memref<2560xi32, #tpu.memory_space<hbm>>) target(%arg5 : memref<2560xi32, #tpu.memory_space<vmem>>) target_semaphore(%run_scoped3A_93 : memref<!tpu.dma_semaphore, #tpu.memory_space<semaphore_mem>>)
        %dma_wait3A = arith.constant 0 : i32
        %dma_wait3A_102 = tpu.memref_slice %arg3[%run_scoped3A, %dma_wait3A] : memref<2x327680xi32, #tpu.memory_space<hbm>> -> memref<1x327680xi32, #tpu.memory_space<hbm>>
        %dma_wait3A_103 = tpu.memref_squeeze %dma_wait3A_102 : memref<1x327680xi32, #tpu.memory_space<hbm>> -> memref<327680xi32, #tpu.memory_space<hbm>>
        %dma_wait3A_104 = tpu.memref_slice %dma_wait3A_103[%add3A_34] : memref<327680xi32, #tpu.memory_space<hbm>> -> memref<2560xi32, #tpu.memory_space<hbm>>
        %dma_wait3A_105 = arith.constant 0 : i32
        %dma_wait3A_106 = tpu.memref_slice %arg3[%run_scoped3A, %dma_wait3A_105] : memref<2x327680xi32, #tpu.memory_space<hbm>> -> memref<1x327680xi32, #tpu.memory_space<hbm>>
        %dma_wait3A_107 = tpu.memref_squeeze %dma_wait3A_106 : memref<1x327680xi32, #tpu.memory_space<hbm>> -> memref<327680xi32, #tpu.memory_space<hbm>>
        %dma_wait3A_108 = tpu.memref_slice %dma_wait3A_107[%add3A_34] : memref<327680xi32, #tpu.memory_space<hbm>> -> memref<2560xi32, #tpu.memory_space<hbm>>
        tpu.wait_dma2 semaphore(%run_scoped3A_93 : memref<!tpu.dma_semaphore, #tpu.memory_space<semaphore_mem>>) src(%dma_wait3A_108 : memref<2560xi32, #tpu.memory_space<hbm>>) dst(%arg5 : memref<2560xi32, #tpu.memory_space<vmem>>)
        tpu.yield
      }) : () -> ()
      %run_scoped3A_35 = arith.constant 1 : i32
      "tpu.region"() ({
        %run_scoped3A_93 = tpu.sem_alloc : memref<!tpu.dma_semaphore, #tpu.memory_space<semaphore_mem>>
        %dma_start3A_94 = arith.constant 0 : i32
        %dma_start3A_95 = tpu.memref_slice %arg3[%run_scoped3A_35, %dma_start3A_94] : memref<2x327680xi32, #tpu.memory_space<hbm>> -> memref<1x327680xi32, #tpu.memory_space<hbm>>
        %dma_start3A_96 = tpu.memref_squeeze %dma_start3A_95 : memref<1x327680xi32, #tpu.memory_space<hbm>> -> memref<327680xi32, #tpu.memory_space<hbm>>
        %dma_start3A_97 = tpu.memref_slice %dma_start3A_96[%add3A_34] : memref<327680xi32, #tpu.memory_space<hbm>> -> memref<2560xi32, #tpu.memory_space<hbm>>
        %dma_start3A_98 = arith.constant 0 : i32
        %dma_start3A_99 = tpu.memref_slice %arg3[%run_scoped3A_35, %dma_start3A_98] : memref<2x327680xi32, #tpu.memory_space<hbm>> -> memref<1x327680xi32, #tpu.memory_space<hbm>>
        %dma_start3A_100 = tpu.memref_squeeze %dma_start3A_99 : memref<1x327680xi32, #tpu.memory_space<hbm>> -> memref<327680xi32, #tpu.memory_space<hbm>>
        %dma_start3A_101 = tpu.memref_slice %dma_start3A_100[%add3A_34] : memref<327680xi32, #tpu.memory_space<hbm>> -> memref<2560xi32, #tpu.memory_space<hbm>>
        tpu.enqueue_dma source(%dma_start3A_101 : memref<2560xi32, #tpu.memory_space<hbm>>) target(%arg6 : memref<2560xi32, #tpu.memory_space<vmem>>) target_semaphore(%run_scoped3A_93 : memref<!tpu.dma_semaphore, #tpu.memory_space<semaphore_mem>>)
        %dma_wait3A = arith.constant 0 : i32
        %dma_wait3A_102 = tpu.memref_slice %arg3[%run_scoped3A_35, %dma_wait3A] : memref<2x327680xi32, #tpu.memory_space<hbm>> -> memref<1x327680xi32, #tpu.memory_space<hbm>>
        %dma_wait3A_103 = tpu.memref_squeeze %dma_wait3A_102 : memref<1x327680xi32, #tpu.memory_space<hbm>> -> memref<327680xi32, #tpu.memory_space<hbm>>
        %dma_wait3A_104 = tpu.memref_slice %dma_wait3A_103[%add3A_34] : memref<327680xi32, #tpu.memory_space<hbm>> -> memref<2560xi32, #tpu.memory_space<hbm>>
        %dma_wait3A_105 = arith.constant 0 : i32
        %dma_wait3A_106 = tpu.memref_slice %arg3[%run_scoped3A_35, %dma_wait3A_105] : memref<2x327680xi32, #tpu.memory_space<hbm>> -> memref<1x327680xi32, #tpu.memory_space<hbm>>
        %dma_wait3A_107 = tpu.memref_squeeze %dma_wait3A_106 : memref<1x327680xi32, #tpu.memory_space<hbm>> -> memref<327680xi32, #tpu.memory_space<hbm>>
        %dma_wait3A_108 = tpu.memref_slice %dma_wait3A_107[%add3A_34] : memref<327680xi32, #tpu.memory_space<hbm>> -> memref<2560xi32, #tpu.memory_space<hbm>>
        tpu.wait_dma2 semaphore(%run_scoped3A_93 : memref<!tpu.dma_semaphore, #tpu.memory_space<semaphore_mem>>) src(%dma_wait3A_108 : memref<2560xi32, #tpu.memory_space<hbm>>) dst(%arg6 : memref<2560xi32, #tpu.memory_space<vmem>>)
        tpu.yield
      }) : () -> ()
      %dma_start3A = arith.constant 0 : i32
      %dma_start3A_36 = arith.constant 0 : i32
      %dma_start3A_37 = arith.constant 0 : i32
      %dma_start3A_38 = tpu.memref_slice %arg8[%dma_start3A, %dma_start3A_36, %dma_start3A_37] : memref<5x64x128xf32, #tpu.memory_space<vmem>> -> memref<1x64x128xf32, #tpu.memory_space<vmem>>
      %dma_start3A_39 = tpu.memref_squeeze %dma_start3A_38 : memref<1x64x128xf32, #tpu.memory_space<vmem>> -> memref<64x128xf32, #tpu.memory_space<vmem>>
      %dma_start3A_40 = arith.constant 0 : i32
      %dma_start3A_41 = tpu.memref_slice %arg5[%dma_start3A_40] : memref<2560xi32, #tpu.memory_space<vmem>> -> memref<64xi32, #tpu.memory_space<vmem>>
      %dma_start3A_42 = arith.constant 0 : i32
      %dma_start3A_43 = arith.constant 0 : i32
      %dma_start3A_44 = tpu.memref_slice %arg2[%dma_start3A_42, %dma_start3A_43] : memref<10000x128xf32, #tpu.memory_space<hbm>> -> memref<10000x128xf32, #tpu.memory_space<hbm>>
      tpu.enqueue_indirect_dma source(%dma_start3A_44 : memref<10000x128xf32, #tpu.memory_space<hbm>>) target(%dma_start3A_39 : memref<64x128xf32, #tpu.memory_space<vmem>>) offsets(%dma_start3A_41 : memref<64xi32, #tpu.memory_space<vmem>>) semaphore(%arg10 : memref<!tpu.dma_semaphore, #tpu.memory_space<semaphore_mem>>)
      %dma_start3A_45 = arith.constant 1 : i32
      %dma_start3A_46 = arith.constant 0 : i32
      %dma_start3A_47 = arith.constant 0 : i32
      %dma_start3A_48 = tpu.memref_slice %arg8[%dma_start3A_45, %dma_start3A_46, %dma_start3A_47] : memref<5x64x128xf32, #tpu.memory_space<vmem>> -> memref<1x64x128xf32, #tpu.memory_space<vmem>>
      %dma_start3A_49 = tpu.memref_squeeze %dma_start3A_48 : memref<1x64x128xf32, #tpu.memory_space<vmem>> -> memref<64x128xf32, #tpu.memory_space<vmem>>
      %dma_start3A_50 = arith.constant 64 : i32
      %dma_start3A_51 = tpu.memref_slice %arg5[%dma_start3A_50] : memref<2560xi32, #tpu.memory_space<vmem>> -> memref<64xi32, #tpu.memory_space<vmem>>
      %dma_start3A_52 = arith.constant 0 : i32
      %dma_start3A_53 = arith.constant 0 : i32
      %dma_start3A_54 = tpu.memref_slice %arg2[%dma_start3A_52, %dma_start3A_53] : memref<10000x128xf32, #tpu.memory_space<hbm>> -> memref<10000x128xf32, #tpu.memory_space<hbm>>
      tpu.enqueue_indirect_dma source(%dma_start3A_54 : memref<10000x128xf32, #tpu.memory_space<hbm>>) target(%dma_start3A_49 : memref<64x128xf32, #tpu.memory_space<vmem>>) offsets(%dma_start3A_51 : memref<64xi32, #tpu.memory_space<vmem>>) semaphore(%arg11 : memref<!tpu.dma_semaphore, #tpu.memory_space<semaphore_mem>>)
      %dma_start3A_55 = arith.constant 2 : i32
      %dma_start3A_56 = arith.constant 0 : i32
      %dma_start3A_57 = arith.constant 0 : i32
      %dma_start3A_58 = tpu.memref_slice %arg8[%dma_start3A_55, %dma_start3A_56, %dma_start3A_57] : memref<5x64x128xf32, #tpu.memory_space<vmem>> -> memref<1x64x128xf32, #tpu.memory_space<vmem>>
      %dma_start3A_59 = tpu.memref_squeeze %dma_start3A_58 : memref<1x64x128xf32, #tpu.memory_space<vmem>> -> memref<64x128xf32, #tpu.memory_space<vmem>>
      %dma_start3A_60 = arith.constant 128 : i32
      %dma_start3A_61 = tpu.memref_slice %arg5[%dma_start3A_60] : memref<2560xi32, #tpu.memory_space<vmem>> -> memref<64xi32, #tpu.memory_space<vmem>>
      %dma_start3A_62 = arith.constant 0 : i32
      %dma_start3A_63 = arith.constant 0 : i32
      %dma_start3A_64 = tpu.memref_slice %arg2[%dma_start3A_62, %dma_start3A_63] : memref<10000x128xf32, #tpu.memory_space<hbm>> -> memref<10000x128xf32, #tpu.memory_space<hbm>>
      tpu.enqueue_indirect_dma source(%dma_start3A_64 : memref<10000x128xf32, #tpu.memory_space<hbm>>) target(%dma_start3A_59 : memref<64x128xf32, #tpu.memory_space<vmem>>) offsets(%dma_start3A_61 : memref<64xi32, #tpu.memory_space<vmem>>) semaphore(%arg12 : memref<!tpu.dma_semaphore, #tpu.memory_space<semaphore_mem>>)
      %dma_start3A_65 = arith.constant 3 : i32
      %dma_start3A_66 = arith.constant 0 : i32
      %dma_start3A_67 = arith.constant 0 : i32
      %dma_start3A_68 = tpu.memref_slice %arg8[%dma_start3A_65, %dma_start3A_66, %dma_start3A_67] : memref<5x64x128xf32, #tpu.memory_space<vmem>> -> memref<1x64x128xf32, #tpu.memory_space<vmem>>
      %dma_start3A_69 = tpu.memref_squeeze %dma_start3A_68 : memref<1x64x128xf32, #tpu.memory_space<vmem>> -> memref<64x128xf32, #tpu.memory_space<vmem>>
      %dma_start3A_70 = arith.constant 192 : i32
      %dma_start3A_71 = tpu.memref_slice %arg5[%dma_start3A_70] : memref<2560xi32, #tpu.memory_space<vmem>> -> memref<64xi32, #tpu.memory_space<vmem>>
      %dma_start3A_72 = arith.constant 0 : i32
      %dma_start3A_73 = arith.constant 0 : i32
      %dma_start3A_74 = tpu.memref_slice %arg2[%dma_start3A_72, %dma_start3A_73] : memref<10000x128xf32, #tpu.memory_space<hbm>> -> memref<10000x128xf32, #tpu.memory_space<hbm>>
      tpu.enqueue_indirect_dma source(%dma_start3A_74 : memref<10000x128xf32, #tpu.memory_space<hbm>>) target(%dma_start3A_69 : memref<64x128xf32, #tpu.memory_space<vmem>>) offsets(%dma_start3A_71 : memref<64xi32, #tpu.memory_space<vmem>>) semaphore(%arg13 : memref<!tpu.dma_semaphore, #tpu.memory_space<semaphore_mem>>)
      %dma_start3A_75 = arith.constant 4 : i32
      %dma_start3A_76 = arith.constant 0 : i32
      %dma_start3A_77 = arith.constant 0 : i32
      %dma_start3A_78 = tpu.memref_slice %arg8[%dma_start3A_75, %dma_start3A_76, %dma_start3A_77] : memref<5x64x128xf32, #tpu.memory_space<vmem>> -> memref<1x64x128xf32, #tpu.memory_space<vmem>>
      %dma_start3A_79 = tpu.memref_squeeze %dma_start3A_78 : memref<1x64x128xf32, #tpu.memory_space<vmem>> -> memref<64x128xf32, #tpu.memory_space<vmem>>
      %dma_start3A_80 = arith.constant 256 : i32
      %dma_start3A_81 = tpu.memref_slice %arg5[%dma_start3A_80] : memref<2560xi32, #tpu.memory_space<vmem>> -> memref<64xi32, #tpu.memory_space<vmem>>
      %dma_start3A_82 = arith.constant 0 : i32
      %dma_start3A_83 = arith.constant 0 : i32
      %dma_start3A_84 = tpu.memref_slice %arg2[%dma_start3A_82, %dma_start3A_83] : memref<10000x128xf32, #tpu.memory_space<hbm>> -> memref<10000x128xf32, #tpu.memory_space<hbm>>
      tpu.enqueue_indirect_dma source(%dma_start3A_84 : memref<10000x128xf32, #tpu.memory_space<hbm>>) target(%dma_start3A_79 : memref<64x128xf32, #tpu.memory_space<vmem>>) offsets(%dma_start3A_81 : memref<64xi32, #tpu.memory_space<vmem>>) semaphore(%arg14 : memref<!tpu.dma_semaphore, #tpu.memory_space<semaphore_mem>>)
      %scan3A_85 = arith.constant 0 : i32
      %scan3A_86 = arith.constant 0 : i32
      %scan3A_87 = arith.constant 8 : i32
      %scan3A_88 = arith.addi %scan3A_86, %scan3A_87 : i32
      %scan3A_89 = arith.constant 1 : i32
      %scan3A_90 = scf.for %scan3A_93 = %scan3A_86 to %scan3A_88 step %scan3A_89 iter_args(%scan3A_94 = %scan3A_85) -> (i32)  : i32 {
        %mul3A_95 = arith.constant 5 : i32
        %mul3A_96 = arith.muli %scan3A_93, %mul3A_95 : i32
        %add3A_97 = arith.constant 0 : i32
        %add3A_98 = arith.addi %mul3A_96, %add3A_97 : i32
        %mul3A_99 = arith.constant 64 : i32
        %mul3A_100 = arith.muli %add3A_98, %mul3A_99 : i32
        %dma_wait3A = arith.constant 0 : i32
        %dma_wait3A_101 = arith.constant 0 : i32
        %dma_wait3A_102 = arith.constant 0 : i32
        %dma_wait3A_103 = tpu.memref_slice %arg8[%dma_wait3A, %dma_wait3A_101, %dma_wait3A_102] : memref<5x64x128xf32, #tpu.memory_space<vmem>> -> memref<1x64x128xf32, #tpu.memory_space<vmem>>
        %dma_wait3A_104 = tpu.memref_squeeze %dma_wait3A_103 : memref<1x64x128xf32, #tpu.memory_space<vmem>> -> memref<64x128xf32, #tpu.memory_space<vmem>>
        %dma_wait3A_105 = tpu.memref_slice %arg5[%mul3A_100] : memref<2560xi32, #tpu.memory_space<vmem>> -> memref<64xi32, #tpu.memory_space<vmem>>
        %dma_wait3A_106 = arith.constant 0 : i32
        %dma_wait3A_107 = arith.constant 0 : i32
        %dma_wait3A_108 = tpu.memref_slice %arg2[%dma_wait3A_106, %dma_wait3A_107] : memref<10000x128xf32, #tpu.memory_space<hbm>> -> memref<10000x128xf32, #tpu.memory_space<hbm>>
        tpu.wait_indirect_dma semaphore(%arg10 : memref<!tpu.dma_semaphore, #tpu.memory_space<semaphore_mem>>) src(%dma_wait3A_108 : memref<10000x128xf32, #tpu.memory_space<hbm>>) dst(%dma_wait3A_104 : memref<64x128xf32, #tpu.memory_space<vmem>>)
        %mul3A_109 = arith.constant 64 : i32
        %mul3A_110 = arith.muli %add3A_98, %mul3A_109 : i32
        %add3A_111 = arith.constant 0 : i32
        %add3A_112 = arith.addi %mul3A_110, %add3A_111 : i32
        %get3A = arith.index_cast %add3A_112 : i32 to index
        %get3A_113 = tpu.vector_load %arg6[%get3A] {strides = array<i32>} : memref<2560xi32, #tpu.memory_space<vmem>>, vector<16xi32>,
        %get3A_114 = vector.shape_cast %get3A_113 : vector<16xi32> to vector<16xi32>
        %swap3A = arith.constant 0 : i32
        %swap3A_115 = arith.index_cast %swap3A : i32 to index
        %swap3A_116 = arith.constant 0 : index
        %swap3A_117 = tpu.vector_load %arg7[%swap3A_115, %swap3A_116] {strides = array<i32>} : memref<5x64xi32, #tpu.memory_space<vmem>>, vector<1x16xi32>,
        %swap3A_118 = vector.shape_cast %swap3A_117 : vector<1x16xi32> to vector<16xi32>
        %swap3A_119 = vector.shape_cast %get3A_114 : vector<16xi32> to vector<1x16xi32>
        tpu.vector_store %arg7[%swap3A_115, %swap3A_116], %swap3A_119 {strides = array<i32>} : memref<5x64xi32, #tpu.memory_space<vmem>>, vector<1x16xi32>,
        %mul3A_120 = arith.constant 64 : i32
        %mul3A_121 = arith.muli %add3A_98, %mul3A_120 : i32
        %add3A_122 = arith.constant 16 : i32
        %add3A_123 = arith.addi %mul3A_121, %add3A_122 : i32
        %get3A_124 = arith.index_cast %add3A_123 : i32 to index
        %get3A_125 = tpu.vector_load %arg6[%get3A_124] {strides = array<i32>} : memref<2560xi32, #tpu.memory_space<vmem>>, vector<16xi32>,
        %get3A_126 = vector.shape_cast %get3A_125 : vector<16xi32> to vector<16xi32>
        %swap3A_127 = arith.constant 0 : i32
        %swap3A_128 = arith.index_cast %swap3A_127 : i32 to index
        %swap3A_129 = arith.constant 16 : index
        %swap3A_130 = tpu.vector_load %arg7[%swap3A_128, %swap3A_129] {strides = array<i32>} : memref<5x64xi32, #tpu.memory_space<vmem>>, vector<1x16xi32>,
        %swap3A_131 = vector.shape_cast %swap3A_130 : vector<1x16xi32> to vector<16xi32>
        %swap3A_132 = vector.shape_cast %get3A_126 : vector<16xi32> to vector<1x16xi32>
        tpu.vector_store %arg7[%swap3A_128, %swap3A_129], %swap3A_132 {strides = array<i32>} : memref<5x64xi32, #tpu.memory_space<vmem>>, vector<1x16xi32>,
        %mul3A_133 = arith.constant 64 : i32
        %mul3A_134 = arith.muli %add3A_98, %mul3A_133 : i32
        %add3A_135 = arith.constant 32 : i32
        %add3A_136 = arith.addi %mul3A_134, %add3A_135 : i32
        %get3A_137 = arith.index_cast %add3A_136 : i32 to index
        %get3A_138 = tpu.vector_load %arg6[%get3A_137] {strides = array<i32>} : memref<2560xi32, #tpu.memory_space<vmem>>, vector<16xi32>,
        %get3A_139 = vector.shape_cast %get3A_138 : vector<16xi32> to vector<16xi32>
        %swap3A_140 = arith.constant 0 : i32
        %swap3A_141 = arith.index_cast %swap3A_140 : i32 to index
        %swap3A_142 = arith.constant 32 : index
        %swap3A_143 = tpu.vector_load %arg7[%swap3A_141, %swap3A_142] {strides = array<i32>} : memref<5x64xi32, #tpu.memory_space<vmem>>, vector<1x16xi32>,
        %swap3A_144 = vector.shape_cast %swap3A_143 : vector<1x16xi32> to vector<16xi32>
        %swap3A_145 = vector.shape_cast %get3A_139 : vector<16xi32> to vector<1x16xi32>
        tpu.vector_store %arg7[%swap3A_141, %swap3A_142], %swap3A_145 {strides = array<i32>} : memref<5x64xi32, #tpu.memory_space<vmem>>, vector<1x16xi32>,
        %mul3A_146 = arith.constant 64 : i32
        %mul3A_147 = arith.muli %add3A_98, %mul3A_146 : i32
        %add3A_148 = arith.constant 48 : i32
        %add3A_149 = arith.addi %mul3A_147, %add3A_148 : i32
        %get3A_150 = arith.index_cast %add3A_149 : i32 to index
        %get3A_151 = tpu.vector_load %arg6[%get3A_150] {strides = array<i32>} : memref<2560xi32, #tpu.memory_space<vmem>>, vector<16xi32>,
        %get3A_152 = vector.shape_cast %get3A_151 : vector<16xi32> to vector<16xi32>
        %swap3A_153 = arith.constant 0 : i32
        %swap3A_154 = arith.index_cast %swap3A_153 : i32 to index
        %swap3A_155 = arith.constant 48 : index
        %swap3A_156 = tpu.vector_load %arg7[%swap3A_154, %swap3A_155] {strides = array<i32>} : memref<5x64xi32, #tpu.memory_space<vmem>>, vector<1x16xi32>,
        %swap3A_157 = vector.shape_cast %swap3A_156 : vector<1x16xi32> to vector<16xi32>
        %swap3A_158 = vector.shape_cast %get3A_152 : vector<16xi32> to vector<1x16xi32>
        tpu.vector_store %arg7[%swap3A_154, %swap3A_155], %swap3A_158 {strides = array<i32>} : memref<5x64xi32, #tpu.memory_space<vmem>>, vector<1x16xi32>,
        %run_scoped3A_159 = arith.constant 0 : i32
        %run_scoped3A_160 = arith.constant 0 : i32
        "tpu.region"() ({
          %run_scoped3A_475 = tpu.sem_alloc : memref<!tpu.dma_semaphore, #tpu.memory_space<semaphore_mem>>
          %dma_start3A_476 = arith.constant 0 : i32
          %dma_start3A_477 = arith.constant 0 : i32
          %dma_start3A_478 = tpu.memref_slice %arg8[%run_scoped3A_159, %dma_start3A_476, %dma_start3A_477] : memref<5x64x128xf32, #tpu.memory_space<vmem>> -> memref<1x64x128xf32, #tpu.memory_space<vmem>>
          %dma_start3A_479 = tpu.memref_squeeze %dma_start3A_478 : memref<1x64x128xf32, #tpu.memory_space<vmem>> -> memref<64x128xf32, #tpu.memory_space<vmem>>
          %dma_start3A_480 = arith.constant 0 : i32
          %dma_start3A_481 = tpu.memref_slice %arg7[%run_scoped3A_160, %dma_start3A_480] : memref<5x64xi32, #tpu.memory_space<vmem>> -> memref<1x64xi32, #tpu.memory_space<vmem>>
          %dma_start3A_482 = tpu.memref_squeeze %dma_start3A_481 : memref<1x64xi32, #tpu.memory_space<vmem>> -> memref<64xi32, #tpu.memory_space<vmem>>
          %dma_start3A_483 = arith.constant 0 : i32
          %dma_start3A_484 = arith.constant 0 : i32
          %dma_start3A_485 = tpu.memref_slice %arg9[%dma_start3A_483, %dma_start3A_484] : memref<10240x128xf32, #tpu.memory_space<vmem_shared>> -> memref<10240x128xf32, #tpu.memory_space<vmem_shared>>
          tpu.enqueue_indirect_dma source(%dma_start3A_479 : memref<64x128xf32, #tpu.memory_space<vmem>>) target(%dma_start3A_485 : memref<10240x128xf32, #tpu.memory_space<vmem_shared>>) offsets(%dma_start3A_482 : memref<64xi32, #tpu.memory_space<vmem>>) semaphore(%run_scoped3A_475 : memref<!tpu.dma_semaphore, #tpu.memory_space<semaphore_mem>>) {add = true}
          %dma_wait3A_486 = arith.constant 0 : i32
          %dma_wait3A_487 = arith.constant 0 : i32
          %dma_wait3A_488 = tpu.memref_slice %arg8[%run_scoped3A_159, %dma_wait3A_486, %dma_wait3A_487] : memref<5x64x128xf32, #tpu.memory_space<vmem>> -> memref<1x64x128xf32, #tpu.memory_space<vmem>>
          %dma_wait3A_489 = tpu.memref_squeeze %dma_wait3A_488 : memref<1x64x128xf32, #tpu.memory_space<vmem>> -> memref<64x128xf32, #tpu.memory_space<vmem>>
          %dma_wait3A_490 = arith.constant 0 : i32
          %dma_wait3A_491 = tpu.memref_slice %arg7[%run_scoped3A_160, %dma_wait3A_490] : memref<5x64xi32, #tpu.memory_space<vmem>> -> memref<1x64xi32, #tpu.memory_space<vmem>>
          %dma_wait3A_492 = tpu.memref_squeeze %dma_wait3A_491 : memref<1x64xi32, #tpu.memory_space<vmem>> -> memref<64xi32, #tpu.memory_space<vmem>>
          %dma_wait3A_493 = arith.constant 0 : i32
          %dma_wait3A_494 = arith.constant 0 : i32
          %dma_wait3A_495 = tpu.memref_slice %arg9[%dma_wait3A_493, %dma_wait3A_494] : memref<10240x128xf32, #tpu.memory_space<vmem_shared>> -> memref<10240x128xf32, #tpu.memory_space<vmem_shared>>
          tpu.wait_indirect_dma semaphore(%run_scoped3A_475 : memref<!tpu.dma_semaphore, #tpu.memory_space<semaphore_mem>>) src(%dma_wait3A_489 : memref<64x128xf32, #tpu.memory_space<vmem>>) dst(%dma_wait3A_495 : memref<10240x128xf32, #tpu.memory_space<vmem_shared>>)
          tpu.yield
        }) : () -> ()
        %add3A_161 = arith.constant 5 : i32
        %add3A_162 = arith.addi %add3A_98, %add3A_161 : i32
        %lt3A = arith.constant 40 : i32
        %lt3A_163 = arith.cmpi slt, %add3A_162, %lt3A : i32
        %convert_element_type3A = arith.extui %lt3A_163 : i1 to i32
        %cond3A = arith.constant 0 : i32
        %cond3A_164 = arith.constant 0 : i32
        %cond3A_165 = arith.cmpi ne, %convert_element_type3A, %cond3A_164 : i32
        scf.if %cond3A_165 {
          %add3A_475 = arith.constant 5 : i32
          %add3A_476 = arith.addi %add3A_98, %add3A_475 : i32
          %mul3A_477 = arith.constant 64 : i32
          %mul3A_478 = arith.muli %add3A_476, %mul3A_477 : i32
          %dma_start3A_479 = arith.constant 0 : i32
          %dma_start3A_480 = arith.constant 0 : i32
          %dma_start3A_481 = tpu.memref_slice %arg8[%cond3A, %dma_start3A_479, %dma_start3A_480] : memref<5x64x128xf32, #tpu.memory_space<vmem>> -> memref<1x64x128xf32, #tpu.memory_space<vmem>>
          %dma_start3A_482 = tpu.memref_squeeze %dma_start3A_481 : memref<1x64x128xf32, #tpu.memory_space<vmem>> -> memref<64x128xf32, #tpu.memory_space<vmem>>
          %dma_start3A_483 = tpu.memref_slice %arg5[%mul3A_478] : memref<2560xi32, #tpu.memory_space<vmem>> -> memref<64xi32, #tpu.memory_space<vmem>>
          %dma_start3A_484 = arith.constant 0 : i32
          %dma_start3A_485 = arith.constant 0 : i32
          %dma_start3A_486 = tpu.memref_slice %arg2[%dma_start3A_484, %dma_start3A_485] : memref<10000x128xf32, #tpu.memory_space<hbm>> -> memref<10000x128xf32, #tpu.memory_space<hbm>>
          tpu.enqueue_indirect_dma source(%dma_start3A_486 : memref<10000x128xf32, #tpu.memory_space<hbm>>) target(%dma_start3A_482 : memref<64x128xf32, #tpu.memory_space<vmem>>) offsets(%dma_start3A_483 : memref<64xi32, #tpu.memory_space<vmem>>) semaphore(%arg10 : memref<!tpu.dma_semaphore, #tpu.memory_space<semaphore_mem>>)
        } else {
        }
        %mul3A_166 = arith.constant 5 : i32
        %mul3A_167 = arith.muli %scan3A_93, %mul3A_166 : i32
        %add3A_168 = arith.constant 1 : i32
        %add3A_169 = arith.addi %mul3A_167, %add3A_168 : i32
        %mul3A_170 = arith.constant 64 : i32
        %mul3A_171 = arith.muli %add3A_169, %mul3A_170 : i32
        %dma_wait3A_172 = arith.constant 1 : i32
        %dma_wait3A_173 = arith.constant 0 : i32
        %dma_wait3A_174 = arith.constant 0 : i32
        %dma_wait3A_175 = tpu.memref_slice %arg8[%dma_wait3A_172, %dma_wait3A_173, %dma_wait3A_174] : memref<5x64x128xf32, #tpu.memory_space<vmem>> -> memref<1x64x128xf32, #tpu.memory_space<vmem>>
        %dma_wait3A_176 = tpu.memref_squeeze %dma_wait3A_175 : memref<1x64x128xf32, #tpu.memory_space<vmem>> -> memref<64x128xf32, #tpu.memory_space<vmem>>
        %dma_wait3A_177 = tpu.memref_slice %arg5[%mul3A_171] : memref<2560xi32, #tpu.memory_space<vmem>> -> memref<64xi32, #tpu.memory_space<vmem>>
        %dma_wait3A_178 = arith.constant 0 : i32
        %dma_wait3A_179 = arith.constant 0 : i32
        %dma_wait3A_180 = tpu.memref_slice %arg2[%dma_wait3A_178, %dma_wait3A_179] : memref<10000x128xf32, #tpu.memory_space<hbm>> -> memref<10000x128xf32, #tpu.memory_space<hbm>>
        tpu.wait_indirect_dma semaphore(%arg11 : memref<!tpu.dma_semaphore, #tpu.memory_space<semaphore_mem>>) src(%dma_wait3A_180 : memref<10000x128xf32, #tpu.memory_space<hbm>>) dst(%dma_wait3A_176 : memref<64x128xf32, #tpu.memory_space<vmem>>)
        %mul3A_181 = arith.constant 64 : i32
        %mul3A_182 = arith.muli %add3A_169, %mul3A_181 : i32
        %add3A_183 = arith.constant 0 : i32
        %add3A_184 = arith.addi %mul3A_182, %add3A_183 : i32
        %get3A_185 = arith.index_cast %add3A_184 : i32 to index
        %get3A_186 = tpu.vector_load %arg6[%get3A_185] {strides = array<i32>} : memref<2560xi32, #tpu.memory_space<vmem>>, vector<16xi32>,
        %get3A_187 = vector.shape_cast %get3A_186 : vector<16xi32> to vector<16xi32>
        %swap3A_188 = arith.constant 1 : i32
        %swap3A_189 = arith.index_cast %swap3A_188 : i32 to index
        %swap3A_190 = arith.constant 0 : index
        %swap3A_191 = tpu.vector_load %arg7[%swap3A_189, %swap3A_190] {strides = array<i32>} : memref<5x64xi32, #tpu.memory_space<vmem>>, vector<1x16xi32>,
        %swap3A_192 = vector.shape_cast %swap3A_191 : vector<1x16xi32> to vector<16xi32>
        %swap3A_193 = vector.shape_cast %get3A_187 : vector<16xi32> to vector<1x16xi32>
        tpu.vector_store %arg7[%swap3A_189, %swap3A_190], %swap3A_193 {strides = array<i32>} : memref<5x64xi32, #tpu.memory_space<vmem>>, vector<1x16xi32>,
        %mul3A_194 = arith.constant 64 : i32
        %mul3A_195 = arith.muli %add3A_169, %mul3A_194 : i32
        %add3A_196 = arith.constant 16 : i32
        %add3A_197 = arith.addi %mul3A_195, %add3A_196 : i32
        %get3A_198 = arith.index_cast %add3A_197 : i32 to index
        %get3A_199 = tpu.vector_load %arg6[%get3A_198] {strides = array<i32>} : memref<2560xi32, #tpu.memory_space<vmem>>, vector<16xi32>,
        %get3A_200 = vector.shape_cast %get3A_199 : vector<16xi32> to vector<16xi32>
        %swap3A_201 = arith.constant 1 : i32
        %swap3A_202 = arith.index_cast %swap3A_201 : i32 to index
        %swap3A_203 = arith.constant 16 : index
        %swap3A_204 = tpu.vector_load %arg7[%swap3A_202, %swap3A_203] {strides = array<i32>} : memref<5x64xi32, #tpu.memory_space<vmem>>, vector<1x16xi32>,
        %swap3A_205 = vector.shape_cast %swap3A_204 : vector<1x16xi32> to vector<16xi32>
        %swap3A_206 = vector.shape_cast %get3A_200 : vector<16xi32> to vector<1x16xi32>
        tpu.vector_store %arg7[%swap3A_202, %swap3A_203], %swap3A_206 {strides = array<i32>} : memref<5x64xi32, #tpu.memory_space<vmem>>, vector<1x16xi32>,
        %mul3A_207 = arith.constant 64 : i32
        %mul3A_208 = arith.muli %add3A_169, %mul3A_207 : i32
        %add3A_209 = arith.constant 32 : i32
        %add3A_210 = arith.addi %mul3A_208, %add3A_209 : i32
        %get3A_211 = arith.index_cast %add3A_210 : i32 to index
        %get3A_212 = tpu.vector_load %arg6[%get3A_211] {strides = array<i32>} : memref<2560xi32, #tpu.memory_space<vmem>>, vector<16xi32>,
        %get3A_213 = vector.shape_cast %get3A_212 : vector<16xi32> to vector<16xi32>
        %swap3A_214 = arith.constant 1 : i32
        %swap3A_215 = arith.index_cast %swap3A_214 : i32 to index
        %swap3A_216 = arith.constant 32 : index
        %swap3A_217 = tpu.vector_load %arg7[%swap3A_215, %swap3A_216] {strides = array<i32>} : memref<5x64xi32, #tpu.memory_space<vmem>>, vector<1x16xi32>,
        %swap3A_218 = vector.shape_cast %swap3A_217 : vector<1x16xi32> to vector<16xi32>
        %swap3A_219 = vector.shape_cast %get3A_213 : vector<16xi32> to vector<1x16xi32>
        tpu.vector_store %arg7[%swap3A_215, %swap3A_216], %swap3A_219 {strides = array<i32>} : memref<5x64xi32, #tpu.memory_space<vmem>>, vector<1x16xi32>,
        %mul3A_220 = arith.constant 64 : i32
        %mul3A_221 = arith.muli %add3A_169, %mul3A_220 : i32
        %add3A_222 = arith.constant 48 : i32
        %add3A_223 = arith.addi %mul3A_221, %add3A_222 : i32
        %get3A_224 = arith.index_cast %add3A_223 : i32 to index
        %get3A_225 = tpu.vector_load %arg6[%get3A_224] {strides = array<i32>} : memref<2560xi32, #tpu.memory_space<vmem>>, vector<16xi32>,
        %get3A_226 = vector.shape_cast %get3A_225 : vector<16xi32> to vector<16xi32>
        %swap3A_227 = arith.constant 1 : i32
        %swap3A_228 = arith.index_cast %swap3A_227 : i32 to index
        %swap3A_229 = arith.constant 48 : index
        %swap3A_230 = tpu.vector_load %arg7[%swap3A_228, %swap3A_229] {strides = array<i32>} : memref<5x64xi32, #tpu.memory_space<vmem>>, vector<1x16xi32>,
        %swap3A_231 = vector.shape_cast %swap3A_230 : vector<1x16xi32> to vector<16xi32>
        %swap3A_232 = vector.shape_cast %get3A_226 : vector<16xi32> to vector<1x16xi32>
        tpu.vector_store %arg7[%swap3A_228, %swap3A_229], %swap3A_232 {strides = array<i32>} : memref<5x64xi32, #tpu.memory_space<vmem>>, vector<1x16xi32>,
        %run_scoped3A_233 = arith.constant 1 : i32
        %run_scoped3A_234 = arith.constant 1 : i32
        "tpu.region"() ({
          %run_scoped3A_475 = tpu.sem_alloc : memref<!tpu.dma_semaphore, #tpu.memory_space<semaphore_mem>>
          %dma_start3A_476 = arith.constant 0 : i32
          %dma_start3A_477 = arith.constant 0 : i32
          %dma_start3A_478 = tpu.memref_slice %arg8[%run_scoped3A_233, %dma_start3A_476, %dma_start3A_477] : memref<5x64x128xf32, #tpu.memory_space<vmem>> -> memref<1x64x128xf32, #tpu.memory_space<vmem>>
          %dma_start3A_479 = tpu.memref_squeeze %dma_start3A_478 : memref<1x64x128xf32, #tpu.memory_space<vmem>> -> memref<64x128xf32, #tpu.memory_space<vmem>>
          %dma_start3A_480 = arith.constant 0 : i32
          %dma_start3A_481 = tpu.memref_slice %arg7[%run_scoped3A_234, %dma_start3A_480] : memref<5x64xi32, #tpu.memory_space<vmem>> -> memref<1x64xi32, #tpu.memory_space<vmem>>
          %dma_start3A_482 = tpu.memref_squeeze %dma_start3A_481 : memref<1x64xi32, #tpu.memory_space<vmem>> -> memref<64xi32, #tpu.memory_space<vmem>>
          %dma_start3A_483 = arith.constant 0 : i32
          %dma_start3A_484 = arith.constant 0 : i32
          %dma_start3A_485 = tpu.memref_slice %arg9[%dma_start3A_483, %dma_start3A_484] : memref<10240x128xf32, #tpu.memory_space<vmem_shared>> -> memref<10240x128xf32, #tpu.memory_space<vmem_shared>>
          tpu.enqueue_indirect_dma source(%dma_start3A_479 : memref<64x128xf32, #tpu.memory_space<vmem>>) target(%dma_start3A_485 : memref<10240x128xf32, #tpu.memory_space<vmem_shared>>) offsets(%dma_start3A_482 : memref<64xi32, #tpu.memory_space<vmem>>) semaphore(%run_scoped3A_475 : memref<!tpu.dma_semaphore, #tpu.memory_space<semaphore_mem>>) {add = true}
          %dma_wait3A_486 = arith.constant 0 : i32
          %dma_wait3A_487 = arith.constant 0 : i32
          %dma_wait3A_488 = tpu.memref_slice %arg8[%run_scoped3A_233, %dma_wait3A_486, %dma_wait3A_487] : memref<5x64x128xf32, #tpu.memory_space<vmem>> -> memref<1x64x128xf32, #tpu.memory_space<vmem>>
          %dma_wait3A_489 = tpu.memref_squeeze %dma_wait3A_488 : memref<1x64x128xf32, #tpu.memory_space<vmem>> -> memref<64x128xf32, #tpu.memory_space<vmem>>
          %dma_wait3A_490 = arith.constant 0 : i32
          %dma_wait3A_491 = tpu.memref_slice %arg7[%run_scoped3A_234, %dma_wait3A_490] : memref<5x64xi32, #tpu.memory_space<vmem>> -> memref<1x64xi32, #tpu.memory_space<vmem>>
          %dma_wait3A_492 = tpu.memref_squeeze %dma_wait3A_491 : memref<1x64xi32, #tpu.memory_space<vmem>> -> memref<64xi32, #tpu.memory_space<vmem>>
          %dma_wait3A_493 = arith.constant 0 : i32
          %dma_wait3A_494 = arith.constant 0 : i32
          %dma_wait3A_495 = tpu.memref_slice %arg9[%dma_wait3A_493, %dma_wait3A_494] : memref<10240x128xf32, #tpu.memory_space<vmem_shared>> -> memref<10240x128xf32, #tpu.memory_space<vmem_shared>>
          tpu.wait_indirect_dma semaphore(%run_scoped3A_475 : memref<!tpu.dma_semaphore, #tpu.memory_space<semaphore_mem>>) src(%dma_wait3A_489 : memref<64x128xf32, #tpu.memory_space<vmem>>) dst(%dma_wait3A_495 : memref<10240x128xf32, #tpu.memory_space<vmem_shared>>)
          tpu.yield
        }) : () -> ()
        %add3A_235 = arith.constant 5 : i32
        %add3A_236 = arith.addi %add3A_169, %add3A_235 : i32
        %lt3A_237 = arith.constant 40 : i32
        %lt3A_238 = arith.cmpi slt, %add3A_236, %lt3A_237 : i32
        %convert_element_type3A_239 = arith.extui %lt3A_238 : i1 to i32
        %cond3A_240 = arith.constant 1 : i32
        %cond3A_241 = arith.constant 0 : i32
        %cond3A_242 = arith.cmpi ne, %convert_element_type3A_239, %cond3A_241 : i32
        scf.if %cond3A_242 {
          %add3A_475 = arith.constant 5 : i32
          %add3A_476 = arith.addi %add3A_169, %add3A_475 : i32
          %mul3A_477 = arith.constant 64 : i32
          %mul3A_478 = arith.muli %add3A_476, %mul3A_477 : i32
          %dma_start3A_479 = arith.constant 0 : i32
          %dma_start3A_480 = arith.constant 0 : i32
          %dma_start3A_481 = tpu.memref_slice %arg8[%cond3A_240, %dma_start3A_479, %dma_start3A_480] : memref<5x64x128xf32, #tpu.memory_space<vmem>> -> memref<1x64x128xf32, #tpu.memory_space<vmem>>
          %dma_start3A_482 = tpu.memref_squeeze %dma_start3A_481 : memref<1x64x128xf32, #tpu.memory_space<vmem>> -> memref<64x128xf32, #tpu.memory_space<vmem>>
          %dma_start3A_483 = tpu.memref_slice %arg5[%mul3A_478] : memref<2560xi32, #tpu.memory_space<vmem>> -> memref<64xi32, #tpu.memory_space<vmem>>
          %dma_start3A_484 = arith.constant 0 : i32
          %dma_start3A_485 = arith.constant 0 : i32
          %dma_start3A_486 = tpu.memref_slice %arg2[%dma_start3A_484, %dma_start3A_485] : memref<10000x128xf32, #tpu.memory_space<hbm>> -> memref<10000x128xf32, #tpu.memory_space<hbm>>
          tpu.enqueue_indirect_dma source(%dma_start3A_486 : memref<10000x128xf32, #tpu.memory_space<hbm>>) target(%dma_start3A_482 : memref<64x128xf32, #tpu.memory_space<vmem>>) offsets(%dma_start3A_483 : memref<64xi32, #tpu.memory_space<vmem>>) semaphore(%arg11 : memref<!tpu.dma_semaphore, #tpu.memory_space<semaphore_mem>>)
        } else {
        }
        %mul3A_243 = arith.constant 5 : i32
        %mul3A_244 = arith.muli %scan3A_93, %mul3A_243 : i32
        %add3A_245 = arith.constant 2 : i32
        %add3A_246 = arith.addi %mul3A_244, %add3A_245 : i32
        %mul3A_247 = arith.constant 64 : i32
        %mul3A_248 = arith.muli %add3A_246, %mul3A_247 : i32
        %dma_wait3A_249 = arith.constant 2 : i32
        %dma_wait3A_250 = arith.constant 0 : i32
        %dma_wait3A_251 = arith.constant 0 : i32
        %dma_wait3A_252 = tpu.memref_slice %arg8[%dma_wait3A_249, %dma_wait3A_250, %dma_wait3A_251] : memref<5x64x128xf32, #tpu.memory_space<vmem>> -> memref<1x64x128xf32, #tpu.memory_space<vmem>>
        %dma_wait3A_253 = tpu.memref_squeeze %dma_wait3A_252 : memref<1x64x128xf32, #tpu.memory_space<vmem>> -> memref<64x128xf32, #tpu.memory_space<vmem>>
        %dma_wait3A_254 = tpu.memref_slice %arg5[%mul3A_248] : memref<2560xi32, #tpu.memory_space<vmem>> -> memref<64xi32, #tpu.memory_space<vmem>>
        %dma_wait3A_255 = arith.constant 0 : i32
        %dma_wait3A_256 = arith.constant 0 : i32
        %dma_wait3A_257 = tpu.memref_slice %arg2[%dma_wait3A_255, %dma_wait3A_256] : memref<10000x128xf32, #tpu.memory_space<hbm>> -> memref<10000x128xf32, #tpu.memory_space<hbm>>
        tpu.wait_indirect_dma semaphore(%arg12 : memref<!tpu.dma_semaphore, #tpu.memory_space<semaphore_mem>>) src(%dma_wait3A_257 : memref<10000x128xf32, #tpu.memory_space<hbm>>) dst(%dma_wait3A_253 : memref<64x128xf32, #tpu.memory_space<vmem>>)
        %mul3A_258 = arith.constant 64 : i32
        %mul3A_259 = arith.muli %add3A_246, %mul3A_258 : i32
        %add3A_260 = arith.constant 0 : i32
        %add3A_261 = arith.addi %mul3A_259, %add3A_260 : i32
        %get3A_262 = arith.index_cast %add3A_261 : i32 to index
        %get3A_263 = tpu.vector_load %arg6[%get3A_262] {strides = array<i32>} : memref<2560xi32, #tpu.memory_space<vmem>>, vector<16xi32>,
        %get3A_264 = vector.shape_cast %get3A_263 : vector<16xi32> to vector<16xi32>
        %swap3A_265 = arith.constant 2 : i32
        %swap3A_266 = arith.index_cast %swap3A_265 : i32 to index
        %swap3A_267 = arith.constant 0 : index
        %swap3A_268 = tpu.vector_load %arg7[%swap3A_266, %swap3A_267] {strides = array<i32>} : memref<5x64xi32, #tpu.memory_space<vmem>>, vector<1x16xi32>,
        %swap3A_269 = vector.shape_cast %swap3A_268 : vector<1x16xi32> to vector<16xi32>
        %swap3A_270 = vector.shape_cast %get3A_264 : vector<16xi32> to vector<1x16xi32>
        tpu.vector_store %arg7[%swap3A_266, %swap3A_267], %swap3A_270 {strides = array<i32>} : memref<5x64xi32, #tpu.memory_space<vmem>>, vector<1x16xi32>,
        %mul3A_271 = arith.constant 64 : i32
        %mul3A_272 = arith.muli %add3A_246, %mul3A_271 : i32
        %add3A_273 = arith.constant 16 : i32
        %add3A_274 = arith.addi %mul3A_272, %add3A_273 : i32
        %get3A_275 = arith.index_cast %add3A_274 : i32 to index
        %get3A_276 = tpu.vector_load %arg6[%get3A_275] {strides = array<i32>} : memref<2560xi32, #tpu.memory_space<vmem>>, vector<16xi32>,
        %get3A_277 = vector.shape_cast %get3A_276 : vector<16xi32> to vector<16xi32>
        %swap3A_278 = arith.constant 2 : i32
        %swap3A_279 = arith.index_cast %swap3A_278 : i32 to index
        %swap3A_280 = arith.constant 16 : index
        %swap3A_281 = tpu.vector_load %arg7[%swap3A_279, %swap3A_280] {strides = array<i32>} : memref<5x64xi32, #tpu.memory_space<vmem>>, vector<1x16xi32>,
        %swap3A_282 = vector.shape_cast %swap3A_281 : vector<1x16xi32> to vector<16xi32>
        %swap3A_283 = vector.shape_cast %get3A_277 : vector<16xi32> to vector<1x16xi32>
        tpu.vector_store %arg7[%swap3A_279, %swap3A_280], %swap3A_283 {strides = array<i32>} : memref<5x64xi32, #tpu.memory_space<vmem>>, vector<1x16xi32>,
        %mul3A_284 = arith.constant 64 : i32
        %mul3A_285 = arith.muli %add3A_246, %mul3A_284 : i32
        %add3A_286 = arith.constant 32 : i32
        %add3A_287 = arith.addi %mul3A_285, %add3A_286 : i32
        %get3A_288 = arith.index_cast %add3A_287 : i32 to index
        %get3A_289 = tpu.vector_load %arg6[%get3A_288] {strides = array<i32>} : memref<2560xi32, #tpu.memory_space<vmem>>, vector<16xi32>,
        %get3A_290 = vector.shape_cast %get3A_289 : vector<16xi32> to vector<16xi32>
        %swap3A_291 = arith.constant 2 : i32
        %swap3A_292 = arith.index_cast %swap3A_291 : i32 to index
        %swap3A_293 = arith.constant 32 : index
        %swap3A_294 = tpu.vector_load %arg7[%swap3A_292, %swap3A_293] {strides = array<i32>} : memref<5x64xi32, #tpu.memory_space<vmem>>, vector<1x16xi32>,
        %swap3A_295 = vector.shape_cast %swap3A_294 : vector<1x16xi32> to vector<16xi32>
        %swap3A_296 = vector.shape_cast %get3A_290 : vector<16xi32> to vector<1x16xi32>
        tpu.vector_store %arg7[%swap3A_292, %swap3A_293], %swap3A_296 {strides = array<i32>} : memref<5x64xi32, #tpu.memory_space<vmem>>, vector<1x16xi32>,
        %mul3A_297 = arith.constant 64 : i32
        %mul3A_298 = arith.muli %add3A_246, %mul3A_297 : i32
        %add3A_299 = arith.constant 48 : i32
        %add3A_300 = arith.addi %mul3A_298, %add3A_299 : i32
        %get3A_301 = arith.index_cast %add3A_300 : i32 to index
        %get3A_302 = tpu.vector_load %arg6[%get3A_301] {strides = array<i32>} : memref<2560xi32, #tpu.memory_space<vmem>>, vector<16xi32>,
        %get3A_303 = vector.shape_cast %get3A_302 : vector<16xi32> to vector<16xi32>
        %swap3A_304 = arith.constant 2 : i32
        %swap3A_305 = arith.index_cast %swap3A_304 : i32 to index
        %swap3A_306 = arith.constant 48 : index
        %swap3A_307 = tpu.vector_load %arg7[%swap3A_305, %swap3A_306] {strides = array<i32>} : memref<5x64xi32, #tpu.memory_space<vmem>>, vector<1x16xi32>,
        %swap3A_308 = vector.shape_cast %swap3A_307 : vector<1x16xi32> to vector<16xi32>
        %swap3A_309 = vector.shape_cast %get3A_303 : vector<16xi32> to vector<1x16xi32>
        tpu.vector_store %arg7[%swap3A_305, %swap3A_306], %swap3A_309 {strides = array<i32>} : memref<5x64xi32, #tpu.memory_space<vmem>>, vector<1x16xi32>,
        %run_scoped3A_310 = arith.constant 2 : i32
        %run_scoped3A_311 = arith.constant 2 : i32
        "tpu.region"() ({
          %run_scoped3A_475 = tpu.sem_alloc : memref<!tpu.dma_semaphore, #tpu.memory_space<semaphore_mem>>
          %dma_start3A_476 = arith.constant 0 : i32
          %dma_start3A_477 = arith.constant 0 : i32
          %dma_start3A_478 = tpu.memref_slice %arg8[%run_scoped3A_310, %dma_start3A_476, %dma_start3A_477] : memref<5x64x128xf32, #tpu.memory_space<vmem>> -> memref<1x64x128xf32, #tpu.memory_space<vmem>>
          %dma_start3A_479 = tpu.memref_squeeze %dma_start3A_478 : memref<1x64x128xf32, #tpu.memory_space<vmem>> -> memref<64x128xf32, #tpu.memory_space<vmem>>
          %dma_start3A_480 = arith.constant 0 : i32
          %dma_start3A_481 = tpu.memref_slice %arg7[%run_scoped3A_311, %dma_start3A_480] : memref<5x64xi32, #tpu.memory_space<vmem>> -> memref<1x64xi32, #tpu.memory_space<vmem>>
          %dma_start3A_482 = tpu.memref_squeeze %dma_start3A_481 : memref<1x64xi32, #tpu.memory_space<vmem>> -> memref<64xi32, #tpu.memory_space<vmem>>
          %dma_start3A_483 = arith.constant 0 : i32
          %dma_start3A_484 = arith.constant 0 : i32
          %dma_start3A_485 = tpu.memref_slice %arg9[%dma_start3A_483, %dma_start3A_484] : memref<10240x128xf32, #tpu.memory_space<vmem_shared>> -> memref<10240x128xf32, #tpu.memory_space<vmem_shared>>
          tpu.enqueue_indirect_dma source(%dma_start3A_479 : memref<64x128xf32, #tpu.memory_space<vmem>>) target(%dma_start3A_485 : memref<10240x128xf32, #tpu.memory_space<vmem_shared>>) offsets(%dma_start3A_482 : memref<64xi32, #tpu.memory_space<vmem>>) semaphore(%run_scoped3A_475 : memref<!tpu.dma_semaphore, #tpu.memory_space<semaphore_mem>>) {add = true}
          %dma_wait3A_486 = arith.constant 0 : i32
          %dma_wait3A_487 = arith.constant 0 : i32
          %dma_wait3A_488 = tpu.memref_slice %arg8[%run_scoped3A_310, %dma_wait3A_486, %dma_wait3A_487] : memref<5x64x128xf32, #tpu.memory_space<vmem>> -> memref<1x64x128xf32, #tpu.memory_space<vmem>>
          %dma_wait3A_489 = tpu.memref_squeeze %dma_wait3A_488 : memref<1x64x128xf32, #tpu.memory_space<vmem>> -> memref<64x128xf32, #tpu.memory_space<vmem>>
          %dma_wait3A_490 = arith.constant 0 : i32
          %dma_wait3A_491 = tpu.memref_slice %arg7[%run_scoped3A_311, %dma_wait3A_490] : memref<5x64xi32, #tpu.memory_space<vmem>> -> memref<1x64xi32, #tpu.memory_space<vmem>>
          %dma_wait3A_492 = tpu.memref_squeeze %dma_wait3A_491 : memref<1x64xi32, #tpu.memory_space<vmem>> -> memref<64xi32, #tpu.memory_space<vmem>>
          %dma_wait3A_493 = arith.constant 0 : i32
          %dma_wait3A_494 = arith.constant 0 : i32
          %dma_wait3A_495 = tpu.memref_slice %arg9[%dma_wait3A_493, %dma_wait3A_494] : memref<10240x128xf32, #tpu.memory_space<vmem_shared>> -> memref<10240x128xf32, #tpu.memory_space<vmem_shared>>
          tpu.wait_indirect_dma semaphore(%run_scoped3A_475 : memref<!tpu.dma_semaphore, #tpu.memory_space<semaphore_mem>>) src(%dma_wait3A_489 : memref<64x128xf32, #tpu.memory_space<vmem>>) dst(%dma_wait3A_495 : memref<10240x128xf32, #tpu.memory_space<vmem_shared>>)
          tpu.yield
        }) : () -> ()
        %add3A_312 = arith.constant 5 : i32
        %add3A_313 = arith.addi %add3A_246, %add3A_312 : i32
        %lt3A_314 = arith.constant 40 : i32
        %lt3A_315 = arith.cmpi slt, %add3A_313, %lt3A_314 : i32
        %convert_element_type3A_316 = arith.extui %lt3A_315 : i1 to i32
        %cond3A_317 = arith.constant 2 : i32
        %cond3A_318 = arith.constant 0 : i32
        %cond3A_319 = arith.cmpi ne, %convert_element_type3A_316, %cond3A_318 : i32
        scf.if %cond3A_319 {
          %add3A_475 = arith.constant 5 : i32
          %add3A_476 = arith.addi %add3A_246, %add3A_475 : i32
          %mul3A_477 = arith.constant 64 : i32
          %mul3A_478 = arith.muli %add3A_476, %mul3A_477 : i32
          %dma_start3A_479 = arith.constant 0 : i32
          %dma_start3A_480 = arith.constant 0 : i32
          %dma_start3A_481 = tpu.memref_slice %arg8[%cond3A_317, %dma_start3A_479, %dma_start3A_480] : memref<5x64x128xf32, #tpu.memory_space<vmem>> -> memref<1x64x128xf32, #tpu.memory_space<vmem>>
          %dma_start3A_482 = tpu.memref_squeeze %dma_start3A_481 : memref<1x64x128xf32, #tpu.memory_space<vmem>> -> memref<64x128xf32, #tpu.memory_space<vmem>>
          %dma_start3A_483 = tpu.memref_slice %arg5[%mul3A_478] : memref<2560xi32, #tpu.memory_space<vmem>> -> memref<64xi32, #tpu.memory_space<vmem>>
          %dma_start3A_484 = arith.constant 0 : i32
          %dma_start3A_485 = arith.constant 0 : i32
          %dma_start3A_486 = tpu.memref_slice %arg2[%dma_start3A_484, %dma_start3A_485] : memref<10000x128xf32, #tpu.memory_space<hbm>> -> memref<10000x128xf32, #tpu.memory_space<hbm>>
          tpu.enqueue_indirect_dma source(%dma_start3A_486 : memref<10000x128xf32, #tpu.memory_space<hbm>>) target(%dma_start3A_482 : memref<64x128xf32, #tpu.memory_space<vmem>>) offsets(%dma_start3A_483 : memref<64xi32, #tpu.memory_space<vmem>>) semaphore(%arg12 : memref<!tpu.dma_semaphore, #tpu.memory_space<semaphore_mem>>)
        } else {
        }
        %mul3A_320 = arith.constant 5 : i32
        %mul3A_321 = arith.muli %scan3A_93, %mul3A_320 : i32
        %add3A_322 = arith.constant 3 : i32
        %add3A_323 = arith.addi %mul3A_321, %add3A_322 : i32
        %mul3A_324 = arith.constant 64 : i32
        %mul3A_325 = arith.muli %add3A_323, %mul3A_324 : i32
        %dma_wait3A_326 = arith.constant 3 : i32
        %dma_wait3A_327 = arith.constant 0 : i32
        %dma_wait3A_328 = arith.constant 0 : i32
        %dma_wait3A_329 = tpu.memref_slice %arg8[%dma_wait3A_326, %dma_wait3A_327, %dma_wait3A_328] : memref<5x64x128xf32, #tpu.memory_space<vmem>> -> memref<1x64x128xf32, #tpu.memory_space<vmem>>
        %dma_wait3A_330 = tpu.memref_squeeze %dma_wait3A_329 : memref<1x64x128xf32, #tpu.memory_space<vmem>> -> memref<64x128xf32, #tpu.memory_space<vmem>>
        %dma_wait3A_331 = tpu.memref_slice %arg5[%mul3A_325] : memref<2560xi32, #tpu.memory_space<vmem>> -> memref<64xi32, #tpu.memory_space<vmem>>
        %dma_wait3A_332 = arith.constant 0 : i32
        %dma_wait3A_333 = arith.constant 0 : i32
        %dma_wait3A_334 = tpu.memref_slice %arg2[%dma_wait3A_332, %dma_wait3A_333] : memref<10000x128xf32, #tpu.memory_space<hbm>> -> memref<10000x128xf32, #tpu.memory_space<hbm>>
        tpu.wait_indirect_dma semaphore(%arg13 : memref<!tpu.dma_semaphore, #tpu.memory_space<semaphore_mem>>) src(%dma_wait3A_334 : memref<10000x128xf32, #tpu.memory_space<hbm>>) dst(%dma_wait3A_330 : memref<64x128xf32, #tpu.memory_space<vmem>>)
        %mul3A_335 = arith.constant 64 : i32
        %mul3A_336 = arith.muli %add3A_323, %mul3A_335 : i32
        %add3A_337 = arith.constant 0 : i32
        %add3A_338 = arith.addi %mul3A_336, %add3A_337 : i32
        %get3A_339 = arith.index_cast %add3A_338 : i32 to index
        %get3A_340 = tpu.vector_load %arg6[%get3A_339] {strides = array<i32>} : memref<2560xi32, #tpu.memory_space<vmem>>, vector<16xi32>,
        %get3A_341 = vector.shape_cast %get3A_340 : vector<16xi32> to vector<16xi32>
        %swap3A_342 = arith.constant 3 : i32
        %swap3A_343 = arith.index_cast %swap3A_342 : i32 to index
        %swap3A_344 = arith.constant 0 : index
        %swap3A_345 = tpu.vector_load %arg7[%swap3A_343, %swap3A_344] {strides = array<i32>} : memref<5x64xi32, #tpu.memory_space<vmem>>, vector<1x16xi32>,
        %swap3A_346 = vector.shape_cast %swap3A_345 : vector<1x16xi32> to vector<16xi32>
        %swap3A_347 = vector.shape_cast %get3A_341 : vector<16xi32> to vector<1x16xi32>
        tpu.vector_store %arg7[%swap3A_343, %swap3A_344], %swap3A_347 {strides = array<i32>} : memref<5x64xi32, #tpu.memory_space<vmem>>, vector<1x16xi32>,
        %mul3A_348 = arith.constant 64 : i32
        %mul3A_349 = arith.muli %add3A_323, %mul3A_348 : i32
        %add3A_350 = arith.constant 16 : i32
        %add3A_351 = arith.addi %mul3A_349, %add3A_350 : i32
        %get3A_352 = arith.index_cast %add3A_351 : i32 to index
        %get3A_353 = tpu.vector_load %arg6[%get3A_352] {strides = array<i32>} : memref<2560xi32, #tpu.memory_space<vmem>>, vector<16xi32>,
        %get3A_354 = vector.shape_cast %get3A_353 : vector<16xi32> to vector<16xi32>
        %swap3A_355 = arith.constant 3 : i32
        %swap3A_356 = arith.index_cast %swap3A_355 : i32 to index
        %swap3A_357 = arith.constant 16 : index
        %swap3A_358 = tpu.vector_load %arg7[%swap3A_356, %swap3A_357] {strides = array<i32>} : memref<5x64xi32, #tpu.memory_space<vmem>>, vector<1x16xi32>,
        %swap3A_359 = vector.shape_cast %swap3A_358 : vector<1x16xi32> to vector<16xi32>
        %swap3A_360 = vector.shape_cast %get3A_354 : vector<16xi32> to vector<1x16xi32>
        tpu.vector_store %arg7[%swap3A_356, %swap3A_357], %swap3A_360 {strides = array<i32>} : memref<5x64xi32, #tpu.memory_space<vmem>>, vector<1x16xi32>,
        %mul3A_361 = arith.constant 64 : i32
        %mul3A_362 = arith.muli %add3A_323, %mul3A_361 : i32
        %add3A_363 = arith.constant 32 : i32
        %add3A_364 = arith.addi %mul3A_362, %add3A_363 : i32
        %get3A_365 = arith.index_cast %add3A_364 : i32 to index
        %get3A_366 = tpu.vector_load %arg6[%get3A_365] {strides = array<i32>} : memref<2560xi32, #tpu.memory_space<vmem>>, vector<16xi32>,
        %get3A_367 = vector.shape_cast %get3A_366 : vector<16xi32> to vector<16xi32>
        %swap3A_368 = arith.constant 3 : i32
        %swap3A_369 = arith.index_cast %swap3A_368 : i32 to index
        %swap3A_370 = arith.constant 32 : index
        %swap3A_371 = tpu.vector_load %arg7[%swap3A_369, %swap3A_370] {strides = array<i32>} : memref<5x64xi32, #tpu.memory_space<vmem>>, vector<1x16xi32>,
        %swap3A_372 = vector.shape_cast %swap3A_371 : vector<1x16xi32> to vector<16xi32>
        %swap3A_373 = vector.shape_cast %get3A_367 : vector<16xi32> to vector<1x16xi32>
        tpu.vector_store %arg7[%swap3A_369, %swap3A_370], %swap3A_373 {strides = array<i32>} : memref<5x64xi32, #tpu.memory_space<vmem>>, vector<1x16xi32>,
        %mul3A_374 = arith.constant 64 : i32
        %mul3A_375 = arith.muli %add3A_323, %mul3A_374 : i32
        %add3A_376 = arith.constant 48 : i32
        %add3A_377 = arith.addi %mul3A_375, %add3A_376 : i32
        %get3A_378 = arith.index_cast %add3A_377 : i32 to index
        %get3A_379 = tpu.vector_load %arg6[%get3A_378] {strides = array<i32>} : memref<2560xi32, #tpu.memory_space<vmem>>, vector<16xi32>,
        %get3A_380 = vector.shape_cast %get3A_379 : vector<16xi32> to vector<16xi32>
        %swap3A_381 = arith.constant 3 : i32
        %swap3A_382 = arith.index_cast %swap3A_381 : i32 to index
        %swap3A_383 = arith.constant 48 : index
        %swap3A_384 = tpu.vector_load %arg7[%swap3A_382, %swap3A_383] {strides = array<i32>} : memref<5x64xi32, #tpu.memory_space<vmem>>, vector<1x16xi32>,
        %swap3A_385 = vector.shape_cast %swap3A_384 : vector<1x16xi32> to vector<16xi32>
        %swap3A_386 = vector.shape_cast %get3A_380 : vector<16xi32> to vector<1x16xi32>
        tpu.vector_store %arg7[%swap3A_382, %swap3A_383], %swap3A_386 {strides = array<i32>} : memref<5x64xi32, #tpu.memory_space<vmem>>, vector<1x16xi32>,
        %run_scoped3A_387 = arith.constant 3 : i32
        %run_scoped3A_388 = arith.constant 3 : i32
        "tpu.region"() ({
          %run_scoped3A_475 = tpu.sem_alloc : memref<!tpu.dma_semaphore, #tpu.memory_space<semaphore_mem>>
          %dma_start3A_476 = arith.constant 0 : i32
          %dma_start3A_477 = arith.constant 0 : i32
          %dma_start3A_478 = tpu.memref_slice %arg8[%run_scoped3A_387, %dma_start3A_476, %dma_start3A_477] : memref<5x64x128xf32, #tpu.memory_space<vmem>> -> memref<1x64x128xf32, #tpu.memory_space<vmem>>
          %dma_start3A_479 = tpu.memref_squeeze %dma_start3A_478 : memref<1x64x128xf32, #tpu.memory_space<vmem>> -> memref<64x128xf32, #tpu.memory_space<vmem>>
          %dma_start3A_480 = arith.constant 0 : i32
          %dma_start3A_481 = tpu.memref_slice %arg7[%run_scoped3A_388, %dma_start3A_480] : memref<5x64xi32, #tpu.memory_space<vmem>> -> memref<1x64xi32, #tpu.memory_space<vmem>>
          %dma_start3A_482 = tpu.memref_squeeze %dma_start3A_481 : memref<1x64xi32, #tpu.memory_space<vmem>> -> memref<64xi32, #tpu.memory_space<vmem>>
          %dma_start3A_483 = arith.constant 0 : i32
          %dma_start3A_484 = arith.constant 0 : i32
          %dma_start3A_485 = tpu.memref_slice %arg9[%dma_start3A_483, %dma_start3A_484] : memref<10240x128xf32, #tpu.memory_space<vmem_shared>> -> memref<10240x128xf32, #tpu.memory_space<vmem_shared>>
          tpu.enqueue_indirect_dma source(%dma_start3A_479 : memref<64x128xf32, #tpu.memory_space<vmem>>) target(%dma_start3A_485 : memref<10240x128xf32, #tpu.memory_space<vmem_shared>>) offsets(%dma_start3A_482 : memref<64xi32, #tpu.memory_space<vmem>>) semaphore(%run_scoped3A_475 : memref<!tpu.dma_semaphore, #tpu.memory_space<semaphore_mem>>) {add = true}
          %dma_wait3A_486 = arith.constant 0 : i32
          %dma_wait3A_487 = arith.constant 0 : i32
          %dma_wait3A_488 = tpu.memref_slice %arg8[%run_scoped3A_387, %dma_wait3A_486, %dma_wait3A_487] : memref<5x64x128xf32, #tpu.memory_space<vmem>> -> memref<1x64x128xf32, #tpu.memory_space<vmem>>
          %dma_wait3A_489 = tpu.memref_squeeze %dma_wait3A_488 : memref<1x64x128xf32, #tpu.memory_space<vmem>> -> memref<64x128xf32, #tpu.memory_space<vmem>>
          %dma_wait3A_490 = arith.constant 0 : i32
          %dma_wait3A_491 = tpu.memref_slice %arg7[%run_scoped3A_388, %dma_wait3A_490] : memref<5x64xi32, #tpu.memory_space<vmem>> -> memref<1x64xi32, #tpu.memory_space<vmem>>
          %dma_wait3A_492 = tpu.memref_squeeze %dma_wait3A_491 : memref<1x64xi32, #tpu.memory_space<vmem>> -> memref<64xi32, #tpu.memory_space<vmem>>
          %dma_wait3A_493 = arith.constant 0 : i32
          %dma_wait3A_494 = arith.constant 0 : i32
          %dma_wait3A_495 = tpu.memref_slice %arg9[%dma_wait3A_493, %dma_wait3A_494] : memref<10240x128xf32, #tpu.memory_space<vmem_shared>> -> memref<10240x128xf32, #tpu.memory_space<vmem_shared>>
          tpu.wait_indirect_dma semaphore(%run_scoped3A_475 : memref<!tpu.dma_semaphore, #tpu.memory_space<semaphore_mem>>) src(%dma_wait3A_489 : memref<64x128xf32, #tpu.memory_space<vmem>>) dst(%dma_wait3A_495 : memref<10240x128xf32, #tpu.memory_space<vmem_shared>>)
          tpu.yield
        }) : () -> ()
        %add3A_389 = arith.constant 5 : i32
        %add3A_390 = arith.addi %add3A_323, %add3A_389 : i32
        %lt3A_391 = arith.constant 40 : i32
        %lt3A_392 = arith.cmpi slt, %add3A_390, %lt3A_391 : i32
        %convert_element_type3A_393 = arith.extui %lt3A_392 : i1 to i32
        %cond3A_394 = arith.constant 3 : i32
        %cond3A_395 = arith.constant 0 : i32
        %cond3A_396 = arith.cmpi ne, %convert_element_type3A_393, %cond3A_395 : i32
        scf.if %cond3A_396 {
          %add3A_475 = arith.constant 5 : i32
          %add3A_476 = arith.addi %add3A_323, %add3A_475 : i32
          %mul3A_477 = arith.constant 64 : i32
          %mul3A_478 = arith.muli %add3A_476, %mul3A_477 : i32
          %dma_start3A_479 = arith.constant 0 : i32
          %dma_start3A_480 = arith.constant 0 : i32
          %dma_start3A_481 = tpu.memref_slice %arg8[%cond3A_394, %dma_start3A_479, %dma_start3A_480] : memref<5x64x128xf32, #tpu.memory_space<vmem>> -> memref<1x64x128xf32, #tpu.memory_space<vmem>>
          %dma_start3A_482 = tpu.memref_squeeze %dma_start3A_481 : memref<1x64x128xf32, #tpu.memory_space<vmem>> -> memref<64x128xf32, #tpu.memory_space<vmem>>
          %dma_start3A_483 = tpu.memref_slice %arg5[%mul3A_478] : memref<2560xi32, #tpu.memory_space<vmem>> -> memref<64xi32, #tpu.memory_space<vmem>>
          %dma_start3A_484 = arith.constant 0 : i32
          %dma_start3A_485 = arith.constant 0 : i32
          %dma_start3A_486 = tpu.memref_slice %arg2[%dma_start3A_484, %dma_start3A_485] : memref<10000x128xf32, #tpu.memory_space<hbm>> -> memref<10000x128xf32, #tpu.memory_space<hbm>>
          tpu.enqueue_indirect_dma source(%dma_start3A_486 : memref<10000x128xf32, #tpu.memory_space<hbm>>) target(%dma_start3A_482 : memref<64x128xf32, #tpu.memory_space<vmem>>) offsets(%dma_start3A_483 : memref<64xi32, #tpu.memory_space<vmem>>) semaphore(%arg13 : memref<!tpu.dma_semaphore, #tpu.memory_space<semaphore_mem>>)
        } else {
        }
        %mul3A_397 = arith.constant 5 : i32
        %mul3A_398 = arith.muli %scan3A_93, %mul3A_397 : i32
        %add3A_399 = arith.constant 4 : i32
        %add3A_400 = arith.addi %mul3A_398, %add3A_399 : i32
        %mul3A_401 = arith.constant 64 : i32
        %mul3A_402 = arith.muli %add3A_400, %mul3A_401 : i32
        %dma_wait3A_403 = arith.constant 4 : i32
        %dma_wait3A_404 = arith.constant 0 : i32
        %dma_wait3A_405 = arith.constant 0 : i32
        %dma_wait3A_406 = tpu.memref_slice %arg8[%dma_wait3A_403, %dma_wait3A_404, %dma_wait3A_405] : memref<5x64x128xf32, #tpu.memory_space<vmem>> -> memref<1x64x128xf32, #tpu.memory_space<vmem>>
        %dma_wait3A_407 = tpu.memref_squeeze %dma_wait3A_406 : memref<1x64x128xf32, #tpu.memory_space<vmem>> -> memref<64x128xf32, #tpu.memory_space<vmem>>
        %dma_wait3A_408 = tpu.memref_slice %arg5[%mul3A_402] : memref<2560xi32, #tpu.memory_space<vmem>> -> memref<64xi32, #tpu.memory_space<vmem>>
        %dma_wait3A_409 = arith.constant 0 : i32
        %dma_wait3A_410 = arith.constant 0 : i32
        %dma_wait3A_411 = tpu.memref_slice %arg2[%dma_wait3A_409, %dma_wait3A_410] : memref<10000x128xf32, #tpu.memory_space<hbm>> -> memref<10000x128xf32, #tpu.memory_space<hbm>>
        tpu.wait_indirect_dma semaphore(%arg14 : memref<!tpu.dma_semaphore, #tpu.memory_space<semaphore_mem>>) src(%dma_wait3A_411 : memref<10000x128xf32, #tpu.memory_space<hbm>>) dst(%dma_wait3A_407 : memref<64x128xf32, #tpu.memory_space<vmem>>)
        %mul3A_412 = arith.constant 64 : i32
        %mul3A_413 = arith.muli %add3A_400, %mul3A_412 : i32
        %add3A_414 = arith.constant 0 : i32
        %add3A_415 = arith.addi %mul3A_413, %add3A_414 : i32
        %get3A_416 = arith.index_cast %add3A_415 : i32 to index
        %get3A_417 = tpu.vector_load %arg6[%get3A_416] {strides = array<i32>} : memref<2560xi32, #tpu.memory_space<vmem>>, vector<16xi32>,
        %get3A_418 = vector.shape_cast %get3A_417 : vector<16xi32> to vector<16xi32>
        %swap3A_419 = arith.constant 4 : i32
        %swap3A_420 = arith.index_cast %swap3A_419 : i32 to index
        %swap3A_421 = arith.constant 0 : index
        %swap3A_422 = tpu.vector_load %arg7[%swap3A_420, %swap3A_421] {strides = array<i32>} : memref<5x64xi32, #tpu.memory_space<vmem>>, vector<1x16xi32>,
        %swap3A_423 = vector.shape_cast %swap3A_422 : vector<1x16xi32> to vector<16xi32>
        %swap3A_424 = vector.shape_cast %get3A_418 : vector<16xi32> to vector<1x16xi32>
        tpu.vector_store %arg7[%swap3A_420, %swap3A_421], %swap3A_424 {strides = array<i32>} : memref<5x64xi32, #tpu.memory_space<vmem>>, vector<1x16xi32>,
        %mul3A_425 = arith.constant 64 : i32
        %mul3A_426 = arith.muli %add3A_400, %mul3A_425 : i32
        %add3A_427 = arith.constant 16 : i32
        %add3A_428 = arith.addi %mul3A_426, %add3A_427 : i32
        %get3A_429 = arith.index_cast %add3A_428 : i32 to index
        %get3A_430 = tpu.vector_load %arg6[%get3A_429] {strides = array<i32>} : memref<2560xi32, #tpu.memory_space<vmem>>, vector<16xi32>,
        %get3A_431 = vector.shape_cast %get3A_430 : vector<16xi32> to vector<16xi32>
        %swap3A_432 = arith.constant 4 : i32
        %swap3A_433 = arith.index_cast %swap3A_432 : i32 to index
        %swap3A_434 = arith.constant 16 : index
        %swap3A_435 = tpu.vector_load %arg7[%swap3A_433, %swap3A_434] {strides = array<i32>} : memref<5x64xi32, #tpu.memory_space<vmem>>, vector<1x16xi32>,
        %swap3A_436 = vector.shape_cast %swap3A_435 : vector<1x16xi32> to vector<16xi32>
        %swap3A_437 = vector.shape_cast %get3A_431 : vector<16xi32> to vector<1x16xi32>
        tpu.vector_store %arg7[%swap3A_433, %swap3A_434], %swap3A_437 {strides = array<i32>} : memref<5x64xi32, #tpu.memory_space<vmem>>, vector<1x16xi32>,
        %mul3A_438 = arith.constant 64 : i32
        %mul3A_439 = arith.muli %add3A_400, %mul3A_438 : i32
        %add3A_440 = arith.constant 32 : i32
        %add3A_441 = arith.addi %mul3A_439, %add3A_440 : i32
        %get3A_442 = arith.index_cast %add3A_441 : i32 to index
        %get3A_443 = tpu.vector_load %arg6[%get3A_442] {strides = array<i32>} : memref<2560xi32, #tpu.memory_space<vmem>>, vector<16xi32>,
        %get3A_444 = vector.shape_cast %get3A_443 : vector<16xi32> to vector<16xi32>
        %swap3A_445 = arith.constant 4 : i32
        %swap3A_446 = arith.index_cast %swap3A_445 : i32 to index
        %swap3A_447 = arith.constant 32 : index
        %swap3A_448 = tpu.vector_load %arg7[%swap3A_446, %swap3A_447] {strides = array<i32>} : memref<5x64xi32, #tpu.memory_space<vmem>>, vector<1x16xi32>,
        %swap3A_449 = vector.shape_cast %swap3A_448 : vector<1x16xi32> to vector<16xi32>
        %swap3A_450 = vector.shape_cast %get3A_444 : vector<16xi32> to vector<1x16xi32>
        tpu.vector_store %arg7[%swap3A_446, %swap3A_447], %swap3A_450 {strides = array<i32>} : memref<5x64xi32, #tpu.memory_space<vmem>>, vector<1x16xi32>,
        %mul3A_451 = arith.constant 64 : i32
        %mul3A_452 = arith.muli %add3A_400, %mul3A_451 : i32
        %add3A_453 = arith.constant 48 : i32
        %add3A_454 = arith.addi %mul3A_452, %add3A_453 : i32
        %get3A_455 = arith.index_cast %add3A_454 : i32 to index
        %get3A_456 = tpu.vector_load %arg6[%get3A_455] {strides = array<i32>} : memref<2560xi32, #tpu.memory_space<vmem>>, vector<16xi32>,
        %get3A_457 = vector.shape_cast %get3A_456 : vector<16xi32> to vector<16xi32>
        %swap3A_458 = arith.constant 4 : i32
        %swap3A_459 = arith.index_cast %swap3A_458 : i32 to index
        %swap3A_460 = arith.constant 48 : index
        %swap3A_461 = tpu.vector_load %arg7[%swap3A_459, %swap3A_460] {strides = array<i32>} : memref<5x64xi32, #tpu.memory_space<vmem>>, vector<1x16xi32>,
        %swap3A_462 = vector.shape_cast %swap3A_461 : vector<1x16xi32> to vector<16xi32>
        %swap3A_463 = vector.shape_cast %get3A_457 : vector<16xi32> to vector<1x16xi32>
        tpu.vector_store %arg7[%swap3A_459, %swap3A_460], %swap3A_463 {strides = array<i32>} : memref<5x64xi32, #tpu.memory_space<vmem>>, vector<1x16xi32>,
        %run_scoped3A_464 = arith.constant 4 : i32
        %run_scoped3A_465 = arith.constant 4 : i32
        "tpu.region"() ({
          %run_scoped3A_475 = tpu.sem_alloc : memref<!tpu.dma_semaphore, #tpu.memory_space<semaphore_mem>>
          %dma_start3A_476 = arith.constant 0 : i32
          %dma_start3A_477 = arith.constant 0 : i32
          %dma_start3A_478 = tpu.memref_slice %arg8[%run_scoped3A_464, %dma_start3A_476, %dma_start3A_477] : memref<5x64x128xf32, #tpu.memory_space<vmem>> -> memref<1x64x128xf32, #tpu.memory_space<vmem>>
          %dma_start3A_479 = tpu.memref_squeeze %dma_start3A_478 : memref<1x64x128xf32, #tpu.memory_space<vmem>> -> memref<64x128xf32, #tpu.memory_space<vmem>>
          %dma_start3A_480 = arith.constant 0 : i32
          %dma_start3A_481 = tpu.memref_slice %arg7[%run_scoped3A_465, %dma_start3A_480] : memref<5x64xi32, #tpu.memory_space<vmem>> -> memref<1x64xi32, #tpu.memory_space<vmem>>
          %dma_start3A_482 = tpu.memref_squeeze %dma_start3A_481 : memref<1x64xi32, #tpu.memory_space<vmem>> -> memref<64xi32, #tpu.memory_space<vmem>>
          %dma_start3A_483 = arith.constant 0 : i32
          %dma_start3A_484 = arith.constant 0 : i32
          %dma_start3A_485 = tpu.memref_slice %arg9[%dma_start3A_483, %dma_start3A_484] : memref<10240x128xf32, #tpu.memory_space<vmem_shared>> -> memref<10240x128xf32, #tpu.memory_space<vmem_shared>>
          tpu.enqueue_indirect_dma source(%dma_start3A_479 : memref<64x128xf32, #tpu.memory_space<vmem>>) target(%dma_start3A_485 : memref<10240x128xf32, #tpu.memory_space<vmem_shared>>) offsets(%dma_start3A_482 : memref<64xi32, #tpu.memory_space<vmem>>) semaphore(%run_scoped3A_475 : memref<!tpu.dma_semaphore, #tpu.memory_space<semaphore_mem>>) {add = true}
          %dma_wait3A_486 = arith.constant 0 : i32
          %dma_wait3A_487 = arith.constant 0 : i32
          %dma_wait3A_488 = tpu.memref_slice %arg8[%run_scoped3A_464, %dma_wait3A_486, %dma_wait3A_487] : memref<5x64x128xf32, #tpu.memory_space<vmem>> -> memref<1x64x128xf32, #tpu.memory_space<vmem>>
          %dma_wait3A_489 = tpu.memref_squeeze %dma_wait3A_488 : memref<1x64x128xf32, #tpu.memory_space<vmem>> -> memref<64x128xf32, #tpu.memory_space<vmem>>
          %dma_wait3A_490 = arith.constant 0 : i32
          %dma_wait3A_491 = tpu.memref_slice %arg7[%run_scoped3A_465, %dma_wait3A_490] : memref<5x64xi32, #tpu.memory_space<vmem>> -> memref<1x64xi32, #tpu.memory_space<vmem>>
          %dma_wait3A_492 = tpu.memref_squeeze %dma_wait3A_491 : memref<1x64xi32, #tpu.memory_space<vmem>> -> memref<64xi32, #tpu.memory_space<vmem>>
          %dma_wait3A_493 = arith.constant 0 : i32
          %dma_wait3A_494 = arith.constant 0 : i32
          %dma_wait3A_495 = tpu.memref_slice %arg9[%dma_wait3A_493, %dma_wait3A_494] : memref<10240x128xf32, #tpu.memory_space<vmem_shared>> -> memref<10240x128xf32, #tpu.memory_space<vmem_shared>>
          tpu.wait_indirect_dma semaphore(%run_scoped3A_475 : memref<!tpu.dma_semaphore, #tpu.memory_space<semaphore_mem>>) src(%dma_wait3A_489 : memref<64x128xf32, #tpu.memory_space<vmem>>) dst(%dma_wait3A_495 : memref<10240x128xf32, #tpu.memory_space<vmem_shared>>)
          tpu.yield
        }) : () -> ()
        %add3A_466 = arith.constant 5 : i32
        %add3A_467 = arith.addi %add3A_400, %add3A_466 : i32
        %lt3A_468 = arith.constant 40 : i32
        %lt3A_469 = arith.cmpi slt, %add3A_467, %lt3A_468 : i32
        %convert_element_type3A_470 = arith.extui %lt3A_469 : i1 to i32
        %cond3A_471 = arith.constant 4 : i32
        %cond3A_472 = arith.constant 0 : i32
        %cond3A_473 = arith.cmpi ne, %convert_element_type3A_470, %cond3A_472 : i32
        scf.if %cond3A_473 {
          %add3A_475 = arith.constant 5 : i32
          %add3A_476 = arith.addi %add3A_400, %add3A_475 : i32
          %mul3A_477 = arith.constant 64 : i32
          %mul3A_478 = arith.muli %add3A_476, %mul3A_477 : i32
          %dma_start3A_479 = arith.constant 0 : i32
          %dma_start3A_480 = arith.constant 0 : i32
          %dma_start3A_481 = tpu.memref_slice %arg8[%cond3A_471, %dma_start3A_479, %dma_start3A_480] : memref<5x64x128xf32, #tpu.memory_space<vmem>> -> memref<1x64x128xf32, #tpu.memory_space<vmem>>
          %dma_start3A_482 = tpu.memref_squeeze %dma_start3A_481 : memref<1x64x128xf32, #tpu.memory_space<vmem>> -> memref<64x128xf32, #tpu.memory_space<vmem>>
          %dma_start3A_483 = tpu.memref_slice %arg5[%mul3A_478] : memref<2560xi32, #tpu.memory_space<vmem>> -> memref<64xi32, #tpu.memory_space<vmem>>
          %dma_start3A_484 = arith.constant 0 : i32
          %dma_start3A_485 = arith.constant 0 : i32
          %dma_start3A_486 = tpu.memref_slice %arg2[%dma_start3A_484, %dma_start3A_485] : memref<10000x128xf32, #tpu.memory_space<hbm>> -> memref<10000x128xf32, #tpu.memory_space<hbm>>
          tpu.enqueue_indirect_dma source(%dma_start3A_486 : memref<10000x128xf32, #tpu.memory_space<hbm>>) target(%dma_start3A_482 : memref<64x128xf32, #tpu.memory_space<vmem>>) offsets(%dma_start3A_483 : memref<64xi32, #tpu.memory_space<vmem>>) semaphore(%arg14 : memref<!tpu.dma_semaphore, #tpu.memory_space<semaphore_mem>>)
        } else {
        }
        %scan3A_474 = arith.constant 0 : i32
        scf.yield %scan3A_474 : i32
      }
      %scan3A_91 = arith.constant 8 : i32
      %scan3A_92 = arith.constant 0 : i32
      scf.yield %scan3A_92 : i32
    }
    %scan3A_22 = arith.constant 4 : i32
    %barrier3A_23 = arith.constant 0 : index
    tpu.barrier barrier_id(%barrier3A_23)
    %mul3A_24 = arith.constant 640 : i32
    %mul3A_25 = arith.muli %arg1, %mul3A_24 : i32
    %mul3A_26 = arith.constant 640 : i32
    %mul3A_27 = arith.muli %arg1, %mul3A_26 : i32
    "tpu.region"() ({
      %run_scoped3A = tpu.sem_alloc : memref<!tpu.dma_semaphore, #tpu.memory_space<semaphore_mem>>
      %dma_start3A = arith.constant 0 : i32
      %dma_start3A_28 = arith.constant 0 : i32
      %dma_start3A_29 = tpu.memref_slice %arg4[%arg0, %dma_start3A, %dma_start3A_28] : memref<2x10240x128xf32, #tpu.memory_space<hbm>> -> memref<1x10240x128xf32, #tpu.memory_space<hbm>>
      %dma_start3A_30 = tpu.memref_squeeze %dma_start3A_29 : memref<1x10240x128xf32, #tpu.memory_space<hbm>> -> memref<10240x128xf32, #tpu.memory_space<hbm>>
      %dma_start3A_31 = arith.constant 0 : i32
      %dma_start3A_32 = tpu.memref_slice %dma_start3A_30[%mul3A_27, %dma_start3A_31] : memref<10240x128xf32, #tpu.memory_space<hbm>> -> memref<640x128xf32, #tpu.memory_space<hbm>>
      %dma_start3A_33 = arith.constant 0 : i32
      %dma_start3A_34 = tpu.memref_slice %arg9[%mul3A_25, %dma_start3A_33] : memref<10240x128xf32, #tpu.memory_space<vmem_shared>> -> memref<640x128xf32, #tpu.memory_space<vmem_shared>>
      tpu.enqueue_dma source(%dma_start3A_34 : memref<640x128xf32, #tpu.memory_space<vmem_shared>>) target(%dma_start3A_32 : memref<640x128xf32, #tpu.memory_space<hbm>>) target_semaphore(%run_scoped3A : memref<!tpu.dma_semaphore, #tpu.memory_space<semaphore_mem>>)
      %dma_wait3A = arith.constant 0 : i32
      %dma_wait3A_35 = arith.constant 0 : i32
      %dma_wait3A_36 = tpu.memref_slice %arg4[%arg0, %dma_wait3A, %dma_wait3A_35] : memref<2x10240x128xf32, #tpu.memory_space<hbm>> -> memref<1x10240x128xf32, #tpu.memory_space<hbm>>
      %dma_wait3A_37 = tpu.memref_squeeze %dma_wait3A_36 : memref<1x10240x128xf32, #tpu.memory_space<hbm>> -> memref<10240x128xf32, #tpu.memory_space<hbm>>
      %dma_wait3A_38 = arith.constant 0 : i32
      %dma_wait3A_39 = tpu.memref_slice %dma_wait3A_37[%mul3A_27, %dma_wait3A_38] : memref<10240x128xf32, #tpu.memory_space<hbm>> -> memref<640x128xf32, #tpu.memory_space<hbm>>
      %dma_wait3A_40 = arith.constant 0 : i32
      %dma_wait3A_41 = tpu.memref_slice %arg9[%mul3A_25, %dma_wait3A_40] : memref<10240x128xf32, #tpu.memory_space<vmem_shared>> -> memref<640x128xf32, #tpu.memory_space<vmem_shared>>
      tpu.wait_dma2 semaphore(%run_scoped3A : memref<!tpu.dma_semaphore, #tpu.memory_space<semaphore_mem>>) src(%dma_wait3A_41 : memref<640x128xf32, #tpu.memory_space<vmem_shared>>) dst(%dma_wait3A_39 : memref<640x128xf32, #tpu.memory_space<hbm>>)
      tpu.yield
    }) : () -> ()
    return
  }
}

#map = affine_map<(d0, d1) -> (0, 0)>
module attributes {stable_mosaic.version = 14 : i64} {
  func.func @gcn_degree_sc(%arg0: i32, %arg1: i32, %arg2: memref<2x327680xi32, #tpu.memory_space<hbm>>, %arg3: memref<2x10240xf32, #tpu.memory_space<hbm>>, %arg4: memref<10240xi32, #tpu.memory_space<vmem>>, %arg5: memref<1x128xi32, #tpu.memory_space<vmem>>, %arg6: memref<128xf32, #tpu.memory_space<vmem>>, %arg7: memref<640xf32, #tpu.memory_space<vmem>>, %arg8: memref<10240xf32, #tpu.memory_space<vmem_shared>>, %arg9: memref<!tpu.dma_semaphore, #tpu.memory_space<semaphore_mem>>) attributes {dimension_semantics = [#tpu.dimension_semantics<core_parallel>, #tpu.dimension_semantics<subcore_parallel>], iteration_bounds = array<i64: 2, 16>, scalar_prefetch = 0 : i64, scratch_operands = 6 : i64, tpu.core_type = #tpu.core_type<sc_vector_subcore>, window_params = [{transform_indices = #map}, {transform_indices = #map}]} {
    %mul3A = arith.constant 16 : i32
    %mul3A_0 = arith.muli %arg0, %mul3A : i32
    %add3A = arith.addi %mul3A_0, %arg1 : i32
    %mul3A_1 = arith.constant 10240 : i32
    %mul3A_2 = arith.muli %add3A, %mul3A_1 : i32
    %run_scoped3A = arith.constant 1 : i32
    "tpu.region"() ({
      %run_scoped3A_33 = tpu.sem_alloc : memref<!tpu.dma_semaphore, #tpu.memory_space<semaphore_mem>>
      %dma_start3A = arith.constant 0 : i32
      %dma_start3A_34 = tpu.memref_slice %arg2[%run_scoped3A, %dma_start3A] : memref<2x327680xi32, #tpu.memory_space<hbm>> -> memref<1x327680xi32, #tpu.memory_space<hbm>>
      %dma_start3A_35 = tpu.memref_squeeze %dma_start3A_34 : memref<1x327680xi32, #tpu.memory_space<hbm>> -> memref<327680xi32, #tpu.memory_space<hbm>>
      %dma_start3A_36 = tpu.memref_slice %dma_start3A_35[%mul3A_2] : memref<327680xi32, #tpu.memory_space<hbm>> -> memref<10240xi32, #tpu.memory_space<hbm>>
      %dma_start3A_37 = arith.constant 0 : i32
      %dma_start3A_38 = tpu.memref_slice %arg2[%run_scoped3A, %dma_start3A_37] : memref<2x327680xi32, #tpu.memory_space<hbm>> -> memref<1x327680xi32, #tpu.memory_space<hbm>>
      %dma_start3A_39 = tpu.memref_squeeze %dma_start3A_38 : memref<1x327680xi32, #tpu.memory_space<hbm>> -> memref<327680xi32, #tpu.memory_space<hbm>>
      %dma_start3A_40 = tpu.memref_slice %dma_start3A_39[%mul3A_2] : memref<327680xi32, #tpu.memory_space<hbm>> -> memref<10240xi32, #tpu.memory_space<hbm>>
      tpu.enqueue_dma source(%dma_start3A_40 : memref<10240xi32, #tpu.memory_space<hbm>>) target(%arg4 : memref<10240xi32, #tpu.memory_space<vmem>>) target_semaphore(%run_scoped3A_33 : memref<!tpu.dma_semaphore, #tpu.memory_space<semaphore_mem>>)
      %dma_wait3A = arith.constant 0 : i32
      %dma_wait3A_41 = tpu.memref_slice %arg2[%run_scoped3A, %dma_wait3A] : memref<2x327680xi32, #tpu.memory_space<hbm>> -> memref<1x327680xi32, #tpu.memory_space<hbm>>
      %dma_wait3A_42 = tpu.memref_squeeze %dma_wait3A_41 : memref<1x327680xi32, #tpu.memory_space<hbm>> -> memref<327680xi32, #tpu.memory_space<hbm>>
      %dma_wait3A_43 = tpu.memref_slice %dma_wait3A_42[%mul3A_2] : memref<327680xi32, #tpu.memory_space<hbm>> -> memref<10240xi32, #tpu.memory_space<hbm>>
      %dma_wait3A_44 = arith.constant 0 : i32
      %dma_wait3A_45 = tpu.memref_slice %arg2[%run_scoped3A, %dma_wait3A_44] : memref<2x327680xi32, #tpu.memory_space<hbm>> -> memref<1x327680xi32, #tpu.memory_space<hbm>>
      %dma_wait3A_46 = tpu.memref_squeeze %dma_wait3A_45 : memref<1x327680xi32, #tpu.memory_space<hbm>> -> memref<327680xi32, #tpu.memory_space<hbm>>
      %dma_wait3A_47 = tpu.memref_slice %dma_wait3A_46[%mul3A_2] : memref<327680xi32, #tpu.memory_space<hbm>> -> memref<10240xi32, #tpu.memory_space<hbm>>
      tpu.wait_dma2 semaphore(%run_scoped3A_33 : memref<!tpu.dma_semaphore, #tpu.memory_space<semaphore_mem>>) src(%dma_wait3A_47 : memref<10240xi32, #tpu.memory_space<hbm>>) dst(%arg4 : memref<10240xi32, #tpu.memory_space<vmem>>)
      tpu.yield
    }) : () -> ()
    %broadcast_in_dim3A = arith.constant 1.000000e+00 : f32
    %broadcast_in_dim3A_3 = vector.broadcast %broadcast_in_dim3A : f32 to vector<16xf32>
    %scan3A = arith.constant 0 : i32
    %scan3A_4 = arith.constant 0 : i32
    %scan3A_5 = arith.constant 8 : i32
    %scan3A_6 = arith.addi %scan3A_4, %scan3A_5 : i32
    %scan3A_7 = arith.constant 1 : i32
    %scan3A_8 = scf.for %scan3A_33 = %scan3A_4 to %scan3A_6 step %scan3A_7 iter_args(%scan3A_34 = %scan3A) -> (i32)  : i32 {
      %mul3A_35 = arith.constant 16 : i32
      %mul3A_36 = arith.muli %scan3A_33, %mul3A_35 : i32
      %swap3A = arith.index_cast %mul3A_36 : i32 to index
      %swap3A_37 = tpu.vector_load %arg6[%swap3A] {strides = array<i32>} : memref<128xf32, #tpu.memory_space<vmem>>, vector<16xf32>,
      %swap3A_38 = vector.shape_cast %swap3A_37 : vector<16xf32> to vector<16xf32>
      %swap3A_39 = vector.shape_cast %broadcast_in_dim3A_3 : vector<16xf32> to vector<16xf32>
      tpu.vector_store %arg6[%swap3A], %swap3A_39 {strides = array<i32>} : memref<128xf32, #tpu.memory_space<vmem>>, vector<16xf32>,
      %scan3A_40 = arith.constant 0 : i32
      scf.yield %scan3A_40 : i32
    }
    %scan3A_9 = arith.constant 8 : i32
    %broadcast_in_dim3A_10 = arith.constant 0.000000e+00 : f32
    %broadcast_in_dim3A_11 = vector.broadcast %broadcast_in_dim3A_10 : f32 to vector<16xf32>
    %scan3A_12 = arith.constant 0 : i32
    %scan3A_13 = arith.constant 0 : i32
    %scan3A_14 = arith.constant 40 : i32
    %scan3A_15 = arith.addi %scan3A_13, %scan3A_14 : i32
    %scan3A_16 = arith.constant 1 : i32
    %scan3A_17 = scf.for %scan3A_33 = %scan3A_13 to %scan3A_15 step %scan3A_16 iter_args(%scan3A_34 = %scan3A_12) -> (i32)  : i32 {
      %mul3A_35 = arith.constant 16 : i32
      %mul3A_36 = arith.muli %scan3A_33, %mul3A_35 : i32
      %swap3A = arith.index_cast %mul3A_36 : i32 to index
      %swap3A_37 = tpu.vector_load %arg7[%swap3A] {strides = array<i32>} : memref<640xf32, #tpu.memory_space<vmem>>, vector<16xf32>,
      %swap3A_38 = vector.shape_cast %swap3A_37 : vector<16xf32> to vector<16xf32>
      %swap3A_39 = vector.shape_cast %broadcast_in_dim3A_11 : vector<16xf32> to vector<16xf32>
      tpu.vector_store %arg7[%swap3A], %swap3A_39 {strides = array<i32>} : memref<640xf32, #tpu.memory_space<vmem>>, vector<16xf32>,
      %scan3A_40 = arith.constant 0 : i32
      scf.yield %scan3A_40 : i32
    }
    %scan3A_18 = arith.constant 40 : i32
    %mul3A_19 = arith.constant 640 : i32
    %mul3A_20 = arith.muli %arg1, %mul3A_19 : i32
    "tpu.region"() ({
      %run_scoped3A_33 = tpu.sem_alloc : memref<!tpu.dma_semaphore, #tpu.memory_space<semaphore_mem>>
      %dma_start3A = tpu.memref_slice %arg8[%mul3A_20] : memref<10240xf32, #tpu.memory_space<vmem_shared>> -> memref<640xf32, #tpu.memory_space<vmem_shared>>
      %dma_start3A_34 = tpu.memref_slice %arg8[%mul3A_20] : memref<10240xf32, #tpu.memory_space<vmem_shared>> -> memref<640xf32, #tpu.memory_space<vmem_shared>>
      tpu.enqueue_dma source(%arg7 : memref<640xf32, #tpu.memory_space<vmem>>) target(%dma_start3A_34 : memref<640xf32, #tpu.memory_space<vmem_shared>>) target_semaphore(%run_scoped3A_33 : memref<!tpu.dma_semaphore, #tpu.memory_space<semaphore_mem>>)
      %dma_wait3A = tpu.memref_slice %arg8[%mul3A_20] : memref<10240xf32, #tpu.memory_space<vmem_shared>> -> memref<640xf32, #tpu.memory_space<vmem_shared>>
      %dma_wait3A_35 = tpu.memref_slice %arg8[%mul3A_20] : memref<10240xf32, #tpu.memory_space<vmem_shared>> -> memref<640xf32, #tpu.memory_space<vmem_shared>>
      tpu.wait_dma2 semaphore(%run_scoped3A_33 : memref<!tpu.dma_semaphore, #tpu.memory_space<semaphore_mem>>) src(%arg7 : memref<640xf32, #tpu.memory_space<vmem>>) dst(%dma_wait3A_35 : memref<640xf32, #tpu.memory_space<vmem_shared>>)
      tpu.yield
    }) : () -> ()
    %barrier3A = arith.constant 0 : index
    tpu.barrier barrier_id(%barrier3A)
    %scan3A_21 = arith.constant 0 : i32
    %scan3A_22 = arith.constant 0 : i32
    %scan3A_23 = arith.constant 80 : i32
    %scan3A_24 = arith.addi %scan3A_22, %scan3A_23 : i32
    %scan3A_25 = arith.constant 1 : i32
    %scan3A_26 = scf.for %scan3A_33 = %scan3A_22 to %scan3A_24 step %scan3A_25 iter_args(%scan3A_34 = %scan3A_21) -> (i32)  : i32 {
      %mul3A_35 = arith.constant 128 : i32
      %mul3A_36 = arith.muli %scan3A_33, %mul3A_35 : i32
      %add3A_37 = arith.constant 0 : i32
      %add3A_38 = arith.addi %mul3A_36, %add3A_37 : i32
      %get3A = arith.index_cast %add3A_38 : i32 to index
      %get3A_39 = tpu.vector_load %arg4[%get3A] {strides = array<i32>} : memref<10240xi32, #tpu.memory_space<vmem>>, vector<16xi32>,
      %get3A_40 = vector.shape_cast %get3A_39 : vector<16xi32> to vector<16xi32>
      %swap3A = arith.constant 0 : i32
      %swap3A_41 = arith.index_cast %swap3A : i32 to index
      %swap3A_42 = arith.constant 0 : index
      %swap3A_43 = tpu.vector_load %arg5[%swap3A_41, %swap3A_42] {strides = array<i32>} : memref<1x128xi32, #tpu.memory_space<vmem>>, vector<1x16xi32>,
      %swap3A_44 = vector.shape_cast %swap3A_43 : vector<1x16xi32> to vector<16xi32>
      %swap3A_45 = vector.shape_cast %get3A_40 : vector<16xi32> to vector<1x16xi32>
      tpu.vector_store %arg5[%swap3A_41, %swap3A_42], %swap3A_45 {strides = array<i32>} : memref<1x128xi32, #tpu.memory_space<vmem>>, vector<1x16xi32>,
      %mul3A_46 = arith.constant 128 : i32
      %mul3A_47 = arith.muli %scan3A_33, %mul3A_46 : i32
      %add3A_48 = arith.constant 16 : i32
      %add3A_49 = arith.addi %mul3A_47, %add3A_48 : i32
      %get3A_50 = arith.index_cast %add3A_49 : i32 to index
      %get3A_51 = tpu.vector_load %arg4[%get3A_50] {strides = array<i32>} : memref<10240xi32, #tpu.memory_space<vmem>>, vector<16xi32>,
      %get3A_52 = vector.shape_cast %get3A_51 : vector<16xi32> to vector<16xi32>
      %swap3A_53 = arith.constant 0 : i32
      %swap3A_54 = arith.index_cast %swap3A_53 : i32 to index
      %swap3A_55 = arith.constant 16 : index
      %swap3A_56 = tpu.vector_load %arg5[%swap3A_54, %swap3A_55] {strides = array<i32>} : memref<1x128xi32, #tpu.memory_space<vmem>>, vector<1x16xi32>,
      %swap3A_57 = vector.shape_cast %swap3A_56 : vector<1x16xi32> to vector<16xi32>
      %swap3A_58 = vector.shape_cast %get3A_52 : vector<16xi32> to vector<1x16xi32>
      tpu.vector_store %arg5[%swap3A_54, %swap3A_55], %swap3A_58 {strides = array<i32>} : memref<1x128xi32, #tpu.memory_space<vmem>>, vector<1x16xi32>,
      %mul3A_59 = arith.constant 128 : i32
      %mul3A_60 = arith.muli %scan3A_33, %mul3A_59 : i32
      %add3A_61 = arith.constant 32 : i32
      %add3A_62 = arith.addi %mul3A_60, %add3A_61 : i32
      %get3A_63 = arith.index_cast %add3A_62 : i32 to index
      %get3A_64 = tpu.vector_load %arg4[%get3A_63] {strides = array<i32>} : memref<10240xi32, #tpu.memory_space<vmem>>, vector<16xi32>,
      %get3A_65 = vector.shape_cast %get3A_64 : vector<16xi32> to vector<16xi32>
      %swap3A_66 = arith.constant 0 : i32
      %swap3A_67 = arith.index_cast %swap3A_66 : i32 to index
      %swap3A_68 = arith.constant 32 : index
      %swap3A_69 = tpu.vector_load %arg5[%swap3A_67, %swap3A_68] {strides = array<i32>} : memref<1x128xi32, #tpu.memory_space<vmem>>, vector<1x16xi32>,
      %swap3A_70 = vector.shape_cast %swap3A_69 : vector<1x16xi32> to vector<16xi32>
      %swap3A_71 = vector.shape_cast %get3A_65 : vector<16xi32> to vector<1x16xi32>
      tpu.vector_store %arg5[%swap3A_67, %swap3A_68], %swap3A_71 {strides = array<i32>} : memref<1x128xi32, #tpu.memory_space<vmem>>, vector<1x16xi32>,
      %mul3A_72 = arith.constant 128 : i32
      %mul3A_73 = arith.muli %scan3A_33, %mul3A_72 : i32
      %add3A_74 = arith.constant 48 : i32
      %add3A_75 = arith.addi %mul3A_73, %add3A_74 : i32
      %get3A_76 = arith.index_cast %add3A_75 : i32 to index
      %get3A_77 = tpu.vector_load %arg4[%get3A_76] {strides = array<i32>} : memref<10240xi32, #tpu.memory_space<vmem>>, vector<16xi32>,
      %get3A_78 = vector.shape_cast %get3A_77 : vector<16xi32> to vector<16xi32>
      %swap3A_79 = arith.constant 0 : i32
      %swap3A_80 = arith.index_cast %swap3A_79 : i32 to index
      %swap3A_81 = arith.constant 48 : index
      %swap3A_82 = tpu.vector_load %arg5[%swap3A_80, %swap3A_81] {strides = array<i32>} : memref<1x128xi32, #tpu.memory_space<vmem>>, vector<1x16xi32>,
      %swap3A_83 = vector.shape_cast %swap3A_82 : vector<1x16xi32> to vector<16xi32>
      %swap3A_84 = vector.shape_cast %get3A_78 : vector<16xi32> to vector<1x16xi32>
      tpu.vector_store %arg5[%swap3A_80, %swap3A_81], %swap3A_84 {strides = array<i32>} : memref<1x128xi32, #tpu.memory_space<vmem>>, vector<1x16xi32>,
      %mul3A_85 = arith.constant 128 : i32
      %mul3A_86 = arith.muli %scan3A_33, %mul3A_85 : i32
      %add3A_87 = arith.constant 64 : i32
      %add3A_88 = arith.addi %mul3A_86, %add3A_87 : i32
      %get3A_89 = arith.index_cast %add3A_88 : i32 to index
      %get3A_90 = tpu.vector_load %arg4[%get3A_89] {strides = array<i32>} : memref<10240xi32, #tpu.memory_space<vmem>>, vector<16xi32>,
      %get3A_91 = vector.shape_cast %get3A_90 : vector<16xi32> to vector<16xi32>
      %swap3A_92 = arith.constant 0 : i32
      %swap3A_93 = arith.index_cast %swap3A_92 : i32 to index
      %swap3A_94 = arith.constant 64 : index
      %swap3A_95 = tpu.vector_load %arg5[%swap3A_93, %swap3A_94] {strides = array<i32>} : memref<1x128xi32, #tpu.memory_space<vmem>>, vector<1x16xi32>,
      %swap3A_96 = vector.shape_cast %swap3A_95 : vector<1x16xi32> to vector<16xi32>
      %swap3A_97 = vector.shape_cast %get3A_91 : vector<16xi32> to vector<1x16xi32>
      tpu.vector_store %arg5[%swap3A_93, %swap3A_94], %swap3A_97 {strides = array<i32>} : memref<1x128xi32, #tpu.memory_space<vmem>>, vector<1x16xi32>,
      %mul3A_98 = arith.constant 128 : i32
      %mul3A_99 = arith.muli %scan3A_33, %mul3A_98 : i32
      %add3A_100 = arith.constant 80 : i32
      %add3A_101 = arith.addi %mul3A_99, %add3A_100 : i32
      %get3A_102 = arith.index_cast %add3A_101 : i32 to index
      %get3A_103 = tpu.vector_load %arg4[%get3A_102] {strides = array<i32>} : memref<10240xi32, #tpu.memory_space<vmem>>, vector<16xi32>,
      %get3A_104 = vector.shape_cast %get3A_103 : vector<16xi32> to vector<16xi32>
      %swap3A_105 = arith.constant 0 : i32
      %swap3A_106 = arith.index_cast %swap3A_105 : i32 to index
      %swap3A_107 = arith.constant 80 : index
      %swap3A_108 = tpu.vector_load %arg5[%swap3A_106, %swap3A_107] {strides = array<i32>} : memref<1x128xi32, #tpu.memory_space<vmem>>, vector<1x16xi32>,
      %swap3A_109 = vector.shape_cast %swap3A_108 : vector<1x16xi32> to vector<16xi32>
      %swap3A_110 = vector.shape_cast %get3A_104 : vector<16xi32> to vector<1x16xi32>
      tpu.vector_store %arg5[%swap3A_106, %swap3A_107], %swap3A_110 {strides = array<i32>} : memref<1x128xi32, #tpu.memory_space<vmem>>, vector<1x16xi32>,
      %mul3A_111 = arith.constant 128 : i32
      %mul3A_112 = arith.muli %scan3A_33, %mul3A_111 : i32
      %add3A_113 = arith.constant 96 : i32
      %add3A_114 = arith.addi %mul3A_112, %add3A_113 : i32
      %get3A_115 = arith.index_cast %add3A_114 : i32 to index
      %get3A_116 = tpu.vector_load %arg4[%get3A_115] {strides = array<i32>} : memref<10240xi32, #tpu.memory_space<vmem>>, vector<16xi32>,
      %get3A_117 = vector.shape_cast %get3A_116 : vector<16xi32> to vector<16xi32>
      %swap3A_118 = arith.constant 0 : i32
      %swap3A_119 = arith.index_cast %swap3A_118 : i32 to index
      %swap3A_120 = arith.constant 96 : index
      %swap3A_121 = tpu.vector_load %arg5[%swap3A_119, %swap3A_120] {strides = array<i32>} : memref<1x128xi32, #tpu.memory_space<vmem>>, vector<1x16xi32>,
      %swap3A_122 = vector.shape_cast %swap3A_121 : vector<1x16xi32> to vector<16xi32>
      %swap3A_123 = vector.shape_cast %get3A_117 : vector<16xi32> to vector<1x16xi32>
      tpu.vector_store %arg5[%swap3A_119, %swap3A_120], %swap3A_123 {strides = array<i32>} : memref<1x128xi32, #tpu.memory_space<vmem>>, vector<1x16xi32>,
      %mul3A_124 = arith.constant 128 : i32
      %mul3A_125 = arith.muli %scan3A_33, %mul3A_124 : i32
      %add3A_126 = arith.constant 112 : i32
      %add3A_127 = arith.addi %mul3A_125, %add3A_126 : i32
      %get3A_128 = arith.index_cast %add3A_127 : i32 to index
      %get3A_129 = tpu.vector_load %arg4[%get3A_128] {strides = array<i32>} : memref<10240xi32, #tpu.memory_space<vmem>>, vector<16xi32>,
      %get3A_130 = vector.shape_cast %get3A_129 : vector<16xi32> to vector<16xi32>
      %swap3A_131 = arith.constant 0 : i32
      %swap3A_132 = arith.index_cast %swap3A_131 : i32 to index
      %swap3A_133 = arith.constant 112 : index
      %swap3A_134 = tpu.vector_load %arg5[%swap3A_132, %swap3A_133] {strides = array<i32>} : memref<1x128xi32, #tpu.memory_space<vmem>>, vector<1x16xi32>,
      %swap3A_135 = vector.shape_cast %swap3A_134 : vector<1x16xi32> to vector<16xi32>
      %swap3A_136 = vector.shape_cast %get3A_130 : vector<16xi32> to vector<1x16xi32>
      tpu.vector_store %arg5[%swap3A_132, %swap3A_133], %swap3A_136 {strides = array<i32>} : memref<1x128xi32, #tpu.memory_space<vmem>>, vector<1x16xi32>,
      %run_scoped3A_137 = arith.constant 0 : i32
      "tpu.region"() ({
        %run_scoped3A_139 = tpu.sem_alloc : memref<!tpu.dma_semaphore, #tpu.memory_space<semaphore_mem>>
        %dma_start3A = arith.constant 0 : i32
        %dma_start3A_140 = tpu.memref_slice %arg5[%run_scoped3A_137, %dma_start3A] : memref<1x128xi32, #tpu.memory_space<vmem>> -> memref<1x128xi32, #tpu.memory_space<vmem>>
        %dma_start3A_141 = tpu.memref_squeeze %dma_start3A_140 : memref<1x128xi32, #tpu.memory_space<vmem>> -> memref<128xi32, #tpu.memory_space<vmem>>
        %dma_start3A_142 = arith.constant 0 : i32
        %dma_start3A_143 = tpu.memref_slice %arg8[%dma_start3A_142] : memref<10240xf32, #tpu.memory_space<vmem_shared>> -> memref<10240xf32, #tpu.memory_space<vmem_shared>>
        tpu.enqueue_indirect_dma source(%arg6 : memref<128xf32, #tpu.memory_space<vmem>>) target(%dma_start3A_143 : memref<10240xf32, #tpu.memory_space<vmem_shared>>) offsets(%dma_start3A_141 : memref<128xi32, #tpu.memory_space<vmem>>) semaphore(%run_scoped3A_139 : memref<!tpu.dma_semaphore, #tpu.memory_space<semaphore_mem>>) {add = true}
        %dma_wait3A = arith.constant 0 : i32
        %dma_wait3A_144 = tpu.memref_slice %arg5[%run_scoped3A_137, %dma_wait3A] : memref<1x128xi32, #tpu.memory_space<vmem>> -> memref<1x128xi32, #tpu.memory_space<vmem>>
        %dma_wait3A_145 = tpu.memref_squeeze %dma_wait3A_144 : memref<1x128xi32, #tpu.memory_space<vmem>> -> memref<128xi32, #tpu.memory_space<vmem>>
        %dma_wait3A_146 = arith.constant 0 : i32
        %dma_wait3A_147 = tpu.memref_slice %arg8[%dma_wait3A_146] : memref<10240xf32, #tpu.memory_space<vmem_shared>> -> memref<10240xf32, #tpu.memory_space<vmem_shared>>
        tpu.wait_indirect_dma semaphore(%run_scoped3A_139 : memref<!tpu.dma_semaphore, #tpu.memory_space<semaphore_mem>>) src(%arg6 : memref<128xf32, #tpu.memory_space<vmem>>) dst(%dma_wait3A_147 : memref<10240xf32, #tpu.memory_space<vmem_shared>>)
        tpu.yield
      }) : () -> ()
      %scan3A_138 = arith.constant 0 : i32
      scf.yield %scan3A_138 : i32
    }
    %scan3A_27 = arith.constant 80 : i32
    %barrier3A_28 = arith.constant 0 : index
    tpu.barrier barrier_id(%barrier3A_28)
    %mul3A_29 = arith.constant 640 : i32
    %mul3A_30 = arith.muli %arg1, %mul3A_29 : i32
    %mul3A_31 = arith.constant 640 : i32
    %mul3A_32 = arith.muli %arg1, %mul3A_31 : i32
    "tpu.region"() ({
      %run_scoped3A_33 = tpu.sem_alloc : memref<!tpu.dma_semaphore, #tpu.memory_space<semaphore_mem>>
      %dma_start3A = arith.constant 0 : i32
      %dma_start3A_34 = tpu.memref_slice %arg3[%arg0, %dma_start3A] : memref<2x10240xf32, #tpu.memory_space<hbm>> -> memref<1x10240xf32, #tpu.memory_space<hbm>>
      %dma_start3A_35 = tpu.memref_squeeze %dma_start3A_34 : memref<1x10240xf32, #tpu.memory_space<hbm>> -> memref<10240xf32, #tpu.memory_space<hbm>>
      %dma_start3A_36 = tpu.memref_slice %dma_start3A_35[%mul3A_32] : memref<10240xf32, #tpu.memory_space<hbm>> -> memref<640xf32, #tpu.memory_space<hbm>>
      %dma_start3A_37 = tpu.memref_slice %arg8[%mul3A_30] : memref<10240xf32, #tpu.memory_space<vmem_shared>> -> memref<640xf32, #tpu.memory_space<vmem_shared>>
      tpu.enqueue_dma source(%dma_start3A_37 : memref<640xf32, #tpu.memory_space<vmem_shared>>) target(%dma_start3A_36 : memref<640xf32, #tpu.memory_space<hbm>>) target_semaphore(%run_scoped3A_33 : memref<!tpu.dma_semaphore, #tpu.memory_space<semaphore_mem>>)
      %dma_wait3A = arith.constant 0 : i32
      %dma_wait3A_38 = tpu.memref_slice %arg3[%arg0, %dma_wait3A] : memref<2x10240xf32, #tpu.memory_space<hbm>> -> memref<1x10240xf32, #tpu.memory_space<hbm>>
      %dma_wait3A_39 = tpu.memref_squeeze %dma_wait3A_38 : memref<1x10240xf32, #tpu.memory_space<hbm>> -> memref<10240xf32, #tpu.memory_space<hbm>>
      %dma_wait3A_40 = tpu.memref_slice %dma_wait3A_39[%mul3A_32] : memref<10240xf32, #tpu.memory_space<hbm>> -> memref<640xf32, #tpu.memory_space<hbm>>
      %dma_wait3A_41 = tpu.memref_slice %arg8[%mul3A_30] : memref<10240xf32, #tpu.memory_space<vmem_shared>> -> memref<640xf32, #tpu.memory_space<vmem_shared>>
      tpu.wait_dma2 semaphore(%run_scoped3A_33 : memref<!tpu.dma_semaphore, #tpu.memory_space<semaphore_mem>>) src(%dma_wait3A_41 : memref<640xf32, #tpu.memory_space<vmem_shared>>) dst(%dma_wait3A_40 : memref<640xf32, #tpu.memory_space<hbm>>)
      tpu.yield
    }) : () -> ()
    return
  }
}

#map = affine_map<(d0, d1) -> (0, 0)>
#map1 = affine_map<(d0, d1) -> (0, 0, 0)>
module attributes {stable_mosaic.version = 14 : i64} {
  func.func @gcn_gather_scatter_sc(%arg0: i32, %arg1: i32, %arg2: memref<10000x128xf32, #tpu.memory_space<hbm>>, %arg3: memref<2x327680xi32, #tpu.memory_space<hbm>>, %arg4: memref<2x10240x128xf32, #tpu.memory_space<hbm>>, %arg5: memref<2560xi32, #tpu.memory_space<vmem>>, %arg6: memref<2560xi32, #tpu.memory_space<vmem>>, %arg7: memref<5x64xi32, #tpu.memory_space<vmem>>, %arg8: memref<5x64x128xf32, #tpu.memory_space<vmem>>, %arg9: memref<10240x128xf32, #tpu.memory_space<vmem_shared>>, %arg10: memref<!tpu.dma_semaphore, #tpu.memory_space<semaphore_mem>>, %arg11: memref<!tpu.dma_semaphore, #tpu.memory_space<semaphore_mem>>, %arg12: memref<!tpu.dma_semaphore, #tpu.memory_space<semaphore_mem>>, %arg13: memref<!tpu.dma_semaphore, #tpu.memory_space<semaphore_mem>>, %arg14: memref<!tpu.dma_semaphore, #tpu.memory_space<semaphore_mem>>) attributes {dimension_semantics = [#tpu.dimension_semantics<core_parallel>, #tpu.dimension_semantics<subcore_parallel>], iteration_bounds = array<i64: 2, 16>, scalar_prefetch = 0 : i64, scratch_operands = 10 : i64, tpu.core_type = #tpu.core_type<sc_vector_subcore>, window_params = [{transform_indices = #map}, {transform_indices = #map}, {transform_indices = #map1}]} {
    %mul3A = arith.constant 16 : i32
    %mul3A_0 = arith.muli %arg0, %mul3A : i32
    %add3A = arith.addi %mul3A_0, %arg1 : i32
    %scan3A = arith.constant 0 : i32
    %scan3A_1 = arith.constant 0 : i32
    %scan3A_2 = arith.constant 0 : i32
    %scan3A_3 = arith.constant 512 : i32
    %scan3A_4 = arith.addi %scan3A_2, %scan3A_3 : i32
    %scan3A_5 = arith.constant 1 : i32
    %scan3A_6 = scf.for %scan3A_28 = %scan3A_2 to %scan3A_4 step %scan3A_5 iter_args(%scan3A_29 = %scan3A_1) -> (i32)  : i32 {
      %broadcast_in_dim3A = arith.constant 0.000000e+00 : f32
      %broadcast_in_dim3A_30 = vector.broadcast %broadcast_in_dim3A : f32 to vector<16xf32>
      %jit3A = arith.constant 8 : i32
      %div3A = arith.divsi %scan3A_28, %jit3A : i32
      %sign3A = arith.constant 0 : i32
      %sign3A_31 = arith.cmpi sgt, %scan3A_28, %sign3A : i32
      %sign3A_32 = arith.extui %sign3A_31 : i1 to i32
      %sign3A_33 = arith.constant 0 : i32
      %sign3A_34 = arith.cmpi slt, %scan3A_28, %sign3A_33 : i32
      %sign3A_35 = arith.extui %sign3A_34 : i1 to i32
      %sign3A_36 = arith.subi %sign3A_32, %sign3A_35 : i32
      %sign3A_37 = arith.constant 0 : i32
      %sign3A_38 = arith.cmpi sgt, %jit3A, %sign3A_37 : i32
      %sign3A_39 = arith.extui %sign3A_38 : i1 to i32
      %sign3A_40 = arith.constant 0 : i32
      %sign3A_41 = arith.cmpi slt, %jit3A, %sign3A_40 : i32
      %sign3A_42 = arith.extui %sign3A_41 : i1 to i32
      %sign3A_43 = arith.subi %sign3A_39, %sign3A_42 : i32
      %ne3A = arith.cmpi ne, %sign3A_36, %sign3A_43 : i32
      %rem3A = arith.remsi %scan3A_28, %jit3A : i32
      %ne3A_44 = arith.constant 0 : i32
      %ne3A_45 = arith.cmpi ne, %rem3A, %ne3A_44 : i32
      %and3A = arith.andi %ne3A, %ne3A_45 : i1
      %sub3A = arith.constant 1 : i32
      %sub3A_46 = arith.subi %div3A, %sub3A : i32
      %select_n3A = arith.select %and3A, %sub3A_46, %div3A : i32
      %jit3A_47 = arith.constant 8 : i32
      %eq3A = arith.constant 0 : i32
      %eq3A_48 = arith.cmpi eq, %jit3A_47, %eq3A : i32
      %jit3A_49 = arith.constant 1 : i32
      %select_n3A_50 = arith.select %eq3A_48, %jit3A_49, %jit3A_47 : i32
      %rem3A_51 = arith.remsi %scan3A_28, %select_n3A_50 : i32
      %ne3A_52 = arith.constant 0 : i32
      %ne3A_53 = arith.cmpi ne, %rem3A_51, %ne3A_52 : i32
      %lt3A = arith.constant 0 : i32
      %lt3A_54 = arith.cmpi slt, %rem3A_51, %lt3A : i32
      %lt3A_55 = arith.constant 0 : i32
      %lt3A_56 = arith.cmpi slt, %select_n3A_50, %lt3A_55 : i32
      %ne3A_57 = arith.xori %lt3A_54, %lt3A_56 : i1
      %and3A_58 = arith.andi %ne3A_57, %ne3A_53 : i1
      %add3A_59 = arith.addi %rem3A_51, %select_n3A_50 : i32
      %select_n3A_60 = arith.select %and3A_58, %add3A_59, %rem3A_51 : i32
      %mul3A_61 = arith.constant 16 : i32
      %mul3A_62 = arith.muli %select_n3A_60, %mul3A_61 : i32
      %swap3A = arith.constant 0 : i32
      %swap3A_63 = arith.constant 0 : i32
      %swap3A_64 = tpu.memref_slice %arg8[%scan3A, %swap3A, %swap3A_63] : memref<5x64x128xf32, #tpu.memory_space<vmem>> -> memref<1x64x128xf32, #tpu.memory_space<vmem>>
      %swap3A_65 = tpu.memref_squeeze %swap3A_64 : memref<1x64x128xf32, #tpu.memory_space<vmem>> -> memref<64x128xf32, #tpu.memory_space<vmem>>
      %swap3A_66 = arith.index_cast %select_n3A : i32 to index
      %swap3A_67 = arith.index_cast %mul3A_62 : i32 to index
      %swap3A_68 = tpu.vector_load %swap3A_65[%swap3A_66, %swap3A_67] {strides = array<i32>} : memref<64x128xf32, #tpu.memory_space<vmem>>, vector<1x16xf32>,
      %swap3A_69 = vector.shape_cast %swap3A_68 : vector<1x16xf32> to vector<16xf32>
      %swap3A_70 = vector.shape_cast %broadcast_in_dim3A_30 : vector<16xf32> to vector<1x16xf32>
      tpu.vector_store %swap3A_65[%swap3A_66, %swap3A_67], %swap3A_70 {strides = array<i32>} : memref<64x128xf32, #tpu.memory_space<vmem>>, vector<1x16xf32>,
      %scan3A_71 = arith.constant 0 : i32
      scf.yield %scan3A_71 : i32
    }
    %scan3A_7 = arith.constant 512 : i32
    %scan3A_8 = arith.constant 0 : i32
    %scan3A_9 = arith.constant 0 : i32
    %scan3A_10 = arith.constant 0 : i32
    %scan3A_11 = arith.constant 10 : i32
    %scan3A_12 = arith.addi %scan3A_10, %scan3A_11 : i32
    %scan3A_13 = arith.constant 1 : i32
    %scan3A_14 = scf.for %scan3A_28 = %scan3A_10 to %scan3A_12 step %scan3A_13 iter_args(%scan3A_29 = %scan3A_9) -> (i32)  : i32 {
      %mul3A_30 = arith.constant 640 : i32
      %mul3A_31 = arith.muli %arg1, %mul3A_30 : i32
      %mul3A_32 = arith.constant 64 : i32
      %mul3A_33 = arith.muli %scan3A_28, %mul3A_32 : i32
      %add3A_34 = arith.addi %mul3A_31, %mul3A_33 : i32
      "tpu.region"() ({
        %run_scoped3A = tpu.sem_alloc : memref<!tpu.dma_semaphore, #tpu.memory_space<semaphore_mem>>
        %dma_start3A = arith.constant 0 : i32
        %dma_start3A_36 = arith.constant 0 : i32
        %dma_start3A_37 = tpu.memref_slice %arg8[%scan3A_8, %dma_start3A, %dma_start3A_36] : memref<5x64x128xf32, #tpu.memory_space<vmem>> -> memref<1x64x128xf32, #tpu.memory_space<vmem>>
        %dma_start3A_38 = tpu.memref_squeeze %dma_start3A_37 : memref<1x64x128xf32, #tpu.memory_space<vmem>> -> memref<64x128xf32, #tpu.memory_space<vmem>>
        %dma_start3A_39 = arith.constant 0 : i32
        %dma_start3A_40 = tpu.memref_slice %arg9[%add3A_34, %dma_start3A_39] : memref<10240x128xf32, #tpu.memory_space<vmem_shared>> -> memref<64x128xf32, #tpu.memory_space<vmem_shared>>
        %dma_start3A_41 = arith.constant 0 : i32
        %dma_start3A_42 = tpu.memref_slice %arg9[%add3A_34, %dma_start3A_41] : memref<10240x128xf32, #tpu.memory_space<vmem_shared>> -> memref<64x128xf32, #tpu.memory_space<vmem_shared>>
        %dma_start3A_43 = arith.constant 0 : i32
        %dma_start3A_44 = arith.constant 0 : i32
        %dma_start3A_45 = tpu.memref_slice %arg8[%scan3A_8, %dma_start3A_43, %dma_start3A_44] : memref<5x64x128xf32, #tpu.memory_space<vmem>> -> memref<1x64x128xf32, #tpu.memory_space<vmem>>
        %dma_start3A_46 = tpu.memref_squeeze %dma_start3A_45 : memref<1x64x128xf32, #tpu.memory_space<vmem>> -> memref<64x128xf32, #tpu.memory_space<vmem>>
        tpu.enqueue_dma source(%dma_start3A_46 : memref<64x128xf32, #tpu.memory_space<vmem>>) target(%dma_start3A_42 : memref<64x128xf32, #tpu.memory_space<vmem_shared>>) target_semaphore(%run_scoped3A : memref<!tpu.dma_semaphore, #tpu.memory_space<semaphore_mem>>)
        %dma_wait3A = arith.constant 0 : i32
        %dma_wait3A_47 = arith.constant 0 : i32
        %dma_wait3A_48 = tpu.memref_slice %arg8[%scan3A_8, %dma_wait3A, %dma_wait3A_47] : memref<5x64x128xf32, #tpu.memory_space<vmem>> -> memref<1x64x128xf32, #tpu.memory_space<vmem>>
        %dma_wait3A_49 = tpu.memref_squeeze %dma_wait3A_48 : memref<1x64x128xf32, #tpu.memory_space<vmem>> -> memref<64x128xf32, #tpu.memory_space<vmem>>
        %dma_wait3A_50 = arith.constant 0 : i32
        %dma_wait3A_51 = tpu.memref_slice %arg9[%add3A_34, %dma_wait3A_50] : memref<10240x128xf32, #tpu.memory_space<vmem_shared>> -> memref<64x128xf32, #tpu.memory_space<vmem_shared>>
        %dma_wait3A_52 = arith.constant 0 : i32
        %dma_wait3A_53 = tpu.memref_slice %arg9[%add3A_34, %dma_wait3A_52] : memref<10240x128xf32, #tpu.memory_space<vmem_shared>> -> memref<64x128xf32, #tpu.memory_space<vmem_shared>>
        %dma_wait3A_54 = arith.constant 0 : i32
        %dma_wait3A_55 = arith.constant 0 : i32
        %dma_wait3A_56 = tpu.memref_slice %arg8[%scan3A_8, %dma_wait3A_54, %dma_wait3A_55] : memref<5x64x128xf32, #tpu.memory_space<vmem>> -> memref<1x64x128xf32, #tpu.memory_space<vmem>>
        %dma_wait3A_57 = tpu.memref_squeeze %dma_wait3A_56 : memref<1x64x128xf32, #tpu.memory_space<vmem>> -> memref<64x128xf32, #tpu.memory_space<vmem>>
        tpu.wait_dma2 semaphore(%run_scoped3A : memref<!tpu.dma_semaphore, #tpu.memory_space<semaphore_mem>>) src(%dma_wait3A_57 : memref<64x128xf32, #tpu.memory_space<vmem>>) dst(%dma_wait3A_53 : memref<64x128xf32, #tpu.memory_space<vmem_shared>>)
        tpu.yield
      }) : () -> ()
      %scan3A_35 = arith.constant 0 : i32
      scf.yield %scan3A_35 : i32
    }
    %scan3A_15 = arith.constant 10 : i32
    %barrier3A = arith.constant 0 : index
    tpu.barrier barrier_id(%barrier3A)
    %scan3A_16 = arith.constant 0 : i32
    %scan3A_17 = arith.constant 0 : i32
    %scan3A_18 = arith.constant 4 : i32
    %scan3A_19 = arith.addi %scan3A_17, %scan3A_18 : i32
    %scan3A_20 = arith.constant 1 : i32
    %scan3A_21 = scf.for %scan3A_28 = %scan3A_17 to %scan3A_19 step %scan3A_20 iter_args(%scan3A_29 = %scan3A_16) -> (i32)  : i32 {
      %mul3A_30 = arith.constant 10240 : i32
      %mul3A_31 = arith.muli %add3A, %mul3A_30 : i32
      %mul3A_32 = arith.constant 2560 : i32
      %mul3A_33 = arith.muli %scan3A_28, %mul3A_32 : i32
      %add3A_34 = arith.addi %mul3A_31, %mul3A_33 : i32
      %run_scoped3A = arith.constant 0 : i32
      "tpu.region"() ({
        %run_scoped3A_93 = tpu.sem_alloc : memref<!tpu.dma_semaphore, #tpu.memory_space<semaphore_mem>>
        %dma_start3A_94 = arith.constant 0 : i32
        %dma_start3A_95 = tpu.memref_slice %arg3[%run_scoped3A, %dma_start3A_94] : memref<2x327680xi32, #tpu.memory_space<hbm>> -> memref<1x327680xi32, #tpu.memory_space<hbm>>
        %dma_start3A_96 = tpu.memref_squeeze %dma_start3A_95 : memref<1x327680xi32, #tpu.memory_space<hbm>> -> memref<327680xi32, #tpu.memory_space<hbm>>
        %dma_start3A_97 = tpu.memref_slice %dma_start3A_96[%add3A_34] : memref<327680xi32, #tpu.memory_space<hbm>> -> memref<2560xi32, #tpu.memory_space<hbm>>
        %dma_start3A_98 = arith.constant 0 : i32
        %dma_start3A_99 = tpu.memref_slice %arg3[%run_scoped3A, %dma_start3A_98] : memref<2x327680xi32, #tpu.memory_space<hbm>> -> memref<1x327680xi32, #tpu.memory_space<hbm>>
        %dma_start3A_100 = tpu.memref_squeeze %dma_start3A_99 : memref<1x327680xi32, #tpu.memory_space<hbm>> -> memref<327680xi32, #tpu.memory_space<hbm>>
        %dma_start3A_101 = tpu.memref_slice %dma_start3A_100[%add3A_34] : memref<327680xi32, #tpu.memory_space<hbm>> -> memref<2560xi32, #tpu.memory_space<hbm>>
        tpu.enqueue_dma source(%dma_start3A_101 : memref<2560xi32, #tpu.memory_space<hbm>>) target(%arg5 : memref<2560xi32, #tpu.memory_space<vmem>>) target_semaphore(%run_scoped3A_93 : memref<!tpu.dma_semaphore, #tpu.memory_space<semaphore_mem>>)
        %dma_wait3A = arith.constant 0 : i32
        %dma_wait3A_102 = tpu.memref_slice %arg3[%run_scoped3A, %dma_wait3A] : memref<2x327680xi32, #tpu.memory_space<hbm>> -> memref<1x327680xi32, #tpu.memory_space<hbm>>
        %dma_wait3A_103 = tpu.memref_squeeze %dma_wait3A_102 : memref<1x327680xi32, #tpu.memory_space<hbm>> -> memref<327680xi32, #tpu.memory_space<hbm>>
        %dma_wait3A_104 = tpu.memref_slice %dma_wait3A_103[%add3A_34] : memref<327680xi32, #tpu.memory_space<hbm>> -> memref<2560xi32, #tpu.memory_space<hbm>>
        %dma_wait3A_105 = arith.constant 0 : i32
        %dma_wait3A_106 = tpu.memref_slice %arg3[%run_scoped3A, %dma_wait3A_105] : memref<2x327680xi32, #tpu.memory_space<hbm>> -> memref<1x327680xi32, #tpu.memory_space<hbm>>
        %dma_wait3A_107 = tpu.memref_squeeze %dma_wait3A_106 : memref<1x327680xi32, #tpu.memory_space<hbm>> -> memref<327680xi32, #tpu.memory_space<hbm>>
        %dma_wait3A_108 = tpu.memref_slice %dma_wait3A_107[%add3A_34] : memref<327680xi32, #tpu.memory_space<hbm>> -> memref<2560xi32, #tpu.memory_space<hbm>>
        tpu.wait_dma2 semaphore(%run_scoped3A_93 : memref<!tpu.dma_semaphore, #tpu.memory_space<semaphore_mem>>) src(%dma_wait3A_108 : memref<2560xi32, #tpu.memory_space<hbm>>) dst(%arg5 : memref<2560xi32, #tpu.memory_space<vmem>>)
        tpu.yield
      }) : () -> ()
      %run_scoped3A_35 = arith.constant 1 : i32
      "tpu.region"() ({
        %run_scoped3A_93 = tpu.sem_alloc : memref<!tpu.dma_semaphore, #tpu.memory_space<semaphore_mem>>
        %dma_start3A_94 = arith.constant 0 : i32
        %dma_start3A_95 = tpu.memref_slice %arg3[%run_scoped3A_35, %dma_start3A_94] : memref<2x327680xi32, #tpu.memory_space<hbm>> -> memref<1x327680xi32, #tpu.memory_space<hbm>>
        %dma_start3A_96 = tpu.memref_squeeze %dma_start3A_95 : memref<1x327680xi32, #tpu.memory_space<hbm>> -> memref<327680xi32, #tpu.memory_space<hbm>>
        %dma_start3A_97 = tpu.memref_slice %dma_start3A_96[%add3A_34] : memref<327680xi32, #tpu.memory_space<hbm>> -> memref<2560xi32, #tpu.memory_space<hbm>>
        %dma_start3A_98 = arith.constant 0 : i32
        %dma_start3A_99 = tpu.memref_slice %arg3[%run_scoped3A_35, %dma_start3A_98] : memref<2x327680xi32, #tpu.memory_space<hbm>> -> memref<1x327680xi32, #tpu.memory_space<hbm>>
        %dma_start3A_100 = tpu.memref_squeeze %dma_start3A_99 : memref<1x327680xi32, #tpu.memory_space<hbm>> -> memref<327680xi32, #tpu.memory_space<hbm>>
        %dma_start3A_101 = tpu.memref_slice %dma_start3A_100[%add3A_34] : memref<327680xi32, #tpu.memory_space<hbm>> -> memref<2560xi32, #tpu.memory_space<hbm>>
        tpu.enqueue_dma source(%dma_start3A_101 : memref<2560xi32, #tpu.memory_space<hbm>>) target(%arg6 : memref<2560xi32, #tpu.memory_space<vmem>>) target_semaphore(%run_scoped3A_93 : memref<!tpu.dma_semaphore, #tpu.memory_space<semaphore_mem>>)
        %dma_wait3A = arith.constant 0 : i32
        %dma_wait3A_102 = tpu.memref_slice %arg3[%run_scoped3A_35, %dma_wait3A] : memref<2x327680xi32, #tpu.memory_space<hbm>> -> memref<1x327680xi32, #tpu.memory_space<hbm>>
        %dma_wait3A_103 = tpu.memref_squeeze %dma_wait3A_102 : memref<1x327680xi32, #tpu.memory_space<hbm>> -> memref<327680xi32, #tpu.memory_space<hbm>>
        %dma_wait3A_104 = tpu.memref_slice %dma_wait3A_103[%add3A_34] : memref<327680xi32, #tpu.memory_space<hbm>> -> memref<2560xi32, #tpu.memory_space<hbm>>
        %dma_wait3A_105 = arith.constant 0 : i32
        %dma_wait3A_106 = tpu.memref_slice %arg3[%run_scoped3A_35, %dma_wait3A_105] : memref<2x327680xi32, #tpu.memory_space<hbm>> -> memref<1x327680xi32, #tpu.memory_space<hbm>>
        %dma_wait3A_107 = tpu.memref_squeeze %dma_wait3A_106 : memref<1x327680xi32, #tpu.memory_space<hbm>> -> memref<327680xi32, #tpu.memory_space<hbm>>
        %dma_wait3A_108 = tpu.memref_slice %dma_wait3A_107[%add3A_34] : memref<327680xi32, #tpu.memory_space<hbm>> -> memref<2560xi32, #tpu.memory_space<hbm>>
        tpu.wait_dma2 semaphore(%run_scoped3A_93 : memref<!tpu.dma_semaphore, #tpu.memory_space<semaphore_mem>>) src(%dma_wait3A_108 : memref<2560xi32, #tpu.memory_space<hbm>>) dst(%arg6 : memref<2560xi32, #tpu.memory_space<vmem>>)
        tpu.yield
      }) : () -> ()
      %dma_start3A = arith.constant 0 : i32
      %dma_start3A_36 = arith.constant 0 : i32
      %dma_start3A_37 = arith.constant 0 : i32
      %dma_start3A_38 = tpu.memref_slice %arg8[%dma_start3A, %dma_start3A_36, %dma_start3A_37] : memref<5x64x128xf32, #tpu.memory_space<vmem>> -> memref<1x64x128xf32, #tpu.memory_space<vmem>>
      %dma_start3A_39 = tpu.memref_squeeze %dma_start3A_38 : memref<1x64x128xf32, #tpu.memory_space<vmem>> -> memref<64x128xf32, #tpu.memory_space<vmem>>
      %dma_start3A_40 = arith.constant 0 : i32
      %dma_start3A_41 = tpu.memref_slice %arg5[%dma_start3A_40] : memref<2560xi32, #tpu.memory_space<vmem>> -> memref<64xi32, #tpu.memory_space<vmem>>
      %dma_start3A_42 = arith.constant 0 : i32
      %dma_start3A_43 = arith.constant 0 : i32
      %dma_start3A_44 = tpu.memref_slice %arg2[%dma_start3A_42, %dma_start3A_43] : memref<10000x128xf32, #tpu.memory_space<hbm>> -> memref<10000x128xf32, #tpu.memory_space<hbm>>
      tpu.enqueue_indirect_dma source(%dma_start3A_44 : memref<10000x128xf32, #tpu.memory_space<hbm>>) target(%dma_start3A_39 : memref<64x128xf32, #tpu.memory_space<vmem>>) offsets(%dma_start3A_41 : memref<64xi32, #tpu.memory_space<vmem>>) semaphore(%arg10 : memref<!tpu.dma_semaphore, #tpu.memory_space<semaphore_mem>>)
      %dma_start3A_45 = arith.constant 1 : i32
      %dma_start3A_46 = arith.constant 0 : i32
      %dma_start3A_47 = arith.constant 0 : i32
      %dma_start3A_48 = tpu.memref_slice %arg8[%dma_start3A_45, %dma_start3A_46, %dma_start3A_47] : memref<5x64x128xf32, #tpu.memory_space<vmem>> -> memref<1x64x128xf32, #tpu.memory_space<vmem>>
      %dma_start3A_49 = tpu.memref_squeeze %dma_start3A_48 : memref<1x64x128xf32, #tpu.memory_space<vmem>> -> memref<64x128xf32, #tpu.memory_space<vmem>>
      %dma_start3A_50 = arith.constant 64 : i32
      %dma_start3A_51 = tpu.memref_slice %arg5[%dma_start3A_50] : memref<2560xi32, #tpu.memory_space<vmem>> -> memref<64xi32, #tpu.memory_space<vmem>>
      %dma_start3A_52 = arith.constant 0 : i32
      %dma_start3A_53 = arith.constant 0 : i32
      %dma_start3A_54 = tpu.memref_slice %arg2[%dma_start3A_52, %dma_start3A_53] : memref<10000x128xf32, #tpu.memory_space<hbm>> -> memref<10000x128xf32, #tpu.memory_space<hbm>>
      tpu.enqueue_indirect_dma source(%dma_start3A_54 : memref<10000x128xf32, #tpu.memory_space<hbm>>) target(%dma_start3A_49 : memref<64x128xf32, #tpu.memory_space<vmem>>) offsets(%dma_start3A_51 : memref<64xi32, #tpu.memory_space<vmem>>) semaphore(%arg11 : memref<!tpu.dma_semaphore, #tpu.memory_space<semaphore_mem>>)
      %dma_start3A_55 = arith.constant 2 : i32
      %dma_start3A_56 = arith.constant 0 : i32
      %dma_start3A_57 = arith.constant 0 : i32
      %dma_start3A_58 = tpu.memref_slice %arg8[%dma_start3A_55, %dma_start3A_56, %dma_start3A_57] : memref<5x64x128xf32, #tpu.memory_space<vmem>> -> memref<1x64x128xf32, #tpu.memory_space<vmem>>
      %dma_start3A_59 = tpu.memref_squeeze %dma_start3A_58 : memref<1x64x128xf32, #tpu.memory_space<vmem>> -> memref<64x128xf32, #tpu.memory_space<vmem>>
      %dma_start3A_60 = arith.constant 128 : i32
      %dma_start3A_61 = tpu.memref_slice %arg5[%dma_start3A_60] : memref<2560xi32, #tpu.memory_space<vmem>> -> memref<64xi32, #tpu.memory_space<vmem>>
      %dma_start3A_62 = arith.constant 0 : i32
      %dma_start3A_63 = arith.constant 0 : i32
      %dma_start3A_64 = tpu.memref_slice %arg2[%dma_start3A_62, %dma_start3A_63] : memref<10000x128xf32, #tpu.memory_space<hbm>> -> memref<10000x128xf32, #tpu.memory_space<hbm>>
      tpu.enqueue_indirect_dma source(%dma_start3A_64 : memref<10000x128xf32, #tpu.memory_space<hbm>>) target(%dma_start3A_59 : memref<64x128xf32, #tpu.memory_space<vmem>>) offsets(%dma_start3A_61 : memref<64xi32, #tpu.memory_space<vmem>>) semaphore(%arg12 : memref<!tpu.dma_semaphore, #tpu.memory_space<semaphore_mem>>)
      %dma_start3A_65 = arith.constant 3 : i32
      %dma_start3A_66 = arith.constant 0 : i32
      %dma_start3A_67 = arith.constant 0 : i32
      %dma_start3A_68 = tpu.memref_slice %arg8[%dma_start3A_65, %dma_start3A_66, %dma_start3A_67] : memref<5x64x128xf32, #tpu.memory_space<vmem>> -> memref<1x64x128xf32, #tpu.memory_space<vmem>>
      %dma_start3A_69 = tpu.memref_squeeze %dma_start3A_68 : memref<1x64x128xf32, #tpu.memory_space<vmem>> -> memref<64x128xf32, #tpu.memory_space<vmem>>
      %dma_start3A_70 = arith.constant 192 : i32
      %dma_start3A_71 = tpu.memref_slice %arg5[%dma_start3A_70] : memref<2560xi32, #tpu.memory_space<vmem>> -> memref<64xi32, #tpu.memory_space<vmem>>
      %dma_start3A_72 = arith.constant 0 : i32
      %dma_start3A_73 = arith.constant 0 : i32
      %dma_start3A_74 = tpu.memref_slice %arg2[%dma_start3A_72, %dma_start3A_73] : memref<10000x128xf32, #tpu.memory_space<hbm>> -> memref<10000x128xf32, #tpu.memory_space<hbm>>
      tpu.enqueue_indirect_dma source(%dma_start3A_74 : memref<10000x128xf32, #tpu.memory_space<hbm>>) target(%dma_start3A_69 : memref<64x128xf32, #tpu.memory_space<vmem>>) offsets(%dma_start3A_71 : memref<64xi32, #tpu.memory_space<vmem>>) semaphore(%arg13 : memref<!tpu.dma_semaphore, #tpu.memory_space<semaphore_mem>>)
      %dma_start3A_75 = arith.constant 4 : i32
      %dma_start3A_76 = arith.constant 0 : i32
      %dma_start3A_77 = arith.constant 0 : i32
      %dma_start3A_78 = tpu.memref_slice %arg8[%dma_start3A_75, %dma_start3A_76, %dma_start3A_77] : memref<5x64x128xf32, #tpu.memory_space<vmem>> -> memref<1x64x128xf32, #tpu.memory_space<vmem>>
      %dma_start3A_79 = tpu.memref_squeeze %dma_start3A_78 : memref<1x64x128xf32, #tpu.memory_space<vmem>> -> memref<64x128xf32, #tpu.memory_space<vmem>>
      %dma_start3A_80 = arith.constant 256 : i32
      %dma_start3A_81 = tpu.memref_slice %arg5[%dma_start3A_80] : memref<2560xi32, #tpu.memory_space<vmem>> -> memref<64xi32, #tpu.memory_space<vmem>>
      %dma_start3A_82 = arith.constant 0 : i32
      %dma_start3A_83 = arith.constant 0 : i32
      %dma_start3A_84 = tpu.memref_slice %arg2[%dma_start3A_82, %dma_start3A_83] : memref<10000x128xf32, #tpu.memory_space<hbm>> -> memref<10000x128xf32, #tpu.memory_space<hbm>>
      tpu.enqueue_indirect_dma source(%dma_start3A_84 : memref<10000x128xf32, #tpu.memory_space<hbm>>) target(%dma_start3A_79 : memref<64x128xf32, #tpu.memory_space<vmem>>) offsets(%dma_start3A_81 : memref<64xi32, #tpu.memory_space<vmem>>) semaphore(%arg14 : memref<!tpu.dma_semaphore, #tpu.memory_space<semaphore_mem>>)
      %scan3A_85 = arith.constant 0 : i32
      %scan3A_86 = arith.constant 0 : i32
      %scan3A_87 = arith.constant 8 : i32
      %scan3A_88 = arith.addi %scan3A_86, %scan3A_87 : i32
      %scan3A_89 = arith.constant 1 : i32
      %scan3A_90 = scf.for %scan3A_93 = %scan3A_86 to %scan3A_88 step %scan3A_89 iter_args(%scan3A_94 = %scan3A_85) -> (i32)  : i32 {
        %mul3A_95 = arith.constant 5 : i32
        %mul3A_96 = arith.muli %scan3A_93, %mul3A_95 : i32
        %add3A_97 = arith.constant 0 : i32
        %add3A_98 = arith.addi %mul3A_96, %add3A_97 : i32
        %mul3A_99 = arith.constant 64 : i32
        %mul3A_100 = arith.muli %add3A_98, %mul3A_99 : i32
        %dma_wait3A = arith.constant 0 : i32
        %dma_wait3A_101 = arith.constant 0 : i32
        %dma_wait3A_102 = arith.constant 0 : i32
        %dma_wait3A_103 = tpu.memref_slice %arg8[%dma_wait3A, %dma_wait3A_101, %dma_wait3A_102] : memref<5x64x128xf32, #tpu.memory_space<vmem>> -> memref<1x64x128xf32, #tpu.memory_space<vmem>>
        %dma_wait3A_104 = tpu.memref_squeeze %dma_wait3A_103 : memref<1x64x128xf32, #tpu.memory_space<vmem>> -> memref<64x128xf32, #tpu.memory_space<vmem>>
        %dma_wait3A_105 = tpu.memref_slice %arg5[%mul3A_100] : memref<2560xi32, #tpu.memory_space<vmem>> -> memref<64xi32, #tpu.memory_space<vmem>>
        %dma_wait3A_106 = arith.constant 0 : i32
        %dma_wait3A_107 = arith.constant 0 : i32
        %dma_wait3A_108 = tpu.memref_slice %arg2[%dma_wait3A_106, %dma_wait3A_107] : memref<10000x128xf32, #tpu.memory_space<hbm>> -> memref<10000x128xf32, #tpu.memory_space<hbm>>
        tpu.wait_indirect_dma semaphore(%arg10 : memref<!tpu.dma_semaphore, #tpu.memory_space<semaphore_mem>>) src(%dma_wait3A_108 : memref<10000x128xf32, #tpu.memory_space<hbm>>) dst(%dma_wait3A_104 : memref<64x128xf32, #tpu.memory_space<vmem>>)
        %mul3A_109 = arith.constant 64 : i32
        %mul3A_110 = arith.muli %add3A_98, %mul3A_109 : i32
        %add3A_111 = arith.constant 0 : i32
        %add3A_112 = arith.addi %mul3A_110, %add3A_111 : i32
        %get3A = arith.index_cast %add3A_112 : i32 to index
        %get3A_113 = tpu.vector_load %arg6[%get3A] {strides = array<i32>} : memref<2560xi32, #tpu.memory_space<vmem>>, vector<16xi32>,
        %get3A_114 = vector.shape_cast %get3A_113 : vector<16xi32> to vector<16xi32>
        %swap3A = arith.constant 0 : i32
        %swap3A_115 = arith.index_cast %swap3A : i32 to index
        %swap3A_116 = arith.constant 0 : index
        %swap3A_117 = tpu.vector_load %arg7[%swap3A_115, %swap3A_116] {strides = array<i32>} : memref<5x64xi32, #tpu.memory_space<vmem>>, vector<1x16xi32>,
        %swap3A_118 = vector.shape_cast %swap3A_117 : vector<1x16xi32> to vector<16xi32>
        %swap3A_119 = vector.shape_cast %get3A_114 : vector<16xi32> to vector<1x16xi32>
        tpu.vector_store %arg7[%swap3A_115, %swap3A_116], %swap3A_119 {strides = array<i32>} : memref<5x64xi32, #tpu.memory_space<vmem>>, vector<1x16xi32>,
        %mul3A_120 = arith.constant 64 : i32
        %mul3A_121 = arith.muli %add3A_98, %mul3A_120 : i32
        %add3A_122 = arith.constant 16 : i32
        %add3A_123 = arith.addi %mul3A_121, %add3A_122 : i32
        %get3A_124 = arith.index_cast %add3A_123 : i32 to index
        %get3A_125 = tpu.vector_load %arg6[%get3A_124] {strides = array<i32>} : memref<2560xi32, #tpu.memory_space<vmem>>, vector<16xi32>,
        %get3A_126 = vector.shape_cast %get3A_125 : vector<16xi32> to vector<16xi32>
        %swap3A_127 = arith.constant 0 : i32
        %swap3A_128 = arith.index_cast %swap3A_127 : i32 to index
        %swap3A_129 = arith.constant 16 : index
        %swap3A_130 = tpu.vector_load %arg7[%swap3A_128, %swap3A_129] {strides = array<i32>} : memref<5x64xi32, #tpu.memory_space<vmem>>, vector<1x16xi32>,
        %swap3A_131 = vector.shape_cast %swap3A_130 : vector<1x16xi32> to vector<16xi32>
        %swap3A_132 = vector.shape_cast %get3A_126 : vector<16xi32> to vector<1x16xi32>
        tpu.vector_store %arg7[%swap3A_128, %swap3A_129], %swap3A_132 {strides = array<i32>} : memref<5x64xi32, #tpu.memory_space<vmem>>, vector<1x16xi32>,
        %mul3A_133 = arith.constant 64 : i32
        %mul3A_134 = arith.muli %add3A_98, %mul3A_133 : i32
        %add3A_135 = arith.constant 32 : i32
        %add3A_136 = arith.addi %mul3A_134, %add3A_135 : i32
        %get3A_137 = arith.index_cast %add3A_136 : i32 to index
        %get3A_138 = tpu.vector_load %arg6[%get3A_137] {strides = array<i32>} : memref<2560xi32, #tpu.memory_space<vmem>>, vector<16xi32>,
        %get3A_139 = vector.shape_cast %get3A_138 : vector<16xi32> to vector<16xi32>
        %swap3A_140 = arith.constant 0 : i32
        %swap3A_141 = arith.index_cast %swap3A_140 : i32 to index
        %swap3A_142 = arith.constant 32 : index
        %swap3A_143 = tpu.vector_load %arg7[%swap3A_141, %swap3A_142] {strides = array<i32>} : memref<5x64xi32, #tpu.memory_space<vmem>>, vector<1x16xi32>,
        %swap3A_144 = vector.shape_cast %swap3A_143 : vector<1x16xi32> to vector<16xi32>
        %swap3A_145 = vector.shape_cast %get3A_139 : vector<16xi32> to vector<1x16xi32>
        tpu.vector_store %arg7[%swap3A_141, %swap3A_142], %swap3A_145 {strides = array<i32>} : memref<5x64xi32, #tpu.memory_space<vmem>>, vector<1x16xi32>,
        %mul3A_146 = arith.constant 64 : i32
        %mul3A_147 = arith.muli %add3A_98, %mul3A_146 : i32
        %add3A_148 = arith.constant 48 : i32
        %add3A_149 = arith.addi %mul3A_147, %add3A_148 : i32
        %get3A_150 = arith.index_cast %add3A_149 : i32 to index
        %get3A_151 = tpu.vector_load %arg6[%get3A_150] {strides = array<i32>} : memref<2560xi32, #tpu.memory_space<vmem>>, vector<16xi32>,
        %get3A_152 = vector.shape_cast %get3A_151 : vector<16xi32> to vector<16xi32>
        %swap3A_153 = arith.constant 0 : i32
        %swap3A_154 = arith.index_cast %swap3A_153 : i32 to index
        %swap3A_155 = arith.constant 48 : index
        %swap3A_156 = tpu.vector_load %arg7[%swap3A_154, %swap3A_155] {strides = array<i32>} : memref<5x64xi32, #tpu.memory_space<vmem>>, vector<1x16xi32>,
        %swap3A_157 = vector.shape_cast %swap3A_156 : vector<1x16xi32> to vector<16xi32>
        %swap3A_158 = vector.shape_cast %get3A_152 : vector<16xi32> to vector<1x16xi32>
        tpu.vector_store %arg7[%swap3A_154, %swap3A_155], %swap3A_158 {strides = array<i32>} : memref<5x64xi32, #tpu.memory_space<vmem>>, vector<1x16xi32>,
        %run_scoped3A_159 = arith.constant 0 : i32
        %run_scoped3A_160 = arith.constant 0 : i32
        "tpu.region"() ({
          %run_scoped3A_475 = tpu.sem_alloc : memref<!tpu.dma_semaphore, #tpu.memory_space<semaphore_mem>>
          %dma_start3A_476 = arith.constant 0 : i32
          %dma_start3A_477 = arith.constant 0 : i32
          %dma_start3A_478 = tpu.memref_slice %arg8[%run_scoped3A_159, %dma_start3A_476, %dma_start3A_477] : memref<5x64x128xf32, #tpu.memory_space<vmem>> -> memref<1x64x128xf32, #tpu.memory_space<vmem>>
          %dma_start3A_479 = tpu.memref_squeeze %dma_start3A_478 : memref<1x64x128xf32, #tpu.memory_space<vmem>> -> memref<64x128xf32, #tpu.memory_space<vmem>>
          %dma_start3A_480 = arith.constant 0 : i32
          %dma_start3A_481 = tpu.memref_slice %arg7[%run_scoped3A_160, %dma_start3A_480] : memref<5x64xi32, #tpu.memory_space<vmem>> -> memref<1x64xi32, #tpu.memory_space<vmem>>
          %dma_start3A_482 = tpu.memref_squeeze %dma_start3A_481 : memref<1x64xi32, #tpu.memory_space<vmem>> -> memref<64xi32, #tpu.memory_space<vmem>>
          %dma_start3A_483 = arith.constant 0 : i32
          %dma_start3A_484 = arith.constant 0 : i32
          %dma_start3A_485 = tpu.memref_slice %arg9[%dma_start3A_483, %dma_start3A_484] : memref<10240x128xf32, #tpu.memory_space<vmem_shared>> -> memref<10240x128xf32, #tpu.memory_space<vmem_shared>>
          tpu.enqueue_indirect_dma source(%dma_start3A_479 : memref<64x128xf32, #tpu.memory_space<vmem>>) target(%dma_start3A_485 : memref<10240x128xf32, #tpu.memory_space<vmem_shared>>) offsets(%dma_start3A_482 : memref<64xi32, #tpu.memory_space<vmem>>) semaphore(%run_scoped3A_475 : memref<!tpu.dma_semaphore, #tpu.memory_space<semaphore_mem>>) {add = true}
          %dma_wait3A_486 = arith.constant 0 : i32
          %dma_wait3A_487 = arith.constant 0 : i32
          %dma_wait3A_488 = tpu.memref_slice %arg8[%run_scoped3A_159, %dma_wait3A_486, %dma_wait3A_487] : memref<5x64x128xf32, #tpu.memory_space<vmem>> -> memref<1x64x128xf32, #tpu.memory_space<vmem>>
          %dma_wait3A_489 = tpu.memref_squeeze %dma_wait3A_488 : memref<1x64x128xf32, #tpu.memory_space<vmem>> -> memref<64x128xf32, #tpu.memory_space<vmem>>
          %dma_wait3A_490 = arith.constant 0 : i32
          %dma_wait3A_491 = tpu.memref_slice %arg7[%run_scoped3A_160, %dma_wait3A_490] : memref<5x64xi32, #tpu.memory_space<vmem>> -> memref<1x64xi32, #tpu.memory_space<vmem>>
          %dma_wait3A_492 = tpu.memref_squeeze %dma_wait3A_491 : memref<1x64xi32, #tpu.memory_space<vmem>> -> memref<64xi32, #tpu.memory_space<vmem>>
          %dma_wait3A_493 = arith.constant 0 : i32
          %dma_wait3A_494 = arith.constant 0 : i32
          %dma_wait3A_495 = tpu.memref_slice %arg9[%dma_wait3A_493, %dma_wait3A_494] : memref<10240x128xf32, #tpu.memory_space<vmem_shared>> -> memref<10240x128xf32, #tpu.memory_space<vmem_shared>>
          tpu.wait_indirect_dma semaphore(%run_scoped3A_475 : memref<!tpu.dma_semaphore, #tpu.memory_space<semaphore_mem>>) src(%dma_wait3A_489 : memref<64x128xf32, #tpu.memory_space<vmem>>) dst(%dma_wait3A_495 : memref<10240x128xf32, #tpu.memory_space<vmem_shared>>)
          tpu.yield
        }) : () -> ()
        %add3A_161 = arith.constant 5 : i32
        %add3A_162 = arith.addi %add3A_98, %add3A_161 : i32
        %lt3A = arith.constant 40 : i32
        %lt3A_163 = arith.cmpi slt, %add3A_162, %lt3A : i32
        %convert_element_type3A = arith.extui %lt3A_163 : i1 to i32
        %cond3A = arith.constant 0 : i32
        %cond3A_164 = arith.constant 0 : i32
        %cond3A_165 = arith.cmpi ne, %convert_element_type3A, %cond3A_164 : i32
        scf.if %cond3A_165 {
          %add3A_475 = arith.constant 5 : i32
          %add3A_476 = arith.addi %add3A_98, %add3A_475 : i32
          %mul3A_477 = arith.constant 64 : i32
          %mul3A_478 = arith.muli %add3A_476, %mul3A_477 : i32
          %dma_start3A_479 = arith.constant 0 : i32
          %dma_start3A_480 = arith.constant 0 : i32
          %dma_start3A_481 = tpu.memref_slice %arg8[%cond3A, %dma_start3A_479, %dma_start3A_480] : memref<5x64x128xf32, #tpu.memory_space<vmem>> -> memref<1x64x128xf32, #tpu.memory_space<vmem>>
          %dma_start3A_482 = tpu.memref_squeeze %dma_start3A_481 : memref<1x64x128xf32, #tpu.memory_space<vmem>> -> memref<64x128xf32, #tpu.memory_space<vmem>>
          %dma_start3A_483 = tpu.memref_slice %arg5[%mul3A_478] : memref<2560xi32, #tpu.memory_space<vmem>> -> memref<64xi32, #tpu.memory_space<vmem>>
          %dma_start3A_484 = arith.constant 0 : i32
          %dma_start3A_485 = arith.constant 0 : i32
          %dma_start3A_486 = tpu.memref_slice %arg2[%dma_start3A_484, %dma_start3A_485] : memref<10000x128xf32, #tpu.memory_space<hbm>> -> memref<10000x128xf32, #tpu.memory_space<hbm>>
          tpu.enqueue_indirect_dma source(%dma_start3A_486 : memref<10000x128xf32, #tpu.memory_space<hbm>>) target(%dma_start3A_482 : memref<64x128xf32, #tpu.memory_space<vmem>>) offsets(%dma_start3A_483 : memref<64xi32, #tpu.memory_space<vmem>>) semaphore(%arg10 : memref<!tpu.dma_semaphore, #tpu.memory_space<semaphore_mem>>)
        } else {
        }
        %mul3A_166 = arith.constant 5 : i32
        %mul3A_167 = arith.muli %scan3A_93, %mul3A_166 : i32
        %add3A_168 = arith.constant 1 : i32
        %add3A_169 = arith.addi %mul3A_167, %add3A_168 : i32
        %mul3A_170 = arith.constant 64 : i32
        %mul3A_171 = arith.muli %add3A_169, %mul3A_170 : i32
        %dma_wait3A_172 = arith.constant 1 : i32
        %dma_wait3A_173 = arith.constant 0 : i32
        %dma_wait3A_174 = arith.constant 0 : i32
        %dma_wait3A_175 = tpu.memref_slice %arg8[%dma_wait3A_172, %dma_wait3A_173, %dma_wait3A_174] : memref<5x64x128xf32, #tpu.memory_space<vmem>> -> memref<1x64x128xf32, #tpu.memory_space<vmem>>
        %dma_wait3A_176 = tpu.memref_squeeze %dma_wait3A_175 : memref<1x64x128xf32, #tpu.memory_space<vmem>> -> memref<64x128xf32, #tpu.memory_space<vmem>>
        %dma_wait3A_177 = tpu.memref_slice %arg5[%mul3A_171] : memref<2560xi32, #tpu.memory_space<vmem>> -> memref<64xi32, #tpu.memory_space<vmem>>
        %dma_wait3A_178 = arith.constant 0 : i32
        %dma_wait3A_179 = arith.constant 0 : i32
        %dma_wait3A_180 = tpu.memref_slice %arg2[%dma_wait3A_178, %dma_wait3A_179] : memref<10000x128xf32, #tpu.memory_space<hbm>> -> memref<10000x128xf32, #tpu.memory_space<hbm>>
        tpu.wait_indirect_dma semaphore(%arg11 : memref<!tpu.dma_semaphore, #tpu.memory_space<semaphore_mem>>) src(%dma_wait3A_180 : memref<10000x128xf32, #tpu.memory_space<hbm>>) dst(%dma_wait3A_176 : memref<64x128xf32, #tpu.memory_space<vmem>>)
        %mul3A_181 = arith.constant 64 : i32
        %mul3A_182 = arith.muli %add3A_169, %mul3A_181 : i32
        %add3A_183 = arith.constant 0 : i32
        %add3A_184 = arith.addi %mul3A_182, %add3A_183 : i32
        %get3A_185 = arith.index_cast %add3A_184 : i32 to index
        %get3A_186 = tpu.vector_load %arg6[%get3A_185] {strides = array<i32>} : memref<2560xi32, #tpu.memory_space<vmem>>, vector<16xi32>,
        %get3A_187 = vector.shape_cast %get3A_186 : vector<16xi32> to vector<16xi32>
        %swap3A_188 = arith.constant 1 : i32
        %swap3A_189 = arith.index_cast %swap3A_188 : i32 to index
        %swap3A_190 = arith.constant 0 : index
        %swap3A_191 = tpu.vector_load %arg7[%swap3A_189, %swap3A_190] {strides = array<i32>} : memref<5x64xi32, #tpu.memory_space<vmem>>, vector<1x16xi32>,
        %swap3A_192 = vector.shape_cast %swap3A_191 : vector<1x16xi32> to vector<16xi32>
        %swap3A_193 = vector.shape_cast %get3A_187 : vector<16xi32> to vector<1x16xi32>
        tpu.vector_store %arg7[%swap3A_189, %swap3A_190], %swap3A_193 {strides = array<i32>} : memref<5x64xi32, #tpu.memory_space<vmem>>, vector<1x16xi32>,
        %mul3A_194 = arith.constant 64 : i32
        %mul3A_195 = arith.muli %add3A_169, %mul3A_194 : i32
        %add3A_196 = arith.constant 16 : i32
        %add3A_197 = arith.addi %mul3A_195, %add3A_196 : i32
        %get3A_198 = arith.index_cast %add3A_197 : i32 to index
        %get3A_199 = tpu.vector_load %arg6[%get3A_198] {strides = array<i32>} : memref<2560xi32, #tpu.memory_space<vmem>>, vector<16xi32>,
        %get3A_200 = vector.shape_cast %get3A_199 : vector<16xi32> to vector<16xi32>
        %swap3A_201 = arith.constant 1 : i32
        %swap3A_202 = arith.index_cast %swap3A_201 : i32 to index
        %swap3A_203 = arith.constant 16 : index
        %swap3A_204 = tpu.vector_load %arg7[%swap3A_202, %swap3A_203] {strides = array<i32>} : memref<5x64xi32, #tpu.memory_space<vmem>>, vector<1x16xi32>,
        %swap3A_205 = vector.shape_cast %swap3A_204 : vector<1x16xi32> to vector<16xi32>
        %swap3A_206 = vector.shape_cast %get3A_200 : vector<16xi32> to vector<1x16xi32>
        tpu.vector_store %arg7[%swap3A_202, %swap3A_203], %swap3A_206 {strides = array<i32>} : memref<5x64xi32, #tpu.memory_space<vmem>>, vector<1x16xi32>,
        %mul3A_207 = arith.constant 64 : i32
        %mul3A_208 = arith.muli %add3A_169, %mul3A_207 : i32
        %add3A_209 = arith.constant 32 : i32
        %add3A_210 = arith.addi %mul3A_208, %add3A_209 : i32
        %get3A_211 = arith.index_cast %add3A_210 : i32 to index
        %get3A_212 = tpu.vector_load %arg6[%get3A_211] {strides = array<i32>} : memref<2560xi32, #tpu.memory_space<vmem>>, vector<16xi32>,
        %get3A_213 = vector.shape_cast %get3A_212 : vector<16xi32> to vector<16xi32>
        %swap3A_214 = arith.constant 1 : i32
        %swap3A_215 = arith.index_cast %swap3A_214 : i32 to index
        %swap3A_216 = arith.constant 32 : index
        %swap3A_217 = tpu.vector_load %arg7[%swap3A_215, %swap3A_216] {strides = array<i32>} : memref<5x64xi32, #tpu.memory_space<vmem>>, vector<1x16xi32>,
        %swap3A_218 = vector.shape_cast %swap3A_217 : vector<1x16xi32> to vector<16xi32>
        %swap3A_219 = vector.shape_cast %get3A_213 : vector<16xi32> to vector<1x16xi32>
        tpu.vector_store %arg7[%swap3A_215, %swap3A_216], %swap3A_219 {strides = array<i32>} : memref<5x64xi32, #tpu.memory_space<vmem>>, vector<1x16xi32>,
        %mul3A_220 = arith.constant 64 : i32
        %mul3A_221 = arith.muli %add3A_169, %mul3A_220 : i32
        %add3A_222 = arith.constant 48 : i32
        %add3A_223 = arith.addi %mul3A_221, %add3A_222 : i32
        %get3A_224 = arith.index_cast %add3A_223 : i32 to index
        %get3A_225 = tpu.vector_load %arg6[%get3A_224] {strides = array<i32>} : memref<2560xi32, #tpu.memory_space<vmem>>, vector<16xi32>,
        %get3A_226 = vector.shape_cast %get3A_225 : vector<16xi32> to vector<16xi32>
        %swap3A_227 = arith.constant 1 : i32
        %swap3A_228 = arith.index_cast %swap3A_227 : i32 to index
        %swap3A_229 = arith.constant 48 : index
        %swap3A_230 = tpu.vector_load %arg7[%swap3A_228, %swap3A_229] {strides = array<i32>} : memref<5x64xi32, #tpu.memory_space<vmem>>, vector<1x16xi32>,
        %swap3A_231 = vector.shape_cast %swap3A_230 : vector<1x16xi32> to vector<16xi32>
        %swap3A_232 = vector.shape_cast %get3A_226 : vector<16xi32> to vector<1x16xi32>
        tpu.vector_store %arg7[%swap3A_228, %swap3A_229], %swap3A_232 {strides = array<i32>} : memref<5x64xi32, #tpu.memory_space<vmem>>, vector<1x16xi32>,
        %run_scoped3A_233 = arith.constant 1 : i32
        %run_scoped3A_234 = arith.constant 1 : i32
        "tpu.region"() ({
          %run_scoped3A_475 = tpu.sem_alloc : memref<!tpu.dma_semaphore, #tpu.memory_space<semaphore_mem>>
          %dma_start3A_476 = arith.constant 0 : i32
          %dma_start3A_477 = arith.constant 0 : i32
          %dma_start3A_478 = tpu.memref_slice %arg8[%run_scoped3A_233, %dma_start3A_476, %dma_start3A_477] : memref<5x64x128xf32, #tpu.memory_space<vmem>> -> memref<1x64x128xf32, #tpu.memory_space<vmem>>
          %dma_start3A_479 = tpu.memref_squeeze %dma_start3A_478 : memref<1x64x128xf32, #tpu.memory_space<vmem>> -> memref<64x128xf32, #tpu.memory_space<vmem>>
          %dma_start3A_480 = arith.constant 0 : i32
          %dma_start3A_481 = tpu.memref_slice %arg7[%run_scoped3A_234, %dma_start3A_480] : memref<5x64xi32, #tpu.memory_space<vmem>> -> memref<1x64xi32, #tpu.memory_space<vmem>>
          %dma_start3A_482 = tpu.memref_squeeze %dma_start3A_481 : memref<1x64xi32, #tpu.memory_space<vmem>> -> memref<64xi32, #tpu.memory_space<vmem>>
          %dma_start3A_483 = arith.constant 0 : i32
          %dma_start3A_484 = arith.constant 0 : i32
          %dma_start3A_485 = tpu.memref_slice %arg9[%dma_start3A_483, %dma_start3A_484] : memref<10240x128xf32, #tpu.memory_space<vmem_shared>> -> memref<10240x128xf32, #tpu.memory_space<vmem_shared>>
          tpu.enqueue_indirect_dma source(%dma_start3A_479 : memref<64x128xf32, #tpu.memory_space<vmem>>) target(%dma_start3A_485 : memref<10240x128xf32, #tpu.memory_space<vmem_shared>>) offsets(%dma_start3A_482 : memref<64xi32, #tpu.memory_space<vmem>>) semaphore(%run_scoped3A_475 : memref<!tpu.dma_semaphore, #tpu.memory_space<semaphore_mem>>) {add = true}
          %dma_wait3A_486 = arith.constant 0 : i32
          %dma_wait3A_487 = arith.constant 0 : i32
          %dma_wait3A_488 = tpu.memref_slice %arg8[%run_scoped3A_233, %dma_wait3A_486, %dma_wait3A_487] : memref<5x64x128xf32, #tpu.memory_space<vmem>> -> memref<1x64x128xf32, #tpu.memory_space<vmem>>
          %dma_wait3A_489 = tpu.memref_squeeze %dma_wait3A_488 : memref<1x64x128xf32, #tpu.memory_space<vmem>> -> memref<64x128xf32, #tpu.memory_space<vmem>>
          %dma_wait3A_490 = arith.constant 0 : i32
          %dma_wait3A_491 = tpu.memref_slice %arg7[%run_scoped3A_234, %dma_wait3A_490] : memref<5x64xi32, #tpu.memory_space<vmem>> -> memref<1x64xi32, #tpu.memory_space<vmem>>
          %dma_wait3A_492 = tpu.memref_squeeze %dma_wait3A_491 : memref<1x64xi32, #tpu.memory_space<vmem>> -> memref<64xi32, #tpu.memory_space<vmem>>
          %dma_wait3A_493 = arith.constant 0 : i32
          %dma_wait3A_494 = arith.constant 0 : i32
          %dma_wait3A_495 = tpu.memref_slice %arg9[%dma_wait3A_493, %dma_wait3A_494] : memref<10240x128xf32, #tpu.memory_space<vmem_shared>> -> memref<10240x128xf32, #tpu.memory_space<vmem_shared>>
          tpu.wait_indirect_dma semaphore(%run_scoped3A_475 : memref<!tpu.dma_semaphore, #tpu.memory_space<semaphore_mem>>) src(%dma_wait3A_489 : memref<64x128xf32, #tpu.memory_space<vmem>>) dst(%dma_wait3A_495 : memref<10240x128xf32, #tpu.memory_space<vmem_shared>>)
          tpu.yield
        }) : () -> ()
        %add3A_235 = arith.constant 5 : i32
        %add3A_236 = arith.addi %add3A_169, %add3A_235 : i32
        %lt3A_237 = arith.constant 40 : i32
        %lt3A_238 = arith.cmpi slt, %add3A_236, %lt3A_237 : i32
        %convert_element_type3A_239 = arith.extui %lt3A_238 : i1 to i32
        %cond3A_240 = arith.constant 1 : i32
        %cond3A_241 = arith.constant 0 : i32
        %cond3A_242 = arith.cmpi ne, %convert_element_type3A_239, %cond3A_241 : i32
        scf.if %cond3A_242 {
          %add3A_475 = arith.constant 5 : i32
          %add3A_476 = arith.addi %add3A_169, %add3A_475 : i32
          %mul3A_477 = arith.constant 64 : i32
          %mul3A_478 = arith.muli %add3A_476, %mul3A_477 : i32
          %dma_start3A_479 = arith.constant 0 : i32
          %dma_start3A_480 = arith.constant 0 : i32
          %dma_start3A_481 = tpu.memref_slice %arg8[%cond3A_240, %dma_start3A_479, %dma_start3A_480] : memref<5x64x128xf32, #tpu.memory_space<vmem>> -> memref<1x64x128xf32, #tpu.memory_space<vmem>>
          %dma_start3A_482 = tpu.memref_squeeze %dma_start3A_481 : memref<1x64x128xf32, #tpu.memory_space<vmem>> -> memref<64x128xf32, #tpu.memory_space<vmem>>
          %dma_start3A_483 = tpu.memref_slice %arg5[%mul3A_478] : memref<2560xi32, #tpu.memory_space<vmem>> -> memref<64xi32, #tpu.memory_space<vmem>>
          %dma_start3A_484 = arith.constant 0 : i32
          %dma_start3A_485 = arith.constant 0 : i32
          %dma_start3A_486 = tpu.memref_slice %arg2[%dma_start3A_484, %dma_start3A_485] : memref<10000x128xf32, #tpu.memory_space<hbm>> -> memref<10000x128xf32, #tpu.memory_space<hbm>>
          tpu.enqueue_indirect_dma source(%dma_start3A_486 : memref<10000x128xf32, #tpu.memory_space<hbm>>) target(%dma_start3A_482 : memref<64x128xf32, #tpu.memory_space<vmem>>) offsets(%dma_start3A_483 : memref<64xi32, #tpu.memory_space<vmem>>) semaphore(%arg11 : memref<!tpu.dma_semaphore, #tpu.memory_space<semaphore_mem>>)
        } else {
        }
        %mul3A_243 = arith.constant 5 : i32
        %mul3A_244 = arith.muli %scan3A_93, %mul3A_243 : i32
        %add3A_245 = arith.constant 2 : i32
        %add3A_246 = arith.addi %mul3A_244, %add3A_245 : i32
        %mul3A_247 = arith.constant 64 : i32
        %mul3A_248 = arith.muli %add3A_246, %mul3A_247 : i32
        %dma_wait3A_249 = arith.constant 2 : i32
        %dma_wait3A_250 = arith.constant 0 : i32
        %dma_wait3A_251 = arith.constant 0 : i32
        %dma_wait3A_252 = tpu.memref_slice %arg8[%dma_wait3A_249, %dma_wait3A_250, %dma_wait3A_251] : memref<5x64x128xf32, #tpu.memory_space<vmem>> -> memref<1x64x128xf32, #tpu.memory_space<vmem>>
        %dma_wait3A_253 = tpu.memref_squeeze %dma_wait3A_252 : memref<1x64x128xf32, #tpu.memory_space<vmem>> -> memref<64x128xf32, #tpu.memory_space<vmem>>
        %dma_wait3A_254 = tpu.memref_slice %arg5[%mul3A_248] : memref<2560xi32, #tpu.memory_space<vmem>> -> memref<64xi32, #tpu.memory_space<vmem>>
        %dma_wait3A_255 = arith.constant 0 : i32
        %dma_wait3A_256 = arith.constant 0 : i32
        %dma_wait3A_257 = tpu.memref_slice %arg2[%dma_wait3A_255, %dma_wait3A_256] : memref<10000x128xf32, #tpu.memory_space<hbm>> -> memref<10000x128xf32, #tpu.memory_space<hbm>>
        tpu.wait_indirect_dma semaphore(%arg12 : memref<!tpu.dma_semaphore, #tpu.memory_space<semaphore_mem>>) src(%dma_wait3A_257 : memref<10000x128xf32, #tpu.memory_space<hbm>>) dst(%dma_wait3A_253 : memref<64x128xf32, #tpu.memory_space<vmem>>)
        %mul3A_258 = arith.constant 64 : i32
        %mul3A_259 = arith.muli %add3A_246, %mul3A_258 : i32
        %add3A_260 = arith.constant 0 : i32
        %add3A_261 = arith.addi %mul3A_259, %add3A_260 : i32
        %get3A_262 = arith.index_cast %add3A_261 : i32 to index
        %get3A_263 = tpu.vector_load %arg6[%get3A_262] {strides = array<i32>} : memref<2560xi32, #tpu.memory_space<vmem>>, vector<16xi32>,
        %get3A_264 = vector.shape_cast %get3A_263 : vector<16xi32> to vector<16xi32>
        %swap3A_265 = arith.constant 2 : i32
        %swap3A_266 = arith.index_cast %swap3A_265 : i32 to index
        %swap3A_267 = arith.constant 0 : index
        %swap3A_268 = tpu.vector_load %arg7[%swap3A_266, %swap3A_267] {strides = array<i32>} : memref<5x64xi32, #tpu.memory_space<vmem>>, vector<1x16xi32>,
        %swap3A_269 = vector.shape_cast %swap3A_268 : vector<1x16xi32> to vector<16xi32>
        %swap3A_270 = vector.shape_cast %get3A_264 : vector<16xi32> to vector<1x16xi32>
        tpu.vector_store %arg7[%swap3A_266, %swap3A_267], %swap3A_270 {strides = array<i32>} : memref<5x64xi32, #tpu.memory_space<vmem>>, vector<1x16xi32>,
        %mul3A_271 = arith.constant 64 : i32
        %mul3A_272 = arith.muli %add3A_246, %mul3A_271 : i32
        %add3A_273 = arith.constant 16 : i32
        %add3A_274 = arith.addi %mul3A_272, %add3A_273 : i32
        %get3A_275 = arith.index_cast %add3A_274 : i32 to index
        %get3A_276 = tpu.vector_load %arg6[%get3A_275] {strides = array<i32>} : memref<2560xi32, #tpu.memory_space<vmem>>, vector<16xi32>,
        %get3A_277 = vector.shape_cast %get3A_276 : vector<16xi32> to vector<16xi32>
        %swap3A_278 = arith.constant 2 : i32
        %swap3A_279 = arith.index_cast %swap3A_278 : i32 to index
        %swap3A_280 = arith.constant 16 : index
        %swap3A_281 = tpu.vector_load %arg7[%swap3A_279, %swap3A_280] {strides = array<i32>} : memref<5x64xi32, #tpu.memory_space<vmem>>, vector<1x16xi32>,
        %swap3A_282 = vector.shape_cast %swap3A_281 : vector<1x16xi32> to vector<16xi32>
        %swap3A_283 = vector.shape_cast %get3A_277 : vector<16xi32> to vector<1x16xi32>
        tpu.vector_store %arg7[%swap3A_279, %swap3A_280], %swap3A_283 {strides = array<i32>} : memref<5x64xi32, #tpu.memory_space<vmem>>, vector<1x16xi32>,
        %mul3A_284 = arith.constant 64 : i32
        %mul3A_285 = arith.muli %add3A_246, %mul3A_284 : i32
        %add3A_286 = arith.constant 32 : i32
        %add3A_287 = arith.addi %mul3A_285, %add3A_286 : i32
        %get3A_288 = arith.index_cast %add3A_287 : i32 to index
        %get3A_289 = tpu.vector_load %arg6[%get3A_288] {strides = array<i32>} : memref<2560xi32, #tpu.memory_space<vmem>>, vector<16xi32>,
        %get3A_290 = vector.shape_cast %get3A_289 : vector<16xi32> to vector<16xi32>
        %swap3A_291 = arith.constant 2 : i32
        %swap3A_292 = arith.index_cast %swap3A_291 : i32 to index
        %swap3A_293 = arith.constant 32 : index
        %swap3A_294 = tpu.vector_load %arg7[%swap3A_292, %swap3A_293] {strides = array<i32>} : memref<5x64xi32, #tpu.memory_space<vmem>>, vector<1x16xi32>,
        %swap3A_295 = vector.shape_cast %swap3A_294 : vector<1x16xi32> to vector<16xi32>
        %swap3A_296 = vector.shape_cast %get3A_290 : vector<16xi32> to vector<1x16xi32>
        tpu.vector_store %arg7[%swap3A_292, %swap3A_293], %swap3A_296 {strides = array<i32>} : memref<5x64xi32, #tpu.memory_space<vmem>>, vector<1x16xi32>,
        %mul3A_297 = arith.constant 64 : i32
        %mul3A_298 = arith.muli %add3A_246, %mul3A_297 : i32
        %add3A_299 = arith.constant 48 : i32
        %add3A_300 = arith.addi %mul3A_298, %add3A_299 : i32
        %get3A_301 = arith.index_cast %add3A_300 : i32 to index
        %get3A_302 = tpu.vector_load %arg6[%get3A_301] {strides = array<i32>} : memref<2560xi32, #tpu.memory_space<vmem>>, vector<16xi32>,
        %get3A_303 = vector.shape_cast %get3A_302 : vector<16xi32> to vector<16xi32>
        %swap3A_304 = arith.constant 2 : i32
        %swap3A_305 = arith.index_cast %swap3A_304 : i32 to index
        %swap3A_306 = arith.constant 48 : index
        %swap3A_307 = tpu.vector_load %arg7[%swap3A_305, %swap3A_306] {strides = array<i32>} : memref<5x64xi32, #tpu.memory_space<vmem>>, vector<1x16xi32>,
        %swap3A_308 = vector.shape_cast %swap3A_307 : vector<1x16xi32> to vector<16xi32>
        %swap3A_309 = vector.shape_cast %get3A_303 : vector<16xi32> to vector<1x16xi32>
        tpu.vector_store %arg7[%swap3A_305, %swap3A_306], %swap3A_309 {strides = array<i32>} : memref<5x64xi32, #tpu.memory_space<vmem>>, vector<1x16xi32>,
        %run_scoped3A_310 = arith.constant 2 : i32
        %run_scoped3A_311 = arith.constant 2 : i32
        "tpu.region"() ({
          %run_scoped3A_475 = tpu.sem_alloc : memref<!tpu.dma_semaphore, #tpu.memory_space<semaphore_mem>>
          %dma_start3A_476 = arith.constant 0 : i32
          %dma_start3A_477 = arith.constant 0 : i32
          %dma_start3A_478 = tpu.memref_slice %arg8[%run_scoped3A_310, %dma_start3A_476, %dma_start3A_477] : memref<5x64x128xf32, #tpu.memory_space<vmem>> -> memref<1x64x128xf32, #tpu.memory_space<vmem>>
          %dma_start3A_479 = tpu.memref_squeeze %dma_start3A_478 : memref<1x64x128xf32, #tpu.memory_space<vmem>> -> memref<64x128xf32, #tpu.memory_space<vmem>>
          %dma_start3A_480 = arith.constant 0 : i32
          %dma_start3A_481 = tpu.memref_slice %arg7[%run_scoped3A_311, %dma_start3A_480] : memref<5x64xi32, #tpu.memory_space<vmem>> -> memref<1x64xi32, #tpu.memory_space<vmem>>
          %dma_start3A_482 = tpu.memref_squeeze %dma_start3A_481 : memref<1x64xi32, #tpu.memory_space<vmem>> -> memref<64xi32, #tpu.memory_space<vmem>>
          %dma_start3A_483 = arith.constant 0 : i32
          %dma_start3A_484 = arith.constant 0 : i32
          %dma_start3A_485 = tpu.memref_slice %arg9[%dma_start3A_483, %dma_start3A_484] : memref<10240x128xf32, #tpu.memory_space<vmem_shared>> -> memref<10240x128xf32, #tpu.memory_space<vmem_shared>>
          tpu.enqueue_indirect_dma source(%dma_start3A_479 : memref<64x128xf32, #tpu.memory_space<vmem>>) target(%dma_start3A_485 : memref<10240x128xf32, #tpu.memory_space<vmem_shared>>) offsets(%dma_start3A_482 : memref<64xi32, #tpu.memory_space<vmem>>) semaphore(%run_scoped3A_475 : memref<!tpu.dma_semaphore, #tpu.memory_space<semaphore_mem>>) {add = true}
          %dma_wait3A_486 = arith.constant 0 : i32
          %dma_wait3A_487 = arith.constant 0 : i32
          %dma_wait3A_488 = tpu.memref_slice %arg8[%run_scoped3A_310, %dma_wait3A_486, %dma_wait3A_487] : memref<5x64x128xf32, #tpu.memory_space<vmem>> -> memref<1x64x128xf32, #tpu.memory_space<vmem>>
          %dma_wait3A_489 = tpu.memref_squeeze %dma_wait3A_488 : memref<1x64x128xf32, #tpu.memory_space<vmem>> -> memref<64x128xf32, #tpu.memory_space<vmem>>
          %dma_wait3A_490 = arith.constant 0 : i32
          %dma_wait3A_491 = tpu.memref_slice %arg7[%run_scoped3A_311, %dma_wait3A_490] : memref<5x64xi32, #tpu.memory_space<vmem>> -> memref<1x64xi32, #tpu.memory_space<vmem>>
          %dma_wait3A_492 = tpu.memref_squeeze %dma_wait3A_491 : memref<1x64xi32, #tpu.memory_space<vmem>> -> memref<64xi32, #tpu.memory_space<vmem>>
          %dma_wait3A_493 = arith.constant 0 : i32
          %dma_wait3A_494 = arith.constant 0 : i32
          %dma_wait3A_495 = tpu.memref_slice %arg9[%dma_wait3A_493, %dma_wait3A_494] : memref<10240x128xf32, #tpu.memory_space<vmem_shared>> -> memref<10240x128xf32, #tpu.memory_space<vmem_shared>>
          tpu.wait_indirect_dma semaphore(%run_scoped3A_475 : memref<!tpu.dma_semaphore, #tpu.memory_space<semaphore_mem>>) src(%dma_wait3A_489 : memref<64x128xf32, #tpu.memory_space<vmem>>) dst(%dma_wait3A_495 : memref<10240x128xf32, #tpu.memory_space<vmem_shared>>)
          tpu.yield
        }) : () -> ()
        %add3A_312 = arith.constant 5 : i32
        %add3A_313 = arith.addi %add3A_246, %add3A_312 : i32
        %lt3A_314 = arith.constant 40 : i32
        %lt3A_315 = arith.cmpi slt, %add3A_313, %lt3A_314 : i32
        %convert_element_type3A_316 = arith.extui %lt3A_315 : i1 to i32
        %cond3A_317 = arith.constant 2 : i32
        %cond3A_318 = arith.constant 0 : i32
        %cond3A_319 = arith.cmpi ne, %convert_element_type3A_316, %cond3A_318 : i32
        scf.if %cond3A_319 {
          %add3A_475 = arith.constant 5 : i32
          %add3A_476 = arith.addi %add3A_246, %add3A_475 : i32
          %mul3A_477 = arith.constant 64 : i32
          %mul3A_478 = arith.muli %add3A_476, %mul3A_477 : i32
          %dma_start3A_479 = arith.constant 0 : i32
          %dma_start3A_480 = arith.constant 0 : i32
          %dma_start3A_481 = tpu.memref_slice %arg8[%cond3A_317, %dma_start3A_479, %dma_start3A_480] : memref<5x64x128xf32, #tpu.memory_space<vmem>> -> memref<1x64x128xf32, #tpu.memory_space<vmem>>
          %dma_start3A_482 = tpu.memref_squeeze %dma_start3A_481 : memref<1x64x128xf32, #tpu.memory_space<vmem>> -> memref<64x128xf32, #tpu.memory_space<vmem>>
          %dma_start3A_483 = tpu.memref_slice %arg5[%mul3A_478] : memref<2560xi32, #tpu.memory_space<vmem>> -> memref<64xi32, #tpu.memory_space<vmem>>
          %dma_start3A_484 = arith.constant 0 : i32
          %dma_start3A_485 = arith.constant 0 : i32
          %dma_start3A_486 = tpu.memref_slice %arg2[%dma_start3A_484, %dma_start3A_485] : memref<10000x128xf32, #tpu.memory_space<hbm>> -> memref<10000x128xf32, #tpu.memory_space<hbm>>
          tpu.enqueue_indirect_dma source(%dma_start3A_486 : memref<10000x128xf32, #tpu.memory_space<hbm>>) target(%dma_start3A_482 : memref<64x128xf32, #tpu.memory_space<vmem>>) offsets(%dma_start3A_483 : memref<64xi32, #tpu.memory_space<vmem>>) semaphore(%arg12 : memref<!tpu.dma_semaphore, #tpu.memory_space<semaphore_mem>>)
        } else {
        }
        %mul3A_320 = arith.constant 5 : i32
        %mul3A_321 = arith.muli %scan3A_93, %mul3A_320 : i32
        %add3A_322 = arith.constant 3 : i32
        %add3A_323 = arith.addi %mul3A_321, %add3A_322 : i32
        %mul3A_324 = arith.constant 64 : i32
        %mul3A_325 = arith.muli %add3A_323, %mul3A_324 : i32
        %dma_wait3A_326 = arith.constant 3 : i32
        %dma_wait3A_327 = arith.constant 0 : i32
        %dma_wait3A_328 = arith.constant 0 : i32
        %dma_wait3A_329 = tpu.memref_slice %arg8[%dma_wait3A_326, %dma_wait3A_327, %dma_wait3A_328] : memref<5x64x128xf32, #tpu.memory_space<vmem>> -> memref<1x64x128xf32, #tpu.memory_space<vmem>>
        %dma_wait3A_330 = tpu.memref_squeeze %dma_wait3A_329 : memref<1x64x128xf32, #tpu.memory_space<vmem>> -> memref<64x128xf32, #tpu.memory_space<vmem>>
        %dma_wait3A_331 = tpu.memref_slice %arg5[%mul3A_325] : memref<2560xi32, #tpu.memory_space<vmem>> -> memref<64xi32, #tpu.memory_space<vmem>>
        %dma_wait3A_332 = arith.constant 0 : i32
        %dma_wait3A_333 = arith.constant 0 : i32
        %dma_wait3A_334 = tpu.memref_slice %arg2[%dma_wait3A_332, %dma_wait3A_333] : memref<10000x128xf32, #tpu.memory_space<hbm>> -> memref<10000x128xf32, #tpu.memory_space<hbm>>
        tpu.wait_indirect_dma semaphore(%arg13 : memref<!tpu.dma_semaphore, #tpu.memory_space<semaphore_mem>>) src(%dma_wait3A_334 : memref<10000x128xf32, #tpu.memory_space<hbm>>) dst(%dma_wait3A_330 : memref<64x128xf32, #tpu.memory_space<vmem>>)
        %mul3A_335 = arith.constant 64 : i32
        %mul3A_336 = arith.muli %add3A_323, %mul3A_335 : i32
        %add3A_337 = arith.constant 0 : i32
        %add3A_338 = arith.addi %mul3A_336, %add3A_337 : i32
        %get3A_339 = arith.index_cast %add3A_338 : i32 to index
        %get3A_340 = tpu.vector_load %arg6[%get3A_339] {strides = array<i32>} : memref<2560xi32, #tpu.memory_space<vmem>>, vector<16xi32>,
        %get3A_341 = vector.shape_cast %get3A_340 : vector<16xi32> to vector<16xi32>
        %swap3A_342 = arith.constant 3 : i32
        %swap3A_343 = arith.index_cast %swap3A_342 : i32 to index
        %swap3A_344 = arith.constant 0 : index
        %swap3A_345 = tpu.vector_load %arg7[%swap3A_343, %swap3A_344] {strides = array<i32>} : memref<5x64xi32, #tpu.memory_space<vmem>>, vector<1x16xi32>,
        %swap3A_346 = vector.shape_cast %swap3A_345 : vector<1x16xi32> to vector<16xi32>
        %swap3A_347 = vector.shape_cast %get3A_341 : vector<16xi32> to vector<1x16xi32>
        tpu.vector_store %arg7[%swap3A_343, %swap3A_344], %swap3A_347 {strides = array<i32>} : memref<5x64xi32, #tpu.memory_space<vmem>>, vector<1x16xi32>,
        %mul3A_348 = arith.constant 64 : i32
        %mul3A_349 = arith.muli %add3A_323, %mul3A_348 : i32
        %add3A_350 = arith.constant 16 : i32
        %add3A_351 = arith.addi %mul3A_349, %add3A_350 : i32
        %get3A_352 = arith.index_cast %add3A_351 : i32 to index
        %get3A_353 = tpu.vector_load %arg6[%get3A_352] {strides = array<i32>} : memref<2560xi32, #tpu.memory_space<vmem>>, vector<16xi32>,
        %get3A_354 = vector.shape_cast %get3A_353 : vector<16xi32> to vector<16xi32>
        %swap3A_355 = arith.constant 3 : i32
        %swap3A_356 = arith.index_cast %swap3A_355 : i32 to index
        %swap3A_357 = arith.constant 16 : index
        %swap3A_358 = tpu.vector_load %arg7[%swap3A_356, %swap3A_357] {strides = array<i32>} : memref<5x64xi32, #tpu.memory_space<vmem>>, vector<1x16xi32>,
        %swap3A_359 = vector.shape_cast %swap3A_358 : vector<1x16xi32> to vector<16xi32>
        %swap3A_360 = vector.shape_cast %get3A_354 : vector<16xi32> to vector<1x16xi32>
        tpu.vector_store %arg7[%swap3A_356, %swap3A_357], %swap3A_360 {strides = array<i32>} : memref<5x64xi32, #tpu.memory_space<vmem>>, vector<1x16xi32>,
        %mul3A_361 = arith.constant 64 : i32
        %mul3A_362 = arith.muli %add3A_323, %mul3A_361 : i32
        %add3A_363 = arith.constant 32 : i32
        %add3A_364 = arith.addi %mul3A_362, %add3A_363 : i32
        %get3A_365 = arith.index_cast %add3A_364 : i32 to index
        %get3A_366 = tpu.vector_load %arg6[%get3A_365] {strides = array<i32>} : memref<2560xi32, #tpu.memory_space<vmem>>, vector<16xi32>,
        %get3A_367 = vector.shape_cast %get3A_366 : vector<16xi32> to vector<16xi32>
        %swap3A_368 = arith.constant 3 : i32
        %swap3A_369 = arith.index_cast %swap3A_368 : i32 to index
        %swap3A_370 = arith.constant 32 : index
        %swap3A_371 = tpu.vector_load %arg7[%swap3A_369, %swap3A_370] {strides = array<i32>} : memref<5x64xi32, #tpu.memory_space<vmem>>, vector<1x16xi32>,
        %swap3A_372 = vector.shape_cast %swap3A_371 : vector<1x16xi32> to vector<16xi32>
        %swap3A_373 = vector.shape_cast %get3A_367 : vector<16xi32> to vector<1x16xi32>
        tpu.vector_store %arg7[%swap3A_369, %swap3A_370], %swap3A_373 {strides = array<i32>} : memref<5x64xi32, #tpu.memory_space<vmem>>, vector<1x16xi32>,
        %mul3A_374 = arith.constant 64 : i32
        %mul3A_375 = arith.muli %add3A_323, %mul3A_374 : i32
        %add3A_376 = arith.constant 48 : i32
        %add3A_377 = arith.addi %mul3A_375, %add3A_376 : i32
        %get3A_378 = arith.index_cast %add3A_377 : i32 to index
        %get3A_379 = tpu.vector_load %arg6[%get3A_378] {strides = array<i32>} : memref<2560xi32, #tpu.memory_space<vmem>>, vector<16xi32>,
        %get3A_380 = vector.shape_cast %get3A_379 : vector<16xi32> to vector<16xi32>
        %swap3A_381 = arith.constant 3 : i32
        %swap3A_382 = arith.index_cast %swap3A_381 : i32 to index
        %swap3A_383 = arith.constant 48 : index
        %swap3A_384 = tpu.vector_load %arg7[%swap3A_382, %swap3A_383] {strides = array<i32>} : memref<5x64xi32, #tpu.memory_space<vmem>>, vector<1x16xi32>,
        %swap3A_385 = vector.shape_cast %swap3A_384 : vector<1x16xi32> to vector<16xi32>
        %swap3A_386 = vector.shape_cast %get3A_380 : vector<16xi32> to vector<1x16xi32>
        tpu.vector_store %arg7[%swap3A_382, %swap3A_383], %swap3A_386 {strides = array<i32>} : memref<5x64xi32, #tpu.memory_space<vmem>>, vector<1x16xi32>,
        %run_scoped3A_387 = arith.constant 3 : i32
        %run_scoped3A_388 = arith.constant 3 : i32
        "tpu.region"() ({
          %run_scoped3A_475 = tpu.sem_alloc : memref<!tpu.dma_semaphore, #tpu.memory_space<semaphore_mem>>
          %dma_start3A_476 = arith.constant 0 : i32
          %dma_start3A_477 = arith.constant 0 : i32
          %dma_start3A_478 = tpu.memref_slice %arg8[%run_scoped3A_387, %dma_start3A_476, %dma_start3A_477] : memref<5x64x128xf32, #tpu.memory_space<vmem>> -> memref<1x64x128xf32, #tpu.memory_space<vmem>>
          %dma_start3A_479 = tpu.memref_squeeze %dma_start3A_478 : memref<1x64x128xf32, #tpu.memory_space<vmem>> -> memref<64x128xf32, #tpu.memory_space<vmem>>
          %dma_start3A_480 = arith.constant 0 : i32
          %dma_start3A_481 = tpu.memref_slice %arg7[%run_scoped3A_388, %dma_start3A_480] : memref<5x64xi32, #tpu.memory_space<vmem>> -> memref<1x64xi32, #tpu.memory_space<vmem>>
          %dma_start3A_482 = tpu.memref_squeeze %dma_start3A_481 : memref<1x64xi32, #tpu.memory_space<vmem>> -> memref<64xi32, #tpu.memory_space<vmem>>
          %dma_start3A_483 = arith.constant 0 : i32
          %dma_start3A_484 = arith.constant 0 : i32
          %dma_start3A_485 = tpu.memref_slice %arg9[%dma_start3A_483, %dma_start3A_484] : memref<10240x128xf32, #tpu.memory_space<vmem_shared>> -> memref<10240x128xf32, #tpu.memory_space<vmem_shared>>
          tpu.enqueue_indirect_dma source(%dma_start3A_479 : memref<64x128xf32, #tpu.memory_space<vmem>>) target(%dma_start3A_485 : memref<10240x128xf32, #tpu.memory_space<vmem_shared>>) offsets(%dma_start3A_482 : memref<64xi32, #tpu.memory_space<vmem>>) semaphore(%run_scoped3A_475 : memref<!tpu.dma_semaphore, #tpu.memory_space<semaphore_mem>>) {add = true}
          %dma_wait3A_486 = arith.constant 0 : i32
          %dma_wait3A_487 = arith.constant 0 : i32
          %dma_wait3A_488 = tpu.memref_slice %arg8[%run_scoped3A_387, %dma_wait3A_486, %dma_wait3A_487] : memref<5x64x128xf32, #tpu.memory_space<vmem>> -> memref<1x64x128xf32, #tpu.memory_space<vmem>>
          %dma_wait3A_489 = tpu.memref_squeeze %dma_wait3A_488 : memref<1x64x128xf32, #tpu.memory_space<vmem>> -> memref<64x128xf32, #tpu.memory_space<vmem>>
          %dma_wait3A_490 = arith.constant 0 : i32
          %dma_wait3A_491 = tpu.memref_slice %arg7[%run_scoped3A_388, %dma_wait3A_490] : memref<5x64xi32, #tpu.memory_space<vmem>> -> memref<1x64xi32, #tpu.memory_space<vmem>>
          %dma_wait3A_492 = tpu.memref_squeeze %dma_wait3A_491 : memref<1x64xi32, #tpu.memory_space<vmem>> -> memref<64xi32, #tpu.memory_space<vmem>>
          %dma_wait3A_493 = arith.constant 0 : i32
          %dma_wait3A_494 = arith.constant 0 : i32
          %dma_wait3A_495 = tpu.memref_slice %arg9[%dma_wait3A_493, %dma_wait3A_494] : memref<10240x128xf32, #tpu.memory_space<vmem_shared>> -> memref<10240x128xf32, #tpu.memory_space<vmem_shared>>
          tpu.wait_indirect_dma semaphore(%run_scoped3A_475 : memref<!tpu.dma_semaphore, #tpu.memory_space<semaphore_mem>>) src(%dma_wait3A_489 : memref<64x128xf32, #tpu.memory_space<vmem>>) dst(%dma_wait3A_495 : memref<10240x128xf32, #tpu.memory_space<vmem_shared>>)
          tpu.yield
        }) : () -> ()
        %add3A_389 = arith.constant 5 : i32
        %add3A_390 = arith.addi %add3A_323, %add3A_389 : i32
        %lt3A_391 = arith.constant 40 : i32
        %lt3A_392 = arith.cmpi slt, %add3A_390, %lt3A_391 : i32
        %convert_element_type3A_393 = arith.extui %lt3A_392 : i1 to i32
        %cond3A_394 = arith.constant 3 : i32
        %cond3A_395 = arith.constant 0 : i32
        %cond3A_396 = arith.cmpi ne, %convert_element_type3A_393, %cond3A_395 : i32
        scf.if %cond3A_396 {
          %add3A_475 = arith.constant 5 : i32
          %add3A_476 = arith.addi %add3A_323, %add3A_475 : i32
          %mul3A_477 = arith.constant 64 : i32
          %mul3A_478 = arith.muli %add3A_476, %mul3A_477 : i32
          %dma_start3A_479 = arith.constant 0 : i32
          %dma_start3A_480 = arith.constant 0 : i32
          %dma_start3A_481 = tpu.memref_slice %arg8[%cond3A_394, %dma_start3A_479, %dma_start3A_480] : memref<5x64x128xf32, #tpu.memory_space<vmem>> -> memref<1x64x128xf32, #tpu.memory_space<vmem>>
          %dma_start3A_482 = tpu.memref_squeeze %dma_start3A_481 : memref<1x64x128xf32, #tpu.memory_space<vmem>> -> memref<64x128xf32, #tpu.memory_space<vmem>>
          %dma_start3A_483 = tpu.memref_slice %arg5[%mul3A_478] : memref<2560xi32, #tpu.memory_space<vmem>> -> memref<64xi32, #tpu.memory_space<vmem>>
          %dma_start3A_484 = arith.constant 0 : i32
          %dma_start3A_485 = arith.constant 0 : i32
          %dma_start3A_486 = tpu.memref_slice %arg2[%dma_start3A_484, %dma_start3A_485] : memref<10000x128xf32, #tpu.memory_space<hbm>> -> memref<10000x128xf32, #tpu.memory_space<hbm>>
          tpu.enqueue_indirect_dma source(%dma_start3A_486 : memref<10000x128xf32, #tpu.memory_space<hbm>>) target(%dma_start3A_482 : memref<64x128xf32, #tpu.memory_space<vmem>>) offsets(%dma_start3A_483 : memref<64xi32, #tpu.memory_space<vmem>>) semaphore(%arg13 : memref<!tpu.dma_semaphore, #tpu.memory_space<semaphore_mem>>)
        } else {
        }
        %mul3A_397 = arith.constant 5 : i32
        %mul3A_398 = arith.muli %scan3A_93, %mul3A_397 : i32
        %add3A_399 = arith.constant 4 : i32
        %add3A_400 = arith.addi %mul3A_398, %add3A_399 : i32
        %mul3A_401 = arith.constant 64 : i32
        %mul3A_402 = arith.muli %add3A_400, %mul3A_401 : i32
        %dma_wait3A_403 = arith.constant 4 : i32
        %dma_wait3A_404 = arith.constant 0 : i32
        %dma_wait3A_405 = arith.constant 0 : i32
        %dma_wait3A_406 = tpu.memref_slice %arg8[%dma_wait3A_403, %dma_wait3A_404, %dma_wait3A_405] : memref<5x64x128xf32, #tpu.memory_space<vmem>> -> memref<1x64x128xf32, #tpu.memory_space<vmem>>
        %dma_wait3A_407 = tpu.memref_squeeze %dma_wait3A_406 : memref<1x64x128xf32, #tpu.memory_space<vmem>> -> memref<64x128xf32, #tpu.memory_space<vmem>>
        %dma_wait3A_408 = tpu.memref_slice %arg5[%mul3A_402] : memref<2560xi32, #tpu.memory_space<vmem>> -> memref<64xi32, #tpu.memory_space<vmem>>
        %dma_wait3A_409 = arith.constant 0 : i32
        %dma_wait3A_410 = arith.constant 0 : i32
        %dma_wait3A_411 = tpu.memref_slice %arg2[%dma_wait3A_409, %dma_wait3A_410] : memref<10000x128xf32, #tpu.memory_space<hbm>> -> memref<10000x128xf32, #tpu.memory_space<hbm>>
        tpu.wait_indirect_dma semaphore(%arg14 : memref<!tpu.dma_semaphore, #tpu.memory_space<semaphore_mem>>) src(%dma_wait3A_411 : memref<10000x128xf32, #tpu.memory_space<hbm>>) dst(%dma_wait3A_407 : memref<64x128xf32, #tpu.memory_space<vmem>>)
        %mul3A_412 = arith.constant 64 : i32
        %mul3A_413 = arith.muli %add3A_400, %mul3A_412 : i32
        %add3A_414 = arith.constant 0 : i32
        %add3A_415 = arith.addi %mul3A_413, %add3A_414 : i32
        %get3A_416 = arith.index_cast %add3A_415 : i32 to index
        %get3A_417 = tpu.vector_load %arg6[%get3A_416] {strides = array<i32>} : memref<2560xi32, #tpu.memory_space<vmem>>, vector<16xi32>,
        %get3A_418 = vector.shape_cast %get3A_417 : vector<16xi32> to vector<16xi32>
        %swap3A_419 = arith.constant 4 : i32
        %swap3A_420 = arith.index_cast %swap3A_419 : i32 to index
        %swap3A_421 = arith.constant 0 : index
        %swap3A_422 = tpu.vector_load %arg7[%swap3A_420, %swap3A_421] {strides = array<i32>} : memref<5x64xi32, #tpu.memory_space<vmem>>, vector<1x16xi32>,
        %swap3A_423 = vector.shape_cast %swap3A_422 : vector<1x16xi32> to vector<16xi32>
        %swap3A_424 = vector.shape_cast %get3A_418 : vector<16xi32> to vector<1x16xi32>
        tpu.vector_store %arg7[%swap3A_420, %swap3A_421], %swap3A_424 {strides = array<i32>} : memref<5x64xi32, #tpu.memory_space<vmem>>, vector<1x16xi32>,
        %mul3A_425 = arith.constant 64 : i32
        %mul3A_426 = arith.muli %add3A_400, %mul3A_425 : i32
        %add3A_427 = arith.constant 16 : i32
        %add3A_428 = arith.addi %mul3A_426, %add3A_427 : i32
        %get3A_429 = arith.index_cast %add3A_428 : i32 to index
        %get3A_430 = tpu.vector_load %arg6[%get3A_429] {strides = array<i32>} : memref<2560xi32, #tpu.memory_space<vmem>>, vector<16xi32>,
        %get3A_431 = vector.shape_cast %get3A_430 : vector<16xi32> to vector<16xi32>
        %swap3A_432 = arith.constant 4 : i32
        %swap3A_433 = arith.index_cast %swap3A_432 : i32 to index
        %swap3A_434 = arith.constant 16 : index
        %swap3A_435 = tpu.vector_load %arg7[%swap3A_433, %swap3A_434] {strides = array<i32>} : memref<5x64xi32, #tpu.memory_space<vmem>>, vector<1x16xi32>,
        %swap3A_436 = vector.shape_cast %swap3A_435 : vector<1x16xi32> to vector<16xi32>
        %swap3A_437 = vector.shape_cast %get3A_431 : vector<16xi32> to vector<1x16xi32>
        tpu.vector_store %arg7[%swap3A_433, %swap3A_434], %swap3A_437 {strides = array<i32>} : memref<5x64xi32, #tpu.memory_space<vmem>>, vector<1x16xi32>,
        %mul3A_438 = arith.constant 64 : i32
        %mul3A_439 = arith.muli %add3A_400, %mul3A_438 : i32
        %add3A_440 = arith.constant 32 : i32
        %add3A_441 = arith.addi %mul3A_439, %add3A_440 : i32
        %get3A_442 = arith.index_cast %add3A_441 : i32 to index
        %get3A_443 = tpu.vector_load %arg6[%get3A_442] {strides = array<i32>} : memref<2560xi32, #tpu.memory_space<vmem>>, vector<16xi32>,
        %get3A_444 = vector.shape_cast %get3A_443 : vector<16xi32> to vector<16xi32>
        %swap3A_445 = arith.constant 4 : i32
        %swap3A_446 = arith.index_cast %swap3A_445 : i32 to index
        %swap3A_447 = arith.constant 32 : index
        %swap3A_448 = tpu.vector_load %arg7[%swap3A_446, %swap3A_447] {strides = array<i32>} : memref<5x64xi32, #tpu.memory_space<vmem>>, vector<1x16xi32>,
        %swap3A_449 = vector.shape_cast %swap3A_448 : vector<1x16xi32> to vector<16xi32>
        %swap3A_450 = vector.shape_cast %get3A_444 : vector<16xi32> to vector<1x16xi32>
        tpu.vector_store %arg7[%swap3A_446, %swap3A_447], %swap3A_450 {strides = array<i32>} : memref<5x64xi32, #tpu.memory_space<vmem>>, vector<1x16xi32>,
        %mul3A_451 = arith.constant 64 : i32
        %mul3A_452 = arith.muli %add3A_400, %mul3A_451 : i32
        %add3A_453 = arith.constant 48 : i32
        %add3A_454 = arith.addi %mul3A_452, %add3A_453 : i32
        %get3A_455 = arith.index_cast %add3A_454 : i32 to index
        %get3A_456 = tpu.vector_load %arg6[%get3A_455] {strides = array<i32>} : memref<2560xi32, #tpu.memory_space<vmem>>, vector<16xi32>,
        %get3A_457 = vector.shape_cast %get3A_456 : vector<16xi32> to vector<16xi32>
        %swap3A_458 = arith.constant 4 : i32
        %swap3A_459 = arith.index_cast %swap3A_458 : i32 to index
        %swap3A_460 = arith.constant 48 : index
        %swap3A_461 = tpu.vector_load %arg7[%swap3A_459, %swap3A_460] {strides = array<i32>} : memref<5x64xi32, #tpu.memory_space<vmem>>, vector<1x16xi32>,
        %swap3A_462 = vector.shape_cast %swap3A_461 : vector<1x16xi32> to vector<16xi32>
        %swap3A_463 = vector.shape_cast %get3A_457 : vector<16xi32> to vector<1x16xi32>
        tpu.vector_store %arg7[%swap3A_459, %swap3A_460], %swap3A_463 {strides = array<i32>} : memref<5x64xi32, #tpu.memory_space<vmem>>, vector<1x16xi32>,
        %run_scoped3A_464 = arith.constant 4 : i32
        %run_scoped3A_465 = arith.constant 4 : i32
        "tpu.region"() ({
          %run_scoped3A_475 = tpu.sem_alloc : memref<!tpu.dma_semaphore, #tpu.memory_space<semaphore_mem>>
          %dma_start3A_476 = arith.constant 0 : i32
          %dma_start3A_477 = arith.constant 0 : i32
          %dma_start3A_478 = tpu.memref_slice %arg8[%run_scoped3A_464, %dma_start3A_476, %dma_start3A_477] : memref<5x64x128xf32, #tpu.memory_space<vmem>> -> memref<1x64x128xf32, #tpu.memory_space<vmem>>
          %dma_start3A_479 = tpu.memref_squeeze %dma_start3A_478 : memref<1x64x128xf32, #tpu.memory_space<vmem>> -> memref<64x128xf32, #tpu.memory_space<vmem>>
          %dma_start3A_480 = arith.constant 0 : i32
          %dma_start3A_481 = tpu.memref_slice %arg7[%run_scoped3A_465, %dma_start3A_480] : memref<5x64xi32, #tpu.memory_space<vmem>> -> memref<1x64xi32, #tpu.memory_space<vmem>>
          %dma_start3A_482 = tpu.memref_squeeze %dma_start3A_481 : memref<1x64xi32, #tpu.memory_space<vmem>> -> memref<64xi32, #tpu.memory_space<vmem>>
          %dma_start3A_483 = arith.constant 0 : i32
          %dma_start3A_484 = arith.constant 0 : i32
          %dma_start3A_485 = tpu.memref_slice %arg9[%dma_start3A_483, %dma_start3A_484] : memref<10240x128xf32, #tpu.memory_space<vmem_shared>> -> memref<10240x128xf32, #tpu.memory_space<vmem_shared>>
          tpu.enqueue_indirect_dma source(%dma_start3A_479 : memref<64x128xf32, #tpu.memory_space<vmem>>) target(%dma_start3A_485 : memref<10240x128xf32, #tpu.memory_space<vmem_shared>>) offsets(%dma_start3A_482 : memref<64xi32, #tpu.memory_space<vmem>>) semaphore(%run_scoped3A_475 : memref<!tpu.dma_semaphore, #tpu.memory_space<semaphore_mem>>) {add = true}
          %dma_wait3A_486 = arith.constant 0 : i32
          %dma_wait3A_487 = arith.constant 0 : i32
          %dma_wait3A_488 = tpu.memref_slice %arg8[%run_scoped3A_464, %dma_wait3A_486, %dma_wait3A_487] : memref<5x64x128xf32, #tpu.memory_space<vmem>> -> memref<1x64x128xf32, #tpu.memory_space<vmem>>
          %dma_wait3A_489 = tpu.memref_squeeze %dma_wait3A_488 : memref<1x64x128xf32, #tpu.memory_space<vmem>> -> memref<64x128xf32, #tpu.memory_space<vmem>>
          %dma_wait3A_490 = arith.constant 0 : i32
          %dma_wait3A_491 = tpu.memref_slice %arg7[%run_scoped3A_465, %dma_wait3A_490] : memref<5x64xi32, #tpu.memory_space<vmem>> -> memref<1x64xi32, #tpu.memory_space<vmem>>
          %dma_wait3A_492 = tpu.memref_squeeze %dma_wait3A_491 : memref<1x64xi32, #tpu.memory_space<vmem>> -> memref<64xi32, #tpu.memory_space<vmem>>
          %dma_wait3A_493 = arith.constant 0 : i32
          %dma_wait3A_494 = arith.constant 0 : i32
          %dma_wait3A_495 = tpu.memref_slice %arg9[%dma_wait3A_493, %dma_wait3A_494] : memref<10240x128xf32, #tpu.memory_space<vmem_shared>> -> memref<10240x128xf32, #tpu.memory_space<vmem_shared>>
          tpu.wait_indirect_dma semaphore(%run_scoped3A_475 : memref<!tpu.dma_semaphore, #tpu.memory_space<semaphore_mem>>) src(%dma_wait3A_489 : memref<64x128xf32, #tpu.memory_space<vmem>>) dst(%dma_wait3A_495 : memref<10240x128xf32, #tpu.memory_space<vmem_shared>>)
          tpu.yield
        }) : () -> ()
        %add3A_466 = arith.constant 5 : i32
        %add3A_467 = arith.addi %add3A_400, %add3A_466 : i32
        %lt3A_468 = arith.constant 40 : i32
        %lt3A_469 = arith.cmpi slt, %add3A_467, %lt3A_468 : i32
        %convert_element_type3A_470 = arith.extui %lt3A_469 : i1 to i32
        %cond3A_471 = arith.constant 4 : i32
        %cond3A_472 = arith.constant 0 : i32
        %cond3A_473 = arith.cmpi ne, %convert_element_type3A_470, %cond3A_472 : i32
        scf.if %cond3A_473 {
          %add3A_475 = arith.constant 5 : i32
          %add3A_476 = arith.addi %add3A_400, %add3A_475 : i32
          %mul3A_477 = arith.constant 64 : i32
          %mul3A_478 = arith.muli %add3A_476, %mul3A_477 : i32
          %dma_start3A_479 = arith.constant 0 : i32
          %dma_start3A_480 = arith.constant 0 : i32
          %dma_start3A_481 = tpu.memref_slice %arg8[%cond3A_471, %dma_start3A_479, %dma_start3A_480] : memref<5x64x128xf32, #tpu.memory_space<vmem>> -> memref<1x64x128xf32, #tpu.memory_space<vmem>>
          %dma_start3A_482 = tpu.memref_squeeze %dma_start3A_481 : memref<1x64x128xf32, #tpu.memory_space<vmem>> -> memref<64x128xf32, #tpu.memory_space<vmem>>
          %dma_start3A_483 = tpu.memref_slice %arg5[%mul3A_478] : memref<2560xi32, #tpu.memory_space<vmem>> -> memref<64xi32, #tpu.memory_space<vmem>>
          %dma_start3A_484 = arith.constant 0 : i32
          %dma_start3A_485 = arith.constant 0 : i32
          %dma_start3A_486 = tpu.memref_slice %arg2[%dma_start3A_484, %dma_start3A_485] : memref<10000x128xf32, #tpu.memory_space<hbm>> -> memref<10000x128xf32, #tpu.memory_space<hbm>>
          tpu.enqueue_indirect_dma source(%dma_start3A_486 : memref<10000x128xf32, #tpu.memory_space<hbm>>) target(%dma_start3A_482 : memref<64x128xf32, #tpu.memory_space<vmem>>) offsets(%dma_start3A_483 : memref<64xi32, #tpu.memory_space<vmem>>) semaphore(%arg14 : memref<!tpu.dma_semaphore, #tpu.memory_space<semaphore_mem>>)
        } else {
        }
        %scan3A_474 = arith.constant 0 : i32
        scf.yield %scan3A_474 : i32
      }
      %scan3A_91 = arith.constant 8 : i32
      %scan3A_92 = arith.constant 0 : i32
      scf.yield %scan3A_92 : i32
    }
    %scan3A_22 = arith.constant 4 : i32
    %barrier3A_23 = arith.constant 0 : index
    tpu.barrier barrier_id(%barrier3A_23)
    %mul3A_24 = arith.constant 640 : i32
    %mul3A_25 = arith.muli %arg1, %mul3A_24 : i32
    %mul3A_26 = arith.constant 640 : i32
    %mul3A_27 = arith.muli %arg1, %mul3A_26 : i32
    "tpu.region"() ({
      %run_scoped3A = tpu.sem_alloc : memref<!tpu.dma_semaphore, #tpu.memory_space<semaphore_mem>>
      %dma_start3A = arith.constant 0 : i32
      %dma_start3A_28 = arith.constant 0 : i32
      %dma_start3A_29 = tpu.memref_slice %arg4[%arg0, %dma_start3A, %dma_start3A_28] : memref<2x10240x128xf32, #tpu.memory_space<hbm>> -> memref<1x10240x128xf32, #tpu.memory_space<hbm>>
      %dma_start3A_30 = tpu.memref_squeeze %dma_start3A_29 : memref<1x10240x128xf32, #tpu.memory_space<hbm>> -> memref<10240x128xf32, #tpu.memory_space<hbm>>
      %dma_start3A_31 = arith.constant 0 : i32
      %dma_start3A_32 = tpu.memref_slice %dma_start3A_30[%mul3A_27, %dma_start3A_31] : memref<10240x128xf32, #tpu.memory_space<hbm>> -> memref<640x128xf32, #tpu.memory_space<hbm>>
      %dma_start3A_33 = arith.constant 0 : i32
      %dma_start3A_34 = tpu.memref_slice %arg9[%mul3A_25, %dma_start3A_33] : memref<10240x128xf32, #tpu.memory_space<vmem_shared>> -> memref<640x128xf32, #tpu.memory_space<vmem_shared>>
      tpu.enqueue_dma source(%dma_start3A_34 : memref<640x128xf32, #tpu.memory_space<vmem_shared>>) target(%dma_start3A_32 : memref<640x128xf32, #tpu.memory_space<hbm>>) target_semaphore(%run_scoped3A : memref<!tpu.dma_semaphore, #tpu.memory_space<semaphore_mem>>)
      %dma_wait3A = arith.constant 0 : i32
      %dma_wait3A_35 = arith.constant 0 : i32
      %dma_wait3A_36 = tpu.memref_slice %arg4[%arg0, %dma_wait3A, %dma_wait3A_35] : memref<2x10240x128xf32, #tpu.memory_space<hbm>> -> memref<1x10240x128xf32, #tpu.memory_space<hbm>>
      %dma_wait3A_37 = tpu.memref_squeeze %dma_wait3A_36 : memref<1x10240x128xf32, #tpu.memory_space<hbm>> -> memref<10240x128xf32, #tpu.memory_space<hbm>>
      %dma_wait3A_38 = arith.constant 0 : i32
      %dma_wait3A_39 = tpu.memref_slice %dma_wait3A_37[%mul3A_27, %dma_wait3A_38] : memref<10240x128xf32, #tpu.memory_space<hbm>> -> memref<640x128xf32, #tpu.memory_space<hbm>>
      %dma_wait3A_40 = arith.constant 0 : i32
      %dma_wait3A_41 = tpu.memref_slice %arg9[%mul3A_25, %dma_wait3A_40] : memref<10240x128xf32, #tpu.memory_space<vmem_shared>> -> memref<640x128xf32, #tpu.memory_space<vmem_shared>>
      tpu.wait_dma2 semaphore(%run_scoped3A : memref<!tpu.dma_semaphore, #tpu.memory_space<semaphore_mem>>) src(%dma_wait3A_41 : memref<640x128xf32, #tpu.memory_space<vmem_shared>>) dst(%dma_wait3A_39 : memref<640x128xf32, #tpu.memory_space<hbm>>)
      tpu.yield
    }) : () -> ()
    return
  }
}

module attributes {stable_mosaic.version = 14 : i64} {
  func.func @_encode_kernel(%arg0: i32, %arg1: memref<5000x128xf32, #tpu.memory_space<vmem>>, %arg2: memref<128x128xf32, #tpu.memory_space<vmem>>, %arg3: memref<128xf32, #tpu.memory_space<vmem>>, %arg4: memref<128x128xf32, #tpu.memory_space<vmem>>, %arg5: memref<5000x128xf32, #tpu.memory_space<vmem>>) attributes {dimension_semantics = [#tpu.dimension_semantics<arbitrary>], iteration_bounds = array<i64: 2>, scalar_prefetch = 0 : i64, scratch_operands = 0 : i64, tpu.core_type = #tpu.core_type<tc>, window_params = [{transform_indices = @transform_0, window_bounds = array<i64: 5000, 128>}, {pipeline_mode = #tpu.pipeline_mode<synchronous>, transform_indices = @transform_1, window_bounds = array<i64: 128, 128>}, {pipeline_mode = #tpu.pipeline_mode<synchronous>, transform_indices = @transform_2, window_bounds = array<i64: 128>}, {pipeline_mode = #tpu.pipeline_mode<synchronous>, transform_indices = @transform_3, window_bounds = array<i64: 128, 128>}, {transform_indices = @transform_4, window_bounds = array<i64: 5000, 128>}]} {
    %get3A = arith.constant 0 : index
    %get3A_0 = arith.constant 0 : index
    %get3A_1 = vector.load %arg1[%get3A, %get3A_0] : memref<5000x128xf32, #tpu.memory_space<vmem>>, vector<5000x128xf32>
    %get3A_2 = arith.constant 0 : index
    %get3A_3 = arith.constant 0 : index
    %get3A_4 = vector.load %arg2[%get3A_2, %get3A_3] : memref<128x128xf32, #tpu.memory_space<vmem>>, vector<128x128xf32>
    %dot_general3A = arith.constant dense<0.000000e+00> : vector<5000x128xf32>
    %dot_general3A_5 = tpu.matmul %get3A_1, %get3A_4, %dot_general3A {dimension_numbers = #tpu.dot_dimension_numbers<[1], [0], [0], [1], [0, 0, 1, 1], [], []>, transpose_lhs_hint = false} : vector<5000x128xf32>, vector<128x128xf32>, vector<5000x128xf32> -> vector<5000x128xf32>
    %get3A_6 = arith.constant 0 : index
    %get3A_7 = vector.load %arg3[%get3A_6] : memref<128xf32, #tpu.memory_space<vmem>>, vector<128xf32>
    %broadcast_in_dim3A = vector.shape_cast %get3A_7 : vector<128xf32> to vector<1x128xf32>
    %add3A = vector.broadcast %broadcast_in_dim3A : vector<1x128xf32> to vector<5000x128xf32>
    %add3A_8 = arith.addf %dot_general3A_5, %add3A : vector<5000x128xf32>
    %get3A_9 = arith.constant 0 : index
    %get3A_10 = arith.constant 0 : index
    %get3A_11 = vector.load %arg4[%get3A_9, %get3A_10] : memref<128x128xf32, #tpu.memory_space<vmem>>, vector<128x128xf32>
    %dot_general3A_12 = arith.constant dense<0.000000e+00> : vector<5000x128xf32>
    %dot_general3A_13 = tpu.matmul %add3A_8, %get3A_11, %dot_general3A_12 {dimension_numbers = #tpu.dot_dimension_numbers<[1], [0], [0], [1], [0, 0, 1, 1], [], []>, transpose_lhs_hint = false} : vector<5000x128xf32>, vector<128x128xf32>, vector<5000x128xf32> -> vector<5000x128xf32>
    %swap3A = arith.constant 0 : index
    %swap3A_14 = arith.constant 0 : index
    %swap3A_15 = vector.load %arg5[%swap3A, %swap3A_14] : memref<5000x128xf32, #tpu.memory_space<vmem>>, vector<5000x128xf32>
    tpu.vector_store %arg5[%swap3A, %swap3A_14], %dot_general3A_13 {strides = array<i32>} : memref<5000x128xf32, #tpu.memory_space<vmem>>, vector<5000x128xf32>,
    return
  }
  func.func @transform_0(%arg0: i32) -> (i32, i32) {
    %c0_i32 = arith.constant 0 : i32
    %c0_i32_0 = arith.constant 0 : i32
    return %arg0, %c0_i32 : i32, i32
  }
  func.func @transform_1(%arg0: i32) -> (i32, i32) {
    %c0_i32 = arith.constant 0 : i32
    %c0_i32_0 = arith.constant 0 : i32
    %c0_i32_1 = arith.constant 0 : i32
    return %c0_i32, %c0_i32_0 : i32, i32
  }
  func.func @transform_2(%arg0: i32) -> i32 {
    %c0_i32 = arith.constant 0 : i32
    %c0_i32_0 = arith.constant 0 : i32
    return %c0_i32 : i32
  }
  func.func @transform_3(%arg0: i32) -> (i32, i32) {
    %c0_i32 = arith.constant 0 : i32
    %c0_i32_0 = arith.constant 0 : i32
    %c0_i32_1 = arith.constant 0 : i32
    return %c0_i32, %c0_i32_0 : i32, i32
  }
  func.func @transform_4(%arg0: i32) -> (i32, i32) {
    %c0_i32 = arith.constant 0 : i32
    %c0_i32_0 = arith.constant 0 : i32
    return %arg0, %c0_i32 : i32, i32
  }
}

module attributes {stable_mosaic.version = 14 : i64} {
  func.func @_scale_kernel(%arg0: i32, %arg1: memref<5000x128xf32, #tpu.memory_space<vmem>>, %arg2: memref<5000x2xf32, #tpu.memory_space<vmem>>, %arg3: memref<5000x128xf32, #tpu.memory_space<vmem>>) attributes {dimension_semantics = [#tpu.dimension_semantics<arbitrary>], iteration_bounds = array<i64: 2>, scalar_prefetch = 0 : i64, scratch_operands = 0 : i64, tpu.core_type = #tpu.core_type<tc>, window_params = [{transform_indices = @transform_0, window_bounds = array<i64: 5000, 128>}, {transform_indices = @transform_1, window_bounds = array<i64: 5000, 2>}, {transform_indices = @transform_2, window_bounds = array<i64: 5000, 128>}]} {
    %get3A = arith.constant 0 : index
    %get3A_0 = arith.constant 0 : index
    %get3A_1 = vector.load %arg2[%get3A, %get3A_0] : memref<5000x2xf32, #tpu.memory_space<vmem>>, vector<5000x1xf32>
    %get3A_2 = arith.constant 0 : index
    %get3A_3 = arith.constant 1 : index
    %get3A_4 = vector.load %arg2[%get3A_2, %get3A_3] : memref<5000x2xf32, #tpu.memory_space<vmem>>, vector<5000x1xf32>
    %add3A = arith.addf %get3A_1, %get3A_4 : vector<5000x1xf32>
    %add3A_5 = arith.constant 1.000000e+00 : f32
    %add3A_6 = vector.broadcast %add3A_5 : f32 to vector<5000x1xf32>
    %add3A_7 = arith.addf %add3A, %add3A_6 : vector<5000x1xf32>
    %sqrt3A = math.sqrt %add3A_7 : vector<5000x1xf32>
    %div3A = arith.constant 1.000000e+00 : f32
    %div3A_8 = vector.broadcast %div3A : f32 to vector<5000x1xf32>
    %div3A_9 = arith.divf %div3A_8, %sqrt3A : vector<5000x1xf32>
    %get3A_10 = arith.constant 0 : index
    %get3A_11 = arith.constant 0 : index
    %get3A_12 = vector.load %arg1[%get3A_10, %get3A_11] : memref<5000x128xf32, #tpu.memory_space<vmem>>, vector<5000x128xf32>
    %mul3A = vector.broadcast %div3A_9 : vector<5000x1xf32> to vector<5000x128xf32>
    %mul3A_13 = arith.mulf %mul3A, %get3A_12 : vector<5000x128xf32>
    %swap3A = arith.constant 0 : index
    %swap3A_14 = arith.constant 0 : index
    %swap3A_15 = vector.load %arg3[%swap3A, %swap3A_14] : memref<5000x128xf32, #tpu.memory_space<vmem>>, vector<5000x128xf32>
    tpu.vector_store %arg3[%swap3A, %swap3A_14], %mul3A_13 {strides = array<i32>} : memref<5000x128xf32, #tpu.memory_space<vmem>>, vector<5000x128xf32>,
    return
  }
  func.func @transform_0(%arg0: i32) -> (i32, i32) {
    %c0_i32 = arith.constant 0 : i32
    %c0_i32_0 = arith.constant 0 : i32
    return %arg0, %c0_i32 : i32, i32
  }
  func.func @transform_1(%arg0: i32) -> (i32, i32) {
    %c0_i32 = arith.constant 0 : i32
    %c0_i32_0 = arith.constant 0 : i32
    return %arg0, %c0_i32 : i32, i32
  }
  func.func @transform_2(%arg0: i32) -> (i32, i32) {
    %c0_i32 = arith.constant 0 : i32
    %c0_i32_0 = arith.constant 0 : i32
    return %arg0, %c0_i32 : i32, i32
  }
}

module attributes {stable_mosaic.version = 14 : i64} {
  func.func @_mid_kernel(%arg0: i32, %arg1: memref<2x5000x128xf32, #tpu.memory_space<vmem>>, %arg2: memref<5000x128xf32, #tpu.memory_space<vmem>>, %arg3: memref<5000x2xf32, #tpu.memory_space<vmem>>, %arg4: memref<128xf32, #tpu.memory_space<vmem>>, %arg5: memref<128x128xf32, #tpu.memory_space<vmem>>, %arg6: memref<5000x128xf32, #tpu.memory_space<vmem>>) attributes {dimension_semantics = [#tpu.dimension_semantics<arbitrary>], iteration_bounds = array<i64: 2>, scalar_prefetch = 0 : i64, scratch_operands = 0 : i64, tpu.core_type = #tpu.core_type<tc>, window_params = [{transform_indices = @transform_0, window_bounds = array<i64: 2, 5000, 128>}, {transform_indices = @transform_1, window_bounds = array<i64: 5000, 128>}, {transform_indices = @transform_2, window_bounds = array<i64: 5000, 2>}, {pipeline_mode = #tpu.pipeline_mode<synchronous>, transform_indices = @transform_3, window_bounds = array<i64: 128>}, {pipeline_mode = #tpu.pipeline_mode<synchronous>, transform_indices = @transform_4, window_bounds = array<i64: 128, 128>}, {transform_indices = @transform_5, window_bounds = array<i64: 5000, 128>}]} {
    %get3A = arith.constant 0 : index
    %get3A_0 = arith.constant 0 : index
    %get3A_1 = vector.load %arg3[%get3A, %get3A_0] : memref<5000x2xf32, #tpu.memory_space<vmem>>, vector<5000x1xf32>
    %get3A_2 = arith.constant 0 : index
    %get3A_3 = arith.constant 1 : index
    %get3A_4 = vector.load %arg3[%get3A_2, %get3A_3] : memref<5000x2xf32, #tpu.memory_space<vmem>>, vector<5000x1xf32>
    %add3A = arith.addf %get3A_1, %get3A_4 : vector<5000x1xf32>
    %add3A_5 = arith.constant 1.000000e+00 : f32
    %add3A_6 = vector.broadcast %add3A_5 : f32 to vector<5000x1xf32>
    %add3A_7 = arith.addf %add3A, %add3A_6 : vector<5000x1xf32>
    %sqrt3A = math.sqrt %add3A_7 : vector<5000x1xf32>
    %div3A = arith.constant 1.000000e+00 : f32
    %div3A_8 = vector.broadcast %div3A : f32 to vector<5000x1xf32>
    %div3A_9 = arith.divf %div3A_8, %sqrt3A : vector<5000x1xf32>
    %get3A_10 = arith.constant 0 : index
    %get3A_11 = arith.constant 0 : index
    %get3A_12 = arith.constant 0 : index
    %get3A_13 = vector.load %arg1[%get3A_10, %get3A_11, %get3A_12] : memref<2x5000x128xf32, #tpu.memory_space<vmem>>, vector<1x5000x128xf32>
    %get3A_14 = vector.shape_cast %get3A_13 : vector<1x5000x128xf32> to vector<5000x128xf32>
    %get3A_15 = arith.constant 1 : index
    %get3A_16 = arith.constant 0 : index
    %get3A_17 = arith.constant 0 : index
    %get3A_18 = vector.load %arg1[%get3A_15, %get3A_16, %get3A_17] : memref<2x5000x128xf32, #tpu.memory_space<vmem>>, vector<1x5000x128xf32>
    %get3A_19 = vector.shape_cast %get3A_18 : vector<1x5000x128xf32> to vector<5000x128xf32>
    %add3A_20 = arith.addf %get3A_14, %get3A_19 : vector<5000x128xf32>
    %get3A_21 = arith.constant 0 : index
    %get3A_22 = arith.constant 0 : index
    %get3A_23 = vector.load %arg2[%get3A_21, %get3A_22] : memref<5000x128xf32, #tpu.memory_space<vmem>>, vector<5000x128xf32>
    %add3A_24 = arith.addf %add3A_20, %get3A_23 : vector<5000x128xf32>
    %mul3A = vector.broadcast %div3A_9 : vector<5000x1xf32> to vector<5000x128xf32>
    %mul3A_25 = arith.mulf %mul3A, %add3A_24 : vector<5000x128xf32>
    %get3A_26 = arith.constant 0 : index
    %get3A_27 = vector.load %arg4[%get3A_26] : memref<128xf32, #tpu.memory_space<vmem>>, vector<128xf32>
    %broadcast_in_dim3A = vector.shape_cast %get3A_27 : vector<128xf32> to vector<1x128xf32>
    %add3A_28 = vector.broadcast %broadcast_in_dim3A : vector<1x128xf32> to vector<5000x128xf32>
    %add3A_29 = arith.addf %mul3A_25, %add3A_28 : vector<5000x128xf32>
    %max3A = arith.constant 0.000000e+00 : f32
    %max3A_30 = vector.broadcast %max3A : f32 to vector<5000x128xf32>
    %max3A_31 = arith.maximumf %add3A_29, %max3A_30 : vector<5000x128xf32>
    %get3A_32 = arith.constant 0 : index
    %get3A_33 = arith.constant 0 : index
    %get3A_34 = vector.load %arg5[%get3A_32, %get3A_33] : memref<128x128xf32, #tpu.memory_space<vmem>>, vector<128x128xf32>
    %dot_general3A = arith.constant dense<0.000000e+00> : vector<5000x128xf32>
    %dot_general3A_35 = tpu.matmul %max3A_31, %get3A_34, %dot_general3A {dimension_numbers = #tpu.dot_dimension_numbers<[1], [0], [0], [1], [0, 0, 1, 1], [], []>, transpose_lhs_hint = false} : vector<5000x128xf32>, vector<128x128xf32>, vector<5000x128xf32> -> vector<5000x128xf32>
    %mul3A_36 = vector.broadcast %div3A_9 : vector<5000x1xf32> to vector<5000x128xf32>
    %mul3A_37 = arith.mulf %mul3A_36, %dot_general3A_35 : vector<5000x128xf32>
    %swap3A = arith.constant 0 : index
    %swap3A_38 = arith.constant 0 : index
    %swap3A_39 = vector.load %arg6[%swap3A, %swap3A_38] : memref<5000x128xf32, #tpu.memory_space<vmem>>, vector<5000x128xf32>
    tpu.vector_store %arg6[%swap3A, %swap3A_38], %mul3A_37 {strides = array<i32>} : memref<5000x128xf32, #tpu.memory_space<vmem>>, vector<5000x128xf32>,
    return
  }
  func.func @transform_0(%arg0: i32) -> (i32, i32, i32) {
    %c0_i32 = arith.constant 0 : i32
    %c0_i32_0 = arith.constant 0 : i32
    %c0_i32_1 = arith.constant 0 : i32
    return %c0_i32, %arg0, %c0_i32_0 : i32, i32, i32
  }
  func.func @transform_1(%arg0: i32) -> (i32, i32) {
    %c0_i32 = arith.constant 0 : i32
    %c0_i32_0 = arith.constant 0 : i32
    return %arg0, %c0_i32 : i32, i32
  }
  func.func @transform_2(%arg0: i32) -> (i32, i32) {
    %c0_i32 = arith.constant 0 : i32
    %c0_i32_0 = arith.constant 0 : i32
    return %arg0, %c0_i32 : i32, i32
  }
  func.func @transform_3(%arg0: i32) -> i32 {
    %c0_i32 = arith.constant 0 : i32
    %c0_i32_0 = arith.constant 0 : i32
    return %c0_i32 : i32
  }
  func.func @transform_4(%arg0: i32) -> (i32, i32) {
    %c0_i32 = arith.constant 0 : i32
    %c0_i32_0 = arith.constant 0 : i32
    %c0_i32_1 = arith.constant 0 : i32
    return %c0_i32, %c0_i32_0 : i32, i32
  }
  func.func @transform_5(%arg0: i32) -> (i32, i32) {
    %c0_i32 = arith.constant 0 : i32
    %c0_i32_0 = arith.constant 0 : i32
    return %arg0, %c0_i32 : i32, i32
  }
}

module attributes {stable_mosaic.version = 14 : i64} {
  func.func @_final_kernel(%arg0: i32, %arg1: memref<2x5000x128xf32, #tpu.memory_space<vmem>>, %arg2: memref<5000x128xf32, #tpu.memory_space<vmem>>, %arg3: memref<5000x2xf32, #tpu.memory_space<vmem>>, %arg4: memref<128xf32, #tpu.memory_space<vmem>>, %arg5: memref<128x64xf32, #tpu.memory_space<vmem>>, %arg6: memref<64xf32, #tpu.memory_space<vmem>>, %arg7: memref<1x1x5000xi32, #tpu.memory_space<vmem>>, %arg8: memref<16x64xf32, #tpu.memory_space<vmem>>, %arg9: memref<16x64xf32, #tpu.memory_space<vmem>>, %arg10: memref<16x64xf32, #tpu.memory_space<vmem>>) attributes {dimension_semantics = [#tpu.dimension_semantics<arbitrary>], iteration_bounds = array<i64: 2>, scalar_prefetch = 0 : i64, scratch_operands = 2 : i64, tpu.core_type = #tpu.core_type<tc>, window_params = [{transform_indices = @transform_0, window_bounds = array<i64: 2, 5000, 128>}, {transform_indices = @transform_1, window_bounds = array<i64: 5000, 128>}, {transform_indices = @transform_2, window_bounds = array<i64: 5000, 2>}, {pipeline_mode = #tpu.pipeline_mode<synchronous>, transform_indices = @transform_3, window_bounds = array<i64: 128>}, {pipeline_mode = #tpu.pipeline_mode<synchronous>, transform_indices = @transform_4, window_bounds = array<i64: 128, 64>}, {pipeline_mode = #tpu.pipeline_mode<synchronous>, transform_indices = @transform_5, window_bounds = array<i64: 64>}, {transform_indices = @transform_6, window_bounds = array<i64: 1, 1, 5000>}, {pipeline_mode = #tpu.pipeline_mode<synchronous>, transform_indices = @transform_7, window_bounds = array<i64: 16, 64>}]} {
    %eq3A = arith.constant 0 : i32
    %eq3A_0 = arith.cmpi eq, %arg0, %eq3A : i32
    %convert_element_type3A = arith.extui %eq3A_0 : i1 to i32
    %cond3A = arith.constant 0 : i32
    %cond3A_1 = arith.cmpi ne, %convert_element_type3A, %cond3A : i32
    scf.if %cond3A_1 {
      %broadcast_in_dim3A_74 = arith.constant 0.000000e+00 : f32
      %broadcast_in_dim3A_75 = vector.broadcast %broadcast_in_dim3A_74 : f32 to vector<16x64xf32>
      %swap3A_76 = arith.constant 0 : index
      %swap3A_77 = arith.constant 0 : index
      %swap3A_78 = vector.load %arg9[%swap3A_76, %swap3A_77] : memref<16x64xf32, #tpu.memory_space<vmem>>, vector<16x64xf32>
      tpu.vector_store %arg9[%swap3A_76, %swap3A_77], %broadcast_in_dim3A_75 {strides = array<i32>} : memref<16x64xf32, #tpu.memory_space<vmem>>, vector<16x64xf32>,
      %broadcast_in_dim3A_79 = arith.constant 0.000000e+00 : f32
      %broadcast_in_dim3A_80 = vector.broadcast %broadcast_in_dim3A_79 : f32 to vector<16x64xf32>
      %swap3A_81 = arith.constant 0 : index
      %swap3A_82 = arith.constant 0 : index
      %swap3A_83 = vector.load %arg10[%swap3A_81, %swap3A_82] : memref<16x64xf32, #tpu.memory_space<vmem>>, vector<16x64xf32>
      tpu.vector_store %arg10[%swap3A_81, %swap3A_82], %broadcast_in_dim3A_80 {strides = array<i32>} : memref<16x64xf32, #tpu.memory_space<vmem>>, vector<16x64xf32>,
    } else {
    }
    %get3A = arith.constant 0 : index
    %get3A_2 = arith.constant 0 : index
    %get3A_3 = arith.constant 0 : index
    %get3A_4 = vector.load %arg1[%get3A, %get3A_2, %get3A_3] : memref<2x5000x128xf32, #tpu.memory_space<vmem>>, vector<1x5000x128xf32>
    %get3A_5 = vector.shape_cast %get3A_4 : vector<1x5000x128xf32> to vector<5000x128xf32>
    %get3A_6 = arith.constant 1 : index
    %get3A_7 = arith.constant 0 : index
    %get3A_8 = arith.constant 0 : index
    %get3A_9 = vector.load %arg1[%get3A_6, %get3A_7, %get3A_8] : memref<2x5000x128xf32, #tpu.memory_space<vmem>>, vector<1x5000x128xf32>
    %get3A_10 = vector.shape_cast %get3A_9 : vector<1x5000x128xf32> to vector<5000x128xf32>
    %add3A = arith.addf %get3A_5, %get3A_10 : vector<5000x128xf32>
    %get3A_11 = arith.constant 0 : index
    %get3A_12 = arith.constant 0 : index
    %get3A_13 = vector.load %arg2[%get3A_11, %get3A_12] : memref<5000x128xf32, #tpu.memory_space<vmem>>, vector<5000x128xf32>
    %add3A_14 = arith.addf %add3A, %get3A_13 : vector<5000x128xf32>
    %get3A_15 = arith.constant 0 : index
    %get3A_16 = arith.constant 0 : index
    %get3A_17 = vector.load %arg3[%get3A_15, %get3A_16] : memref<5000x2xf32, #tpu.memory_space<vmem>>, vector<5000x1xf32>
    %get3A_18 = arith.constant 0 : index
    %get3A_19 = arith.constant 1 : index
    %get3A_20 = vector.load %arg3[%get3A_18, %get3A_19] : memref<5000x2xf32, #tpu.memory_space<vmem>>, vector<5000x1xf32>
    %add3A_21 = arith.addf %get3A_17, %get3A_20 : vector<5000x1xf32>
    %add3A_22 = arith.constant 1.000000e+00 : f32
    %add3A_23 = vector.broadcast %add3A_22 : f32 to vector<5000x1xf32>
    %add3A_24 = arith.addf %add3A_21, %add3A_23 : vector<5000x1xf32>
    %sqrt3A = math.sqrt %add3A_24 : vector<5000x1xf32>
    %div3A = arith.constant 1.000000e+00 : f32
    %div3A_25 = vector.broadcast %div3A : f32 to vector<5000x1xf32>
    %div3A_26 = arith.divf %div3A_25, %sqrt3A : vector<5000x1xf32>
    %mul3A = vector.broadcast %div3A_26 : vector<5000x1xf32> to vector<5000x128xf32>
    %mul3A_27 = arith.mulf %mul3A, %add3A_14 : vector<5000x128xf32>
    %get3A_28 = arith.constant 0 : index
    %get3A_29 = vector.load %arg4[%get3A_28] : memref<128xf32, #tpu.memory_space<vmem>>, vector<128xf32>
    %broadcast_in_dim3A = vector.shape_cast %get3A_29 : vector<128xf32> to vector<1x128xf32>
    %add3A_30 = vector.broadcast %broadcast_in_dim3A : vector<1x128xf32> to vector<5000x128xf32>
    %add3A_31 = arith.addf %mul3A_27, %add3A_30 : vector<5000x128xf32>
    %get3A_32 = arith.constant 0 : index
    %get3A_33 = arith.constant 0 : index
    %get3A_34 = vector.load %arg5[%get3A_32, %get3A_33] : memref<128x64xf32, #tpu.memory_space<vmem>>, vector<128x64xf32>
    %dot_general3A = arith.constant dense<0.000000e+00> : vector<5000x64xf32>
    %dot_general3A_35 = tpu.matmul %add3A_31, %get3A_34, %dot_general3A {dimension_numbers = #tpu.dot_dimension_numbers<[1], [0], [0], [1], [0, 0, 1, 1], [], []>, transpose_lhs_hint = false} : vector<5000x128xf32>, vector<128x64xf32>, vector<5000x64xf32> -> vector<5000x64xf32>
    %get3A_36 = arith.constant 0 : index
    %get3A_37 = vector.load %arg6[%get3A_36] : memref<64xf32, #tpu.memory_space<vmem>>, vector<64xf32>
    %broadcast_in_dim3A_38 = vector.shape_cast %get3A_37 : vector<64xf32> to vector<1x64xf32>
    %add3A_39 = vector.broadcast %broadcast_in_dim3A_38 : vector<1x64xf32> to vector<5000x64xf32>
    %add3A_40 = arith.addf %dot_general3A_35, %add3A_39 : vector<5000x64xf32>
    %get3A_41 = arith.constant 0 : index
    %get3A_42 = arith.constant 0 : index
    %get3A_43 = arith.constant 0 : index
    %get3A_44 = vector.load %arg7[%get3A_41, %get3A_42, %get3A_43] : memref<1x1x5000xi32, #tpu.memory_space<vmem>>, vector<1x1x5000xi32>
    %get3A_45 = vector.shape_cast %get3A_44 : vector<1x1x5000xi32> to vector<1x5000xi32>
    %iota3A = tpu.iota {dimensions = array<i32: 0>} : vector<16x5000xi32>
    %eq3A_46 = vector.broadcast %get3A_45 : vector<1x5000xi32> to vector<16x5000xi32>
    %eq3A_47 = arith.cmpi eq, %eq3A_46, %iota3A : vector<16x5000xi32>
    %convert_element_type3A_48 = arith.extui %eq3A_47 : vector<16x5000xi1> to vector<16x5000xi32>
    %convert_element_type3A_49 = arith.sitofp %convert_element_type3A_48 : vector<16x5000xi32> to vector<16x5000xf32>
    %get3A_50 = arith.constant 0 : index
    %get3A_51 = arith.constant 0 : index
    %get3A_52 = vector.load %arg9[%get3A_50, %get3A_51] : memref<16x64xf32, #tpu.memory_space<vmem>>, vector<16x64xf32>
    %dot_general3A_53 = arith.constant dense<0.000000e+00> : vector<16x64xf32>
    %dot_general3A_54 = tpu.matmul %convert_element_type3A_49, %add3A_40, %dot_general3A_53 {dimension_numbers = #tpu.dot_dimension_numbers<[1], [0], [0], [1], [0, 0, 1, 1], [], []>, transpose_lhs_hint = false} : vector<16x5000xf32>, vector<5000x64xf32>, vector<16x64xf32> -> vector<16x64xf32>
    %add3A_55 = arith.addf %get3A_52, %dot_general3A_54 : vector<16x64xf32>
    %swap3A = arith.constant 0 : index
    %swap3A_56 = arith.constant 0 : index
    %swap3A_57 = vector.load %arg9[%swap3A, %swap3A_56] : memref<16x64xf32, #tpu.memory_space<vmem>>, vector<16x64xf32>
    tpu.vector_store %arg9[%swap3A, %swap3A_56], %add3A_55 {strides = array<i32>} : memref<16x64xf32, #tpu.memory_space<vmem>>, vector<16x64xf32>,
    %get3A_58 = arith.constant 0 : index
    %get3A_59 = arith.constant 0 : index
    %get3A_60 = vector.load %arg10[%get3A_58, %get3A_59] : memref<16x64xf32, #tpu.memory_space<vmem>>, vector<16x64xf32>
    %reduce_sum3A = arith.constant dense<0.000000e+00> : vector<16xf32>
    %reduce_sum3A_61 = vector.multi_reduction <add>, %convert_element_type3A_49, %reduce_sum3A [1] : vector<16x5000xf32> to vector<16xf32>
    %broadcast_in_dim3A_62 = vector.shape_cast %reduce_sum3A_61 : vector<16xf32> to vector<16x1xf32>
    %broadcast_in_dim3A_63 = vector.shape_cast %broadcast_in_dim3A_62 : vector<16x1xf32> to vector<16x1xf32>
    %broadcast_in_dim3A_64 = vector.broadcast %broadcast_in_dim3A_63 : vector<16x1xf32> to vector<16x64xf32>
    %add3A_65 = arith.addf %get3A_60, %broadcast_in_dim3A_64 : vector<16x64xf32>
    %swap3A_66 = arith.constant 0 : index
    %swap3A_67 = arith.constant 0 : index
    %swap3A_68 = vector.load %arg10[%swap3A_66, %swap3A_67] : memref<16x64xf32, #tpu.memory_space<vmem>>, vector<16x64xf32>
    tpu.vector_store %arg10[%swap3A_66, %swap3A_67], %add3A_65 {strides = array<i32>} : memref<16x64xf32, #tpu.memory_space<vmem>>, vector<16x64xf32>,
    %eq3A_69 = arith.constant 1 : i32
    %eq3A_70 = arith.cmpi eq, %arg0, %eq3A_69 : i32
    %convert_element_type3A_71 = arith.extui %eq3A_70 : i1 to i32
    %cond3A_72 = arith.constant 0 : i32
    %cond3A_73 = arith.cmpi ne, %convert_element_type3A_71, %cond3A_72 : i32
    scf.if %cond3A_73 {
      %get3A_74 = arith.constant 0 : index
      %get3A_75 = arith.constant 0 : index
      %get3A_76 = vector.load %arg9[%get3A_74, %get3A_75] : memref<16x64xf32, #tpu.memory_space<vmem>>, vector<16x64xf32>
      %get3A_77 = arith.constant 0 : index
      %get3A_78 = arith.constant 0 : index
      %get3A_79 = vector.load %arg10[%get3A_77, %get3A_78] : memref<16x64xf32, #tpu.memory_space<vmem>>, vector<16x64xf32>
      %max3A = arith.constant 1.000000e+00 : f32
      %max3A_80 = vector.broadcast %max3A : f32 to vector<16x64xf32>
      %max3A_81 = arith.maximumf %get3A_79, %max3A_80 : vector<16x64xf32>
      %div3A_82 = arith.divf %get3A_76, %max3A_81 : vector<16x64xf32>
      %swap3A_83 = arith.constant 0 : index
      %swap3A_84 = arith.constant 0 : index
      %swap3A_85 = vector.load %arg8[%swap3A_83, %swap3A_84] : memref<16x64xf32, #tpu.memory_space<vmem>>, vector<16x64xf32>
      tpu.vector_store %arg8[%swap3A_83, %swap3A_84], %div3A_82 {strides = array<i32>} : memref<16x64xf32, #tpu.memory_space<vmem>>, vector<16x64xf32>,
    } else {
    }
    return
  }
  func.func @transform_0(%arg0: i32) -> (i32, i32, i32) {
    %c0_i32 = arith.constant 0 : i32
    %c0_i32_0 = arith.constant 0 : i32
    %c0_i32_1 = arith.constant 0 : i32
    return %c0_i32, %arg0, %c0_i32_0 : i32, i32, i32
  }
  func.func @transform_1(%arg0: i32) -> (i32, i32) {
    %c0_i32 = arith.constant 0 : i32
    %c0_i32_0 = arith.constant 0 : i32
    return %arg0, %c0_i32 : i32, i32
  }
  func.func @transform_2(%arg0: i32) -> (i32, i32) {
    %c0_i32 = arith.constant 0 : i32
    %c0_i32_0 = arith.constant 0 : i32
    return %arg0, %c0_i32 : i32, i32
  }
  func.func @transform_3(%arg0: i32) -> i32 {
    %c0_i32 = arith.constant 0 : i32
    %c0_i32_0 = arith.constant 0 : i32
    return %c0_i32 : i32
  }
  func.func @transform_4(%arg0: i32) -> (i32, i32) {
    %c0_i32 = arith.constant 0 : i32
    %c0_i32_0 = arith.constant 0 : i32
    %c0_i32_1 = arith.constant 0 : i32
    return %c0_i32, %c0_i32_0 : i32, i32
  }
  func.func @transform_5(%arg0: i32) -> i32 {
    %c0_i32 = arith.constant 0 : i32
    %c0_i32_0 = arith.constant 0 : i32
    return %c0_i32 : i32
  }
  func.func @transform_6(%arg0: i32) -> (i32, i32, i32) {
    %c0_i32 = arith.constant 0 : i32
    %c0_i32_0 = arith.constant 0 : i32
    %c0_i32_1 = arith.constant 0 : i32
    return %arg0, %c0_i32, %c0_i32_0 : i32, i32, i32
  }
  func.func @transform_7(%arg0: i32) -> (i32, i32) {
    %c0_i32 = arith.constant 0 : i32
    %c0_i32_0 = arith.constant 0 : i32
    %c0_i32_1 = arith.constant 0 : i32
    return %c0_i32, %c0_i32_0 : i32, i32
  }
}

</mosaic_0001>

<sc_bundles>
// kernel: gcn_degree_sc.3.cloned.1.call-start
scs
__scs_entry_jumppad:
0x0: {  	(pc) =	sbr.rel $0x88, $3  }
0x1: {  	(tag) =	ssettag $0x0;
	lr =	simm.s32 $0x1  }
0x2: {  	[smem:$0x3F94] =	sst lr;
	_ =	strace $0xD0000000  }
0x3: {  	_ = 	snop  }
0x4: {  	_ = 	snop  }
0x5: {  	_ = 	snop  }
0x6: {  	_ = 	snop  }
0x7: {  	_ = 	snop  }
__scs_overlays_trampoline_lowered:
0x8: {  	[smem:$0x3FA3] =	sst s0  }
0x9: {  	[smem:$0x3FA4] =	sst s1  }
0xa: {  	[smem:$0x3FA5] =	sst s2  }
0xb: {  	[smem:$0x3FA6] =	sst s3  }
0xc: {  	[smem:$0x3FA7] =	sst s4  }
0xd: {  	[smem:$0x3FA8] =	sst s5  }
0xe: {  	[smem:$0x3FA9] =	sst s6  }
0xf: {  	[smem:$0x3FAA] =	sst s7  }
0x10: {  	[smem:$0x3FAB] =	sst s8  }
0x11: {  	[smem:$0x3FAC] =	sst s9;
	s0 =	simm.s32 @!p0 $0x0  }
0x12: {  	s1 =	sld [smem:$0x3F92];
	s0 =	simm.s32 @p0 $0x1  }
0x13: {  	[smem:$0x3FAD] =	sst s0;
	s0 =	simm.s32 @!p1 $0x0  }
0x14: {  	s2 =	sld [smem:$0x3F91];
	s0 =	simm.s32 @p1 $0x1  }
0x15: {  	[smem:$0x3FAE] =	sst s0;
	s0 =	simm.s32 @!p2 $0x0  }
0x16: {  	s3 =	sld [smem:$0x3FDB];
	s0 =	simm.s32 @p2 $0x1  }
0x17: {  	s4 =	simm.s32 $0x1BF5;
	[smem:$0x3FB0] =	sst s0  }
0x18: {  	s0 =	sld [smem:$0x3F93];
	_ =	swait.ge [sflag:s4], $0x0  }
0x19: {  	s7 =	sld [smem:$0x3F94]  }
0x1a: {  	s8 =	sadd.s32 $0xFFFFE003, lr  }
0x1b: {  	s9 =	sadd.s32 $0xFFFFFEF7, lr;
	s5 =	simm.s32 $0xFFFFFFFF;
	p2 =	slt.u32 s8, $0xFFFFF086  }
0x1c: {  	p1 =	slt.u32 s9, $0xF7A;
	s5 =	simm.s32 @!p2 $0x0  }
0x1d: {  	s5 =	simm.s32 @p1 $0x1;
	p0 =	seq.s32 s7, s2  }
0x1e: {  	s7 =	smul.u32 @!p0 $0xF7A, s2;
	p2 =	seq.s32 @!p0 s5, $0x0  }
0x1f: {  	s9 =	smul.u32 $0xF7A, s1;
	s8 =	simm.s32 @!p0 $0x1BF5;
	p2 =	por !p2, p0  }
0x20: {  	[sflag:s8] =	ssyncset.s32 @!p0 $0xFFFFF086;
	s6 =	sadd.s32 @!p0 s3, s7;
	s7 =	simm.s32 @!p0 $0x108  }
0x21: {  	s3 =	sadd.s32 s3, s9;
	s6 =	sadd.s32 @!p0 $0x88, s6;
	s7 =	simm.s32 @p2 $0x1082  }
0x22: {  	[simem:s7], [sflag:s8] =	dma.local @!p0 [hbm:s6], $0xF7A  }
0x23: {  	s9 =	sor.u32 $0xD0000000, s2;
	s6 =	simm.s32 $0x108;
	_ =	swait.ge @!p0 [sflag:s8], $0x0  }
0x24: {  	s3 =	sadd.s32 $0x88, s3;
	s6 =	simm.s32 @!p1 $0x1082;
	[sflag:s4] =	ssyncset.s32 $0xFFFFF086  }
0x25: {  	[simem:s6], [sflag:s4] =	dma.local [hbm:s3], $0xF7A  }
0x26: {  	[smem:$0x3F94] =	sst s1;
	(tag) =	ssettag s2;
	_ =	strace s9  }
0x27: {  	s1 =	sld [smem:$0x3FA4]  }
0x28: {  	s2 =	sld [smem:$0x3FA5]  }
0x29: {  	s4 =	sld [smem:$0x3FA7]  }
0x2a: {  	p0 =	seq.s32 s5, $0x0;
	s5 =	sld [smem:$0x3FA8]  }
0x2b: {  	s6 =	sld [smem:$0x3FA9]  }
0x2c: {  	s7 =	sld [smem:$0x3FAA]  }
0x2d: {  	s3 =	simm.s32 $0x108;
	s8 =	sld [smem:$0x3FAB]  }
0x2e: {  	s3 =	simm.s32 @!p0 $0x1082;
	s9 =	sld [smem:$0x3FAC]  }
0x2f: {  	lr =	sadd.s32 s0, s3;
	s0 =	sld [smem:$0x3FA3]  }
0x30: {  	s3 =	sld [smem:$0x3FA6]  }
0x31: {  	[smem:$0x3FAF] =	sst s10  }
0x32: {  	s10 =	sld [smem:$0x3FAD];
	_ =	sdelay $0x3  }
0x33: {  	p0 =	seq.s32 s10, $0x1;
	s10 =	sld [smem:$0x3FAF];
	_ =	sdelay $0x3  }
0x34: {  	[smem:$0x3FAF] =	sst s10  }
0x35: {  	s10 =	sld [smem:$0x3FAE];
	_ =	sdelay $0x3  }
0x36: {  	p1 =	seq.s32 s10, $0x1;
	s10 =	sld [smem:$0x3FAF];
	_ =	sdelay $0x3  }
0x37: {  	[smem:$0x3FAF] =	sst s10  }
0x38: {  	s10 =	sld [smem:$0x3FB0]  }
0x39: {  	_ = 	snop;
	(pc) =	sbr.ind lr, $3  }
0x3a: {  	_ = 	snop  }
0x3b: {  	_ = 	snop  }
0x3c: {  	p2 =	seq.s32 s10, $0x1;
	s10 =	sld [smem:$0x3FAF]  }
0x3d: {  	_ =	shalt  }
0x3e: {  	_ =	shalt  }
0x3f: {  	_ =	shalt  }
0x40: {  	_ =	shalt  }
0x41: {  	_ =	shalt  }
0x42: {  	_ =	shalt  }
0x43: {  	_ =	shalt  }
0x44: {  	_ =	shalt  }
0x45: {  	_ =	shalt  }
0x46: {  	_ =	shalt  }
0x47: {  	_ =	shalt  }
0x48: {  	_ =	shalt  }
0x49: {  	_ =	shalt  }
0x4a: {  	_ =	shalt  }
0x4b: {  	_ =	shalt  }
0x4c: {  	_ =	shalt  }
0x4d: {  	_ =	shalt  }
0x4e: {  	_ =	shalt  }
0x4f: {  	_ =	shalt  }
0x50: {  	_ =	shalt  }
0x51: {  	_ =	shalt  }
0x52: {  	_ =	shalt  }
0x53: {  	_ =	shalt  }
0x54: {  	_ =	shalt  }
0x55: {  	_ =	shalt  }
0x56: {  	_ =	shalt  }
0x57: {  	_ =	shalt  }
0x58: {  	_ =	shalt  }
0x59: {  	_ =	shalt  }
0x5a: {  	_ =	shalt  }
0x5b: {  	_ =	shalt  }
0x5c: {  	_ =	shalt  }
0x5d: {  	_ =	shalt  }
0x5e: {  	_ =	shalt  }
0x5f: {  	_ =	shalt  }
0x60: {  	_ =	shalt  }
0x61: {  	_ =	shalt  }
0x62: {  	_ =	shalt  }
0x63: {  	_ =	shalt  }
0x64: {  	_ =	shalt  }
0x65: {  	_ =	shalt  }
0x66: {  	_ =	shalt  }
0x67: {  	_ =	shalt  }
0x68: {  	_ =	shalt  }
0x69: {  	_ =	shalt  }
0x6a: {  	_ =	shalt  }
0x6b: {  	_ =	shalt  }
0x6c: {  	_ =	shalt  }
0x6d: {  	_ =	shalt  }
0x6e: {  	_ =	shalt  }
0x6f: {  	_ =	shalt  }
0x70: {  	_ =	shalt  }
0x71: {  	_ =	shalt  }
0x72: {  	_ =	shalt  }
0x73: {  	_ =	shalt  }
0x74: {  	_ =	shalt  }
0x75: {  	_ =	shalt  }
0x76: {  	_ =	shalt  }
0x77: {  	_ =	shalt  }
0x78: {  	_ =	shalt  }
0x79: {  	_ =	shalt  }
0x7a: {  	_ =	shalt  }
0x7b: {  	_ =	shalt  }
0x7c: {  	_ =	shalt  }
0x7d: {  	_ =	shalt  }
0x7e: {  	_ =	shalt  }
0x7f: {  	_ =	shalt  }
0x80: {  	_ =	shalt  }
0x81: {  	_ =	shalt  }
0x82: {  	_ =	shalt  }
0x83: {  	_ =	shalt  }
0x84: {  	_ =	shalt  }
0x85: {  	_ =	shalt  }
0x86: {  	_ =	shalt  }
0x87: {  	_ =	shalt  }
.Lfunc_end0:
.L_simem_size_0:
called_computation_lowered:
.L_overlay_start_0:
0x88: {  	s2 =	sld [smem:$0x3FD9]  }
0x89: {  	s3 =	sld [smem:$0x3FFE];
	_ =	sdelay $0x1  }
0x8a: {  	s1 =	srdreg.scid  }
0x8b: {  	s0 =	sand.u32 $0x1, s1  }
0x8c: {  	s16 =	sshll.u32 s0, $0xA;
	s2 =	sadd.s32 s3, s2  }
0x8d: {  	s2 =	sadd.s32 s2, s16  }
0x8e: {  	[smem:$0x3FBB] =	sst s2  }
0x8f: {  	_ = 	snop  }
0x90: {  	(tm) =	ssettm $0x1  }
0x91: {  	s17 =	sld [smem:$0x3FFB];
	_ =	sdelay $0x3  }
0x92: {  	_ =	strace s17  }
0x93: {  	s2 =	sld [smem:$0x3FFC];
	_ =	sdelay $0x3  }
0x94: {  	_ =	strace s2  }
0x95: {  	s2 =	sld [smem:$0x3FFD];
	_ =	sdelay $0x3  }
0x96: {  	_ =	strace s2  }
0x97: {  	_ =	strace $0x8FFFFFFF  }
0x98: {  	s18 =	sld [smem:$0x3FDB];
	_ =	sdelay $0x1  }
0x99: {  	s19 =	simm.s32 $_scs_section_size  }
0x9a: {  	s4 =	simm.s32 $_size__tile_overlayer_lowered;
	s5 =	simm.s32 $_tile_overlayer_lowered  }
0x9b: {  	s22 =	simm.s32 $0x1BFF;
	s21 =	sshll.u32 s5, $0x1;
	s2 =	sadd.s32 s19, s18  }
0x9c: {  	s6 =	simm.s32 $0x0;
	s20 =	sshll.u32 s4, $0x1;
	s4 =	sadd.s32 s21, s2  }
0x9d: {  	[timem:s6], [sflag:s22] =	dma.local [hbm:s4], s20  }
0x9e: {  	_ =	swait.ge [sflag:s22], s20  }
0x9f: {  	s3 =	ssub.s32 $0x0, s20;
	[sflag:s22] =	ssyncset.done $0x0  }
0xa0: {  	[sflag:s22] =	ssyncadd.s32 s3;
	_ =	sdelay $0x1  }
0xa1: {  	s23 =	simm.s32 $0x1B8B  }
0xa2: {  	_ =	swait.ge [sflag:s23], $0x1  }
0xa3: {  	[sflag:s23] =	ssyncset.done $0x0  }
0xa4: {  	s25 =	simm.s32 $0x1B8E;
	s24 =	sld [smem:$0x3FFE];
	[sflag:s23] =	ssyncadd.s32 $0xFFFFFFFF  }
0xa5: {  	s26 =	simm.s32 $execute0_lowered;
	[smem:$0x3FD2] =	sst s25  }
0xa6: {  	s4 =	sshll.u32 s26, $0x1;
	_ =	strace $0x80000046;
	[dreg:$0x1] =	wrdreg $0xFFFFFFFF  }
0xa7: {  	s28 =	simm.s32 $_size_execute0_lowered;
	s2 =	sadd.s32 s2, s4;
	[dreg:$0x0] =	wrdreg $0x0  }
0xa8: {  	s4 =	sshll.u32 s28, $0x1;
	[dreg:$0x2] =	wrdreg s2  }
0xa9: {  	[dreg:$0x3] =	wrdreg s4  }
0xaa: {  	[dreg:$0x4] =	wrdreg $0xC0  }
0xab: {  	_ =	task [dreg:s6], $0x5FFFF  }
0xac: {  	[dreg:$0x1] =	wrdreg $0xFFFFFFFF  }
0xad: {  	[dreg:$0x0] =	wrdreg $0x60  }
0xae: {  	[dreg:$0x2] =	wrdreg s24  }
0xaf: {  	[dreg:$0x3] =	wrdreg $0x2B800  }
0xb0: {  	[dreg:$0x4] =	wrdreg $0x9  }
0xb1: {  	_ =	task.clear_ibuf [dreg:s6], $0x5FFFF;
	_ =	strace $0x90000046  }
0xb2: {  	s29 =	simm.s32 $0x9;
	_ =	strace $0x80000048  }
0xb3: {  	_ =	swait.ge [sflag:s29], $0x1  }
0xb4: {  	[sflag:s29] =	ssyncadd.s32 $0xFFFFFFFF  }
0xb5: {  	_ =	strace $0x90000048  }
0xb6: {  	_ =	sfence  }
0xb7: {  	s30 =	sld [smem:$0x0];
	_ =	sdelay $0x2  }
0xb8: {  	s31 =	sshll.u32 s1, $0xD;
	s1 =	sshrl.u32 s1, $0x2  }
0xb9: {  	s3 =	sand.u32 $0x4000, s31;
	s1 =	sadd.s32 s1, s30  }
0xba: {  	s0 =	sor.u32 s3, s0;
	s1 =	sshll.u32 s1, $0x11  }
0xbb: {  	s0 =	sor.u32 s1, s0  }
0xbc: {  	s0 =	sadd.s32 $0x8F2B, s0  }
0xbd: {  	[sflag:s0] =	ssyncadd.remote.s32 $0x1  }
0xbe: {  	_ =	sfence.sel $0xFFFF  }
0xbf: {  	[dreg:$0x0] =	wrdreg $0xFFFFFFFF;
	(pc) =	sbr.abs _section_cstart, $3  }
0xc0: {  	[dreg:$0x1] =	wrdreg $0xFFFFFFFF  }
0xc1: {  	_ =	task.clear_ibuf [dreg:s6], $0x2FFFF;
	_ =	strace $0x9FFFFFFF  }
0xc2: {  	(tm) =	ssettm $0x7FFFFFFF  }
0xc3: {  	_ =	shalt  }
tec
execute0_lowered:
.L_overlay_start_1:
0x0: {  	(tag) =	ssettag $0x1  }
0x1: {  	s5 =	rddreg [dreg:$0x0]  }
0x2: {  	s2 =	rddreg [dreg:$0x1]  }
0x3: {  	s0 =	srdreg.scid;
	s1 =	rddreg [dreg:$0x2]  }
0x4: {  	s3 =	simm.s32 $0x0;
	s10 =	simm.s32 $0x2900;
	s11 =	simm.s32 $0x2800  }
0x5: {  	s12 =	simm.s32 $0x2880;
	s16 =	simm.s32 $0x20;
	s17 =	simm.s32 $0x10  }
0x6: {  	s18 =	simm.s32 $0x0;
	s4 =	sand.u32 $0x1, s0;
	s0 =	stileid.u32  }
0x7: {  	[smem:$0x7FF] =	sst s3;
	s6 =	sshll.u32 s4, $0x4;
	s8 =	smul.u32 $0xA00, s0  }
0x8: {  	s4 =	ssub.s32 $0x2, s4;
	_ =	strace $0x80000047;
	s14 =	smul.u32 $0xA0, s0  }
0x9: {  	s15 =	sshll.u32 s0, $0x6;
	s7 =	sor.u32 s0, s6;
	s9 =	sshrl.u32 s4, $0x1  }
0xa: {  	s6 =	sadd.s32 s6, s5;
	s7 =	smul.u32 $0xA00, s7;
	s9 =	ssub.s32 s4, s9  }
0xb: {  	s31 =	sshrl.u32 s8, $0x2;
	s13 =	sadd.s32 $0x17C00, s6;
	s8 =	simm.s32 $0x100  }
0xc: {  	s6 =	smax.u32 s9, $0x1;
	s9 =	simm.s32 $0x1;
	s13 =	sadd.s32 s14, s13  }
0xd: {  	s14 =	sor.u32 $0x1C01, s15;
	s7 =	sadd.s32 s7, s5;
	s5 =	sadd.s32 s31, s2  }
0xe: {  	v0 =	vimm.f32 $1.000000000e+00;
	v1 =	vimm.f32 $0.0e+00;
	s4 =	sadd.s32 $0x3C10, s7;
	s7 =	simm.s32 $0x80;
	s15 =	sshrl.u32 s5, $0x3  }
.LBB2_1:
0xf: {  	[tilespmem:s3], [sflag:$0x1] =	stream.strided.gather [hbm4b:s4+s7], $0x2800, s8, s7, $0x38;
	[tilespmem:$0x2E00] =	vst v63  }
0x10: {  	_ =	swait.ge [sflag:s9], $0x2800  }
0x11: {  	[sflag:s9] =	ssyncset.done $0x0  }
0x12: {  	[sflag:s9] =	ssyncadd.s32 $0xFFFFD800  }
0x13: {  	[tilespmem:$0x2880] =	vst v0  }
0x14: {  	[tilespmem:$0x2890] =	vst v0  }
0x15: {  	[tilespmem:$0x28A0] =	vst v0  }
0x16: {  	[tilespmem:$0x28B0] =	vst v0  }
0x17: {  	[tilespmem:$0x28C0] =	vst v0  }
0x18: {  	[tilespmem:$0x28D0] =	vst v0  }
0x19: {  	[tilespmem:$0x28E0] =	vst v0  }
0x1a: {  	[tilespmem:$0x28F0] =	vst v0  }
0x1b: {  	[tilespmem:$0x2900] =	vst v1  }
0x1c: {  	[tilespmem:$0x2910] =	vst v1  }
0x1d: {  	[tilespmem:$0x2920] =	vst v1  }
0x1e: {  	[tilespmem:$0x2930] =	vst v1  }
0x1f: {  	[tilespmem:$0x2940] =	vst v1  }
0x20: {  	[tilespmem:$0x2950] =	vst v1  }
0x21: {  	[tilespmem:$0x2960] =	vst v1  }
0x22: {  	[tilespmem:$0x2970] =	vst v1  }
0x23: {  	[tilespmem:$0x2980] =	vst v1  }
0x24: {  	[tilespmem:$0x2990] =	vst v1  }
0x25: {  	[tilespmem:$0x29A0] =	vst v1  }
0x26: {  	[tilespmem:$0x29B0] =	vst v1  }
0x27: {  	[tilespmem:$0x29C0] =	vst v1  }
0x28: {  	[tilespmem:$0x29D0] =	vst v1  }
0x29: {  	[tilespmem:$0x29E0] =	vst v1  }
0x2a: {  	[tilespmem:$0x29F0] =	vst v1  }
0x2b: {  	[tilespmem:$0x2A00] =	vst v1  }
0x2c: {  	[tilespmem:$0x2A10] =	vst v1  }
0x2d: {  	[tilespmem:$0x2A20] =	vst v1  }
0x2e: {  	[tilespmem:$0x2A30] =	vst v1  }
0x2f: {  	[tilespmem:$0x2A40] =	vst v1  }
0x30: {  	[tilespmem:$0x2A50] =	vst v1  }
0x31: {  	[tilespmem:$0x2A60] =	vst v1  }
0x32: {  	[tilespmem:$0x2A70] =	vst v1  }
0x33: {  	[tilespmem:$0x2A80] =	vst v1  }
0x34: {  	[tilespmem:$0x2A90] =	vst v1  }
0x35: {  	[tilespmem:$0x2AA0] =	vst v1  }
0x36: {  	[tilespmem:$0x2AB0] =	vst v1  }
0x37: {  	[tilespmem:$0x2AC0] =	vst v1  }
0x38: {  	[tilespmem:$0x2AD0] =	vst v1  }
0x39: {  	[tilespmem:$0x2AE0] =	vst v1  }
0x3a: {  	[tilespmem:$0x2AF0] =	vst v1  }
0x3b: {  	[tilespmem:$0x2B00] =	vst v1  }
0x3c: {  	[tilespmem:$0x2B10] =	vst v1  }
0x3d: {  	[tilespmem:$0x2B20] =	vst v1  }
0x3e: {  	[tilespmem:$0x2B30] =	vst v1  }
0x3f: {  	[tilespmem:$0x2B40] =	vst v1  }
0x40: {  	[tilespmem:$0x2B50] =	vst v1  }
0x41: {  	[tilespmem:$0x2B60] =	vst v1  }
0x42: {  	[tilespmem:$0x2B70] =	vst v1  }
0x43: {  	[spmem:s5] =	stream.linear.scatter [tilespmem:s10], [sflag:$0x1], $0x280, $0x38;
	[tilespmem:$0x2E00] =	vst v63  }
0x44: {  	_ =	swait.ge [sflag:s9], $0x280  }
0x45: {  	[sflag:s9] =	ssyncset.done $0x0  }
0x46: {  	[sflag:s9] =	ssyncadd.s32 $0xFFFFFD80  }
0x47: {  	s19 =	simm.s32 $0x0;
	[bflag:$0x0] =	sbarrier.arrive $0xFFFF  }
0x48: {  	v2 =	vld [tilespmem:s19+$0x0];
	_ =	sdelay $0x4  }
0x49: {  	[tilespmem:$0x2800] =	vst v2  }
0x4a: {  	v2 =	vld [tilespmem:s19+$0x10];
	_ =	sdelay $0x4  }
0x4b: {  	[tilespmem:$0x2810] =	vst v2  }
0x4c: {  	v2 =	vld [tilespmem:s19+$0x20];
	_ =	sdelay $0x4  }
0x4d: {  	[tilespmem:$0x2820] =	vst v2  }
0x4e: {  	v2 =	vld [tilespmem:s19+$0x30];
	_ =	sdelay $0x4  }
0x4f: {  	[tilespmem:$0x2830] =	vst v2  }
0x50: {  	v2 =	vld [tilespmem:s19+$0x40];
	_ =	sdelay $0x4  }
0x51: {  	[tilespmem:$0x2840] =	vst v2  }
0x52: {  	v2 =	vld [tilespmem:s19+$0x50];
	_ =	sdelay $0x4  }
0x53: {  	[tilespmem:$0x2850] =	vst v2  }
0x54: {  	v2 =	vld [tilespmem:s19+$0x60];
	_ =	sdelay $0x4  }
0x55: {  	[tilespmem:$0x2860] =	vst v2  }
0x56: {  	v2 =	vld [tilespmem:s19+$0x70];
	_ =	sdelay $0x4  }
0x57: {  	[tilespmem:$0x2870] =	vst v2  }
0x58: {  	[spmem:s2] =	stream.indirect.scatter.add.f32 [tilespmem:s12], [sflag:$0x1], $0x1, s11, s7, $0xb8;
	[tilespmem:$0x2E00] =	vst v63  }
0x59: {  	_ =	swait.ge [sflag:s9], $0x80  }
0x5a: {  	s21 =	simm.s32 $0x400;
	s19 =	simm.s32 $0x200;
	[sflag:s9] =	ssyncset.done $0x0  }
.LBB2_2:
0x5b: {  	s22 =	sshra.s32 s19, $0x2  }
0x5c: {  	[sflag:s9] =	ssyncadd.s32 $0xFFFFFF80;
	s19 =	smov.u32 s21;
	s20 =	sadd.s32 $0x200, s21  }
0x5d: {  	p0 =	sne.s32 s21, $0x9E00;
	v2 =	vld [tilespmem:s22+$0x0];
	_ =	sdelay $0x4  }
0x5e: {  	[tilespmem:$0x2800] =	vst v2  }
0x5f: {  	v2 =	vld [tilespmem:s22+$0x10];
	_ =	sdelay $0x4  }
0x60: {  	[tilespmem:$0x2810] =	vst v2  }
0x61: {  	v2 =	vld [tilespmem:s22+$0x20];
	_ =	sdelay $0x4  }
0x62: {  	[tilespmem:$0x2820] =	vst v2  }
0x63: {  	v2 =	vld [tilespmem:s22+$0x30];
	_ =	sdelay $0x4  }
0x64: {  	[tilespmem:$0x2830] =	vst v2  }
0x65: {  	v2 =	vld [tilespmem:s22+$0x40];
	_ =	sdelay $0x4  }
0x66: {  	[tilespmem:$0x2840] =	vst v2  }
0x67: {  	v2 =	vld [tilespmem:s22+$0x50];
	_ =	sdelay $0x4  }
0x68: {  	[tilespmem:$0x2850] =	vst v2  }
0x69: {  	v2 =	vld [tilespmem:s22+$0x60];
	_ =	sdelay $0x4  }
0x6a: {  	[tilespmem:$0x2860] =	vst v2  }
0x6b: {  	v2 =	vld [tilespmem:s22+$0x70];
	_ =	sdelay $0x3  }
.Ltmp0:
0x6c: {  	(pc) =	sbr.rel @p0 .LBB2_2-.Ltmp0, $4  }
0x6d: {  	[tilespmem:$0x2870] =	vst v2  }
0x6e: {  	[spmem:s2] =	stream.indirect.scatter.add.f32 [tilespmem:s12], [sflag:$0x1], $0x1, s11, s7, $0xb8;
	[tilespmem:$0x2E00] =	vst v63  }
0x6f: {  	_ =	swait.ge [sflag:s9], $0x80  }
0x70: {  	s21 =	smov.u32 s20;
	[sflag:s9] =	ssyncset.done $0x0  }
0x71: {  	s19 =	sshra.s32 s19, $0x2;
	[sflag:s9] =	ssyncadd.s32 $0xFFFFFF80  }
0x72: {  	v2 =	vld [tilespmem:s19+$0x0];
	_ =	sdelay $0x4  }
0x73: {  	[tilespmem:$0x2800] =	vst v2  }
0x74: {  	v2 =	vld [tilespmem:s19+$0x10];
	_ =	sdelay $0x4  }
0x75: {  	[tilespmem:$0x2810] =	vst v2  }
0x76: {  	v2 =	vld [tilespmem:s19+$0x20];
	_ =	sdelay $0x4  }
0x77: {  	[tilespmem:$0x2820] =	vst v2  }
0x78: {  	v2 =	vld [tilespmem:s19+$0x30];
	_ =	sdelay $0x4  }
0x79: {  	[tilespmem:$0x2830] =	vst v2  }
0x7a: {  	v2 =	vld [tilespmem:s19+$0x40];
	_ =	sdelay $0x4  }
0x7b: {  	[tilespmem:$0x2840] =	vst v2  }
0x7c: {  	v2 =	vld [tilespmem:s19+$0x50];
	_ =	sdelay $0x4  }
0x7d: {  	[tilespmem:$0x2850] =	vst v2  }
0x7e: {  	v2 =	vld [tilespmem:s19+$0x60];
	_ =	sdelay $0x4  }
0x7f: {  	[tilespmem:$0x2860] =	vst v2  }
0x80: {  	v2 =	vld [tilespmem:s19+$0x70];
	_ =	sdelay $0x4  }
0x81: {  	[tilespmem:$0x2870] =	vst v2  }
0x82: {  	[spmem:s2] =	stream.indirect.scatter.add.f32 [tilespmem:s12], [sflag:$0x1], $0x1, s11, s7, $0xb8;
	[tilespmem:$0x2E00] =	vst v63  }
0x83: {  	_ =	swait.ge [sflag:s9], $0x80  }
0x84: {  	s18 =	sadd.s32 $0x1, s18;
	[sflag:s9] =	ssyncset.done $0x0  }
0x85: {  	p0 =	sne.s32 s18, s6;
	[sflag:s9] =	ssyncadd.s32 $0xFFFFFF80  }
.Ltmp1:
0x86: {  	[bflag:$0x0] =	sbarrier.arrive $0xFFFF;
	(pc) =	sbr.rel @p0 .LBB2_1-.Ltmp1, $4  }
0x87: {  	[hbm:s13@s16], [sflag:s14] =	dma.strided [spmem:s15@s17], $0x50, s9, $0x10   }
0x88: {  	_ =	swait.ge [sflag:s9], $0x50  }
0x89: {  	[sflag:s9] =	ssyncset.done $0x0  }
0x8a: {  	[sflag:s9] =	ssyncadd.s32 $0xFFFFFFB0  }
0x8b: {  	_ =	sfence.sel $0x180000  }
0x8c: {  	[bflag:$0x0] =	sbarrier.arrive $0xFFFF  }
0x8d: {  	p0 =	sne.s32 s0, $0x0;
	_ =	strace $0x90000047  }
0x8e: {  	s0 =	sadd.s32 @!p0 $0x100000, s1;
	[bflag:$0x2] =	sbarrier.arrive $0xFFFF  }
0x8f: {  	[sflag:s0] =	ssyncadd.tile.s32 @!p0 $0x1;
	_ =	shalt  }
.Lfunc_end2:
_tile_overlayer_lowered:
.L_overlay_start_2:
0x90: {  	(tag) =	ssettag $0x2  }
0x91: {  	s0 =	rddreg [dreg:$0x0];
	s2 =	stileid.u32  }
0x92: {  	s1 =	rddreg [dreg:$0x1];
	p0 =	sne.s32 s2, $0x0  }
0x93: {  	s3 =	rddreg [dreg:$0x2];
	[bflag:$0x3] =	sbarrier.arrive $0xFFFF;
	s2 =	simm.s32 @!p0 $0x1C01  }
0x94: {  	[timem:s3], [sflag:s2] =	dma.local @!p0 [hbm:s0], s1  }
0x95: {  	s0 =	simm.s32 @!p0 $0x1  }
0x96: {  	_ =	swait.ge @!p0 [sflag:s0], s1  }
0x97: {  	s1 =	ssub.s32 @!p0 $0x0, s1;
	[sflag:s0] =	ssyncset.done @!p0 $0x0  }
0x98: {  	[sflag:s0] =	ssyncadd.s32 @!p0 s1  }
0x99: {  	[bflag:$0x3] =	sbarrier.arrive $0xFFFF  }
0x9a: {  	_ =	shalt  }

// kernel: gcn_gather_scatter_sc.11.cloned.1.call-start
scs
__scs_entry_jumppad:
0x0: {  	(pc) =	sbr.rel $0x88, $3  }
0x1: {  	(tag) =	ssettag $0x0;
	lr =	simm.s32 $0x1  }
0x2: {  	[smem:$0x3F94] =	sst lr;
	_ =	strace $0xD0000000  }
0x3: {  	_ = 	snop  }
0x4: {  	_ = 	snop  }
0x5: {  	_ = 	snop  }
0x6: {  	_ = 	snop  }
0x7: {  	_ = 	snop  }
__scs_overlays_trampoline_lowered:
0x8: {  	[smem:$0x3FA3] =	sst s0  }
0x9: {  	[smem:$0x3FA4] =	sst s1  }
0xa: {  	[smem:$0x3FA5] =	sst s2  }
0xb: {  	[smem:$0x3FA6] =	sst s3  }
0xc: {  	[smem:$0x3FA7] =	sst s4  }
0xd: {  	[smem:$0x3FA8] =	sst s5  }
0xe: {  	[smem:$0x3FA9] =	sst s6  }
0xf: {  	[smem:$0x3FAA] =	sst s7  }
0x10: {  	[smem:$0x3FAB] =	sst s8  }
0x11: {  	[smem:$0x3FAC] =	sst s9;
	s0 =	simm.s32 @!p0 $0x0  }
0x12: {  	s1 =	sld [smem:$0x3F92];
	s0 =	simm.s32 @p0 $0x1  }
0x13: {  	[smem:$0x3FAD] =	sst s0;
	s0 =	simm.s32 @!p1 $0x0  }
0x14: {  	s2 =	sld [smem:$0x3F91];
	s0 =	simm.s32 @p1 $0x1  }
0x15: {  	[smem:$0x3FAE] =	sst s0;
	s0 =	simm.s32 @!p2 $0x0  }
0x16: {  	s3 =	sld [smem:$0x3FDB];
	s0 =	simm.s32 @p2 $0x1  }
0x17: {  	s4 =	simm.s32 $0x1BF5;
	[smem:$0x3FB0] =	sst s0  }
0x18: {  	s0 =	sld [smem:$0x3F93];
	_ =	swait.ge [sflag:s4], $0x0  }
0x19: {  	s7 =	sld [smem:$0x3F94]  }
0x1a: {  	s8 =	sadd.s32 $0xFFFFE003, lr  }
0x1b: {  	s9 =	sadd.s32 $0xFFFFFEF7, lr;
	s5 =	simm.s32 $0xFFFFFFFF;
	p2 =	slt.u32 s8, $0xFFFFF086  }
0x1c: {  	p1 =	slt.u32 s9, $0xF7A;
	s5 =	simm.s32 @!p2 $0x0  }
0x1d: {  	s5 =	simm.s32 @p1 $0x1;
	p0 =	seq.s32 s7, s2  }
0x1e: {  	s7 =	smul.u32 @!p0 $0xF7A, s2;
	p2 =	seq.s32 @!p0 s5, $0x0  }
0x1f: {  	s9 =	smul.u32 $0xF7A, s1;
	s8 =	simm.s32 @!p0 $0x1BF5;
	p2 =	por !p2, p0  }
0x20: {  	[sflag:s8] =	ssyncset.s32 @!p0 $0xFFFFF086;
	s6 =	sadd.s32 @!p0 s3, s7;
	s7 =	simm.s32 @!p0 $0x108  }
0x21: {  	s3 =	sadd.s32 s3, s9;
	s6 =	sadd.s32 @!p0 $0x88, s6;
	s7 =	simm.s32 @p2 $0x1082  }
0x22: {  	[simem:s7], [sflag:s8] =	dma.local @!p0 [hbm:s6], $0xF7A  }
0x23: {  	s9 =	sor.u32 $0xD0000000, s2;
	s6 =	simm.s32 $0x108;
	_ =	swait.ge @!p0 [sflag:s8], $0x0  }
0x24: {  	s3 =	sadd.s32 $0x88, s3;
	s6 =	simm.s32 @!p1 $0x1082;
	[sflag:s4] =	ssyncset.s32 $0xFFFFF086  }
0x25: {  	[simem:s6], [sflag:s4] =	dma.local [hbm:s3], $0xF7A  }
0x26: {  	[smem:$0x3F94] =	sst s1;
	(tag) =	ssettag s2;
	_ =	strace s9  }
0x27: {  	s1 =	sld [smem:$0x3FA4]  }
0x28: {  	s2 =	sld [smem:$0x3FA5]  }
0x29: {  	s4 =	sld [smem:$0x3FA7]  }
0x2a: {  	p0 =	seq.s32 s5, $0x0;
	s5 =	sld [smem:$0x3FA8]  }
0x2b: {  	s6 =	sld [smem:$0x3FA9]  }
0x2c: {  	s7 =	sld [smem:$0x3FAA]  }
0x2d: {  	s3 =	simm.s32 $0x108;
	s8 =	sld [smem:$0x3FAB]  }
0x2e: {  	s3 =	simm.s32 @!p0 $0x1082;
	s9 =	sld [smem:$0x3FAC]  }
0x2f: {  	lr =	sadd.s32 s0, s3;
	s0 =	sld [smem:$0x3FA3]  }
0x30: {  	s3 =	sld [smem:$0x3FA6]  }
0x31: {  	[smem:$0x3FAF] =	sst s10  }
0x32: {  	s10 =	sld [smem:$0x3FAD];
	_ =	sdelay $0x3  }
0x33: {  	p0 =	seq.s32 s10, $0x1;
	s10 =	sld [smem:$0x3FAF];
	_ =	sdelay $0x3  }
0x34: {  	[smem:$0x3FAF] =	sst s10  }
0x35: {  	s10 =	sld [smem:$0x3FAE];
	_ =	sdelay $0x3  }
0x36: {  	p1 =	seq.s32 s10, $0x1;
	s10 =	sld [smem:$0x3FAF];
	_ =	sdelay $0x3  }
0x37: {  	[smem:$0x3FAF] =	sst s10  }
0x38: {  	s10 =	sld [smem:$0x3FB0]  }
0x39: {  	_ = 	snop;
	(pc) =	sbr.ind lr, $3  }
0x3a: {  	_ = 	snop  }
0x3b: {  	_ = 	snop  }
0x3c: {  	p2 =	seq.s32 s10, $0x1;
	s10 =	sld [smem:$0x3FAF]  }
0x3d: {  	_ =	shalt  }
0x3e: {  	_ =	shalt  }
0x3f: {  	_ =	shalt  }
0x40: {  	_ =	shalt  }
0x41: {  	_ =	shalt  }
0x42: {  	_ =	shalt  }
0x43: {  	_ =	shalt  }
0x44: {  	_ =	shalt  }
0x45: {  	_ =	shalt  }
0x46: {  	_ =	shalt  }
0x47: {  	_ =	shalt  }
0x48: {  	_ =	shalt  }
0x49: {  	_ =	shalt  }
0x4a: {  	_ =	shalt  }
0x4b: {  	_ =	shalt  }
0x4c: {  	_ =	shalt  }
0x4d: {  	_ =	shalt  }
0x4e: {  	_ =	shalt  }
0x4f: {  	_ =	shalt  }
0x50: {  	_ =	shalt  }
0x51: {  	_ =	shalt  }
0x52: {  	_ =	shalt  }
0x53: {  	_ =	shalt  }
0x54: {  	_ =	shalt  }
0x55: {  	_ =	shalt  }
0x56: {  	_ =	shalt  }
0x57: {  	_ =	shalt  }
0x58: {  	_ =	shalt  }
0x59: {  	_ =	shalt  }
0x5a: {  	_ =	shalt  }
0x5b: {  	_ =	shalt  }
0x5c: {  	_ =	shalt  }
0x5d: {  	_ =	shalt  }
0x5e: {  	_ =	shalt  }
0x5f: {  	_ =	shalt  }
0x60: {  	_ =	shalt  }
0x61: {  	_ =	shalt  }
0x62: {  	_ =	shalt  }
0x63: {  	_ =	shalt  }
0x64: {  	_ =	shalt  }
0x65: {  	_ =	shalt  }
0x66: {  	_ =	shalt  }
0x67: {  	_ =	shalt  }
0x68: {  	_ =	shalt  }
0x69: {  	_ =	shalt  }
0x6a: {  	_ =	shalt  }
0x6b: {  	_ =	shalt  }
0x6c: {  	_ =	shalt  }
0x6d: {  	_ =	shalt  }
0x6e: {  	_ =	shalt  }
0x6f: {  	_ =	shalt  }
0x70: {  	_ =	shalt  }
0x71: {  	_ =	shalt  }
0x72: {  	_ =	shalt  }
0x73: {  	_ =	shalt  }
0x74: {  	_ =	shalt  }
0x75: {  	_ =	shalt  }
0x76: {  	_ =	shalt  }
0x77: {  	_ =	shalt  }
0x78: {  	_ =	shalt  }
0x79: {  	_ =	shalt  }
0x7a: {  	_ =	shalt  }
0x7b: {  	_ =	shalt  }
0x7c: {  	_ =	shalt  }
0x7d: {  	_ =	shalt  }
0x7e: {  	_ =	shalt  }
0x7f: {  	_ =	shalt  }
0x80: {  	_ =	shalt  }
0x81: {  	_ =	shalt  }
0x82: {  	_ =	shalt  }
0x83: {  	_ =	shalt  }
0x84: {  	_ =	shalt  }
0x85: {  	_ =	shalt  }
0x86: {  	_ =	shalt  }
0x87: {  	_ =	shalt  }
.Lfunc_end0:
.L_simem_size_0:
called_computation.3_lowered:
.L_overlay_start_0:
0x88: {  	s2 =	sld [smem:$0x3FD9]  }
0x89: {  	s3 =	sld [smem:$0x3FFE];
	_ =	sdelay $0x1  }
0x8a: {  	s1 =	srdreg.scid  }
0x8b: {  	s0 =	sand.u32 $0x1, s1  }
0x8c: {  	s16 =	sshll.u32 s0, $0xA;
	s2 =	sadd.s32 s3, s2  }
0x8d: {  	s2 =	sadd.s32 s2, s16  }
0x8e: {  	[smem:$0x3FBB] =	sst s2  }
0x8f: {  	_ = 	snop  }
0x90: {  	(tm) =	ssettm $0x1  }
0x91: {  	s17 =	sld [smem:$0x3FFB];
	_ =	sdelay $0x3  }
0x92: {  	_ =	strace s17  }
0x93: {  	s2 =	sld [smem:$0x3FFC];
	_ =	sdelay $0x3  }
0x94: {  	_ =	strace s2  }
0x95: {  	s2 =	sld [smem:$0x3FFD];
	_ =	sdelay $0x3  }
0x96: {  	_ =	strace s2  }
0x97: {  	_ =	strace $0x8FFFFFFF  }
0x98: {  	s18 =	sld [smem:$0x3FDB];
	_ =	sdelay $0x1  }
0x99: {  	s19 =	simm.s32 $_scs_section_size  }
0x9a: {  	s4 =	simm.s32 $_size__tile_overlayer_lowered;
	s5 =	simm.s32 $_tile_overlayer_lowered  }
0x9b: {  	s22 =	simm.s32 $0x1BFF;
	s21 =	sshll.u32 s5, $0x1;
	s2 =	sadd.s32 s19, s18  }
0x9c: {  	s6 =	simm.s32 $0x0;
	s20 =	sshll.u32 s4, $0x1;
	s4 =	sadd.s32 s21, s2  }
0x9d: {  	[timem:s6], [sflag:s22] =	dma.local [hbm:s4], s20  }
0x9e: {  	_ =	swait.ge [sflag:s22], s20  }
0x9f: {  	s3 =	ssub.s32 $0x0, s20;
	[sflag:s22] =	ssyncset.done $0x0  }
0xa0: {  	[sflag:s22] =	ssyncadd.s32 s3;
	_ =	sdelay $0x1  }
0xa1: {  	s23 =	simm.s32 $0x1B8B  }
0xa2: {  	_ =	swait.ge [sflag:s23], $0x1  }
0xa3: {  	[sflag:s23] =	ssyncset.done $0x0  }
0xa4: {  	s25 =	simm.s32 $0x1B8E;
	s24 =	sld [smem:$0x3FFE];
	[sflag:s23] =	ssyncadd.s32 $0xFFFFFFFF  }
0xa5: {  	s26 =	simm.s32 $execute0_lowered;
	[smem:$0x3FD2] =	sst s25  }
0xa6: {  	s4 =	sshll.u32 s26, $0x1;
	_ =	strace $0x8000004F;
	[dreg:$0x1] =	wrdreg $0xFFFFFFFF  }
0xa7: {  	s28 =	simm.s32 $_size_execute0_lowered;
	s2 =	sadd.s32 s2, s4;
	[dreg:$0x0] =	wrdreg $0x0  }
0xa8: {  	s4 =	sshll.u32 s28, $0x1;
	[dreg:$0x2] =	wrdreg s2  }
0xa9: {  	[dreg:$0x3] =	wrdreg s4  }
0xaa: {  	[dreg:$0x4] =	wrdreg $0xC0  }
0xab: {  	_ =	task [dreg:s6], $0x5FFFF  }
0xac: {  	[dreg:$0x1] =	wrdreg $0xFFFFFFFF  }
0xad: {  	[dreg:$0x0] =	wrdreg $0x60  }
0xae: {  	[dreg:$0x2] =	wrdreg s24  }
0xaf: {  	[dreg:$0x3] =	wrdreg $0xB8000  }
0xb0: {  	[dreg:$0x4] =	wrdreg $0x9  }
0xb1: {  	_ =	task.clear_ibuf [dreg:s6], $0x5FFFF;
	_ =	strace $0x9000004F  }
0xb2: {  	s29 =	simm.s32 $0x9;
	_ =	strace $0x80000051  }
0xb3: {  	_ =	swait.ge [sflag:s29], $0x1  }
0xb4: {  	[sflag:s29] =	ssyncadd.s32 $0xFFFFFFFF  }
0xb5: {  	_ =	strace $0x90000051  }
0xb6: {  	_ =	sfence  }
0xb7: {  	s30 =	sld [smem:$0x0];
	_ =	sdelay $0x2  }
0xb8: {  	s31 =	sshll.u32 s1, $0xD;
	s1 =	sshrl.u32 s1, $0x2  }
0xb9: {  	s3 =	sand.u32 $0x4000, s31;
	s1 =	sadd.s32 s1, s30  }
0xba: {  	s0 =	sor.u32 s3, s0;
	s1 =	sshll.u32 s1, $0x11  }
0xbb: {  	s0 =	sor.u32 s1, s0  }
0xbc: {  	s0 =	sadd.s32 $0x8F2B, s0  }
0xbd: {  	[sflag:s0] =	ssyncadd.remote.s32 $0x1  }
0xbe: {  	_ =	sfence.sel $0xFFFF  }
0xbf: {  	[dreg:$0x0] =	wrdreg $0xFFFFFFFF;
	(pc) =	sbr.abs _section_cstart, $3  }
0xc0: {  	[dreg:$0x1] =	wrdreg $0xFFFFFFFF  }
0xc1: {  	_ =	task.clear_ibuf [dreg:s6], $0x2FFFF;
	_ =	strace $0x9FFFFFFF  }
0xc2: {  	(tm) =	ssettm $0x7FFFFFFF  }
0xc3: {  	_ =	shalt  }
tec
execute0_lowered:
.L_overlay_start_1:
0x0: {  	(tag) =	ssettag $0x1  }
0x1: {  	s0 =	rddreg [dreg:$0x0]  }
0x2: {  	s1 =	rddreg [dreg:$0x1];
	s3 =	simm.s32 $0x0;
	s2 =	srdreg.scid  }
0x3: {  	s5 =	stileid.u32;
	s28 =	simm.s32 $0x5800;
	[smem:$0x7FF] =	sst s3  }
0x4: {  	s2 =	sand.u32 $0x1, s2;
	s4 =	sadd.s32 $0x17C00, s0;
	s15 =	smul.u32 $0x50000, s5  }
0x5: {  	s6 =	sadd.s32 $0x3C00, s0;
	_ =	strace $0x80000050;
	s14 =	smul.u32 $0x28000, s2  }
0x6: {  	[dreg:$0x3] =	wrdreg s6;
	s7 =	ssub.s32 $0x2, s2;
	s2 =	sshll.u32 s2, $0x4  }
0x7: {  	s8 =	sshrl.u32 s7, $0x1;
	s2 =	sor.u32 s5, s2;
	s6 =	sshrl.u32 s15, $0x2  }
0x8: {  	s3 =	sadd.s32 s14, s0;
	s9 =	ssub.s32 s7, s8;
	s0 =	sadd.s32 $0x3C10, s0  }
0x9: {  	s7 =	sadd.s32 s6, s1;
	s2 =	smul.u32 $0x2800, s2;
	[dreg:$0x6] =	wrdreg s0  }
0xa: {  	s30 =	simm.s32 $0x7800;
	s31 =	simm.s32 $0x9800;
	[dreg:$0x4] =	wrdreg s7  }
0xb: {  	s10 =	simm.s32 $0x3;
	s18 =	smax.u32 s9, $0x1;
	[dreg:$0x5] =	wrdreg s2  }
0xc: {  	s11 =	simm.s32 $0x1500;
	s19 =	sadd.s32 $0x2000, s7;
	[dreg:$0x7] =	wrdreg s18  }
0xd: {  	s12 =	simm.s32 $0x4;
	s20 =	sadd.s32 $0x4000, s7;
	[dreg:$0x8] =	wrdreg s19  }
0xe: {  	s13 =	simm.s32 $0x1580;
	s21 =	sadd.s32 $0x6000, s7;
	[dreg:$0x9] =	wrdreg s20  }
0xf: {  	s17 =	smul.u32 $0x2800, s5;
	s22 =	sadd.s32 $0x8000, s7;
	[dreg:$0xa] =	wrdreg s21  }
0x10: {  	s15 =	simm.s32 $0x1600;
	s23 =	sadd.s32 $0xA000, s7;
	[dreg:$0xb] =	wrdreg s22  }
0x11: {  	s14 =	simm.s32 $0x5;
	s24 =	sadd.s32 $0xC000, s7;
	[dreg:$0xc] =	wrdreg s23  }
0x12: {  	s6 =	simm.s32 $0x0;
	s25 =	sadd.s32 $0xE000, s7;
	[dreg:$0xd] =	wrdreg s24  }
0x13: {  	s16 =	sadd.s32 $0x3EE00, s3;
	s26 =	sadd.s32 $0x10000, s7;
	[dreg:$0xe] =	wrdreg s25  }
.Ltmp0:
0x14: {  	s29 =	sadd.s32 $0x12000, s7;
	[dreg:$0xf] =	wrdreg s26;
	(pc) =	sbr.rel .LBB2_1-.Ltmp0, $4  }
0x15: {  	s3 =	simm.s32 $0x1400;
	s9 =	simm.s32 $0x1480;
	[dreg:$0x10] =	wrdreg s29  }
0x16: {  	s19 =	simm.s32 $0x1800;
	s20 =	simm.s32 $0x6;
	s22 =	simm.s32 $0x100  }
0x17: {  	s0 =	sadd.s32 s17, s16;
	s25 =	simm.s32 $0x40;
	s26 =	simm.s32 $0x3800  }
0x18: {  	v0 =	vimm.f32 $0.0e+00;
	s2 =	simm.s32 $0x2;
	[dreg:$0x11] =	wrdreg s0;
	s0 =	simm.s32 $0x1  }
.LBB2_8:
0x19: {  	s5 =	stileid.u32;
	[bflag:$0x0] =	sbarrier.arrive $0xFFFF  }
0x1a: {  	s5 =	sshll.u32 s5, $0x6;
	s7 =	rddreg [dreg:$0x4]  }
0x1b: {  	s8 =	rddreg [dreg:$0x11];
	s5 =	sor.u32 $0x1C06, s5;
	s6 =	sshrl.u32 s7, $0x3  }
0x1c: {  	[hbm:s8], [sflag:s5] =	dma.local [spmem:s6], $0x2800  }
0x1d: {  	_ =	swait.ge [sflag:s20], $0x2800  }
0x1e: {  	s24 =	rddreg [dreg:$0x12]  }
0x1f: {  	s29 =	rddreg [dreg:$0x7];
	s6 =	sadd.s32 $0x1, s24  }
0x20: {  	p0 =	sne.s32 s6, s29  }
.Ltmp1:
0x21: {  	_ = 	snop;
	(pc) =	sbr.rel @!p0 .LBB2_9-.Ltmp1, $3  }
0x22: {  	_ =	sdelay $0x1  }
0x23: {  	[sflag:s20] =	ssyncset.done $0x0  }
0x24: {  	[sflag:s20] =	ssyncadd.s32 $0xFFFFD800  }
.LBB2_1:
0x25: {  	s5 =	simm.s32 $0x0  }
0x26: {  	s29 =	sand.u32 $0x7E00, s5  }
0x27: {  	[dreg:$0x12] =	wrdreg s6;
	s16 =	sand.u32 $0x70, s5;
	s17 =	sshrl.u32 s29, $0x2  }
0x28: {  	s6 =	simm.s32 $0x40;
	s17 =	sor.u32 s16, s17;
	s16 =	simm.s32 $0x0  }
.LBB2_2:
0x29: {  	p0 =	sne.s32 s6, $0x7FC0  }
0x2a: {  	[tilespmem:s17+$0x1800] =	vst v0;
	s16 =	sadd.s32 $0x10, s16;
	s17 =	smov.u32 s6;
	s6 =	sadd.s32 $0x40, s6  }
.Ltmp2:
0x2b: {  	(pc) =	sbr.rel @p0 .LBB2_2-.Ltmp2, $4  }
0x2c: {  	_ = 	snop  }
0x2d: {  	s17 =	sand.u32 $0x7E00, s17  }
0x2e: {  	s18 =	sand.u32 $0x70, s16;
	s17 =	sshrl.u32 s17, $0x2  }
0x2f: {  	s17 =	sor.u32 s18, s17  }
0x30: {  	[tilespmem:s17+$0x1800] =	vst v0  }
0x31: {  	[spmem:s7] =	stream.linear.scatter [tilespmem:s19], [sflag:$0x6], $0x2000, $0x38;
	[tilespmem:$0x1F800] =	vst v63  }
0x32: {  	_ =	swait.ge [sflag:s20], $0x2000  }
0x33: {  	[sflag:s20] =	ssyncset.done $0x0  }
0x34: {  	s5 =	rddreg [dreg:$0x8];
	[sflag:s20] =	ssyncadd.s32 $0xFFFFE000  }
0x35: {  	[spmem:s5] =	stream.linear.scatter [tilespmem:s19], [sflag:$0x6], $0x2000, $0x38;
	[tilespmem:$0x1F800] =	vst v63  }
0x36: {  	_ =	swait.ge [sflag:s20], $0x2000  }
0x37: {  	[sflag:s20] =	ssyncset.done $0x0  }
0x38: {  	s8 =	rddreg [dreg:$0x9];
	[sflag:s20] =	ssyncadd.s32 $0xFFFFE000  }
0x39: {  	[spmem:s8] =	stream.linear.scatter [tilespmem:s19], [sflag:$0x6], $0x2000, $0x38;
	[tilespmem:$0x1F800] =	vst v63  }
0x3a: {  	_ =	swait.ge [sflag:s20], $0x2000  }
0x3b: {  	[sflag:s20] =	ssyncset.done $0x0  }
0x3c: {  	s16 =	rddreg [dreg:$0xa];
	[sflag:s20] =	ssyncadd.s32 $0xFFFFE000  }
0x3d: {  	[spmem:s16] =	stream.linear.scatter [tilespmem:s19], [sflag:$0x6], $0x2000, $0x38;
	[tilespmem:$0x1F800] =	vst v63  }
0x3e: {  	_ =	swait.ge [sflag:s20], $0x2000  }
0x3f: {  	[sflag:s20] =	ssyncset.done $0x0  }
0x40: {  	s17 =	rddreg [dreg:$0xb];
	[sflag:s20] =	ssyncadd.s32 $0xFFFFE000  }
0x41: {  	[spmem:s17] =	stream.linear.scatter [tilespmem:s19], [sflag:$0x6], $0x2000, $0x38;
	[tilespmem:$0x1F800] =	vst v63  }
0x42: {  	_ =	swait.ge [sflag:s20], $0x2000  }
0x43: {  	[sflag:s20] =	ssyncset.done $0x0  }
0x44: {  	s18 =	rddreg [dreg:$0xc];
	[sflag:s20] =	ssyncadd.s32 $0xFFFFE000  }
0x45: {  	[spmem:s18] =	stream.linear.scatter [tilespmem:s19], [sflag:$0x6], $0x2000, $0x38;
	[tilespmem:$0x1F800] =	vst v63  }
0x46: {  	_ =	swait.ge [sflag:s20], $0x2000  }
0x47: {  	[sflag:s20] =	ssyncset.done $0x0  }
0x48: {  	s21 =	rddreg [dreg:$0xd];
	[sflag:s20] =	ssyncadd.s32 $0xFFFFE000  }
0x49: {  	[spmem:s21] =	stream.linear.scatter [tilespmem:s19], [sflag:$0x6], $0x2000, $0x38;
	[tilespmem:$0x1F800] =	vst v63  }
0x4a: {  	_ =	swait.ge [sflag:s20], $0x2000  }
0x4b: {  	[sflag:s20] =	ssyncset.done $0x0  }
0x4c: {  	s23 =	rddreg [dreg:$0xe];
	[sflag:s20] =	ssyncadd.s32 $0xFFFFE000  }
0x4d: {  	[spmem:s23] =	stream.linear.scatter [tilespmem:s19], [sflag:$0x6], $0x2000, $0x38;
	[tilespmem:$0x1F800] =	vst v63  }
0x4e: {  	_ =	swait.ge [sflag:s20], $0x2000  }
0x4f: {  	[sflag:s20] =	ssyncset.done $0x0  }
0x50: {  	s24 =	rddreg [dreg:$0xf];
	[sflag:s20] =	ssyncadd.s32 $0xFFFFE000  }
0x51: {  	[spmem:s24] =	stream.linear.scatter [tilespmem:s19], [sflag:$0x6], $0x2000, $0x38;
	[tilespmem:$0x1F800] =	vst v63  }
0x52: {  	_ =	swait.ge [sflag:s20], $0x2000  }
0x53: {  	[sflag:s20] =	ssyncset.done $0x0  }
0x54: {  	s29 =	rddreg [dreg:$0x10];
	[sflag:s20] =	ssyncadd.s32 $0xFFFFE000  }
0x55: {  	[spmem:s29] =	stream.linear.scatter [tilespmem:s19], [sflag:$0x6], $0x2000, $0x38;
	[tilespmem:$0x1F800] =	vst v63  }
.Ltmp3:
0x56: {  	_ =	swait.ge [sflag:s20], $0x2000;
	(pc) =	sbr.rel .LBB2_4-.Ltmp3, $4  }
0x57: {  	[sflag:s20] =	ssyncset.done $0x0  }
0x58: {  	[sflag:s20] =	ssyncadd.s32 $0xFFFFE000  }
0x59: {  	[bflag:$0x0] =	sbarrier.arrive $0xFFFF  }
0x5a: {  	s17 =	simm.s32 $0x0;
	s18 =	simm.s32 $0x0  }
.LBB2_7:
0x5b: {  	s18 =	sadd.s32 $0x1, s18  }
0x5c: {  	p0 =	sne.s32 s18, $0x4  }
.Ltmp4:
0x5d: {  	_ = 	snop;
	(pc) =	sbr.rel @!p0 .LBB2_8-.Ltmp4, $1  }
0x5e: {  	_ =	sdelay $0x3  }
.LBB2_4:
0x5f: {  	s6 =	smul.u32 $0xA00, s18  }
0x60: {  	s5 =	rddreg [dreg:$0x5]  }
0x61: {  	s6 =	sadd.s32 s5, s6  }
0x62: {  	s21 =	rddreg [dreg:$0x3];
	s6 =	sshrl.u32 s6, $0x2  }
0x63: {  	s7 =	simm.s32 $0x80;
	s16 =	sadd.s32 s21, s6  }
0x64: {  	[tilespmem:s17], [sflag:$0x6] =	stream.strided.gather [hbm4b:s16+s7], $0xA00, s22, s7, $0x38;
	[tilespmem:$0x1F800] =	vst v63  }
0x65: {  	_ =	swait.ge [sflag:s20], $0xA00  }
0x66: {  	[sflag:s20] =	ssyncset.done $0x0;
	s23 =	rddreg [dreg:$0x6]  }
0x67: {  	s24 =	simm.s32 $0xA00;
	[sflag:s20] =	ssyncadd.s32 $0xFFFFF600;
	s6 =	sadd.s32 s6, s23  }
0x68: {  	[tilespmem:s24], [sflag:$0x6] =	stream.strided.gather [hbm4b:s6+s7], $0xA00, s22, s7, $0x38;
	[tilespmem:$0x1F800] =	vst v63  }
0x69: {  	_ =	swait.ge [sflag:s20], $0xA00  }
0x6a: {  	[sflag:s20] =	ssyncset.done $0x0  }
0x6b: {  	[sflag:s20] =	ssyncadd.s32 $0xFFFFF600  }
0x6c: {  	[tilespmem:s19], [sflag:$0x1] =	stream.indirect.gather [hbm4b:s4+s25], $0x80, s17, s25, $0xb8;
	[tilespmem:$0x1F800] =	vst v63  }
0x6d: {  	_ = 	snop  }
0x6e: {  	[tilespmem:s26], [sflag:$0x2] =	stream.indirect.gather [hbm4b:s4+s25], $0x80, s25, s25, $0xb8;
	[tilespmem:$0x1F800] =	vst v63  }
0x6f: {  	_ = 	snop  }
0x70: {  	[tilespmem:s28], [sflag:$0x3] =	stream.indirect.gather [hbm4b:s4+s25], $0x80, s7, s25, $0xb8;
	[tilespmem:$0x1F800] =	vst v63  }
0x71: {  	s29 =	simm.s32 $0xC0  }
0x72: {  	[tilespmem:s30], [sflag:$0x4] =	stream.indirect.gather [hbm4b:s4+s25], $0x80, s29, s25, $0xb8;
	[tilespmem:$0x1F800] =	vst v63  }
0x73: {  	s24 =	simm.s32 $0x0;
	s6 =	simm.s32 $0x0  }
0x74: {  	[tilespmem:s31], [sflag:$0x5] =	stream.indirect.gather [hbm4b:s4+s25], $0x80, s22, s25, $0xb8;
	[tilespmem:$0x1F800] =	vst v63  }
.LBB2_5:
0x75: {  	_ =	swait.ge [sflag:s0], $0x2000  }
0x76: {  	[sflag:s0] =	ssyncset.done $0x0  }
0x77: {  	s16 =	sshra.s32 s6, $0x2;
	[sflag:s0] =	ssyncadd.s32 $0xFFFFE000  }
0x78: {  	v1 =	vld [tilespmem:s16+$0xA00];
	_ =	sdelay $0x4  }
0x79: {  	[tilespmem:$0x1400] =	vst v1  }
0x7a: {  	v1 =	vld [tilespmem:s16+$0xA10];
	_ =	sdelay $0x4  }
0x7b: {  	[tilespmem:$0x1410] =	vst v1  }
0x7c: {  	v1 =	vld [tilespmem:s16+$0xA20];
	_ =	sdelay $0x4  }
0x7d: {  	[tilespmem:$0x1420] =	vst v1  }
0x7e: {  	v1 =	vld [tilespmem:s16+$0xA30];
	_ =	sdelay $0x4  }
0x7f: {  	[tilespmem:$0x1430] =	vst v1  }
0x80: {  	[spmem:s1] =	stream.indirect.scatter.add.f32 [tilespmem:s19], [sflag:$0x6], $0x80, s3, s25, $0xb8;
	[tilespmem:$0x1F800] =	vst v63  }
0x81: {  	p0 =	seq.s32 s6, $0x2300;
	_ =	swait.ge [sflag:s20], $0x2000  }
0x82: {  	s23 =	sshra.s32 @!p0 s6, $0x2;
	s5 =	simm.s32 @!p0 $0x40;
	[sflag:s20] =	ssyncset.done $0x0  }
0x83: {  	s7 =	simm.s32 @!p0 $0x1800;
	s29 =	sadd.s32 @!p0 $0x140, s23;
	[sflag:s20] =	ssyncadd.s32 $0xFFFFE000  }
0x84: {  	[tilespmem:s7], [sflag:$0x1] =	stream.indirect.gather @!p0 [hbm4b:s4+s5], $0x80, s29, s5, $0xb8;
	[tilespmem:$0x1F800] =	vst v63  }
0x85: {  	_ =	swait.ge [sflag:s2], $0x2000  }
0x86: {  	[sflag:s2] =	ssyncset.done $0x0  }
0x87: {  	[sflag:s2] =	ssyncadd.s32 $0xFFFFE000  }
0x88: {  	v1 =	vld [tilespmem:s16+$0xA40];
	_ =	sdelay $0x4  }
0x89: {  	[tilespmem:$0x1480] =	vst v1  }
0x8a: {  	v1 =	vld [tilespmem:s16+$0xA50];
	_ =	sdelay $0x4  }
0x8b: {  	[tilespmem:$0x1490] =	vst v1  }
0x8c: {  	v1 =	vld [tilespmem:s16+$0xA60];
	_ =	sdelay $0x4  }
0x8d: {  	[tilespmem:$0x14A0] =	vst v1  }
0x8e: {  	v1 =	vld [tilespmem:s16+$0xA70];
	_ =	sdelay $0x4  }
0x8f: {  	[tilespmem:$0x14B0] =	vst v1  }
0x90: {  	[spmem:s1] =	stream.indirect.scatter.add.f32 [tilespmem:s26], [sflag:$0x6], $0x80, s9, s25, $0xb8;
	[tilespmem:$0x1F800] =	vst v63  }
0x91: {  	_ =	swait.ge [sflag:s20], $0x2000  }
0x92: {  	[sflag:s20] =	ssyncset.done $0x0  }
0x93: {  	s7 =	sadd.s32 @!p0 $0x180, s23;
	s29 =	simm.s32 @!p0 $0x3800;
	[sflag:s20] =	ssyncadd.s32 $0xFFFFE000  }
0x94: {  	[tilespmem:s29], [sflag:$0x2] =	stream.indirect.gather @!p0 [hbm4b:s4+s5], $0x80, s7, s5, $0xb8;
	[tilespmem:$0x1F800] =	vst v63  }
0x95: {  	_ =	swait.ge [sflag:s10], $0x2000  }
0x96: {  	s7 =	sand.u32 $0xF80, s24;
	s29 =	sand.u32 $0x40, s24;
	[sflag:s10] =	ssyncset.done $0x0  }
0x97: {  	s8 =	sor.u32 s29, s7;
	[sflag:s10] =	ssyncadd.s32 $0xFFFFE000  }
0x98: {  	v1 =	vld [tilespmem:s8+$0xA80];
	_ =	sdelay $0x4  }
0x99: {  	[tilespmem:$0x1500] =	vst v1  }
0x9a: {  	v1 =	vld [tilespmem:s16+$0xA90];
	_ =	sdelay $0x4  }
0x9b: {  	[tilespmem:$0x1510] =	vst v1  }
0x9c: {  	v1 =	vld [tilespmem:s16+$0xAA0];
	_ =	sdelay $0x4  }
0x9d: {  	[tilespmem:$0x1520] =	vst v1  }
0x9e: {  	v1 =	vld [tilespmem:s16+$0xAB0];
	_ =	sdelay $0x4  }
0x9f: {  	[tilespmem:$0x1530] =	vst v1  }
0xa0: {  	[spmem:s1] =	stream.indirect.scatter.add.f32 [tilespmem:s28], [sflag:$0x6], $0x80, s11, s25, $0xb8;
	[tilespmem:$0x1F800] =	vst v63  }
0xa1: {  	_ =	swait.ge [sflag:s20], $0x2000  }
0xa2: {  	[sflag:s20] =	ssyncset.done $0x0  }
0xa3: {  	s21 =	simm.s32 @!p0 $0x5800;
	s8 =	sadd.s32 @!p0 $0x1C0, s23;
	[sflag:s20] =	ssyncadd.s32 $0xFFFFE000  }
0xa4: {  	[tilespmem:s21], [sflag:$0x3] =	stream.indirect.gather @!p0 [hbm4b:s4+s5], $0x80, s8, s5, $0xb8;
	[tilespmem:$0x1F800] =	vst v63  }
0xa5: {  	_ =	swait.ge [sflag:s12], $0x2000  }
0xa6: {  	[sflag:s12] =	ssyncset.done $0x0  }
0xa7: {  	[sflag:s12] =	ssyncadd.s32 $0xFFFFE000  }
0xa8: {  	v1 =	vld [tilespmem:s16+$0xAC0];
	_ =	sdelay $0x4  }
0xa9: {  	[tilespmem:$0x1580] =	vst v1  }
0xaa: {  	v1 =	vld [tilespmem:s16+$0xAD0];
	_ =	sdelay $0x4  }
0xab: {  	[tilespmem:$0x1590] =	vst v1  }
0xac: {  	v1 =	vld [tilespmem:s16+$0xAE0];
	_ =	sdelay $0x4  }
0xad: {  	[tilespmem:$0x15A0] =	vst v1  }
0xae: {  	v1 =	vld [tilespmem:s16+$0xAF0];
	_ =	sdelay $0x4  }
0xaf: {  	[tilespmem:$0x15B0] =	vst v1  }
0xb0: {  	[spmem:s1] =	stream.indirect.scatter.add.f32 [tilespmem:s30], [sflag:$0x6], $0x80, s13, s25, $0xb8;
	[tilespmem:$0x1F800] =	vst v63  }
0xb1: {  	_ =	swait.ge [sflag:s20], $0x2000  }
0xb2: {  	[sflag:s20] =	ssyncset.done $0x0  }
0xb3: {  	s8 =	sadd.s32 @!p0 $0x200, s23;
	s21 =	simm.s32 @!p0 $0x7800;
	[sflag:s20] =	ssyncadd.s32 $0xFFFFE000  }
0xb4: {  	[tilespmem:s21], [sflag:$0x4] =	stream.indirect.gather @!p0 [hbm4b:s4+s5], $0x80, s8, s5, $0xb8;
	[tilespmem:$0x1F800] =	vst v63  }
0xb5: {  	_ =	swait.ge [sflag:s14], $0x2000  }
0xb6: {  	[sflag:s14] =	ssyncset.done $0x0  }
0xb7: {  	s29 =	sadd.s32 s29, s7;
	[sflag:s14] =	ssyncadd.s32 $0xFFFFE000  }
0xb8: {  	v1 =	vld [tilespmem:s29+$0xB00];
	_ =	sdelay $0x4  }
0xb9: {  	[tilespmem:$0x1600] =	vst v1  }
0xba: {  	v1 =	vld [tilespmem:s16+$0xB10];
	_ =	sdelay $0x4  }
0xbb: {  	[tilespmem:$0x1610] =	vst v1  }
0xbc: {  	v1 =	vld [tilespmem:s16+$0xB20];
	_ =	sdelay $0x4  }
0xbd: {  	[tilespmem:$0x1620] =	vst v1  }
0xbe: {  	v1 =	vld [tilespmem:s16+$0xB30];
	_ =	sdelay $0x4  }
.Ltmp5:
0xbf: {  	[tilespmem:$0x1630] =	vst v1;
	(pc) =	sbr.rel @p0 .LBB2_7-.Ltmp5, $4  }
0xc0: {  	[spmem:s1] =	stream.indirect.scatter.add.f32 [tilespmem:s31], [sflag:$0x6], $0x80, s15, s25, $0xb8;
	[tilespmem:$0x1F800] =	vst v63  }
0xc1: {  	_ =	swait.ge [sflag:s20], $0x2000  }
0xc2: {  	[sflag:s20] =	ssyncset.done $0x0  }
0xc3: {  	[sflag:s20] =	ssyncadd.s32 $0xFFFFE000  }
.Ltmp6:
0xc4: {  	(pc) =	sbr.rel .LBB2_5-.Ltmp6, $3  }
0xc5: {  	_ =	sdelay $0x1  }
0xc6: {  	s5 =	sadd.s32 $0x240, s16;
	s6 =	sadd.s32 $0x500, s6;
	s24 =	sadd.s32 $0x140, s24  }
0xc7: {  	[tilespmem:s31], [sflag:$0x5] =	stream.indirect.gather [hbm4b:s4+s25], $0x80, s5, s25, $0xb8;
	[tilespmem:$0x1F800] =	vst v63  }
.LBB2_9:
0xc8: {  	_ =	sfence.sel $0x180000  }
0xc9: {  	[bflag:$0x0] =	sbarrier.arrive $0xFFFF  }
0xca: {  	_ =	strace $0x90000050  }
0xcb: {  	s0 =	stileid.u32;
	[bflag:$0x2] =	sbarrier.arrive $0xFFFF  }
0xcc: {  	p0 =	sne.s32 s0, $0x0;
	s0 =	rddreg [dreg:$0x2]  }
0xcd: {  	s0 =	sadd.s32 @!p0 $0x100000, s0  }
0xce: {  	[sflag:s0] =	ssyncadd.tile.s32 @!p0 $0x1;
	_ =	shalt  }
.Lfunc_end2:
_tile_overlayer_lowered:
.L_overlay_start_2:
0xcf: {  	(tag) =	ssettag $0x2  }
0xd0: {  	s0 =	rddreg [dreg:$0x0];
	s2 =	stileid.u32  }
0xd1: {  	s1 =	rddreg [dreg:$0x1];
	p0 =	sne.s32 s2, $0x0  }
0xd2: {  	s3 =	rddreg [dreg:$0x2];
	[bflag:$0x3] =	sbarrier.arrive $0xFFFF;
	s2 =	simm.s32 @!p0 $0x1C06  }
0xd3: {  	[timem:s3], [sflag:s2] =	dma.local @!p0 [hbm:s0], s1  }
0xd4: {  	s0 =	simm.s32 @!p0 $0x6  }
0xd5: {  	_ =	swait.ge @!p0 [sflag:s0], s1  }
0xd6: {  	s1 =	ssub.s32 @!p0 $0x0, s1;
	[sflag:s0] =	ssyncset.done @!p0 $0x0  }
0xd7: {  	[sflag:s0] =	ssyncadd.s32 @!p0 s1  }
0xd8: {  	[bflag:$0x3] =	sbarrier.arrive $0xFFFF  }
0xd9: {  	_ =	shalt  }

// kernel: gcn_gather_scatter_sc.5.cloned.1.call-start
scs
__scs_entry_jumppad:
0x0: {  	(pc) =	sbr.rel $0x88, $3  }
0x1: {  	(tag) =	ssettag $0x0;
	lr =	simm.s32 $0x1  }
0x2: {  	[smem:$0x3F94] =	sst lr;
	_ =	strace $0xD0000000  }
0x3: {  	_ = 	snop  }
0x4: {  	_ = 	snop  }
0x5: {  	_ = 	snop  }
0x6: {  	_ = 	snop  }
0x7: {  	_ = 	snop  }
__scs_overlays_trampoline_lowered:
0x8: {  	[smem:$0x3FA3] =	sst s0  }
0x9: {  	[smem:$0x3FA4] =	sst s1  }
0xa: {  	[smem:$0x3FA5] =	sst s2  }
0xb: {  	[smem:$0x3FA6] =	sst s3  }
0xc: {  	[smem:$0x3FA7] =	sst s4  }
0xd: {  	[smem:$0x3FA8] =	sst s5  }
0xe: {  	[smem:$0x3FA9] =	sst s6  }
0xf: {  	[smem:$0x3FAA] =	sst s7  }
0x10: {  	[smem:$0x3FAB] =	sst s8  }
0x11: {  	[smem:$0x3FAC] =	sst s9;
	s0 =	simm.s32 @!p0 $0x0  }
0x12: {  	s1 =	sld [smem:$0x3F92];
	s0 =	simm.s32 @p0 $0x1  }
0x13: {  	[smem:$0x3FAD] =	sst s0;
	s0 =	simm.s32 @!p1 $0x0  }
0x14: {  	s2 =	sld [smem:$0x3F91];
	s0 =	simm.s32 @p1 $0x1  }
0x15: {  	[smem:$0x3FAE] =	sst s0;
	s0 =	simm.s32 @!p2 $0x0  }
0x16: {  	s3 =	sld [smem:$0x3FDB];
	s0 =	simm.s32 @p2 $0x1  }
0x17: {  	s4 =	simm.s32 $0x1BF5;
	[smem:$0x3FB0] =	sst s0  }
0x18: {  	s0 =	sld [smem:$0x3F93];
	_ =	swait.ge [sflag:s4], $0x0  }
0x19: {  	s7 =	sld [smem:$0x3F94]  }
0x1a: {  	s8 =	sadd.s32 $0xFFFFE003, lr  }
0x1b: {  	s9 =	sadd.s32 $0xFFFFFEF7, lr;
	s5 =	simm.s32 $0xFFFFFFFF;
	p2 =	slt.u32 s8, $0xFFFFF086  }
0x1c: {  	p1 =	slt.u32 s9, $0xF7A;
	s5 =	simm.s32 @!p2 $0x0  }
0x1d: {  	s5 =	simm.s32 @p1 $0x1;
	p0 =	seq.s32 s7, s2  }
0x1e: {  	s7 =	smul.u32 @!p0 $0xF7A, s2;
	p2 =	seq.s32 @!p0 s5, $0x0  }
0x1f: {  	s9 =	smul.u32 $0xF7A, s1;
	s8 =	simm.s32 @!p0 $0x1BF5;
	p2 =	por !p2, p0  }
0x20: {  	[sflag:s8] =	ssyncset.s32 @!p0 $0xFFFFF086;
	s6 =	sadd.s32 @!p0 s3, s7;
	s7 =	simm.s32 @!p0 $0x108  }
0x21: {  	s3 =	sadd.s32 s3, s9;
	s6 =	sadd.s32 @!p0 $0x88, s6;
	s7 =	simm.s32 @p2 $0x1082  }
0x22: {  	[simem:s7], [sflag:s8] =	dma.local @!p0 [hbm:s6], $0xF7A  }
0x23: {  	s9 =	sor.u32 $0xD0000000, s2;
	s6 =	simm.s32 $0x108;
	_ =	swait.ge @!p0 [sflag:s8], $0x0  }
0x24: {  	s3 =	sadd.s32 $0x88, s3;
	s6 =	simm.s32 @!p1 $0x1082;
	[sflag:s4] =	ssyncset.s32 $0xFFFFF086  }
0x25: {  	[simem:s6], [sflag:s4] =	dma.local [hbm:s3], $0xF7A  }
0x26: {  	[smem:$0x3F94] =	sst s1;
	(tag) =	ssettag s2;
	_ =	strace s9  }
0x27: {  	s1 =	sld [smem:$0x3FA4]  }
0x28: {  	s2 =	sld [smem:$0x3FA5]  }
0x29: {  	s4 =	sld [smem:$0x3FA7]  }
0x2a: {  	p0 =	seq.s32 s5, $0x0;
	s5 =	sld [smem:$0x3FA8]  }
0x2b: {  	s6 =	sld [smem:$0x3FA9]  }
0x2c: {  	s7 =	sld [smem:$0x3FAA]  }
0x2d: {  	s3 =	simm.s32 $0x108;
	s8 =	sld [smem:$0x3FAB]  }
0x2e: {  	s3 =	simm.s32 @!p0 $0x1082;
	s9 =	sld [smem:$0x3FAC]  }
0x2f: {  	lr =	sadd.s32 s0, s3;
	s0 =	sld [smem:$0x3FA3]  }
0x30: {  	s3 =	sld [smem:$0x3FA6]  }
0x31: {  	[smem:$0x3FAF] =	sst s10  }
0x32: {  	s10 =	sld [smem:$0x3FAD];
	_ =	sdelay $0x3  }
0x33: {  	p0 =	seq.s32 s10, $0x1;
	s10 =	sld [smem:$0x3FAF];
	_ =	sdelay $0x3  }
0x34: {  	[smem:$0x3FAF] =	sst s10  }
0x35: {  	s10 =	sld [smem:$0x3FAE];
	_ =	sdelay $0x3  }
0x36: {  	p1 =	seq.s32 s10, $0x1;
	s10 =	sld [smem:$0x3FAF];
	_ =	sdelay $0x3  }
0x37: {  	[smem:$0x3FAF] =	sst s10  }
0x38: {  	s10 =	sld [smem:$0x3FB0]  }
0x39: {  	_ = 	snop;
	(pc) =	sbr.ind lr, $3  }
0x3a: {  	_ = 	snop  }
0x3b: {  	_ = 	snop  }
0x3c: {  	p2 =	seq.s32 s10, $0x1;
	s10 =	sld [smem:$0x3FAF]  }
0x3d: {  	_ =	shalt  }
0x3e: {  	_ =	shalt  }
0x3f: {  	_ =	shalt  }
0x40: {  	_ =	shalt  }
0x41: {  	_ =	shalt  }
0x42: {  	_ =	shalt  }
0x43: {  	_ =	shalt  }
0x44: {  	_ =	shalt  }
0x45: {  	_ =	shalt  }
0x46: {  	_ =	shalt  }
0x47: {  	_ =	shalt  }
0x48: {  	_ =	shalt  }
0x49: {  	_ =	shalt  }
0x4a: {  	_ =	shalt  }
0x4b: {  	_ =	shalt  }
0x4c: {  	_ =	shalt  }
0x4d: {  	_ =	shalt  }
0x4e: {  	_ =	shalt  }
0x4f: {  	_ =	shalt  }
0x50: {  	_ =	shalt  }
0x51: {  	_ =	shalt  }
0x52: {  	_ =	shalt  }
0x53: {  	_ =	shalt  }
0x54: {  	_ =	shalt  }
0x55: {  	_ =	shalt  }
0x56: {  	_ =	shalt  }
0x57: {  	_ =	shalt  }
0x58: {  	_ =	shalt  }
0x59: {  	_ =	shalt  }
0x5a: {  	_ =	shalt  }
0x5b: {  	_ =	shalt  }
0x5c: {  	_ =	shalt  }
0x5d: {  	_ =	shalt  }
0x5e: {  	_ =	shalt  }
0x5f: {  	_ =	shalt  }
0x60: {  	_ =	shalt  }
0x61: {  	_ =	shalt  }
0x62: {  	_ =	shalt  }
0x63: {  	_ =	shalt  }
0x64: {  	_ =	shalt  }
0x65: {  	_ =	shalt  }
0x66: {  	_ =	shalt  }
0x67: {  	_ =	shalt  }
0x68: {  	_ =	shalt  }
0x69: {  	_ =	shalt  }
0x6a: {  	_ =	shalt  }
0x6b: {  	_ =	shalt  }
0x6c: {  	_ =	shalt  }
0x6d: {  	_ =	shalt  }
0x6e: {  	_ =	shalt  }
0x6f: {  	_ =	shalt  }
0x70: {  	_ =	shalt  }
0x71: {  	_ =	shalt  }
0x72: {  	_ =	shalt  }
0x73: {  	_ =	shalt  }
0x74: {  	_ =	shalt  }
0x75: {  	_ =	shalt  }
0x76: {  	_ =	shalt  }
0x77: {  	_ =	shalt  }
0x78: {  	_ =	shalt  }
0x79: {  	_ =	shalt  }
0x7a: {  	_ =	shalt  }
0x7b: {  	_ =	shalt  }
0x7c: {  	_ =	shalt  }
0x7d: {  	_ =	shalt  }
0x7e: {  	_ =	shalt  }
0x7f: {  	_ =	shalt  }
0x80: {  	_ =	shalt  }
0x81: {  	_ =	shalt  }
0x82: {  	_ =	shalt  }
0x83: {  	_ =	shalt  }
0x84: {  	_ =	shalt  }
0x85: {  	_ =	shalt  }
0x86: {  	_ =	shalt  }
0x87: {  	_ =	shalt  }
.Lfunc_end0:
.L_simem_size_0:
called_computation.1_lowered:
.L_overlay_start_0:
0x88: {  	s2 =	sld [smem:$0x3FD9]  }
0x89: {  	s3 =	sld [smem:$0x3FFE];
	_ =	sdelay $0x1  }
0x8a: {  	s1 =	srdreg.scid  }
0x8b: {  	s0 =	sand.u32 $0x1, s1  }
0x8c: {  	s16 =	sshll.u32 s0, $0xA;
	s2 =	sadd.s32 s3, s2  }
0x8d: {  	s2 =	sadd.s32 s2, s16  }
0x8e: {  	[smem:$0x3FBB] =	sst s2  }
0x8f: {  	_ = 	snop  }
0x90: {  	(tm) =	ssettm $0x1  }
0x91: {  	s17 =	sld [smem:$0x3FFB];
	_ =	sdelay $0x3  }
0x92: {  	_ =	strace s17  }
0x93: {  	s2 =	sld [smem:$0x3FFC];
	_ =	sdelay $0x3  }
0x94: {  	_ =	strace s2  }
0x95: {  	s2 =	sld [smem:$0x3FFD];
	_ =	sdelay $0x3  }
0x96: {  	_ =	strace s2  }
0x97: {  	_ =	strace $0x8FFFFFFF  }
0x98: {  	s18 =	sld [smem:$0x3FDB];
	_ =	sdelay $0x1  }
0x99: {  	s19 =	simm.s32 $_scs_section_size  }
0x9a: {  	s4 =	simm.s32 $_size__tile_overlayer_lowered;
	s5 =	simm.s32 $_tile_overlayer_lowered  }
0x9b: {  	s22 =	simm.s32 $0x1BFF;
	s21 =	sshll.u32 s5, $0x1;
	s2 =	sadd.s32 s19, s18  }
0x9c: {  	s6 =	simm.s32 $0x0;
	s20 =	sshll.u32 s4, $0x1;
	s4 =	sadd.s32 s21, s2  }
0x9d: {  	[timem:s6], [sflag:s22] =	dma.local [hbm:s4], s20  }
0x9e: {  	_ =	swait.ge [sflag:s22], s20  }
0x9f: {  	s3 =	ssub.s32 $0x0, s20;
	[sflag:s22] =	ssyncset.done $0x0  }
0xa0: {  	[sflag:s22] =	ssyncadd.s32 s3;
	_ =	sdelay $0x1  }
0xa1: {  	s23 =	simm.s32 $0x1B8B  }
0xa2: {  	_ =	swait.ge [sflag:s23], $0x1  }
0xa3: {  	[sflag:s23] =	ssyncset.done $0x0  }
0xa4: {  	s25 =	simm.s32 $0x1B8E;
	s24 =	sld [smem:$0x3FFE];
	[sflag:s23] =	ssyncadd.s32 $0xFFFFFFFF  }
0xa5: {  	s26 =	simm.s32 $execute0_lowered;
	[smem:$0x3FD2] =	sst s25  }
0xa6: {  	s4 =	sshll.u32 s26, $0x1;
	_ =	strace $0x80000049;
	[dreg:$0x1] =	wrdreg $0xFFFFFFFF  }
0xa7: {  	s28 =	simm.s32 $_size_execute0_lowered;
	s2 =	sadd.s32 s2, s4;
	[dreg:$0x0] =	wrdreg $0x0  }
0xa8: {  	s4 =	sshll.u32 s28, $0x1;
	[dreg:$0x2] =	wrdreg s2  }
0xa9: {  	[dreg:$0x3] =	wrdreg s4  }
0xaa: {  	[dreg:$0x4] =	wrdreg $0xC0  }
0xab: {  	_ =	task [dreg:s6], $0x5FFFF  }
0xac: {  	[dreg:$0x1] =	wrdreg $0xFFFFFFFF  }
0xad: {  	[dreg:$0x0] =	wrdreg $0x60  }
0xae: {  	[dreg:$0x2] =	wrdreg s24  }
0xaf: {  	[dreg:$0x3] =	wrdreg $0xB8000  }
0xb0: {  	[dreg:$0x4] =	wrdreg $0x9  }
0xb1: {  	_ =	task.clear_ibuf [dreg:s6], $0x5FFFF;
	_ =	strace $0x90000049  }
0xb2: {  	s29 =	simm.s32 $0x9;
	_ =	strace $0x8000004B  }
0xb3: {  	_ =	swait.ge [sflag:s29], $0x1  }
0xb4: {  	[sflag:s29] =	ssyncadd.s32 $0xFFFFFFFF  }
0xb5: {  	_ =	strace $0x9000004B  }
0xb6: {  	_ =	sfence  }
0xb7: {  	s30 =	sld [smem:$0x0];
	_ =	sdelay $0x2  }
0xb8: {  	s31 =	sshll.u32 s1, $0xD;
	s1 =	sshrl.u32 s1, $0x2  }
0xb9: {  	s3 =	sand.u32 $0x4000, s31;
	s1 =	sadd.s32 s1, s30  }
0xba: {  	s0 =	sor.u32 s3, s0;
	s1 =	sshll.u32 s1, $0x11  }
0xbb: {  	s0 =	sor.u32 s1, s0  }
0xbc: {  	s0 =	sadd.s32 $0x8F2B, s0  }
0xbd: {  	[sflag:s0] =	ssyncadd.remote.s32 $0x1  }
0xbe: {  	_ =	sfence.sel $0xFFFF  }
0xbf: {  	[dreg:$0x0] =	wrdreg $0xFFFFFFFF;
	(pc) =	sbr.abs _section_cstart, $3  }
0xc0: {  	[dreg:$0x1] =	wrdreg $0xFFFFFFFF  }
0xc1: {  	_ =	task.clear_ibuf [dreg:s6], $0x2FFFF;
	_ =	strace $0x9FFFFFFF  }
0xc2: {  	(tm) =	ssettm $0x7FFFFFFF  }
0xc3: {  	_ =	shalt  }
tec
execute0_lowered:
.L_overlay_start_1:
0x0: {  	(tag) =	ssettag $0x1  }
0x1: {  	s0 =	rddreg [dreg:$0x0]  }
0x2: {  	s1 =	rddreg [dreg:$0x1];
	s3 =	simm.s32 $0x0;
	s2 =	srdreg.scid  }
0x3: {  	s5 =	stileid.u32;
	s28 =	simm.s32 $0x5800;
	[smem:$0x7FF] =	sst s3  }
0x4: {  	s2 =	sand.u32 $0x1, s2;
	s4 =	sadd.s32 $0x17C00, s0;
	s15 =	smul.u32 $0x50000, s5  }
0x5: {  	s6 =	sadd.s32 $0x3C00, s0;
	_ =	strace $0x8000004A;
	s14 =	smul.u32 $0x28000, s2  }
0x6: {  	[dreg:$0x3] =	wrdreg s6;
	s7 =	ssub.s32 $0x2, s2;
	s2 =	sshll.u32 s2, $0x4  }
0x7: {  	s8 =	sshrl.u32 s7, $0x1;
	s2 =	sor.u32 s5, s2;
	s6 =	sshrl.u32 s15, $0x2  }
0x8: {  	s3 =	sadd.s32 s14, s0;
	s9 =	ssub.s32 s7, s8;
	s0 =	sadd.s32 $0x3C10, s0  }
0x9: {  	s7 =	sadd.s32 s6, s1;
	s2 =	smul.u32 $0x2800, s2;
	[dreg:$0x6] =	wrdreg s0  }
0xa: {  	s30 =	simm.s32 $0x7800;
	s31 =	simm.s32 $0x9800;
	[dreg:$0x4] =	wrdreg s7  }
0xb: {  	s10 =	simm.s32 $0x3;
	s18 =	smax.u32 s9, $0x1;
	[dreg:$0x5] =	wrdreg s2  }
0xc: {  	s11 =	simm.s32 $0x1500;
	s19 =	sadd.s32 $0x2000, s7;
	[dreg:$0x7] =	wrdreg s18  }
0xd: {  	s12 =	simm.s32 $0x4;
	s20 =	sadd.s32 $0x4000, s7;
	[dreg:$0x8] =	wrdreg s19  }
0xe: {  	s13 =	simm.s32 $0x1580;
	s21 =	sadd.s32 $0x6000, s7;
	[dreg:$0x9] =	wrdreg s20  }
0xf: {  	s17 =	smul.u32 $0x2800, s5;
	s22 =	sadd.s32 $0x8000, s7;
	[dreg:$0xa] =	wrdreg s21  }
0x10: {  	s15 =	simm.s32 $0x1600;
	s23 =	sadd.s32 $0xA000, s7;
	[dreg:$0xb] =	wrdreg s22  }
0x11: {  	s14 =	simm.s32 $0x5;
	s24 =	sadd.s32 $0xC000, s7;
	[dreg:$0xc] =	wrdreg s23  }
0x12: {  	s6 =	simm.s32 $0x0;
	s25 =	sadd.s32 $0xE000, s7;
	[dreg:$0xd] =	wrdreg s24  }
0x13: {  	s16 =	sadd.s32 $0x3EE00, s3;
	s26 =	sadd.s32 $0x10000, s7;
	[dreg:$0xe] =	wrdreg s25  }
.Ltmp0:
0x14: {  	s29 =	sadd.s32 $0x12000, s7;
	[dreg:$0xf] =	wrdreg s26;
	(pc) =	sbr.rel .LBB2_1-.Ltmp0, $4  }
0x15: {  	s3 =	simm.s32 $0x1400;
	s9 =	simm.s32 $0x1480;
	[dreg:$0x10] =	wrdreg s29  }
0x16: {  	s19 =	simm.s32 $0x1800;
	s20 =	simm.s32 $0x6;
	s22 =	simm.s32 $0x100  }
0x17: {  	s0 =	sadd.s32 s17, s16;
	s25 =	simm.s32 $0x40;
	s26 =	simm.s32 $0x3800  }
0x18: {  	v0 =	vimm.f32 $0.0e+00;
	s2 =	simm.s32 $0x2;
	[dreg:$0x11] =	wrdreg s0;
	s0 =	simm.s32 $0x1  }
.LBB2_8:
0x19: {  	s5 =	stileid.u32;
	[bflag:$0x0] =	sbarrier.arrive $0xFFFF  }
0x1a: {  	s5 =	sshll.u32 s5, $0x6;
	s7 =	rddreg [dreg:$0x4]  }
0x1b: {  	s8 =	rddreg [dreg:$0x11];
	s5 =	sor.u32 $0x1C06, s5;
	s6 =	sshrl.u32 s7, $0x3  }
0x1c: {  	[hbm:s8], [sflag:s5] =	dma.local [spmem:s6], $0x2800  }
0x1d: {  	_ =	swait.ge [sflag:s20], $0x2800  }
0x1e: {  	s24 =	rddreg [dreg:$0x12]  }
0x1f: {  	s29 =	rddreg [dreg:$0x7];
	s6 =	sadd.s32 $0x1, s24  }
0x20: {  	p0 =	sne.s32 s6, s29  }
.Ltmp1:
0x21: {  	_ = 	snop;
	(pc) =	sbr.rel @!p0 .LBB2_9-.Ltmp1, $3  }
0x22: {  	_ =	sdelay $0x1  }
0x23: {  	[sflag:s20] =	ssyncset.done $0x0  }
0x24: {  	[sflag:s20] =	ssyncadd.s32 $0xFFFFD800  }
.LBB2_1:
0x25: {  	s5 =	simm.s32 $0x0  }
0x26: {  	s29 =	sand.u32 $0x7E00, s5  }
0x27: {  	[dreg:$0x12] =	wrdreg s6;
	s16 =	sand.u32 $0x70, s5;
	s17 =	sshrl.u32 s29, $0x2  }
0x28: {  	s6 =	simm.s32 $0x40;
	s17 =	sor.u32 s16, s17;
	s16 =	simm.s32 $0x0  }
.LBB2_2:
0x29: {  	p0 =	sne.s32 s6, $0x7FC0  }
0x2a: {  	[tilespmem:s17+$0x1800] =	vst v0;
	s16 =	sadd.s32 $0x10, s16;
	s17 =	smov.u32 s6;
	s6 =	sadd.s32 $0x40, s6  }
.Ltmp2:
0x2b: {  	(pc) =	sbr.rel @p0 .LBB2_2-.Ltmp2, $4  }
0x2c: {  	_ = 	snop  }
0x2d: {  	s17 =	sand.u32 $0x7E00, s17  }
0x2e: {  	s18 =	sand.u32 $0x70, s16;
	s17 =	sshrl.u32 s17, $0x2  }
0x2f: {  	s17 =	sor.u32 s18, s17  }
0x30: {  	[tilespmem:s17+$0x1800] =	vst v0  }
0x31: {  	[spmem:s7] =	stream.linear.scatter [tilespmem:s19], [sflag:$0x6], $0x2000, $0x38;
	[tilespmem:$0x1F800] =	vst v63  }
0x32: {  	_ =	swait.ge [sflag:s20], $0x2000  }
0x33: {  	[sflag:s20] =	ssyncset.done $0x0  }
0x34: {  	s5 =	rddreg [dreg:$0x8];
	[sflag:s20] =	ssyncadd.s32 $0xFFFFE000  }
0x35: {  	[spmem:s5] =	stream.linear.scatter [tilespmem:s19], [sflag:$0x6], $0x2000, $0x38;
	[tilespmem:$0x1F800] =	vst v63  }
0x36: {  	_ =	swait.ge [sflag:s20], $0x2000  }
0x37: {  	[sflag:s20] =	ssyncset.done $0x0  }
0x38: {  	s8 =	rddreg [dreg:$0x9];
	[sflag:s20] =	ssyncadd.s32 $0xFFFFE000  }
0x39: {  	[spmem:s8] =	stream.linear.scatter [tilespmem:s19], [sflag:$0x6], $0x2000, $0x38;
	[tilespmem:$0x1F800] =	vst v63  }
0x3a: {  	_ =	swait.ge [sflag:s20], $0x2000  }
0x3b: {  	[sflag:s20] =	ssyncset.done $0x0  }
0x3c: {  	s16 =	rddreg [dreg:$0xa];
	[sflag:s20] =	ssyncadd.s32 $0xFFFFE000  }
0x3d: {  	[spmem:s16] =	stream.linear.scatter [tilespmem:s19], [sflag:$0x6], $0x2000, $0x38;
	[tilespmem:$0x1F800] =	vst v63  }
0x3e: {  	_ =	swait.ge [sflag:s20], $0x2000  }
0x3f: {  	[sflag:s20] =	ssyncset.done $0x0  }
0x40: {  	s17 =	rddreg [dreg:$0xb];
	[sflag:s20] =	ssyncadd.s32 $0xFFFFE000  }
0x41: {  	[spmem:s17] =	stream.linear.scatter [tilespmem:s19], [sflag:$0x6], $0x2000, $0x38;
	[tilespmem:$0x1F800] =	vst v63  }
0x42: {  	_ =	swait.ge [sflag:s20], $0x2000  }
0x43: {  	[sflag:s20] =	ssyncset.done $0x0  }
0x44: {  	s18 =	rddreg [dreg:$0xc];
	[sflag:s20] =	ssyncadd.s32 $0xFFFFE000  }
0x45: {  	[spmem:s18] =	stream.linear.scatter [tilespmem:s19], [sflag:$0x6], $0x2000, $0x38;
	[tilespmem:$0x1F800] =	vst v63  }
0x46: {  	_ =	swait.ge [sflag:s20], $0x2000  }
0x47: {  	[sflag:s20] =	ssyncset.done $0x0  }
0x48: {  	s21 =	rddreg [dreg:$0xd];
	[sflag:s20] =	ssyncadd.s32 $0xFFFFE000  }
0x49: {  	[spmem:s21] =	stream.linear.scatter [tilespmem:s19], [sflag:$0x6], $0x2000, $0x38;
	[tilespmem:$0x1F800] =	vst v63  }
0x4a: {  	_ =	swait.ge [sflag:s20], $0x2000  }
0x4b: {  	[sflag:s20] =	ssyncset.done $0x0  }
0x4c: {  	s23 =	rddreg [dreg:$0xe];
	[sflag:s20] =	ssyncadd.s32 $0xFFFFE000  }
0x4d: {  	[spmem:s23] =	stream.linear.scatter [tilespmem:s19], [sflag:$0x6], $0x2000, $0x38;
	[tilespmem:$0x1F800] =	vst v63  }
0x4e: {  	_ =	swait.ge [sflag:s20], $0x2000  }
0x4f: {  	[sflag:s20] =	ssyncset.done $0x0  }
0x50: {  	s24 =	rddreg [dreg:$0xf];
	[sflag:s20] =	ssyncadd.s32 $0xFFFFE000  }
0x51: {  	[spmem:s24] =	stream.linear.scatter [tilespmem:s19], [sflag:$0x6], $0x2000, $0x38;
	[tilespmem:$0x1F800] =	vst v63  }
0x52: {  	_ =	swait.ge [sflag:s20], $0x2000  }
0x53: {  	[sflag:s20] =	ssyncset.done $0x0  }
0x54: {  	s29 =	rddreg [dreg:$0x10];
	[sflag:s20] =	ssyncadd.s32 $0xFFFFE000  }
0x55: {  	[spmem:s29] =	stream.linear.scatter [tilespmem:s19], [sflag:$0x6], $0x2000, $0x38;
	[tilespmem:$0x1F800] =	vst v63  }
.Ltmp3:
0x56: {  	_ =	swait.ge [sflag:s20], $0x2000;
	(pc) =	sbr.rel .LBB2_4-.Ltmp3, $4  }
0x57: {  	[sflag:s20] =	ssyncset.done $0x0  }
0x58: {  	[sflag:s20] =	ssyncadd.s32 $0xFFFFE000  }
0x59: {  	[bflag:$0x0] =	sbarrier.arrive $0xFFFF  }
0x5a: {  	s17 =	simm.s32 $0x0;
	s18 =	simm.s32 $0x0  }
.LBB2_7:
0x5b: {  	s18 =	sadd.s32 $0x1, s18  }
0x5c: {  	p0 =	sne.s32 s18, $0x4  }
.Ltmp4:
0x5d: {  	_ = 	snop;
	(pc) =	sbr.rel @!p0 .LBB2_8-.Ltmp4, $1  }
0x5e: {  	_ =	sdelay $0x3  }
.LBB2_4:
0x5f: {  	s6 =	smul.u32 $0xA00, s18  }
0x60: {  	s5 =	rddreg [dreg:$0x5]  }
0x61: {  	s6 =	sadd.s32 s5, s6  }
0x62: {  	s21 =	rddreg [dreg:$0x3];
	s6 =	sshrl.u32 s6, $0x2  }
0x63: {  	s7 =	simm.s32 $0x80;
	s16 =	sadd.s32 s21, s6  }
0x64: {  	[tilespmem:s17], [sflag:$0x6] =	stream.strided.gather [hbm4b:s16+s7], $0xA00, s22, s7, $0x38;
	[tilespmem:$0x1F800] =	vst v63  }
0x65: {  	_ =	swait.ge [sflag:s20], $0xA00  }
0x66: {  	[sflag:s20] =	ssyncset.done $0x0;
	s23 =	rddreg [dreg:$0x6]  }
0x67: {  	s24 =	simm.s32 $0xA00;
	[sflag:s20] =	ssyncadd.s32 $0xFFFFF600;
	s6 =	sadd.s32 s6, s23  }
0x68: {  	[tilespmem:s24], [sflag:$0x6] =	stream.strided.gather [hbm4b:s6+s7], $0xA00, s22, s7, $0x38;
	[tilespmem:$0x1F800] =	vst v63  }
0x69: {  	_ =	swait.ge [sflag:s20], $0xA00  }
0x6a: {  	[sflag:s20] =	ssyncset.done $0x0  }
0x6b: {  	[sflag:s20] =	ssyncadd.s32 $0xFFFFF600  }
0x6c: {  	[tilespmem:s19], [sflag:$0x1] =	stream.indirect.gather [hbm4b:s4+s25], $0x80, s17, s25, $0xb8;
	[tilespmem:$0x1F800] =	vst v63  }
0x6d: {  	_ = 	snop  }
0x6e: {  	[tilespmem:s26], [sflag:$0x2] =	stream.indirect.gather [hbm4b:s4+s25], $0x80, s25, s25, $0xb8;
	[tilespmem:$0x1F800] =	vst v63  }
0x6f: {  	_ = 	snop  }
0x70: {  	[tilespmem:s28], [sflag:$0x3] =	stream.indirect.gather [hbm4b:s4+s25], $0x80, s7, s25, $0xb8;
	[tilespmem:$0x1F800] =	vst v63  }
0x71: {  	s29 =	simm.s32 $0xC0  }
0x72: {  	[tilespmem:s30], [sflag:$0x4] =	stream.indirect.gather [hbm4b:s4+s25], $0x80, s29, s25, $0xb8;
	[tilespmem:$0x1F800] =	vst v63  }
0x73: {  	s24 =	simm.s32 $0x0;
	s6 =	simm.s32 $0x0  }
0x74: {  	[tilespmem:s31], [sflag:$0x5] =	stream.indirect.gather [hbm4b:s4+s25], $0x80, s22, s25, $0xb8;
	[tilespmem:$0x1F800] =	vst v63  }
.LBB2_5:
0x75: {  	_ =	swait.ge [sflag:s0], $0x2000  }
0x76: {  	[sflag:s0] =	ssyncset.done $0x0  }
0x77: {  	s16 =	sshra.s32 s6, $0x2;
	[sflag:s0] =	ssyncadd.s32 $0xFFFFE000  }
0x78: {  	v1 =	vld [tilespmem:s16+$0xA00];
	_ =	sdelay $0x4  }
0x79: {  	[tilespmem:$0x1400] =	vst v1  }
0x7a: {  	v1 =	vld [tilespmem:s16+$0xA10];
	_ =	sdelay $0x4  }
0x7b: {  	[tilespmem:$0x1410] =	vst v1  }
0x7c: {  	v1 =	vld [tilespmem:s16+$0xA20];
	_ =	sdelay $0x4  }
0x7d: {  	[tilespmem:$0x1420] =	vst v1  }
0x7e: {  	v1 =	vld [tilespmem:s16+$0xA30];
	_ =	sdelay $0x4  }
0x7f: {  	[tilespmem:$0x1430] =	vst v1  }
0x80: {  	[spmem:s1] =	stream.indirect.scatter.add.f32 [tilespmem:s19], [sflag:$0x6], $0x80, s3, s25, $0xb8;
	[tilespmem:$0x1F800] =	vst v63  }
0x81: {  	p0 =	seq.s32 s6, $0x2300;
	_ =	swait.ge [sflag:s20], $0x2000  }
0x82: {  	s23 =	sshra.s32 @!p0 s6, $0x2;
	s5 =	simm.s32 @!p0 $0x40;
	[sflag:s20] =	ssyncset.done $0x0  }
0x83: {  	s7 =	simm.s32 @!p0 $0x1800;
	s29 =	sadd.s32 @!p0 $0x140, s23;
	[sflag:s20] =	ssyncadd.s32 $0xFFFFE000  }
0x84: {  	[tilespmem:s7], [sflag:$0x1] =	stream.indirect.gather @!p0 [hbm4b:s4+s5], $0x80, s29, s5, $0xb8;
	[tilespmem:$0x1F800] =	vst v63  }
0x85: {  	_ =	swait.ge [sflag:s2], $0x2000  }
0x86: {  	[sflag:s2] =	ssyncset.done $0x0  }
0x87: {  	[sflag:s2] =	ssyncadd.s32 $0xFFFFE000  }
0x88: {  	v1 =	vld [tilespmem:s16+$0xA40];
	_ =	sdelay $0x4  }
0x89: {  	[tilespmem:$0x1480] =	vst v1  }
0x8a: {  	v1 =	vld [tilespmem:s16+$0xA50];
	_ =	sdelay $0x4  }
0x8b: {  	[tilespmem:$0x1490] =	vst v1  }
0x8c: {  	v1 =	vld [tilespmem:s16+$0xA60];
	_ =	sdelay $0x4  }
0x8d: {  	[tilespmem:$0x14A0] =	vst v1  }
0x8e: {  	v1 =	vld [tilespmem:s16+$0xA70];
	_ =	sdelay $0x4  }
0x8f: {  	[tilespmem:$0x14B0] =	vst v1  }
0x90: {  	[spmem:s1] =	stream.indirect.scatter.add.f32 [tilespmem:s26], [sflag:$0x6], $0x80, s9, s25, $0xb8;
	[tilespmem:$0x1F800] =	vst v63  }
0x91: {  	_ =	swait.ge [sflag:s20], $0x2000  }
0x92: {  	[sflag:s20] =	ssyncset.done $0x0  }
0x93: {  	s7 =	sadd.s32 @!p0 $0x180, s23;
	s29 =	simm.s32 @!p0 $0x3800;
	[sflag:s20] =	ssyncadd.s32 $0xFFFFE000  }
0x94: {  	[tilespmem:s29], [sflag:$0x2] =	stream.indirect.gather @!p0 [hbm4b:s4+s5], $0x80, s7, s5, $0xb8;
	[tilespmem:$0x1F800] =	vst v63  }
0x95: {  	_ =	swait.ge [sflag:s10], $0x2000  }
0x96: {  	s7 =	sand.u32 $0xF80, s24;
	s29 =	sand.u32 $0x40, s24;
	[sflag:s10] =	ssyncset.done $0x0  }
0x97: {  	s8 =	sor.u32 s29, s7;
	[sflag:s10] =	ssyncadd.s32 $0xFFFFE000  }
0x98: {  	v1 =	vld [tilespmem:s8+$0xA80];
	_ =	sdelay $0x4  }
0x99: {  	[tilespmem:$0x1500] =	vst v1  }
0x9a: {  	v1 =	vld [tilespmem:s16+$0xA90];
	_ =	sdelay $0x4  }
0x9b: {  	[tilespmem:$0x1510] =	vst v1  }
0x9c: {  	v1 =	vld [tilespmem:s16+$0xAA0];
	_ =	sdelay $0x4  }
0x9d: {  	[tilespmem:$0x1520] =	vst v1  }
0x9e: {  	v1 =	vld [tilespmem:s16+$0xAB0];
	_ =	sdelay $0x4  }
0x9f: {  	[tilespmem:$0x1530] =	vst v1  }
0xa0: {  	[spmem:s1] =	stream.indirect.scatter.add.f32 [tilespmem:s28], [sflag:$0x6], $0x80, s11, s25, $0xb8;
	[tilespmem:$0x1F800] =	vst v63  }
0xa1: {  	_ =	swait.ge [sflag:s20], $0x2000  }
0xa2: {  	[sflag:s20] =	ssyncset.done $0x0  }
0xa3: {  	s21 =	simm.s32 @!p0 $0x5800;
	s8 =	sadd.s32 @!p0 $0x1C0, s23;
	[sflag:s20] =	ssyncadd.s32 $0xFFFFE000  }
0xa4: {  	[tilespmem:s21], [sflag:$0x3] =	stream.indirect.gather @!p0 [hbm4b:s4+s5], $0x80, s8, s5, $0xb8;
	[tilespmem:$0x1F800] =	vst v63  }
0xa5: {  	_ =	swait.ge [sflag:s12], $0x2000  }
0xa6: {  	[sflag:s12] =	ssyncset.done $0x0  }
0xa7: {  	[sflag:s12] =	ssyncadd.s32 $0xFFFFE000  }
0xa8: {  	v1 =	vld [tilespmem:s16+$0xAC0];
	_ =	sdelay $0x4  }
0xa9: {  	[tilespmem:$0x1580] =	vst v1  }
0xaa: {  	v1 =	vld [tilespmem:s16+$0xAD0];
	_ =	sdelay $0x4  }
0xab: {  	[tilespmem:$0x1590] =	vst v1  }
0xac: {  	v1 =	vld [tilespmem:s16+$0xAE0];
	_ =	sdelay $0x4  }
0xad: {  	[tilespmem:$0x15A0] =	vst v1  }
0xae: {  	v1 =	vld [tilespmem:s16+$0xAF0];
	_ =	sdelay $0x4  }
0xaf: {  	[tilespmem:$0x15B0] =	vst v1  }
0xb0: {  	[spmem:s1] =	stream.indirect.scatter.add.f32 [tilespmem:s30], [sflag:$0x6], $0x80, s13, s25, $0xb8;
	[tilespmem:$0x1F800] =	vst v63  }
0xb1: {  	_ =	swait.ge [sflag:s20], $0x2000  }
0xb2: {  	[sflag:s20] =	ssyncset.done $0x0  }
0xb3: {  	s8 =	sadd.s32 @!p0 $0x200, s23;
	s21 =	simm.s32 @!p0 $0x7800;
	[sflag:s20] =	ssyncadd.s32 $0xFFFFE000  }
0xb4: {  	[tilespmem:s21], [sflag:$0x4] =	stream.indirect.gather @!p0 [hbm4b:s4+s5], $0x80, s8, s5, $0xb8;
	[tilespmem:$0x1F800] =	vst v63  }
0xb5: {  	_ =	swait.ge [sflag:s14], $0x2000  }
0xb6: {  	[sflag:s14] =	ssyncset.done $0x0  }
0xb7: {  	s29 =	sadd.s32 s29, s7;
	[sflag:s14] =	ssyncadd.s32 $0xFFFFE000  }
0xb8: {  	v1 =	vld [tilespmem:s29+$0xB00];
	_ =	sdelay $0x4  }
0xb9: {  	[tilespmem:$0x1600] =	vst v1  }
0xba: {  	v1 =	vld [tilespmem:s16+$0xB10];
	_ =	sdelay $0x4  }
0xbb: {  	[tilespmem:$0x1610] =	vst v1  }
0xbc: {  	v1 =	vld [tilespmem:s16+$0xB20];
	_ =	sdelay $0x4  }
0xbd: {  	[tilespmem:$0x1620] =	vst v1  }
0xbe: {  	v1 =	vld [tilespmem:s16+$0xB30];
	_ =	sdelay $0x4  }
.Ltmp5:
0xbf: {  	[tilespmem:$0x1630] =	vst v1;
	(pc) =	sbr.rel @p0 .LBB2_7-.Ltmp5, $4  }
0xc0: {  	[spmem:s1] =	stream.indirect.scatter.add.f32 [tilespmem:s31], [sflag:$0x6], $0x80, s15, s25, $0xb8;
	[tilespmem:$0x1F800] =	vst v63  }
0xc1: {  	_ =	swait.ge [sflag:s20], $0x2000  }
0xc2: {  	[sflag:s20] =	ssyncset.done $0x0  }
0xc3: {  	[sflag:s20] =	ssyncadd.s32 $0xFFFFE000  }
.Ltmp6:
0xc4: {  	(pc) =	sbr.rel .LBB2_5-.Ltmp6, $3  }
0xc5: {  	_ =	sdelay $0x1  }
0xc6: {  	s5 =	sadd.s32 $0x240, s16;
	s6 =	sadd.s32 $0x500, s6;
	s24 =	sadd.s32 $0x140, s24  }
0xc7: {  	[tilespmem:s31], [sflag:$0x5] =	stream.indirect.gather [hbm4b:s4+s25], $0x80, s5, s25, $0xb8;
	[tilespmem:$0x1F800] =	vst v63  }
.LBB2_9:
0xc8: {  	_ =	sfence.sel $0x180000  }
0xc9: {  	[bflag:$0x0] =	sbarrier.arrive $0xFFFF  }
0xca: {  	_ =	strace $0x9000004A  }
0xcb: {  	s0 =	stileid.u32;
	[bflag:$0x2] =	sbarrier.arrive $0xFFFF  }
0xcc: {  	p0 =	sne.s32 s0, $0x0;
	s0 =	rddreg [dreg:$0x2]  }
0xcd: {  	s0 =	sadd.s32 @!p0 $0x100000, s0  }
0xce: {  	[sflag:s0] =	ssyncadd.tile.s32 @!p0 $0x1;
	_ =	shalt  }
.Lfunc_end2:
_tile_overlayer_lowered:
.L_overlay_start_2:
0xcf: {  	(tag) =	ssettag $0x2  }
0xd0: {  	s0 =	rddreg [dreg:$0x0];
	s2 =	stileid.u32  }
0xd1: {  	s1 =	rddreg [dreg:$0x1];
	p0 =	sne.s32 s2, $0x0  }
0xd2: {  	s3 =	rddreg [dreg:$0x2];
	[bflag:$0x3] =	sbarrier.arrive $0xFFFF;
	s2 =	simm.s32 @!p0 $0x1C06  }
0xd3: {  	[timem:s3], [sflag:s2] =	dma.local @!p0 [hbm:s0], s1  }
0xd4: {  	s0 =	simm.s32 @!p0 $0x6  }
0xd5: {  	_ =	swait.ge @!p0 [sflag:s0], s1  }
0xd6: {  	s1 =	ssub.s32 @!p0 $0x0, s1;
	[sflag:s0] =	ssyncset.done @!p0 $0x0  }
0xd7: {  	[sflag:s0] =	ssyncadd.s32 @!p0 s1  }
0xd8: {  	[bflag:$0x3] =	sbarrier.arrive $0xFFFF  }
0xd9: {  	_ =	shalt  }

// kernel: gcn_gather_scatter_sc.8.cloned.1.call-start
scs
__scs_entry_jumppad:
0x0: {  	(pc) =	sbr.rel $0x88, $3  }
0x1: {  	(tag) =	ssettag $0x0;
	lr =	simm.s32 $0x1  }
0x2: {  	[smem:$0x3F94] =	sst lr;
	_ =	strace $0xD0000000  }
0x3: {  	_ = 	snop  }
0x4: {  	_ = 	snop  }
0x5: {  	_ = 	snop  }
0x6: {  	_ = 	snop  }
0x7: {  	_ = 	snop  }
__scs_overlays_trampoline_lowered:
0x8: {  	[smem:$0x3FA3] =	sst s0  }
0x9: {  	[smem:$0x3FA4] =	sst s1  }
0xa: {  	[smem:$0x3FA5] =	sst s2  }
0xb: {  	[smem:$0x3FA6] =	sst s3  }
0xc: {  	[smem:$0x3FA7] =	sst s4  }
0xd: {  	[smem:$0x3FA8] =	sst s5  }
0xe: {  	[smem:$0x3FA9] =	sst s6  }
0xf: {  	[smem:$0x3FAA] =	sst s7  }
0x10: {  	[smem:$0x3FAB] =	sst s8  }
0x11: {  	[smem:$0x3FAC] =	sst s9;
	s0 =	simm.s32 @!p0 $0x0  }
0x12: {  	s1 =	sld [smem:$0x3F92];
	s0 =	simm.s32 @p0 $0x1  }
0x13: {  	[smem:$0x3FAD] =	sst s0;
	s0 =	simm.s32 @!p1 $0x0  }
0x14: {  	s2 =	sld [smem:$0x3F91];
	s0 =	simm.s32 @p1 $0x1  }
0x15: {  	[smem:$0x3FAE] =	sst s0;
	s0 =	simm.s32 @!p2 $0x0  }
0x16: {  	s3 =	sld [smem:$0x3FDB];
	s0 =	simm.s32 @p2 $0x1  }
0x17: {  	s4 =	simm.s32 $0x1BF5;
	[smem:$0x3FB0] =	sst s0  }
0x18: {  	s0 =	sld [smem:$0x3F93];
	_ =	swait.ge [sflag:s4], $0x0  }
0x19: {  	s7 =	sld [smem:$0x3F94]  }
0x1a: {  	s8 =	sadd.s32 $0xFFFFE003, lr  }
0x1b: {  	s9 =	sadd.s32 $0xFFFFFEF7, lr;
	s5 =	simm.s32 $0xFFFFFFFF;
	p2 =	slt.u32 s8, $0xFFFFF086  }
0x1c: {  	p1 =	slt.u32 s9, $0xF7A;
	s5 =	simm.s32 @!p2 $0x0  }
0x1d: {  	s5 =	simm.s32 @p1 $0x1;
	p0 =	seq.s32 s7, s2  }
0x1e: {  	s7 =	smul.u32 @!p0 $0xF7A, s2;
	p2 =	seq.s32 @!p0 s5, $0x0  }
0x1f: {  	s9 =	smul.u32 $0xF7A, s1;
	s8 =	simm.s32 @!p0 $0x1BF5;
	p2 =	por !p2, p0  }
0x20: {  	[sflag:s8] =	ssyncset.s32 @!p0 $0xFFFFF086;
	s6 =	sadd.s32 @!p0 s3, s7;
	s7 =	simm.s32 @!p0 $0x108  }
0x21: {  	s3 =	sadd.s32 s3, s9;
	s6 =	sadd.s32 @!p0 $0x88, s6;
	s7 =	simm.s32 @p2 $0x1082  }
0x22: {  	[simem:s7], [sflag:s8] =	dma.local @!p0 [hbm:s6], $0xF7A  }
0x23: {  	s9 =	sor.u32 $0xD0000000, s2;
	s6 =	simm.s32 $0x108;
	_ =	swait.ge @!p0 [sflag:s8], $0x0  }
0x24: {  	s3 =	sadd.s32 $0x88, s3;
	s6 =	simm.s32 @!p1 $0x1082;
	[sflag:s4] =	ssyncset.s32 $0xFFFFF086  }
0x25: {  	[simem:s6], [sflag:s4] =	dma.local [hbm:s3], $0xF7A  }
0x26: {  	[smem:$0x3F94] =	sst s1;
	(tag) =	ssettag s2;
	_ =	strace s9  }
0x27: {  	s1 =	sld [smem:$0x3FA4]  }
0x28: {  	s2 =	sld [smem:$0x3FA5]  }
0x29: {  	s4 =	sld [smem:$0x3FA7]  }
0x2a: {  	p0 =	seq.s32 s5, $0x0;
	s5 =	sld [smem:$0x3FA8]  }
0x2b: {  	s6 =	sld [smem:$0x3FA9]  }
0x2c: {  	s7 =	sld [smem:$0x3FAA]  }
0x2d: {  	s3 =	simm.s32 $0x108;
	s8 =	sld [smem:$0x3FAB]  }
0x2e: {  	s3 =	simm.s32 @!p0 $0x1082;
	s9 =	sld [smem:$0x3FAC]  }
0x2f: {  	lr =	sadd.s32 s0, s3;
	s0 =	sld [smem:$0x3FA3]  }
0x30: {  	s3 =	sld [smem:$0x3FA6]  }
0x31: {  	[smem:$0x3FAF] =	sst s10  }
0x32: {  	s10 =	sld [smem:$0x3FAD];
	_ =	sdelay $0x3  }
0x33: {  	p0 =	seq.s32 s10, $0x1;
	s10 =	sld [smem:$0x3FAF];
	_ =	sdelay $0x3  }
0x34: {  	[smem:$0x3FAF] =	sst s10  }
0x35: {  	s10 =	sld [smem:$0x3FAE];
	_ =	sdelay $0x3  }
0x36: {  	p1 =	seq.s32 s10, $0x1;
	s10 =	sld [smem:$0x3FAF];
	_ =	sdelay $0x3  }
0x37: {  	[smem:$0x3FAF] =	sst s10  }
0x38: {  	s10 =	sld [smem:$0x3FB0]  }
0x39: {  	_ = 	snop;
	(pc) =	sbr.ind lr, $3  }
0x3a: {  	_ = 	snop  }
0x3b: {  	_ = 	snop  }
0x3c: {  	p2 =	seq.s32 s10, $0x1;
	s10 =	sld [smem:$0x3FAF]  }
0x3d: {  	_ =	shalt  }
0x3e: {  	_ =	shalt  }
0x3f: {  	_ =	shalt  }
0x40: {  	_ =	shalt  }
0x41: {  	_ =	shalt  }
0x42: {  	_ =	shalt  }
0x43: {  	_ =	shalt  }
0x44: {  	_ =	shalt  }
0x45: {  	_ =	shalt  }
0x46: {  	_ =	shalt  }
0x47: {  	_ =	shalt  }
0x48: {  	_ =	shalt  }
0x49: {  	_ =	shalt  }
0x4a: {  	_ =	shalt  }
0x4b: {  	_ =	shalt  }
0x4c: {  	_ =	shalt  }
0x4d: {  	_ =	shalt  }
0x4e: {  	_ =	shalt  }
0x4f: {  	_ =	shalt  }
0x50: {  	_ =	shalt  }
0x51: {  	_ =	shalt  }
0x52: {  	_ =	shalt  }
0x53: {  	_ =	shalt  }
0x54: {  	_ =	shalt  }
0x55: {  	_ =	shalt  }
0x56: {  	_ =	shalt  }
0x57: {  	_ =	shalt  }
0x58: {  	_ =	shalt  }
0x59: {  	_ =	shalt  }
0x5a: {  	_ =	shalt  }
0x5b: {  	_ =	shalt  }
0x5c: {  	_ =	shalt  }
0x5d: {  	_ =	shalt  }
0x5e: {  	_ =	shalt  }
0x5f: {  	_ =	shalt  }
0x60: {  	_ =	shalt  }
0x61: {  	_ =	shalt  }
0x62: {  	_ =	shalt  }
0x63: {  	_ =	shalt  }
0x64: {  	_ =	shalt  }
0x65: {  	_ =	shalt  }
0x66: {  	_ =	shalt  }
0x67: {  	_ =	shalt  }
0x68: {  	_ =	shalt  }
0x69: {  	_ =	shalt  }
0x6a: {  	_ =	shalt  }
0x6b: {  	_ =	shalt  }
0x6c: {  	_ =	shalt  }
0x6d: {  	_ =	shalt  }
0x6e: {  	_ =	shalt  }
0x6f: {  	_ =	shalt  }
0x70: {  	_ =	shalt  }
0x71: {  	_ =	shalt  }
0x72: {  	_ =	shalt  }
0x73: {  	_ =	shalt  }
0x74: {  	_ =	shalt  }
0x75: {  	_ =	shalt  }
0x76: {  	_ =	shalt  }
0x77: {  	_ =	shalt  }
0x78: {  	_ =	shalt  }
0x79: {  	_ =	shalt  }
0x7a: {  	_ =	shalt  }
0x7b: {  	_ =	shalt  }
0x7c: {  	_ =	shalt  }
0x7d: {  	_ =	shalt  }
0x7e: {  	_ =	shalt  }
0x7f: {  	_ =	shalt  }
0x80: {  	_ =	shalt  }
0x81: {  	_ =	shalt  }
0x82: {  	_ =	shalt  }
0x83: {  	_ =	shalt  }
0x84: {  	_ =	shalt  }
0x85: {  	_ =	shalt  }
0x86: {  	_ =	shalt  }
0x87: {  	_ =	shalt  }
.Lfunc_end0:
.L_simem_size_0:
called_computation.2_lowered:
.L_overlay_start_0:
0x88: {  	s2 =	sld [smem:$0x3FD9]  }
0x89: {  	s3 =	sld [smem:$0x3FFE];
	_ =	sdelay $0x1  }
0x8a: {  	s1 =	srdreg.scid  }
0x8b: {  	s0 =	sand.u32 $0x1, s1  }
0x8c: {  	s16 =	sshll.u32 s0, $0xA;
	s2 =	sadd.s32 s3, s2  }
0x8d: {  	s2 =	sadd.s32 s2, s16  }
0x8e: {  	[smem:$0x3FBB] =	sst s2  }
0x8f: {  	_ = 	snop  }
0x90: {  	(tm) =	ssettm $0x1  }
0x91: {  	s17 =	sld [smem:$0x3FFB];
	_ =	sdelay $0x3  }
0x92: {  	_ =	strace s17  }
0x93: {  	s2 =	sld [smem:$0x3FFC];
	_ =	sdelay $0x3  }
0x94: {  	_ =	strace s2  }
0x95: {  	s2 =	sld [smem:$0x3FFD];
	_ =	sdelay $0x3  }
0x96: {  	_ =	strace s2  }
0x97: {  	_ =	strace $0x8FFFFFFF  }
0x98: {  	s18 =	sld [smem:$0x3FDB];
	_ =	sdelay $0x1  }
0x99: {  	s19 =	simm.s32 $_scs_section_size  }
0x9a: {  	s4 =	simm.s32 $_size__tile_overlayer_lowered;
	s5 =	simm.s32 $_tile_overlayer_lowered  }
0x9b: {  	s22 =	simm.s32 $0x1BFF;
	s21 =	sshll.u32 s5, $0x1;
	s2 =	sadd.s32 s19, s18  }
0x9c: {  	s6 =	simm.s32 $0x0;
	s20 =	sshll.u32 s4, $0x1;
	s4 =	sadd.s32 s21, s2  }
0x9d: {  	[timem:s6], [sflag:s22] =	dma.local [hbm:s4], s20  }
0x9e: {  	_ =	swait.ge [sflag:s22], s20  }
0x9f: {  	s3 =	ssub.s32 $0x0, s20;
	[sflag:s22] =	ssyncset.done $0x0  }
0xa0: {  	[sflag:s22] =	ssyncadd.s32 s3;
	_ =	sdelay $0x1  }
0xa1: {  	s23 =	simm.s32 $0x1B8B  }
0xa2: {  	_ =	swait.ge [sflag:s23], $0x1  }
0xa3: {  	[sflag:s23] =	ssyncset.done $0x0  }
0xa4: {  	s25 =	simm.s32 $0x1B8E;
	s24 =	sld [smem:$0x3FFE];
	[sflag:s23] =	ssyncadd.s32 $0xFFFFFFFF  }
0xa5: {  	s26 =	simm.s32 $execute0_lowered;
	[smem:$0x3FD2] =	sst s25  }
0xa6: {  	s4 =	sshll.u32 s26, $0x1;
	_ =	strace $0x8000004C;
	[dreg:$0x1] =	wrdreg $0xFFFFFFFF  }
0xa7: {  	s28 =	simm.s32 $_size_execute0_lowered;
	s2 =	sadd.s32 s2, s4;
	[dreg:$0x0] =	wrdreg $0x0  }
0xa8: {  	s4 =	sshll.u32 s28, $0x1;
	[dreg:$0x2] =	wrdreg s2  }
0xa9: {  	[dreg:$0x3] =	wrdreg s4  }
0xaa: {  	[dreg:$0x4] =	wrdreg $0xC0  }
0xab: {  	_ =	task [dreg:s6], $0x5FFFF  }
0xac: {  	[dreg:$0x1] =	wrdreg $0xFFFFFFFF  }
0xad: {  	[dreg:$0x0] =	wrdreg $0x60  }
0xae: {  	[dreg:$0x2] =	wrdreg s24  }
0xaf: {  	[dreg:$0x3] =	wrdreg $0xB8000  }
0xb0: {  	[dreg:$0x4] =	wrdreg $0x9  }
0xb1: {  	_ =	task.clear_ibuf [dreg:s6], $0x5FFFF;
	_ =	strace $0x9000004C  }
0xb2: {  	s29 =	simm.s32 $0x9;
	_ =	strace $0x8000004E  }
0xb3: {  	_ =	swait.ge [sflag:s29], $0x1  }
0xb4: {  	[sflag:s29] =	ssyncadd.s32 $0xFFFFFFFF  }
0xb5: {  	_ =	strace $0x9000004E  }
0xb6: {  	_ =	sfence  }
0xb7: {  	s30 =	sld [smem:$0x0];
	_ =	sdelay $0x2  }
0xb8: {  	s31 =	sshll.u32 s1, $0xD;
	s1 =	sshrl.u32 s1, $0x2  }
0xb9: {  	s3 =	sand.u32 $0x4000, s31;
	s1 =	sadd.s32 s1, s30  }
0xba: {  	s0 =	sor.u32 s3, s0;
	s1 =	sshll.u32 s1, $0x11  }
0xbb: {  	s0 =	sor.u32 s1, s0  }
0xbc: {  	s0 =	sadd.s32 $0x8F2B, s0  }
0xbd: {  	[sflag:s0] =	ssyncadd.remote.s32 $0x1  }
0xbe: {  	_ =	sfence.sel $0xFFFF  }
0xbf: {  	[dreg:$0x0] =	wrdreg $0xFFFFFFFF;
	(pc) =	sbr.abs _section_cstart, $3  }
0xc0: {  	[dreg:$0x1] =	wrdreg $0xFFFFFFFF  }
0xc1: {  	_ =	task.clear_ibuf [dreg:s6], $0x2FFFF;
	_ =	strace $0x9FFFFFFF  }
0xc2: {  	(tm) =	ssettm $0x7FFFFFFF  }
0xc3: {  	_ =	shalt  }
tec
execute0_lowered:
.L_overlay_start_1:
0x0: {  	(tag) =	ssettag $0x1  }
0x1: {  	s0 =	rddreg [dreg:$0x0]  }
0x2: {  	s1 =	rddreg [dreg:$0x1];
	s3 =	simm.s32 $0x0;
	s2 =	srdreg.scid  }
0x3: {  	s5 =	stileid.u32;
	s28 =	simm.s32 $0x5800;
	[smem:$0x7FF] =	sst s3  }
0x4: {  	s2 =	sand.u32 $0x1, s2;
	s4 =	sadd.s32 $0x17C00, s0;
	s15 =	smul.u32 $0x50000, s5  }
0x5: {  	s6 =	sadd.s32 $0x3C00, s0;
	_ =	strace $0x8000004D;
	s14 =	smul.u32 $0x28000, s2  }
0x6: {  	[dreg:$0x3] =	wrdreg s6;
	s7 =	ssub.s32 $0x2, s2;
	s2 =	sshll.u32 s2, $0x4  }
0x7: {  	s8 =	sshrl.u32 s7, $0x1;
	s2 =	sor.u32 s5, s2;
	s6 =	sshrl.u32 s15, $0x2  }
0x8: {  	s3 =	sadd.s32 s14, s0;
	s9 =	ssub.s32 s7, s8;
	s0 =	sadd.s32 $0x3C10, s0  }
0x9: {  	s7 =	sadd.s32 s6, s1;
	s2 =	smul.u32 $0x2800, s2;
	[dreg:$0x6] =	wrdreg s0  }
0xa: {  	s30 =	simm.s32 $0x7800;
	s31 =	simm.s32 $0x9800;
	[dreg:$0x4] =	wrdreg s7  }
0xb: {  	s10 =	simm.s32 $0x3;
	s18 =	smax.u32 s9, $0x1;
	[dreg:$0x5] =	wrdreg s2  }
0xc: {  	s11 =	simm.s32 $0x1500;
	s19 =	sadd.s32 $0x2000, s7;
	[dreg:$0x7] =	wrdreg s18  }
0xd: {  	s12 =	simm.s32 $0x4;
	s20 =	sadd.s32 $0x4000, s7;
	[dreg:$0x8] =	wrdreg s19  }
0xe: {  	s13 =	simm.s32 $0x1580;
	s21 =	sadd.s32 $0x6000, s7;
	[dreg:$0x9] =	wrdreg s20  }
0xf: {  	s17 =	smul.u32 $0x2800, s5;
	s22 =	sadd.s32 $0x8000, s7;
	[dreg:$0xa] =	wrdreg s21  }
0x10: {  	s15 =	simm.s32 $0x1600;
	s23 =	sadd.s32 $0xA000, s7;
	[dreg:$0xb] =	wrdreg s22  }
0x11: {  	s14 =	simm.s32 $0x5;
	s24 =	sadd.s32 $0xC000, s7;
	[dreg:$0xc] =	wrdreg s23  }
0x12: {  	s6 =	simm.s32 $0x0;
	s25 =	sadd.s32 $0xE000, s7;
	[dreg:$0xd] =	wrdreg s24  }
0x13: {  	s16 =	sadd.s32 $0x3EE00, s3;
	s26 =	sadd.s32 $0x10000, s7;
	[dreg:$0xe] =	wrdreg s25  }
.Ltmp0:
0x14: {  	s29 =	sadd.s32 $0x12000, s7;
	[dreg:$0xf] =	wrdreg s26;
	(pc) =	sbr.rel .LBB2_1-.Ltmp0, $4  }
0x15: {  	s3 =	simm.s32 $0x1400;
	s9 =	simm.s32 $0x1480;
	[dreg:$0x10] =	wrdreg s29  }
0x16: {  	s19 =	simm.s32 $0x1800;
	s20 =	simm.s32 $0x6;
	s22 =	simm.s32 $0x100  }
0x17: {  	s0 =	sadd.s32 s17, s16;
	s25 =	simm.s32 $0x40;
	s26 =	simm.s32 $0x3800  }
0x18: {  	v0 =	vimm.f32 $0.0e+00;
	s2 =	simm.s32 $0x2;
	[dreg:$0x11] =	wrdreg s0;
	s0 =	simm.s32 $0x1  }
.LBB2_8:
0x19: {  	s5 =	stileid.u32;
	[bflag:$0x0] =	sbarrier.arrive $0xFFFF  }
0x1a: {  	s5 =	sshll.u32 s5, $0x6;
	s7 =	rddreg [dreg:$0x4]  }
0x1b: {  	s8 =	rddreg [dreg:$0x11];
	s5 =	sor.u32 $0x1C06, s5;
	s6 =	sshrl.u32 s7, $0x3  }
0x1c: {  	[hbm:s8], [sflag:s5] =	dma.local [spmem:s6], $0x2800  }
0x1d: {  	_ =	swait.ge [sflag:s20], $0x2800  }
0x1e: {  	s24 =	rddreg [dreg:$0x12]  }
0x1f: {  	s29 =	rddreg [dreg:$0x7];
	s6 =	sadd.s32 $0x1, s24  }
0x20: {  	p0 =	sne.s32 s6, s29  }
.Ltmp1:
0x21: {  	_ = 	snop;
	(pc) =	sbr.rel @!p0 .LBB2_9-.Ltmp1, $3  }
0x22: {  	_ =	sdelay $0x1  }
0x23: {  	[sflag:s20] =	ssyncset.done $0x0  }
0x24: {  	[sflag:s20] =	ssyncadd.s32 $0xFFFFD800  }
.LBB2_1:
0x25: {  	s5 =	simm.s32 $0x0  }
0x26: {  	s29 =	sand.u32 $0x7E00, s5  }
0x27: {  	[dreg:$0x12] =	wrdreg s6;
	s16 =	sand.u32 $0x70, s5;
	s17 =	sshrl.u32 s29, $0x2  }
0x28: {  	s6 =	simm.s32 $0x40;
	s17 =	sor.u32 s16, s17;
	s16 =	simm.s32 $0x0  }
.LBB2_2:
0x29: {  	p0 =	sne.s32 s6, $0x7FC0  }
0x2a: {  	[tilespmem:s17+$0x1800] =	vst v0;
	s16 =	sadd.s32 $0x10, s16;
	s17 =	smov.u32 s6;
	s6 =	sadd.s32 $0x40, s6  }
.Ltmp2:
0x2b: {  	(pc) =	sbr.rel @p0 .LBB2_2-.Ltmp2, $4  }
0x2c: {  	_ = 	snop  }
0x2d: {  	s17 =	sand.u32 $0x7E00, s17  }
0x2e: {  	s18 =	sand.u32 $0x70, s16;
	s17 =	sshrl.u32 s17, $0x2  }
0x2f: {  	s17 =	sor.u32 s18, s17  }
0x30: {  	[tilespmem:s17+$0x1800] =	vst v0  }
0x31: {  	[spmem:s7] =	stream.linear.scatter [tilespmem:s19], [sflag:$0x6], $0x2000, $0x38;
	[tilespmem:$0x1F800] =	vst v63  }
0x32: {  	_ =	swait.ge [sflag:s20], $0x2000  }
0x33: {  	[sflag:s20] =	ssyncset.done $0x0  }
0x34: {  	s5 =	rddreg [dreg:$0x8];
	[sflag:s20] =	ssyncadd.s32 $0xFFFFE000  }
0x35: {  	[spmem:s5] =	stream.linear.scatter [tilespmem:s19], [sflag:$0x6], $0x2000, $0x38;
	[tilespmem:$0x1F800] =	vst v63  }
0x36: {  	_ =	swait.ge [sflag:s20], $0x2000  }
0x37: {  	[sflag:s20] =	ssyncset.done $0x0  }
0x38: {  	s8 =	rddreg [dreg:$0x9];
	[sflag:s20] =	ssyncadd.s32 $0xFFFFE000  }
0x39: {  	[spmem:s8] =	stream.linear.scatter [tilespmem:s19], [sflag:$0x6], $0x2000, $0x38;
	[tilespmem:$0x1F800] =	vst v63  }
0x3a: {  	_ =	swait.ge [sflag:s20], $0x2000  }
0x3b: {  	[sflag:s20] =	ssyncset.done $0x0  }
0x3c: {  	s16 =	rddreg [dreg:$0xa];
	[sflag:s20] =	ssyncadd.s32 $0xFFFFE000  }
0x3d: {  	[spmem:s16] =	stream.linear.scatter [tilespmem:s19], [sflag:$0x6], $0x2000, $0x38;
	[tilespmem:$0x1F800] =	vst v63  }
0x3e: {  	_ =	swait.ge [sflag:s20], $0x2000  }
0x3f: {  	[sflag:s20] =	ssyncset.done $0x0  }
0x40: {  	s17 =	rddreg [dreg:$0xb];
	[sflag:s20] =	ssyncadd.s32 $0xFFFFE000  }
0x41: {  	[spmem:s17] =	stream.linear.scatter [tilespmem:s19], [sflag:$0x6], $0x2000, $0x38;
	[tilespmem:$0x1F800] =	vst v63  }
0x42: {  	_ =	swait.ge [sflag:s20], $0x2000  }
0x43: {  	[sflag:s20] =	ssyncset.done $0x0  }
0x44: {  	s18 =	rddreg [dreg:$0xc];
	[sflag:s20] =	ssyncadd.s32 $0xFFFFE000  }
0x45: {  	[spmem:s18] =	stream.linear.scatter [tilespmem:s19], [sflag:$0x6], $0x2000, $0x38;
	[tilespmem:$0x1F800] =	vst v63  }
0x46: {  	_ =	swait.ge [sflag:s20], $0x2000  }
0x47: {  	[sflag:s20] =	ssyncset.done $0x0  }
0x48: {  	s21 =	rddreg [dreg:$0xd];
	[sflag:s20] =	ssyncadd.s32 $0xFFFFE000  }
0x49: {  	[spmem:s21] =	stream.linear.scatter [tilespmem:s19], [sflag:$0x6], $0x2000, $0x38;
	[tilespmem:$0x1F800] =	vst v63  }
0x4a: {  	_ =	swait.ge [sflag:s20], $0x2000  }
0x4b: {  	[sflag:s20] =	ssyncset.done $0x0  }
0x4c: {  	s23 =	rddreg [dreg:$0xe];
	[sflag:s20] =	ssyncadd.s32 $0xFFFFE000  }
0x4d: {  	[spmem:s23] =	stream.linear.scatter [tilespmem:s19], [sflag:$0x6], $0x2000, $0x38;
	[tilespmem:$0x1F800] =	vst v63  }
0x4e: {  	_ =	swait.ge [sflag:s20], $0x2000  }
0x4f: {  	[sflag:s20] =	ssyncset.done $0x0  }
0x50: {  	s24 =	rddreg [dreg:$0xf];
	[sflag:s20] =	ssyncadd.s32 $0xFFFFE000  }
0x51: {  	[spmem:s24] =	stream.linear.scatter [tilespmem:s19], [sflag:$0x6], $0x2000, $0x38;
	[tilespmem:$0x1F800] =	vst v63  }
0x52: {  	_ =	swait.ge [sflag:s20], $0x2000  }
0x53: {  	[sflag:s20] =	ssyncset.done $0x0  }
0x54: {  	s29 =	rddreg [dreg:$0x10];
	[sflag:s20] =	ssyncadd.s32 $0xFFFFE000  }
0x55: {  	[spmem:s29] =	stream.linear.scatter [tilespmem:s19], [sflag:$0x6], $0x2000, $0x38;
	[tilespmem:$0x1F800] =	vst v63  }
.Ltmp3:
0x56: {  	_ =	swait.ge [sflag:s20], $0x2000;
	(pc) =	sbr.rel .LBB2_4-.Ltmp3, $4  }
0x57: {  	[sflag:s20] =	ssyncset.done $0x0  }
0x58: {  	[sflag:s20] =	ssyncadd.s32 $0xFFFFE000  }
0x59: {  	[bflag:$0x0] =	sbarrier.arrive $0xFFFF  }
0x5a: {  	s17 =	simm.s32 $0x0;
	s18 =	simm.s32 $0x0  }
.LBB2_7:
0x5b: {  	s18 =	sadd.s32 $0x1, s18  }
0x5c: {  	p0 =	sne.s32 s18, $0x4  }
.Ltmp4:
0x5d: {  	_ = 	snop;
	(pc) =	sbr.rel @!p0 .LBB2_8-.Ltmp4, $1  }
0x5e: {  	_ =	sdelay $0x3  }
.LBB2_4:
0x5f: {  	s6 =	smul.u32 $0xA00, s18  }
0x60: {  	s5 =	rddreg [dreg:$0x5]  }
0x61: {  	s6 =	sadd.s32 s5, s6  }
0x62: {  	s21 =	rddreg [dreg:$0x3];
	s6 =	sshrl.u32 s6, $0x2  }
0x63: {  	s7 =	simm.s32 $0x80;
	s16 =	sadd.s32 s21, s6  }
0x64: {  	[tilespmem:s17], [sflag:$0x6] =	stream.strided.gather [hbm4b:s16+s7], $0xA00, s22, s7, $0x38;
	[tilespmem:$0x1F800] =	vst v63  }
0x65: {  	_ =	swait.ge [sflag:s20], $0xA00  }
0x66: {  	[sflag:s20] =	ssyncset.done $0x0;
	s23 =	rddreg [dreg:$0x6]  }
0x67: {  	s24 =	simm.s32 $0xA00;
	[sflag:s20] =	ssyncadd.s32 $0xFFFFF600;
	s6 =	sadd.s32 s6, s23  }
0x68: {  	[tilespmem:s24], [sflag:$0x6] =	stream.strided.gather [hbm4b:s6+s7], $0xA00, s22, s7, $0x38;
	[tilespmem:$0x1F800] =	vst v63  }
0x69: {  	_ =	swait.ge [sflag:s20], $0xA00  }
0x6a: {  	[sflag:s20] =	ssyncset.done $0x0  }
0x6b: {  	[sflag:s20] =	ssyncadd.s32 $0xFFFFF600  }
0x6c: {  	[tilespmem:s19], [sflag:$0x1] =	stream.indirect.gather [hbm4b:s4+s25], $0x80, s17, s25, $0xb8;
	[tilespmem:$0x1F800] =	vst v63  }
0x6d: {  	_ = 	snop  }
0x6e: {  	[tilespmem:s26], [sflag:$0x2] =	stream.indirect.gather [hbm4b:s4+s25], $0x80, s25, s25, $0xb8;
	[tilespmem:$0x1F800] =	vst v63  }
0x6f: {  	_ = 	snop  }
0x70: {  	[tilespmem:s28], [sflag:$0x3] =	stream.indirect.gather [hbm4b:s4+s25], $0x80, s7, s25, $0xb8;
	[tilespmem:$0x1F800] =	vst v63  }
0x71: {  	s29 =	simm.s32 $0xC0  }
0x72: {  	[tilespmem:s30], [sflag:$0x4] =	stream.indirect.gather [hbm4b:s4+s25], $0x80, s29, s25, $0xb8;
	[tilespmem:$0x1F800] =	vst v63  }
0x73: {  	s24 =	simm.s32 $0x0;
	s6 =	simm.s32 $0x0  }
0x74: {  	[tilespmem:s31], [sflag:$0x5] =	stream.indirect.gather [hbm4b:s4+s25], $0x80, s22, s25, $0xb8;
	[tilespmem:$0x1F800] =	vst v63  }
.LBB2_5:
0x75: {  	_ =	swait.ge [sflag:s0], $0x2000  }
0x76: {  	[sflag:s0] =	ssyncset.done $0x0  }
0x77: {  	s16 =	sshra.s32 s6, $0x2;
	[sflag:s0] =	ssyncadd.s32 $0xFFFFE000  }
0x78: {  	v1 =	vld [tilespmem:s16+$0xA00];
	_ =	sdelay $0x4  }
0x79: {  	[tilespmem:$0x1400] =	vst v1  }
0x7a: {  	v1 =	vld [tilespmem:s16+$0xA10];
	_ =	sdelay $0x4  }
0x7b: {  	[tilespmem:$0x1410] =	vst v1  }
0x7c: {  	v1 =	vld [tilespmem:s16+$0xA20];
	_ =	sdelay $0x4  }
0x7d: {  	[tilespmem:$0x1420] =	vst v1  }
0x7e: {  	v1 =	vld [tilespmem:s16+$0xA30];
	_ =	sdelay $0x4  }
0x7f: {  	[tilespmem:$0x1430] =	vst v1  }
0x80: {  	[spmem:s1] =	stream.indirect.scatter.add.f32 [tilespmem:s19], [sflag:$0x6], $0x80, s3, s25, $0xb8;
	[tilespmem:$0x1F800] =	vst v63  }
0x81: {  	p0 =	seq.s32 s6, $0x2300;
	_ =	swait.ge [sflag:s20], $0x2000  }
0x82: {  	s23 =	sshra.s32 @!p0 s6, $0x2;
	s5 =	simm.s32 @!p0 $0x40;
	[sflag:s20] =	ssyncset.done $0x0  }
0x83: {  	s7 =	simm.s32 @!p0 $0x1800;
	s29 =	sadd.s32 @!p0 $0x140, s23;
	[sflag:s20] =	ssyncadd.s32 $0xFFFFE000  }
0x84: {  	[tilespmem:s7], [sflag:$0x1] =	stream.indirect.gather @!p0 [hbm4b:s4+s5], $0x80, s29, s5, $0xb8;
	[tilespmem:$0x1F800] =	vst v63  }
0x85: {  	_ =	swait.ge [sflag:s2], $0x2000  }
0x86: {  	[sflag:s2] =	ssyncset.done $0x0  }
0x87: {  	[sflag:s2] =	ssyncadd.s32 $0xFFFFE000  }
0x88: {  	v1 =	vld [tilespmem:s16+$0xA40];
	_ =	sdelay $0x4  }
0x89: {  	[tilespmem:$0x1480] =	vst v1  }
0x8a: {  	v1 =	vld [tilespmem:s16+$0xA50];
	_ =	sdelay $0x4  }
0x8b: {  	[tilespmem:$0x1490] =	vst v1  }
0x8c: {  	v1 =	vld [tilespmem:s16+$0xA60];
	_ =	sdelay $0x4  }
0x8d: {  	[tilespmem:$0x14A0] =	vst v1  }
0x8e: {  	v1 =	vld [tilespmem:s16+$0xA70];
	_ =	sdelay $0x4  }
0x8f: {  	[tilespmem:$0x14B0] =	vst v1  }
0x90: {  	[spmem:s1] =	stream.indirect.scatter.add.f32 [tilespmem:s26], [sflag:$0x6], $0x80, s9, s25, $0xb8;
	[tilespmem:$0x1F800] =	vst v63  }
0x91: {  	_ =	swait.ge [sflag:s20], $0x2000  }
0x92: {  	[sflag:s20] =	ssyncset.done $0x0  }
0x93: {  	s7 =	sadd.s32 @!p0 $0x180, s23;
	s29 =	simm.s32 @!p0 $0x3800;
	[sflag:s20] =	ssyncadd.s32 $0xFFFFE000  }
0x94: {  	[tilespmem:s29], [sflag:$0x2] =	stream.indirect.gather @!p0 [hbm4b:s4+s5], $0x80, s7, s5, $0xb8;
	[tilespmem:$0x1F800] =	vst v63  }
0x95: {  	_ =	swait.ge [sflag:s10], $0x2000  }
0x96: {  	s7 =	sand.u32 $0xF80, s24;
	s29 =	sand.u32 $0x40, s24;
	[sflag:s10] =	ssyncset.done $0x0  }
0x97: {  	s8 =	sor.u32 s29, s7;
	[sflag:s10] =	ssyncadd.s32 $0xFFFFE000  }
0x98: {  	v1 =	vld [tilespmem:s8+$0xA80];
	_ =	sdelay $0x4  }
0x99: {  	[tilespmem:$0x1500] =	vst v1  }
0x9a: {  	v1 =	vld [tilespmem:s16+$0xA90];
	_ =	sdelay $0x4  }
0x9b: {  	[tilespmem:$0x1510] =	vst v1  }
0x9c: {  	v1 =	vld [tilespmem:s16+$0xAA0];
	_ =	sdelay $0x4  }
0x9d: {  	[tilespmem:$0x1520] =	vst v1  }
0x9e: {  	v1 =	vld [tilespmem:s16+$0xAB0];
	_ =	sdelay $0x4  }
0x9f: {  	[tilespmem:$0x1530] =	vst v1  }
0xa0: {  	[spmem:s1] =	stream.indirect.scatter.add.f32 [tilespmem:s28], [sflag:$0x6], $0x80, s11, s25, $0xb8;
	[tilespmem:$0x1F800] =	vst v63  }
0xa1: {  	_ =	swait.ge [sflag:s20], $0x2000  }
0xa2: {  	[sflag:s20] =	ssyncset.done $0x0  }
0xa3: {  	s21 =	simm.s32 @!p0 $0x5800;
	s8 =	sadd.s32 @!p0 $0x1C0, s23;
	[sflag:s20] =	ssyncadd.s32 $0xFFFFE000  }
0xa4: {  	[tilespmem:s21], [sflag:$0x3] =	stream.indirect.gather @!p0 [hbm4b:s4+s5], $0x80, s8, s5, $0xb8;
	[tilespmem:$0x1F800] =	vst v63  }
0xa5: {  	_ =	swait.ge [sflag:s12], $0x2000  }
0xa6: {  	[sflag:s12] =	ssyncset.done $0x0  }
0xa7: {  	[sflag:s12] =	ssyncadd.s32 $0xFFFFE000  }
0xa8: {  	v1 =	vld [tilespmem:s16+$0xAC0];
	_ =	sdelay $0x4  }
0xa9: {  	[tilespmem:$0x1580] =	vst v1  }
0xaa: {  	v1 =	vld [tilespmem:s16+$0xAD0];
	_ =	sdelay $0x4  }
0xab: {  	[tilespmem:$0x1590] =	vst v1  }
0xac: {  	v1 =	vld [tilespmem:s16+$0xAE0];
	_ =	sdelay $0x4  }
0xad: {  	[tilespmem:$0x15A0] =	vst v1  }
0xae: {  	v1 =	vld [tilespmem:s16+$0xAF0];
	_ =	sdelay $0x4  }
0xaf: {  	[tilespmem:$0x15B0] =	vst v1  }
0xb0: {  	[spmem:s1] =	stream.indirect.scatter.add.f32 [tilespmem:s30], [sflag:$0x6], $0x80, s13, s25, $0xb8;
	[tilespmem:$0x1F800] =	vst v63  }
0xb1: {  	_ =	swait.ge [sflag:s20], $0x2000  }
0xb2: {  	[sflag:s20] =	ssyncset.done $0x0  }
0xb3: {  	s8 =	sadd.s32 @!p0 $0x200, s23;
	s21 =	simm.s32 @!p0 $0x7800;
	[sflag:s20] =	ssyncadd.s32 $0xFFFFE000  }
0xb4: {  	[tilespmem:s21], [sflag:$0x4] =	stream.indirect.gather @!p0 [hbm4b:s4+s5], $0x80, s8, s5, $0xb8;
	[tilespmem:$0x1F800] =	vst v63  }
0xb5: {  	_ =	swait.ge [sflag:s14], $0x2000  }
0xb6: {  	[sflag:s14] =	ssyncset.done $0x0  }
0xb7: {  	s29 =	sadd.s32 s29, s7;
	[sflag:s14] =	ssyncadd.s32 $0xFFFFE000  }
0xb8: {  	v1 =	vld [tilespmem:s29+$0xB00];
	_ =	sdelay $0x4  }
0xb9: {  	[tilespmem:$0x1600] =	vst v1  }
0xba: {  	v1 =	vld [tilespmem:s16+$0xB10];
	_ =	sdelay $0x4  }
0xbb: {  	[tilespmem:$0x1610] =	vst v1  }
0xbc: {  	v1 =	vld [tilespmem:s16+$0xB20];
	_ =	sdelay $0x4  }
0xbd: {  	[tilespmem:$0x1620] =	vst v1  }
0xbe: {  	v1 =	vld [tilespmem:s16+$0xB30];
	_ =	sdelay $0x4  }
.Ltmp5:
0xbf: {  	[tilespmem:$0x1630] =	vst v1;
	(pc) =	sbr.rel @p0 .LBB2_7-.Ltmp5, $4  }
0xc0: {  	[spmem:s1] =	stream.indirect.scatter.add.f32 [tilespmem:s31], [sflag:$0x6], $0x80, s15, s25, $0xb8;
	[tilespmem:$0x1F800] =	vst v63  }
0xc1: {  	_ =	swait.ge [sflag:s20], $0x2000  }
0xc2: {  	[sflag:s20] =	ssyncset.done $0x0  }
0xc3: {  	[sflag:s20] =	ssyncadd.s32 $0xFFFFE000  }
.Ltmp6:
0xc4: {  	(pc) =	sbr.rel .LBB2_5-.Ltmp6, $3  }
0xc5: {  	_ =	sdelay $0x1  }
0xc6: {  	s5 =	sadd.s32 $0x240, s16;
	s6 =	sadd.s32 $0x500, s6;
	s24 =	sadd.s32 $0x140, s24  }
0xc7: {  	[tilespmem:s31], [sflag:$0x5] =	stream.indirect.gather [hbm4b:s4+s25], $0x80, s5, s25, $0xb8;
	[tilespmem:$0x1F800] =	vst v63  }
.LBB2_9:
0xc8: {  	_ =	sfence.sel $0x180000  }
0xc9: {  	[bflag:$0x0] =	sbarrier.arrive $0xFFFF  }
0xca: {  	_ =	strace $0x9000004D  }
0xcb: {  	s0 =	stileid.u32;
	[bflag:$0x2] =	sbarrier.arrive $0xFFFF  }
0xcc: {  	p0 =	sne.s32 s0, $0x0;
	s0 =	rddreg [dreg:$0x2]  }
0xcd: {  	s0 =	sadd.s32 @!p0 $0x100000, s0  }
0xce: {  	[sflag:s0] =	ssyncadd.tile.s32 @!p0 $0x1;
	_ =	shalt  }
.Lfunc_end2:
_tile_overlayer_lowered:
.L_overlay_start_2:
0xcf: {  	(tag) =	ssettag $0x2  }
0xd0: {  	s0 =	rddreg [dreg:$0x0];
	s2 =	stileid.u32  }
0xd1: {  	s1 =	rddreg [dreg:$0x1];
	p0 =	sne.s32 s2, $0x0  }
0xd2: {  	s3 =	rddreg [dreg:$0x2];
	[bflag:$0x3] =	sbarrier.arrive $0xFFFF;
	s2 =	simm.s32 @!p0 $0x1C06  }
0xd3: {  	[timem:s3], [sflag:s2] =	dma.local @!p0 [hbm:s0], s1  }
0xd4: {  	s0 =	simm.s32 @!p0 $0x6  }
0xd5: {  	_ =	swait.ge @!p0 [sflag:s0], s1  }
0xd6: {  	s1 =	ssub.s32 @!p0 $0x0, s1;
	[sflag:s0] =	ssyncset.done @!p0 $0x0  }
0xd7: {  	[sflag:s0] =	ssyncadd.s32 @!p0 s1  }
0xd8: {  	[bflag:$0x3] =	sbarrier.arrive $0xFFFF  }
0xd9: {  	_ =	shalt  }

</sc_bundles>
